<compile_context>
chip_gen: v7x
topology: tpu7x:2x2x1
jax: 0.10.2.dev20260603
libtpu: 0.0.44.dev20260713+nightly
codegen_flags: <defaults>
</compile_context>

<pallas_src>
import functools

import jax
import jax.numpy as jnp
from jax import lax
from jax.experimental import pallas as pl
from jax.experimental.pallas import tpu as pltpu
from jax.experimental.pallas import tpu_sc as plsc

N, E, D, G, H_FC = 10000, 320000, 128, 64, 64
NC, NS = 2, 16
NW = NC * NS
EP = E // NW
CH = 125
NCH = EP // CH
NBUF = 16
NG = NCH // NBUF
NP = 10240
SZ = NP // NS
RP = NP // NW
BN = 2000
GRID = N // BN


def _make_seg_kernel():
    outs = [jax.ShapeDtypeStruct((NC, NP, D), jnp.float32)]
    scratch = [
        pltpu.VMEM((2, NBUF, CH), jnp.int32),
        pltpu.VMEM((2, NBUF, CH), jnp.int32),
        pltpu.VMEM((CH, D), jnp.float32),
        pltpu.VMEM((CH, D), jnp.float32),
        pltpu.VMEM_SHARED((NP, D), jnp.float32),
        pltpu.SemaphoreType.DMA,
        pltpu.SemaphoreType.DMA,
        pltpu.SemaphoreType.DMA,
    ]
    mesh = plsc.VectorSubcoreMesh(core_axis_name="c", subcore_axis_name="s",
                                  num_cores=NC, num_subcores=NS)

    def body(table_hbm, e4_hbm, *rest):
        (s_out, src_i, dst_i, rows0, rows1, acc, sem0, sem1, semi) = rest
        c = lax.axis_index("c")
        s = lax.axis_index("s")
        wid = s * NC + c
        base = s * SZ

        def prefetch(g, p):
            pltpu.async_copy(e4_hbm.at[wid * NG + g], src_i.at[p], semi)
            pltpu.async_copy(e4_hbm.at[(NW + wid) * NG + g], dst_i.at[p],
                             semi)

        def prefetch_wait(g, p):
            pltpu.make_async_copy(e4_hbm.at[wid * NG + g], src_i.at[p],
                                  semi).wait()
            pltpu.make_async_copy(e4_hbm.at[(NW + wid) * NG + g],
                                  dst_i.at[p], semi).wait()

        prefetch(0, 0)

        def zr(i, _):
            rows0[i // 8, pl.ds((i % 8) * 16, 16)] = jnp.zeros((16,),
                                                               jnp.float32)
            return 0
        lax.fori_loop(0, CH * (D // 16), zr, 0)
        for j in range(SZ // 80):
            pltpu.sync_copy(rows0.at[pl.ds(0, 80)],
                            acc.at[pl.ds(base + j * 80, 80)])
        plsc.subcore_barrier()

        prefetch_wait(0, 0)

        def gather(p, j, rbuf, sem):
            return pltpu.async_copy(table_hbm.at[src_i.at[p, j]], rbuf, sem)

        def group(g, _):
            p = g % 2
            gather(p, 0, rows0, sem0)

            @pl.when(g < NG - 1)
            def _():
                prefetch(g + 1, 1 - p)

            def pair(t, _):
                j0 = t * 2
                gather(p, j0 + 1, rows1, sem1)
                pltpu.make_async_copy(table_hbm.at[src_i.at[p, j0]],
                                      rows0, sem0).wait()
                pltpu.sync_copy(rows0, acc.at[dst_i.at[p, j0]], add=True)

                @pl.when(t < NBUF // 2 - 1)
                def _():
                    gather(p, j0 + 2, rows0, sem0)
                pltpu.make_async_copy(table_hbm.at[src_i.at[p, j0 + 1]],
                                      rows1, sem1).wait()
                pltpu.sync_copy(rows1, acc.at[dst_i.at[p, j0 + 1]], add=True)
                return 0
            lax.fori_loop(0, NBUF // 2, pair, 0)

            @pl.when(g < NG - 1)
            def _():
                prefetch_wait(g + 1, 1 - p)
            return 0
        lax.fori_loop(0, NG, group, 0)

        plsc.subcore_barrier()

        pltpu.sync_copy(acc.at[pl.ds(base, SZ)], s_out.at[c, pl.ds(base, SZ)])

    return pl.kernel(body, out_type=outs[0], mesh=mesh,
                     scratch_types=scratch)


SCAN = 2000


def _make_hist_kernel():
    out = jax.ShapeDtypeStruct((NC * NP * D,), jnp.float32)
    scratch = [
        pltpu.VMEM((SCAN,), jnp.int32),
        pltpu.VMEM((NP,), jnp.float32),
        pltpu.VMEM((16 * SZ,), jnp.float32),
        pltpu.VMEM((16 * D,), jnp.float32),
        pltpu.VMEM_SHARED((NS * NP,), jnp.float32),
    ]
    mesh = plsc.VectorSubcoreMesh(core_axis_name="c", subcore_axis_name="s",
                                  num_cores=NC, num_subcores=NS)

    def body(dst_hbm, cnt_out, dbuf, hist, cbuf, obuf, stage):
        c = lax.axis_index("c")
        s = lax.axis_index("s")
        wid = s * NC + c
        ones_v = jnp.ones((16,), jnp.float32)

        def zh(i, _):
            hist[pl.ds(i * 16, 16)] = jnp.zeros((16,), jnp.float32)
            return 0
        lax.fori_loop(0, NP // 16, zh, 0)

        def hgroup(g, _):
            pltpu.sync_copy(dst_hbm.at[pl.ds(wid * EP + g * SCAN, SCAN)],
                            dbuf)

            def hstep(j, _):
                v = dbuf[pl.ds(j * 16, 16)]
                plsc.addupdate_scatter(hist, [v], ones_v)
                return 0
            lax.fori_loop(0, SCAN // 16, hstep, 0)
            return 0
        lax.fori_loop(0, EP // SCAN, hgroup, 0)

        pltpu.sync_copy(hist, stage.at[pl.ds(s * NP, NP)])
        plsc.subcore_barrier()

        lo = s * SZ
        for r in range(NS):
            pltpu.sync_copy(stage.at[pl.ds(r * NP + lo, SZ)],
                            cbuf.at[pl.ds(r * SZ, SZ)])

        def csum(m, _):
            acc16 = cbuf[pl.ds(m * 16, 16)]
            for r in range(1, NS):
                acc16 += cbuf[pl.ds(r * SZ + m * 16, 16)]
            hist[pl.ds(m * 16, 16)] = acc16
            return 0
        lax.fori_loop(0, SZ // 16, csum, 0)

        obase = c * NP * D + lo * D

        def ochunk(t, _):
            for rr in range(16):
                row = plsc.load_gather(
                    hist, [jnp.full((16,), t * 16 + rr, jnp.int32)])
                for q in range(D // 16):
                    obuf[pl.ds(rr * D + q * 16, 16)] = row
            pltpu.sync_copy(obuf, cnt_out.at[pl.ds(obase + t * 16 * D,
                                                   16 * D)])
            return 0
        lax.fori_loop(0, SZ // 16, ochunk, 0)

    return pl.kernel(
        body, out_type=out, mesh=mesh, scratch_types=scratch,
        compiler_params=pltpu.CompilerParams(needs_layout_passes=False))


@functools.lru_cache(maxsize=None)
def _seg_kernel():
    return _make_seg_kernel()


@functools.lru_cache(maxsize=None)
def _hist_kernel():
    return _make_hist_kernel()


def _sage_body(s_ref, c_ref, x_ref, wl_ref, bl_ref, wr_ref, o_ref):
    ssum = s_ref[0] + s_ref[1]
    agg = ssum * (1.0 / jnp.maximum(c_ref[0] + c_ref[1], 1.0))
    h = (lax.dot_general(agg, wl_ref[...], (((1,), (1,)), ((), ())),
                         preferred_element_type=jnp.float32)
         + bl_ref[...]
         + lax.dot_general(x_ref[...], wr_ref[...], (((1,), (1,)), ((), ())),
                           preferred_element_type=jnp.float32))
    o_ref[...] = jnp.maximum(h, 0.0)


_sage_tc = pl.pallas_call(
    _sage_body,
    grid=(GRID,),
    in_specs=[
        pl.BlockSpec((NC, BN, D), lambda i: (0, i, 0)),
        pl.BlockSpec((NC, BN, D), lambda i: (0, i, 0)),
        pl.BlockSpec((BN, D), lambda i: (i, 0)),
        pl.BlockSpec((D, D), lambda i: (0, 0)),
        pl.BlockSpec((1, D), lambda i: (0, 0)),
        pl.BlockSpec((D, D), lambda i: (0, 0)),
    ],
    out_specs=pl.BlockSpec((BN, D), lambda i: (i, 0)),
    out_shape=jax.ShapeDtypeStruct((N, D), jnp.float32),
)


def _head_body(s_ref, c_ref, x_ref, b_ref, wl_ref, bl_ref, wr_ref,
               wf1_ref, bf1_ref, wf2_ref, bf2_ref, o_ref,
               pooled_s, gcnt_s):
    i = pl.program_id(0)

    @pl.when(i == 0)
    def _():
        pooled_s[...] = jnp.zeros_like(pooled_s)
        gcnt_s[...] = jnp.zeros_like(gcnt_s)

    ssum = s_ref[0] + s_ref[1]
    agg = ssum * (1.0 / jnp.maximum(c_ref[0] + c_ref[1], 1.0))
    h2 = (lax.dot_general(agg, wl_ref[...], (((1,), (1,)), ((), ())),
                          preferred_element_type=jnp.float32)
          + bl_ref[...]
          + lax.dot_general(x_ref[...], wr_ref[...], (((1,), (1,)), ((), ())),
                            preferred_element_type=jnp.float32))
    h2 = jnp.maximum(h2, 0.0)

    b = b_ref[0, 0]
    gids = lax.broadcasted_iota(jnp.int32, (BN, G), 1)
    onehot = (b[:, None] == gids).astype(jnp.float32)
    pooled_s[...] += lax.dot_general(onehot, h2, (((0,), (0,)), ((), ())),
                                     preferred_element_type=jnp.float32)
    gcnt_s[...] += lax.dot_general(onehot, jnp.ones((BN, D), jnp.float32),
                                   (((0,), (0,)), ((), ())),
                                   preferred_element_type=jnp.float32)

    @pl.when(i == GRID - 1)
    def _():
        pooled = pooled_s[...] * (1.0 / jnp.maximum(gcnt_s[...], 1.0))
        t = jnp.maximum(
            lax.dot_general(pooled, wf1_ref[...], (((1,), (1,)), ((), ())),
                            preferred_element_type=jnp.float32)
            + bf1_ref[...], 0.0)
        o_ref[...] = (lax.dot_general(wf2_ref[...], t, (((1,), (1,)), ((), ())),
                                      preferred_element_type=jnp.float32)
                      + bf2_ref[0, 0])


_head_tc = pl.pallas_call(
    _head_body,
    grid=(GRID,),
    in_specs=[
        pl.BlockSpec((NC, BN, D), lambda i: (0, i, 0)),
        pl.BlockSpec((NC, BN, D), lambda i: (0, i, 0)),
        pl.BlockSpec((BN, D), lambda i: (i, 0)),
        pl.BlockSpec((1, 1, BN), lambda i: (i, 0, 0)),
        pl.BlockSpec((D, D), lambda i: (0, 0)),
        pl.BlockSpec((1, D), lambda i: (0, 0)),
        pl.BlockSpec((D, D), lambda i: (0, 0)),
        pl.BlockSpec((H_FC, D), lambda i: (0, 0)),
        pl.BlockSpec((1, H_FC), lambda i: (0, 0)),
        pl.BlockSpec((1, H_FC), lambda i: (0, 0)),
        pl.BlockSpec((1, 1), lambda i: (0, 0)),
    ],
    out_specs=pl.BlockSpec((1, G), lambda i: (0, 0)),
    out_shape=jax.ShapeDtypeStruct((1, G), jnp.float32),
    scratch_shapes=[
        pltpu.VMEM((G, D), jnp.float32),
        pltpu.VMEM((G, D), jnp.float32),
    ],
)


def kernel(x, edge_index, batch, W1l, b1l, W1r, W2l, b2l, W2r,
           Wf1, bf1, Wf2, bf2):
    e4 = edge_index.reshape(2 * NW * NG, NBUF, CH)
    cnt = _hist_kernel()(edge_index[1]).reshape(NC, NP, D)
    s1 = _seg_kernel()(x, e4)
    h1 = _sage_tc(s1, cnt, x, W1l, b1l.reshape(1, D), W1r)
    s2 = _seg_kernel()(h1, e4)
    out = _head_tc(s2, cnt, h1, batch.reshape(GRID, 1, BN),
                   W2l, b2l.reshape(1, D), W2r,
                   Wf1, bf1.reshape(1, H_FC), Wf2, bf2.reshape(1, 1))
    return out.reshape(-1)

# --- scband reference (transcript-rebuilt; emitter-appended) ---
"""Pipeline reference for scband-graph-net-89481348645121 (READ-ONLY COPY).

The authoritative reference and input builder live on the scoring server;
editing this copy changes nothing except your own understanding.
"""

import jax, jax.numpy as jnp
import numpy as np

N = 10000
E = 320000
D = 128
G = 64
H_FC = 64


def _sage(x, src, dst, Wl, bl, Wr):
    # PyG SAGEConv (mean aggr): out = lin_l(mean_{j in N(i)} x_j) + lin_r(x_i)
    msgs = x[src]
    agg = jax.ops.segment_sum(msgs, dst, num_segments=x.shape[0])
    cnt = jax.ops.segment_sum(jnp.ones((src.shape[0],), dtype=x.dtype), dst, num_segments=x.shape[0])
    agg = agg / jnp.maximum(cnt, 1.0)[:, None]
    return agg @ Wl.T + bl + x @ Wr.T


def setup_inputs(seed: int = 0):
    key = jax.random.key(seed)
    ks = [jax.random.fold_in(key, i) for i in range(16)]
    x = jax.random.normal(ks[0], (N, D), dtype=jnp.float32)
    edge_index = jax.random.randint(ks[1], (2, E), 0, N, dtype=jnp.int32)
    batch = jnp.sort(jax.random.randint(ks[2], (N,), 0, G, dtype=jnp.int32))
    s = 1.0 / np.sqrt(D)
    W1l = jax.random.uniform(ks[3], (D, D), minval=-s, maxval=s, dtype=jnp.float32)
    b1l = jax.random.uniform(ks[4], (D,), minval=-s, maxval=s, dtype=jnp.float32)
    W1r = jax.random.uniform(ks[5], (D, D), minval=-s, maxval=s, dtype=jnp.float32)
    W2l = jax.random.uniform(ks[6], (D, D), minval=-s, maxval=s, dtype=jnp.float32)
    b2l = jax.random.uniform(ks[7], (D,), minval=-s, maxval=s, dtype=jnp.float32)
    W2r = jax.random.uniform(ks[8], (D, D), minval=-s, maxval=s, dtype=jnp.float32)
    Wf1 = jax.random.uniform(ks[9], (H_FC, D), minval=-s, maxval=s, dtype=jnp.float32)
    bf1 = jax.random.uniform(ks[10], (H_FC,), minval=-s, maxval=s, dtype=jnp.float32)
    s2 = 1.0 / np.sqrt(H_FC)
    Wf2 = jax.random.uniform(ks[11], (1, H_FC), minval=-s2, maxval=s2, dtype=jnp.float32)
    bf2 = jax.random.uniform(ks[12], (1,), minval=-s2, maxval=s2, dtype=jnp.float32)
    return {"x": x, "edge_index": edge_index, "batch": batch,
            "W1l": W1l, "b1l": b1l, "W1r": W1r,
            "W2l": W2l, "b2l": b2l, "W2r": W2r,
            "Wf1": Wf1, "bf1": bf1, "Wf2": Wf2, "bf2": bf2}


def reference(x, edge_index, batch, W1l, b1l, W1r, W2l, b2l, W2r, Wf1, bf1, Wf2, bf2):
    src, dst = edge_index[0], edge_index[1]
    h = jax.nn.relu(_sage(x, src, dst, W1l, b1l, W1r))
    h = jax.nn.relu(_sage(h, src, dst, W2l, b2l, W2r))
    # global_mean_pool over graph ids in `batch`
    sums = jax.ops.segment_sum(h, batch, num_segments=G)
    cnts = jax.ops.segment_sum(jnp.ones((h.shape[0],), dtype=h.dtype), batch, num_segments=G)
    pooled = sums / jnp.maximum(cnts, 1.0)[:, None]
    # fc layers: Linear(128->64), ReLU, final Linear(64->1) (Dropout is identity in eval)
    h = jax.nn.relu(pooled @ Wf1.T + bf1)
    out = h @ Wf2.T + bf2
    return out.reshape(-1)

if __name__ == "__main__":
    import jax
    _d = setup_inputs()
    print(jax.jit(kernel)(*tuple(_d.values())))

</pallas_src>

<mosaic_0001>
#map = affine_map<(d0, d1) -> (0, 0)>
#map1 = affine_map<(d0, d1) -> (0, 0, 0)>
module attributes {stable_mosaic.version = 14 : i64} {
  func.func @body(%arg0: i32, %arg1: i32, %arg2: memref<10000x128xf32, #tpu.memory_space<hbm>>, %arg3: memref<320x16x125xi32, #tpu.memory_space<hbm>>, %arg4: memref<2x10240x128xf32, #tpu.memory_space<hbm>>, %arg5: memref<2x16x125xi32, #tpu.memory_space<vmem>>, %arg6: memref<2x16x125xi32, #tpu.memory_space<vmem>>, %arg7: memref<125x128xf32, #tpu.memory_space<vmem>>, %arg8: memref<125x128xf32, #tpu.memory_space<vmem>>, %arg9: memref<10240x128xf32, #tpu.memory_space<vmem_shared>>, %arg10: memref<!tpu.dma_semaphore, #tpu.memory_space<semaphore_mem>>, %arg11: memref<!tpu.dma_semaphore, #tpu.memory_space<semaphore_mem>>, %arg12: memref<!tpu.dma_semaphore, #tpu.memory_space<semaphore_mem>>) attributes {dimension_semantics = [#tpu.dimension_semantics<core_parallel>, #tpu.dimension_semantics<subcore_parallel>], iteration_bounds = array<i64: 2, 16>, scalar_prefetch = 0 : i64, scratch_operands = 8 : i64, tpu.core_type = #tpu.core_type<sc_vector_subcore>, window_params = [{transform_indices = #map}, {transform_indices = #map1}, {transform_indices = #map1}]} {
    %mul3A = arith.constant 2 : i32
    %mul3A_0 = arith.muli %arg1, %mul3A : i32
    %add3A = arith.addi %mul3A_0, %arg0 : i32
    %mul3A_1 = arith.constant 640 : i32
    %mul3A_2 = arith.muli %arg1, %mul3A_1 : i32
    %mul3A_3 = arith.constant 5 : i32
    %mul3A_4 = arith.muli %add3A, %mul3A_3 : i32
    %add3A_5 = arith.constant 0 : i32
    %add3A_6 = arith.addi %mul3A_4, %add3A_5 : i32
    %dma_start3A = arith.constant 0 : i32
    %dma_start3A_7 = arith.constant 0 : i32
    %dma_start3A_8 = arith.constant 0 : i32
    %dma_start3A_9 = tpu.memref_slice %arg5[%dma_start3A, %dma_start3A_7, %dma_start3A_8] : memref<2x16x125xi32, #tpu.memory_space<vmem>> -> memref<1x16x125xi32, #tpu.memory_space<vmem>>
    %dma_start3A_10 = tpu.memref_squeeze %dma_start3A_9 : memref<1x16x125xi32, #tpu.memory_space<vmem>> -> memref<16x125xi32, #tpu.memory_space<vmem>>
    %dma_start3A_11 = arith.constant 0 : i32
    %dma_start3A_12 = arith.constant 0 : i32
    %dma_start3A_13 = tpu.memref_slice %arg3[%add3A_6, %dma_start3A_11, %dma_start3A_12] : memref<320x16x125xi32, #tpu.memory_space<hbm>> -> memref<1x16x125xi32, #tpu.memory_space<hbm>>
    %dma_start3A_14 = tpu.memref_squeeze %dma_start3A_13 : memref<1x16x125xi32, #tpu.memory_space<hbm>> -> memref<16x125xi32, #tpu.memory_space<hbm>>
    %dma_start3A_15 = arith.constant 0 : i32
    %dma_start3A_16 = arith.constant 0 : i32
    %dma_start3A_17 = tpu.memref_slice %arg5[%dma_start3A, %dma_start3A_15, %dma_start3A_16] : memref<2x16x125xi32, #tpu.memory_space<vmem>> -> memref<1x16x125xi32, #tpu.memory_space<vmem>>
    %dma_start3A_18 = tpu.memref_squeeze %dma_start3A_17 : memref<1x16x125xi32, #tpu.memory_space<vmem>> -> memref<16x125xi32, #tpu.memory_space<vmem>>
    %dma_start3A_19 = arith.constant 0 : i32
    %dma_start3A_20 = arith.constant 0 : i32
    %dma_start3A_21 = tpu.memref_slice %arg3[%add3A_6, %dma_start3A_19, %dma_start3A_20] : memref<320x16x125xi32, #tpu.memory_space<hbm>> -> memref<1x16x125xi32, #tpu.memory_space<hbm>>
    %dma_start3A_22 = tpu.memref_squeeze %dma_start3A_21 : memref<1x16x125xi32, #tpu.memory_space<hbm>> -> memref<16x125xi32, #tpu.memory_space<hbm>>
    tpu.enqueue_dma source(%dma_start3A_22 : memref<16x125xi32, #tpu.memory_space<hbm>>) target(%dma_start3A_18 : memref<16x125xi32, #tpu.memory_space<vmem>>) target_semaphore(%arg12 : memref<!tpu.dma_semaphore, #tpu.memory_space<semaphore_mem>>)
    %add3A_23 = arith.constant 32 : i32
    %add3A_24 = arith.addi %add3A_23, %add3A : i32
    %mul3A_25 = arith.constant 5 : i32
    %mul3A_26 = arith.muli %add3A_24, %mul3A_25 : i32
    %add3A_27 = arith.constant 0 : i32
    %add3A_28 = arith.addi %mul3A_26, %add3A_27 : i32
    %dma_start3A_29 = arith.constant 0 : i32
    %dma_start3A_30 = arith.constant 0 : i32
    %dma_start3A_31 = arith.constant 0 : i32
    %dma_start3A_32 = tpu.memref_slice %arg6[%dma_start3A_29, %dma_start3A_30, %dma_start3A_31] : memref<2x16x125xi32, #tpu.memory_space<vmem>> -> memref<1x16x125xi32, #tpu.memory_space<vmem>>
    %dma_start3A_33 = tpu.memref_squeeze %dma_start3A_32 : memref<1x16x125xi32, #tpu.memory_space<vmem>> -> memref<16x125xi32, #tpu.memory_space<vmem>>
    %dma_start3A_34 = arith.constant 0 : i32
    %dma_start3A_35 = arith.constant 0 : i32
    %dma_start3A_36 = tpu.memref_slice %arg3[%add3A_28, %dma_start3A_34, %dma_start3A_35] : memref<320x16x125xi32, #tpu.memory_space<hbm>> -> memref<1x16x125xi32, #tpu.memory_space<hbm>>
    %dma_start3A_37 = tpu.memref_squeeze %dma_start3A_36 : memref<1x16x125xi32, #tpu.memory_space<hbm>> -> memref<16x125xi32, #tpu.memory_space<hbm>>
    %dma_start3A_38 = arith.constant 0 : i32
    %dma_start3A_39 = arith.constant 0 : i32
    %dma_start3A_40 = tpu.memref_slice %arg6[%dma_start3A_29, %dma_start3A_38, %dma_start3A_39] : memref<2x16x125xi32, #tpu.memory_space<vmem>> -> memref<1x16x125xi32, #tpu.memory_space<vmem>>
    %dma_start3A_41 = tpu.memref_squeeze %dma_start3A_40 : memref<1x16x125xi32, #tpu.memory_space<vmem>> -> memref<16x125xi32, #tpu.memory_space<vmem>>
    %dma_start3A_42 = arith.constant 0 : i32
    %dma_start3A_43 = arith.constant 0 : i32
    %dma_start3A_44 = tpu.memref_slice %arg3[%add3A_28, %dma_start3A_42, %dma_start3A_43] : memref<320x16x125xi32, #tpu.memory_space<hbm>> -> memref<1x16x125xi32, #tpu.memory_space<hbm>>
    %dma_start3A_45 = tpu.memref_squeeze %dma_start3A_44 : memref<1x16x125xi32, #tpu.memory_space<hbm>> -> memref<16x125xi32, #tpu.memory_space<hbm>>
    tpu.enqueue_dma source(%dma_start3A_45 : memref<16x125xi32, #tpu.memory_space<hbm>>) target(%dma_start3A_41 : memref<16x125xi32, #tpu.memory_space<vmem>>) target_semaphore(%arg12 : memref<!tpu.dma_semaphore, #tpu.memory_space<semaphore_mem>>)
    %scan3A = arith.constant 0 : i32
    %scan3A_46 = arith.constant 0 : i32
    %scan3A_47 = arith.constant 1000 : i32
    %scan3A_48 = arith.addi %scan3A_46, %scan3A_47 : i32
    %scan3A_49 = arith.constant 1 : i32
    %scan3A_50 = scf.for %scan3A_119 = %scan3A_46 to %scan3A_48 step %scan3A_49 iter_args(%scan3A_120 = %scan3A) -> (i32)  : i32 {
      %broadcast_in_dim3A = arith.constant 0.000000e+00 : f32
      %broadcast_in_dim3A_121 = vector.broadcast %broadcast_in_dim3A : f32 to vector<16xf32>
      %jit3A = arith.constant 8 : i32
      %div3A = arith.divsi %scan3A_119, %jit3A : i32
      %sign3A = arith.constant 0 : i32
      %sign3A_122 = arith.cmpi sgt, %scan3A_119, %sign3A : i32
      %sign3A_123 = arith.extui %sign3A_122 : i1 to i32
      %sign3A_124 = arith.constant 0 : i32
      %sign3A_125 = arith.cmpi slt, %scan3A_119, %sign3A_124 : i32
      %sign3A_126 = arith.extui %sign3A_125 : i1 to i32
      %sign3A_127 = arith.subi %sign3A_123, %sign3A_126 : i32
      %sign3A_128 = arith.constant 0 : i32
      %sign3A_129 = arith.cmpi sgt, %jit3A, %sign3A_128 : i32
      %sign3A_130 = arith.extui %sign3A_129 : i1 to i32
      %sign3A_131 = arith.constant 0 : i32
      %sign3A_132 = arith.cmpi slt, %jit3A, %sign3A_131 : i32
      %sign3A_133 = arith.extui %sign3A_132 : i1 to i32
      %sign3A_134 = arith.subi %sign3A_130, %sign3A_133 : i32
      %ne3A = arith.cmpi ne, %sign3A_127, %sign3A_134 : i32
      %rem3A = arith.remsi %scan3A_119, %jit3A : i32
      %ne3A_135 = arith.constant 0 : i32
      %ne3A_136 = arith.cmpi ne, %rem3A, %ne3A_135 : i32
      %and3A = arith.andi %ne3A, %ne3A_136 : i1
      %sub3A = arith.constant 1 : i32
      %sub3A_137 = arith.subi %div3A, %sub3A : i32
      %select_n3A = arith.select %and3A, %sub3A_137, %div3A : i32
      %jit3A_138 = arith.constant 8 : i32
      %eq3A = arith.constant 0 : i32
      %eq3A_139 = arith.cmpi eq, %jit3A_138, %eq3A : i32
      %jit3A_140 = arith.constant 1 : i32
      %select_n3A_141 = arith.select %eq3A_139, %jit3A_140, %jit3A_138 : i32
      %rem3A_142 = arith.remsi %scan3A_119, %select_n3A_141 : i32
      %ne3A_143 = arith.constant 0 : i32
      %ne3A_144 = arith.cmpi ne, %rem3A_142, %ne3A_143 : i32
      %lt3A = arith.constant 0 : i32
      %lt3A_145 = arith.cmpi slt, %rem3A_142, %lt3A : i32
      %lt3A_146 = arith.constant 0 : i32
      %lt3A_147 = arith.cmpi slt, %select_n3A_141, %lt3A_146 : i32
      %ne3A_148 = arith.xori %lt3A_145, %lt3A_147 : i1
      %and3A_149 = arith.andi %ne3A_148, %ne3A_144 : i1
      %add3A_150 = arith.addi %rem3A_142, %select_n3A_141 : i32
      %select_n3A_151 = arith.select %and3A_149, %add3A_150, %rem3A_142 : i32
      %mul3A_152 = arith.constant 16 : i32
      %mul3A_153 = arith.muli %select_n3A_151, %mul3A_152 : i32
      %swap3A = arith.index_cast %select_n3A : i32 to index
      %swap3A_154 = arith.index_cast %mul3A_153 : i32 to index
      %swap3A_155 = tpu.vector_load %arg7[%swap3A, %swap3A_154] {strides = array<i32>} : memref<125x128xf32, #tpu.memory_space<vmem>>, vector<1x16xf32>,
      %swap3A_156 = vector.shape_cast %swap3A_155 : vector<1x16xf32> to vector<16xf32>
      %swap3A_157 = vector.shape_cast %broadcast_in_dim3A_121 : vector<16xf32> to vector<1x16xf32>
      tpu.vector_store %arg7[%swap3A, %swap3A_154], %swap3A_157 {strides = array<i32>} : memref<125x128xf32, #tpu.memory_space<vmem>>, vector<1x16xf32>,
      %scan3A_158 = arith.constant 0 : i32
      scf.yield %scan3A_158 : i32
    }
    %scan3A_51 = arith.constant 1000 : i32
    %add3A_52 = arith.constant 0 : i32
    %add3A_53 = arith.addi %mul3A_2, %add3A_52 : i32
    "tpu.region"() ({
      %run_scoped3A = tpu.sem_alloc : memref<!tpu.dma_semaphore, #tpu.memory_space<semaphore_mem>>
      %dma_start3A_119 = arith.constant 0 : i32
      %dma_start3A_120 = arith.constant 0 : i32
      %dma_start3A_121 = tpu.memref_slice %arg7[%dma_start3A_119, %dma_start3A_120] : memref<125x128xf32, #tpu.memory_space<vmem>> -> memref<80x128xf32, #tpu.memory_space<vmem>>
      %dma_start3A_122 = arith.constant 0 : i32
      %dma_start3A_123 = tpu.memref_slice %arg9[%add3A_53, %dma_start3A_122] : memref<10240x128xf32, #tpu.memory_space<vmem_shared>> -> memref<80x128xf32, #tpu.memory_space<vmem_shared>>
      %dma_start3A_124 = arith.constant 0 : i32
      %dma_start3A_125 = tpu.memref_slice %arg9[%add3A_53, %dma_start3A_124] : memref<10240x128xf32, #tpu.memory_space<vmem_shared>> -> memref<80x128xf32, #tpu.memory_space<vmem_shared>>
      %dma_start3A_126 = arith.constant 0 : i32
      %dma_start3A_127 = arith.constant 0 : i32
      %dma_start3A_128 = tpu.memref_slice %arg7[%dma_start3A_126, %dma_start3A_127] : memref<125x128xf32, #tpu.memory_space<vmem>> -> memref<80x128xf32, #tpu.memory_space<vmem>>
      tpu.enqueue_dma source(%dma_start3A_128 : memref<80x128xf32, #tpu.memory_space<vmem>>) target(%dma_start3A_125 : memref<80x128xf32, #tpu.memory_space<vmem_shared>>) target_semaphore(%run_scoped3A : memref<!tpu.dma_semaphore, #tpu.memory_space<semaphore_mem>>)
      %dma_wait3A_129 = arith.constant 0 : i32
      %dma_wait3A_130 = arith.constant 0 : i32
      %dma_wait3A_131 = tpu.memref_slice %arg7[%dma_wait3A_129, %dma_wait3A_130] : memref<125x128xf32, #tpu.memory_space<vmem>> -> memref<80x128xf32, #tpu.memory_space<vmem>>
      %dma_wait3A_132 = arith.constant 0 : i32
      %dma_wait3A_133 = tpu.memref_slice %arg9[%add3A_53, %dma_wait3A_132] : memref<10240x128xf32, #tpu.memory_space<vmem_shared>> -> memref<80x128xf32, #tpu.memory_space<vmem_shared>>
      %dma_wait3A_134 = arith.constant 0 : i32
      %dma_wait3A_135 = tpu.memref_slice %arg9[%add3A_53, %dma_wait3A_134] : memref<10240x128xf32, #tpu.memory_space<vmem_shared>> -> memref<80x128xf32, #tpu.memory_space<vmem_shared>>
      %dma_wait3A_136 = arith.constant 0 : i32
      %dma_wait3A_137 = arith.constant 0 : i32
      %dma_wait3A_138 = tpu.memref_slice %arg7[%dma_wait3A_136, %dma_wait3A_137] : memref<125x128xf32, #tpu.memory_space<vmem>> -> memref<80x128xf32, #tpu.memory_space<vmem>>
      tpu.wait_dma2 semaphore(%run_scoped3A : memref<!tpu.dma_semaphore, #tpu.memory_space<semaphore_mem>>) src(%dma_wait3A_138 : memref<80x128xf32, #tpu.memory_space<vmem>>) dst(%dma_wait3A_135 : memref<80x128xf32, #tpu.memory_space<vmem_shared>>)
      tpu.yield
    }) : () -> ()
    %add3A_54 = arith.constant 80 : i32
    %add3A_55 = arith.addi %mul3A_2, %add3A_54 : i32
    "tpu.region"() ({
      %run_scoped3A = tpu.sem_alloc : memref<!tpu.dma_semaphore, #tpu.memory_space<semaphore_mem>>
      %dma_start3A_119 = arith.constant 0 : i32
      %dma_start3A_120 = arith.constant 0 : i32
      %dma_start3A_121 = tpu.memref_slice %arg7[%dma_start3A_119, %dma_start3A_120] : memref<125x128xf32, #tpu.memory_space<vmem>> -> memref<80x128xf32, #tpu.memory_space<vmem>>
      %dma_start3A_122 = arith.constant 0 : i32
      %dma_start3A_123 = tpu.memref_slice %arg9[%add3A_55, %dma_start3A_122] : memref<10240x128xf32, #tpu.memory_space<vmem_shared>> -> memref<80x128xf32, #tpu.memory_space<vmem_shared>>
      %dma_start3A_124 = arith.constant 0 : i32
      %dma_start3A_125 = tpu.memref_slice %arg9[%add3A_55, %dma_start3A_124] : memref<10240x128xf32, #tpu.memory_space<vmem_shared>> -> memref<80x128xf32, #tpu.memory_space<vmem_shared>>
      %dma_start3A_126 = arith.constant 0 : i32
      %dma_start3A_127 = arith.constant 0 : i32
      %dma_start3A_128 = tpu.memref_slice %arg7[%dma_start3A_126, %dma_start3A_127] : memref<125x128xf32, #tpu.memory_space<vmem>> -> memref<80x128xf32, #tpu.memory_space<vmem>>
      tpu.enqueue_dma source(%dma_start3A_128 : memref<80x128xf32, #tpu.memory_space<vmem>>) target(%dma_start3A_125 : memref<80x128xf32, #tpu.memory_space<vmem_shared>>) target_semaphore(%run_scoped3A : memref<!tpu.dma_semaphore, #tpu.memory_space<semaphore_mem>>)
      %dma_wait3A_129 = arith.constant 0 : i32
      %dma_wait3A_130 = arith.constant 0 : i32
      %dma_wait3A_131 = tpu.memref_slice %arg7[%dma_wait3A_129, %dma_wait3A_130] : memref<125x128xf32, #tpu.memory_space<vmem>> -> memref<80x128xf32, #tpu.memory_space<vmem>>
      %dma_wait3A_132 = arith.constant 0 : i32
      %dma_wait3A_133 = tpu.memref_slice %arg9[%add3A_55, %dma_wait3A_132] : memref<10240x128xf32, #tpu.memory_space<vmem_shared>> -> memref<80x128xf32, #tpu.memory_space<vmem_shared>>
      %dma_wait3A_134 = arith.constant 0 : i32
      %dma_wait3A_135 = tpu.memref_slice %arg9[%add3A_55, %dma_wait3A_134] : memref<10240x128xf32, #tpu.memory_space<vmem_shared>> -> memref<80x128xf32, #tpu.memory_space<vmem_shared>>
      %dma_wait3A_136 = arith.constant 0 : i32
      %dma_wait3A_137 = arith.constant 0 : i32
      %dma_wait3A_138 = tpu.memref_slice %arg7[%dma_wait3A_136, %dma_wait3A_137] : memref<125x128xf32, #tpu.memory_space<vmem>> -> memref<80x128xf32, #tpu.memory_space<vmem>>
      tpu.wait_dma2 semaphore(%run_scoped3A : memref<!tpu.dma_semaphore, #tpu.memory_space<semaphore_mem>>) src(%dma_wait3A_138 : memref<80x128xf32, #tpu.memory_space<vmem>>) dst(%dma_wait3A_135 : memref<80x128xf32, #tpu.memory_space<vmem_shared>>)
      tpu.yield
    }) : () -> ()
    %add3A_56 = arith.constant 160 : i32
    %add3A_57 = arith.addi %mul3A_2, %add3A_56 : i32
    "tpu.region"() ({
      %run_scoped3A = tpu.sem_alloc : memref<!tpu.dma_semaphore, #tpu.memory_space<semaphore_mem>>
      %dma_start3A_119 = arith.constant 0 : i32
      %dma_start3A_120 = arith.constant 0 : i32
      %dma_start3A_121 = tpu.memref_slice %arg7[%dma_start3A_119, %dma_start3A_120] : memref<125x128xf32, #tpu.memory_space<vmem>> -> memref<80x128xf32, #tpu.memory_space<vmem>>
      %dma_start3A_122 = arith.constant 0 : i32
      %dma_start3A_123 = tpu.memref_slice %arg9[%add3A_57, %dma_start3A_122] : memref<10240x128xf32, #tpu.memory_space<vmem_shared>> -> memref<80x128xf32, #tpu.memory_space<vmem_shared>>
      %dma_start3A_124 = arith.constant 0 : i32
      %dma_start3A_125 = tpu.memref_slice %arg9[%add3A_57, %dma_start3A_124] : memref<10240x128xf32, #tpu.memory_space<vmem_shared>> -> memref<80x128xf32, #tpu.memory_space<vmem_shared>>
      %dma_start3A_126 = arith.constant 0 : i32
      %dma_start3A_127 = arith.constant 0 : i32
      %dma_start3A_128 = tpu.memref_slice %arg7[%dma_start3A_126, %dma_start3A_127] : memref<125x128xf32, #tpu.memory_space<vmem>> -> memref<80x128xf32, #tpu.memory_space<vmem>>
      tpu.enqueue_dma source(%dma_start3A_128 : memref<80x128xf32, #tpu.memory_space<vmem>>) target(%dma_start3A_125 : memref<80x128xf32, #tpu.memory_space<vmem_shared>>) target_semaphore(%run_scoped3A : memref<!tpu.dma_semaphore, #tpu.memory_space<semaphore_mem>>)
      %dma_wait3A_129 = arith.constant 0 : i32
      %dma_wait3A_130 = arith.constant 0 : i32
      %dma_wait3A_131 = tpu.memref_slice %arg7[%dma_wait3A_129, %dma_wait3A_130] : memref<125x128xf32, #tpu.memory_space<vmem>> -> memref<80x128xf32, #tpu.memory_space<vmem>>
      %dma_wait3A_132 = arith.constant 0 : i32
      %dma_wait3A_133 = tpu.memref_slice %arg9[%add3A_57, %dma_wait3A_132] : memref<10240x128xf32, #tpu.memory_space<vmem_shared>> -> memref<80x128xf32, #tpu.memory_space<vmem_shared>>
      %dma_wait3A_134 = arith.constant 0 : i32
      %dma_wait3A_135 = tpu.memref_slice %arg9[%add3A_57, %dma_wait3A_134] : memref<10240x128xf32, #tpu.memory_space<vmem_shared>> -> memref<80x128xf32, #tpu.memory_space<vmem_shared>>
      %dma_wait3A_136 = arith.constant 0 : i32
      %dma_wait3A_137 = arith.constant 0 : i32
      %dma_wait3A_138 = tpu.memref_slice %arg7[%dma_wait3A_136, %dma_wait3A_137] : memref<125x128xf32, #tpu.memory_space<vmem>> -> memref<80x128xf32, #tpu.memory_space<vmem>>
      tpu.wait_dma2 semaphore(%run_scoped3A : memref<!tpu.dma_semaphore, #tpu.memory_space<semaphore_mem>>) src(%dma_wait3A_138 : memref<80x128xf32, #tpu.memory_space<vmem>>) dst(%dma_wait3A_135 : memref<80x128xf32, #tpu.memory_space<vmem_shared>>)
      tpu.yield
    }) : () -> ()
    %add3A_58 = arith.constant 240 : i32
    %add3A_59 = arith.addi %mul3A_2, %add3A_58 : i32
    "tpu.region"() ({
      %run_scoped3A = tpu.sem_alloc : memref<!tpu.dma_semaphore, #tpu.memory_space<semaphore_mem>>
      %dma_start3A_119 = arith.constant 0 : i32
      %dma_start3A_120 = arith.constant 0 : i32
      %dma_start3A_121 = tpu.memref_slice %arg7[%dma_start3A_119, %dma_start3A_120] : memref<125x128xf32, #tpu.memory_space<vmem>> -> memref<80x128xf32, #tpu.memory_space<vmem>>
      %dma_start3A_122 = arith.constant 0 : i32
      %dma_start3A_123 = tpu.memref_slice %arg9[%add3A_59, %dma_start3A_122] : memref<10240x128xf32, #tpu.memory_space<vmem_shared>> -> memref<80x128xf32, #tpu.memory_space<vmem_shared>>
      %dma_start3A_124 = arith.constant 0 : i32
      %dma_start3A_125 = tpu.memref_slice %arg9[%add3A_59, %dma_start3A_124] : memref<10240x128xf32, #tpu.memory_space<vmem_shared>> -> memref<80x128xf32, #tpu.memory_space<vmem_shared>>
      %dma_start3A_126 = arith.constant 0 : i32
      %dma_start3A_127 = arith.constant 0 : i32
      %dma_start3A_128 = tpu.memref_slice %arg7[%dma_start3A_126, %dma_start3A_127] : memref<125x128xf32, #tpu.memory_space<vmem>> -> memref<80x128xf32, #tpu.memory_space<vmem>>
      tpu.enqueue_dma source(%dma_start3A_128 : memref<80x128xf32, #tpu.memory_space<vmem>>) target(%dma_start3A_125 : memref<80x128xf32, #tpu.memory_space<vmem_shared>>) target_semaphore(%run_scoped3A : memref<!tpu.dma_semaphore, #tpu.memory_space<semaphore_mem>>)
      %dma_wait3A_129 = arith.constant 0 : i32
      %dma_wait3A_130 = arith.constant 0 : i32
      %dma_wait3A_131 = tpu.memref_slice %arg7[%dma_wait3A_129, %dma_wait3A_130] : memref<125x128xf32, #tpu.memory_space<vmem>> -> memref<80x128xf32, #tpu.memory_space<vmem>>
      %dma_wait3A_132 = arith.constant 0 : i32
      %dma_wait3A_133 = tpu.memref_slice %arg9[%add3A_59, %dma_wait3A_132] : memref<10240x128xf32, #tpu.memory_space<vmem_shared>> -> memref<80x128xf32, #tpu.memory_space<vmem_shared>>
      %dma_wait3A_134 = arith.constant 0 : i32
      %dma_wait3A_135 = tpu.memref_slice %arg9[%add3A_59, %dma_wait3A_134] : memref<10240x128xf32, #tpu.memory_space<vmem_shared>> -> memref<80x128xf32, #tpu.memory_space<vmem_shared>>
      %dma_wait3A_136 = arith.constant 0 : i32
      %dma_wait3A_137 = arith.constant 0 : i32
      %dma_wait3A_138 = tpu.memref_slice %arg7[%dma_wait3A_136, %dma_wait3A_137] : memref<125x128xf32, #tpu.memory_space<vmem>> -> memref<80x128xf32, #tpu.memory_space<vmem>>
      tpu.wait_dma2 semaphore(%run_scoped3A : memref<!tpu.dma_semaphore, #tpu.memory_space<semaphore_mem>>) src(%dma_wait3A_138 : memref<80x128xf32, #tpu.memory_space<vmem>>) dst(%dma_wait3A_135 : memref<80x128xf32, #tpu.memory_space<vmem_shared>>)
      tpu.yield
    }) : () -> ()
    %add3A_60 = arith.constant 320 : i32
    %add3A_61 = arith.addi %mul3A_2, %add3A_60 : i32
    "tpu.region"() ({
      %run_scoped3A = tpu.sem_alloc : memref<!tpu.dma_semaphore, #tpu.memory_space<semaphore_mem>>
      %dma_start3A_119 = arith.constant 0 : i32
      %dma_start3A_120 = arith.constant 0 : i32
      %dma_start3A_121 = tpu.memref_slice %arg7[%dma_start3A_119, %dma_start3A_120] : memref<125x128xf32, #tpu.memory_space<vmem>> -> memref<80x128xf32, #tpu.memory_space<vmem>>
      %dma_start3A_122 = arith.constant 0 : i32
      %dma_start3A_123 = tpu.memref_slice %arg9[%add3A_61, %dma_start3A_122] : memref<10240x128xf32, #tpu.memory_space<vmem_shared>> -> memref<80x128xf32, #tpu.memory_space<vmem_shared>>
      %dma_start3A_124 = arith.constant 0 : i32
      %dma_start3A_125 = tpu.memref_slice %arg9[%add3A_61, %dma_start3A_124] : memref<10240x128xf32, #tpu.memory_space<vmem_shared>> -> memref<80x128xf32, #tpu.memory_space<vmem_shared>>
      %dma_start3A_126 = arith.constant 0 : i32
      %dma_start3A_127 = arith.constant 0 : i32
      %dma_start3A_128 = tpu.memref_slice %arg7[%dma_start3A_126, %dma_start3A_127] : memref<125x128xf32, #tpu.memory_space<vmem>> -> memref<80x128xf32, #tpu.memory_space<vmem>>
      tpu.enqueue_dma source(%dma_start3A_128 : memref<80x128xf32, #tpu.memory_space<vmem>>) target(%dma_start3A_125 : memref<80x128xf32, #tpu.memory_space<vmem_shared>>) target_semaphore(%run_scoped3A : memref<!tpu.dma_semaphore, #tpu.memory_space<semaphore_mem>>)
      %dma_wait3A_129 = arith.constant 0 : i32
      %dma_wait3A_130 = arith.constant 0 : i32
      %dma_wait3A_131 = tpu.memref_slice %arg7[%dma_wait3A_129, %dma_wait3A_130] : memref<125x128xf32, #tpu.memory_space<vmem>> -> memref<80x128xf32, #tpu.memory_space<vmem>>
      %dma_wait3A_132 = arith.constant 0 : i32
      %dma_wait3A_133 = tpu.memref_slice %arg9[%add3A_61, %dma_wait3A_132] : memref<10240x128xf32, #tpu.memory_space<vmem_shared>> -> memref<80x128xf32, #tpu.memory_space<vmem_shared>>
      %dma_wait3A_134 = arith.constant 0 : i32
      %dma_wait3A_135 = tpu.memref_slice %arg9[%add3A_61, %dma_wait3A_134] : memref<10240x128xf32, #tpu.memory_space<vmem_shared>> -> memref<80x128xf32, #tpu.memory_space<vmem_shared>>
      %dma_wait3A_136 = arith.constant 0 : i32
      %dma_wait3A_137 = arith.constant 0 : i32
      %dma_wait3A_138 = tpu.memref_slice %arg7[%dma_wait3A_136, %dma_wait3A_137] : memref<125x128xf32, #tpu.memory_space<vmem>> -> memref<80x128xf32, #tpu.memory_space<vmem>>
      tpu.wait_dma2 semaphore(%run_scoped3A : memref<!tpu.dma_semaphore, #tpu.memory_space<semaphore_mem>>) src(%dma_wait3A_138 : memref<80x128xf32, #tpu.memory_space<vmem>>) dst(%dma_wait3A_135 : memref<80x128xf32, #tpu.memory_space<vmem_shared>>)
      tpu.yield
    }) : () -> ()
    %add3A_62 = arith.constant 400 : i32
    %add3A_63 = arith.addi %mul3A_2, %add3A_62 : i32
    "tpu.region"() ({
      %run_scoped3A = tpu.sem_alloc : memref<!tpu.dma_semaphore, #tpu.memory_space<semaphore_mem>>
      %dma_start3A_119 = arith.constant 0 : i32
      %dma_start3A_120 = arith.constant 0 : i32
      %dma_start3A_121 = tpu.memref_slice %arg7[%dma_start3A_119, %dma_start3A_120] : memref<125x128xf32, #tpu.memory_space<vmem>> -> memref<80x128xf32, #tpu.memory_space<vmem>>
      %dma_start3A_122 = arith.constant 0 : i32
      %dma_start3A_123 = tpu.memref_slice %arg9[%add3A_63, %dma_start3A_122] : memref<10240x128xf32, #tpu.memory_space<vmem_shared>> -> memref<80x128xf32, #tpu.memory_space<vmem_shared>>
      %dma_start3A_124 = arith.constant 0 : i32
      %dma_start3A_125 = tpu.memref_slice %arg9[%add3A_63, %dma_start3A_124] : memref<10240x128xf32, #tpu.memory_space<vmem_shared>> -> memref<80x128xf32, #tpu.memory_space<vmem_shared>>
      %dma_start3A_126 = arith.constant 0 : i32
      %dma_start3A_127 = arith.constant 0 : i32
      %dma_start3A_128 = tpu.memref_slice %arg7[%dma_start3A_126, %dma_start3A_127] : memref<125x128xf32, #tpu.memory_space<vmem>> -> memref<80x128xf32, #tpu.memory_space<vmem>>
      tpu.enqueue_dma source(%dma_start3A_128 : memref<80x128xf32, #tpu.memory_space<vmem>>) target(%dma_start3A_125 : memref<80x128xf32, #tpu.memory_space<vmem_shared>>) target_semaphore(%run_scoped3A : memref<!tpu.dma_semaphore, #tpu.memory_space<semaphore_mem>>)
      %dma_wait3A_129 = arith.constant 0 : i32
      %dma_wait3A_130 = arith.constant 0 : i32
      %dma_wait3A_131 = tpu.memref_slice %arg7[%dma_wait3A_129, %dma_wait3A_130] : memref<125x128xf32, #tpu.memory_space<vmem>> -> memref<80x128xf32, #tpu.memory_space<vmem>>
      %dma_wait3A_132 = arith.constant 0 : i32
      %dma_wait3A_133 = tpu.memref_slice %arg9[%add3A_63, %dma_wait3A_132] : memref<10240x128xf32, #tpu.memory_space<vmem_shared>> -> memref<80x128xf32, #tpu.memory_space<vmem_shared>>
      %dma_wait3A_134 = arith.constant 0 : i32
      %dma_wait3A_135 = tpu.memref_slice %arg9[%add3A_63, %dma_wait3A_134] : memref<10240x128xf32, #tpu.memory_space<vmem_shared>> -> memref<80x128xf32, #tpu.memory_space<vmem_shared>>
      %dma_wait3A_136 = arith.constant 0 : i32
      %dma_wait3A_137 = arith.constant 0 : i32
      %dma_wait3A_138 = tpu.memref_slice %arg7[%dma_wait3A_136, %dma_wait3A_137] : memref<125x128xf32, #tpu.memory_space<vmem>> -> memref<80x128xf32, #tpu.memory_space<vmem>>
      tpu.wait_dma2 semaphore(%run_scoped3A : memref<!tpu.dma_semaphore, #tpu.memory_space<semaphore_mem>>) src(%dma_wait3A_138 : memref<80x128xf32, #tpu.memory_space<vmem>>) dst(%dma_wait3A_135 : memref<80x128xf32, #tpu.memory_space<vmem_shared>>)
      tpu.yield
    }) : () -> ()
    %add3A_64 = arith.constant 480 : i32
    %add3A_65 = arith.addi %mul3A_2, %add3A_64 : i32
    "tpu.region"() ({
      %run_scoped3A = tpu.sem_alloc : memref<!tpu.dma_semaphore, #tpu.memory_space<semaphore_mem>>
      %dma_start3A_119 = arith.constant 0 : i32
      %dma_start3A_120 = arith.constant 0 : i32
      %dma_start3A_121 = tpu.memref_slice %arg7[%dma_start3A_119, %dma_start3A_120] : memref<125x128xf32, #tpu.memory_space<vmem>> -> memref<80x128xf32, #tpu.memory_space<vmem>>
      %dma_start3A_122 = arith.constant 0 : i32
      %dma_start3A_123 = tpu.memref_slice %arg9[%add3A_65, %dma_start3A_122] : memref<10240x128xf32, #tpu.memory_space<vmem_shared>> -> memref<80x128xf32, #tpu.memory_space<vmem_shared>>
      %dma_start3A_124 = arith.constant 0 : i32
      %dma_start3A_125 = tpu.memref_slice %arg9[%add3A_65, %dma_start3A_124] : memref<10240x128xf32, #tpu.memory_space<vmem_shared>> -> memref<80x128xf32, #tpu.memory_space<vmem_shared>>
      %dma_start3A_126 = arith.constant 0 : i32
      %dma_start3A_127 = arith.constant 0 : i32
      %dma_start3A_128 = tpu.memref_slice %arg7[%dma_start3A_126, %dma_start3A_127] : memref<125x128xf32, #tpu.memory_space<vmem>> -> memref<80x128xf32, #tpu.memory_space<vmem>>
      tpu.enqueue_dma source(%dma_start3A_128 : memref<80x128xf32, #tpu.memory_space<vmem>>) target(%dma_start3A_125 : memref<80x128xf32, #tpu.memory_space<vmem_shared>>) target_semaphore(%run_scoped3A : memref<!tpu.dma_semaphore, #tpu.memory_space<semaphore_mem>>)
      %dma_wait3A_129 = arith.constant 0 : i32
      %dma_wait3A_130 = arith.constant 0 : i32
      %dma_wait3A_131 = tpu.memref_slice %arg7[%dma_wait3A_129, %dma_wait3A_130] : memref<125x128xf32, #tpu.memory_space<vmem>> -> memref<80x128xf32, #tpu.memory_space<vmem>>
      %dma_wait3A_132 = arith.constant 0 : i32
      %dma_wait3A_133 = tpu.memref_slice %arg9[%add3A_65, %dma_wait3A_132] : memref<10240x128xf32, #tpu.memory_space<vmem_shared>> -> memref<80x128xf32, #tpu.memory_space<vmem_shared>>
      %dma_wait3A_134 = arith.constant 0 : i32
      %dma_wait3A_135 = tpu.memref_slice %arg9[%add3A_65, %dma_wait3A_134] : memref<10240x128xf32, #tpu.memory_space<vmem_shared>> -> memref<80x128xf32, #tpu.memory_space<vmem_shared>>
      %dma_wait3A_136 = arith.constant 0 : i32
      %dma_wait3A_137 = arith.constant 0 : i32
      %dma_wait3A_138 = tpu.memref_slice %arg7[%dma_wait3A_136, %dma_wait3A_137] : memref<125x128xf32, #tpu.memory_space<vmem>> -> memref<80x128xf32, #tpu.memory_space<vmem>>
      tpu.wait_dma2 semaphore(%run_scoped3A : memref<!tpu.dma_semaphore, #tpu.memory_space<semaphore_mem>>) src(%dma_wait3A_138 : memref<80x128xf32, #tpu.memory_space<vmem>>) dst(%dma_wait3A_135 : memref<80x128xf32, #tpu.memory_space<vmem_shared>>)
      tpu.yield
    }) : () -> ()
    %add3A_66 = arith.constant 560 : i32
    %add3A_67 = arith.addi %mul3A_2, %add3A_66 : i32
    "tpu.region"() ({
      %run_scoped3A = tpu.sem_alloc : memref<!tpu.dma_semaphore, #tpu.memory_space<semaphore_mem>>
      %dma_start3A_119 = arith.constant 0 : i32
      %dma_start3A_120 = arith.constant 0 : i32
      %dma_start3A_121 = tpu.memref_slice %arg7[%dma_start3A_119, %dma_start3A_120] : memref<125x128xf32, #tpu.memory_space<vmem>> -> memref<80x128xf32, #tpu.memory_space<vmem>>
      %dma_start3A_122 = arith.constant 0 : i32
      %dma_start3A_123 = tpu.memref_slice %arg9[%add3A_67, %dma_start3A_122] : memref<10240x128xf32, #tpu.memory_space<vmem_shared>> -> memref<80x128xf32, #tpu.memory_space<vmem_shared>>
      %dma_start3A_124 = arith.constant 0 : i32
      %dma_start3A_125 = tpu.memref_slice %arg9[%add3A_67, %dma_start3A_124] : memref<10240x128xf32, #tpu.memory_space<vmem_shared>> -> memref<80x128xf32, #tpu.memory_space<vmem_shared>>
      %dma_start3A_126 = arith.constant 0 : i32
      %dma_start3A_127 = arith.constant 0 : i32
      %dma_start3A_128 = tpu.memref_slice %arg7[%dma_start3A_126, %dma_start3A_127] : memref<125x128xf32, #tpu.memory_space<vmem>> -> memref<80x128xf32, #tpu.memory_space<vmem>>
      tpu.enqueue_dma source(%dma_start3A_128 : memref<80x128xf32, #tpu.memory_space<vmem>>) target(%dma_start3A_125 : memref<80x128xf32, #tpu.memory_space<vmem_shared>>) target_semaphore(%run_scoped3A : memref<!tpu.dma_semaphore, #tpu.memory_space<semaphore_mem>>)
      %dma_wait3A_129 = arith.constant 0 : i32
      %dma_wait3A_130 = arith.constant 0 : i32
      %dma_wait3A_131 = tpu.memref_slice %arg7[%dma_wait3A_129, %dma_wait3A_130] : memref<125x128xf32, #tpu.memory_space<vmem>> -> memref<80x128xf32, #tpu.memory_space<vmem>>
      %dma_wait3A_132 = arith.constant 0 : i32
      %dma_wait3A_133 = tpu.memref_slice %arg9[%add3A_67, %dma_wait3A_132] : memref<10240x128xf32, #tpu.memory_space<vmem_shared>> -> memref<80x128xf32, #tpu.memory_space<vmem_shared>>
      %dma_wait3A_134 = arith.constant 0 : i32
      %dma_wait3A_135 = tpu.memref_slice %arg9[%add3A_67, %dma_wait3A_134] : memref<10240x128xf32, #tpu.memory_space<vmem_shared>> -> memref<80x128xf32, #tpu.memory_space<vmem_shared>>
      %dma_wait3A_136 = arith.constant 0 : i32
      %dma_wait3A_137 = arith.constant 0 : i32
      %dma_wait3A_138 = tpu.memref_slice %arg7[%dma_wait3A_136, %dma_wait3A_137] : memref<125x128xf32, #tpu.memory_space<vmem>> -> memref<80x128xf32, #tpu.memory_space<vmem>>
      tpu.wait_dma2 semaphore(%run_scoped3A : memref<!tpu.dma_semaphore, #tpu.memory_space<semaphore_mem>>) src(%dma_wait3A_138 : memref<80x128xf32, #tpu.memory_space<vmem>>) dst(%dma_wait3A_135 : memref<80x128xf32, #tpu.memory_space<vmem_shared>>)
      tpu.yield
    }) : () -> ()
    %barrier3A = arith.constant 0 : index
    tpu.barrier barrier_id(%barrier3A)
    %mul3A_68 = arith.constant 5 : i32
    %mul3A_69 = arith.muli %add3A, %mul3A_68 : i32
    %add3A_70 = arith.constant 0 : i32
    %add3A_71 = arith.addi %mul3A_69, %add3A_70 : i32
    %dma_wait3A = arith.constant 0 : i32
    %dma_wait3A_72 = arith.constant 0 : i32
    %dma_wait3A_73 = arith.constant 0 : i32
    %dma_wait3A_74 = tpu.memref_slice %arg5[%dma_wait3A, %dma_wait3A_72, %dma_wait3A_73] : memref<2x16x125xi32, #tpu.memory_space<vmem>> -> memref<1x16x125xi32, #tpu.memory_space<vmem>>
    %dma_wait3A_75 = tpu.memref_squeeze %dma_wait3A_74 : memref<1x16x125xi32, #tpu.memory_space<vmem>> -> memref<16x125xi32, #tpu.memory_space<vmem>>
    %dma_wait3A_76 = arith.constant 0 : i32
    %dma_wait3A_77 = arith.constant 0 : i32
    %dma_wait3A_78 = tpu.memref_slice %arg3[%add3A_71, %dma_wait3A_76, %dma_wait3A_77] : memref<320x16x125xi32, #tpu.memory_space<hbm>> -> memref<1x16x125xi32, #tpu.memory_space<hbm>>
    %dma_wait3A_79 = tpu.memref_squeeze %dma_wait3A_78 : memref<1x16x125xi32, #tpu.memory_space<hbm>> -> memref<16x125xi32, #tpu.memory_space<hbm>>
    %dma_wait3A_80 = arith.constant 0 : i32
    %dma_wait3A_81 = arith.constant 0 : i32
    %dma_wait3A_82 = tpu.memref_slice %arg5[%dma_wait3A, %dma_wait3A_80, %dma_wait3A_81] : memref<2x16x125xi32, #tpu.memory_space<vmem>> -> memref<1x16x125xi32, #tpu.memory_space<vmem>>
    %dma_wait3A_83 = tpu.memref_squeeze %dma_wait3A_82 : memref<1x16x125xi32, #tpu.memory_space<vmem>> -> memref<16x125xi32, #tpu.memory_space<vmem>>
    %dma_wait3A_84 = arith.constant 0 : i32
    %dma_wait3A_85 = arith.constant 0 : i32
    %dma_wait3A_86 = tpu.memref_slice %arg3[%add3A_71, %dma_wait3A_84, %dma_wait3A_85] : memref<320x16x125xi32, #tpu.memory_space<hbm>> -> memref<1x16x125xi32, #tpu.memory_space<hbm>>
    %dma_wait3A_87 = tpu.memref_squeeze %dma_wait3A_86 : memref<1x16x125xi32, #tpu.memory_space<hbm>> -> memref<16x125xi32, #tpu.memory_space<hbm>>
    tpu.wait_dma2 semaphore(%arg12 : memref<!tpu.dma_semaphore, #tpu.memory_space<semaphore_mem>>) src(%dma_wait3A_87 : memref<16x125xi32, #tpu.memory_space<hbm>>) dst(%dma_wait3A_83 : memref<16x125xi32, #tpu.memory_space<vmem>>)
    %add3A_88 = arith.constant 32 : i32
    %add3A_89 = arith.addi %add3A_88, %add3A : i32
    %mul3A_90 = arith.constant 5 : i32
    %mul3A_91 = arith.muli %add3A_89, %mul3A_90 : i32
    %add3A_92 = arith.constant 0 : i32
    %add3A_93 = arith.addi %mul3A_91, %add3A_92 : i32
    %dma_wait3A_94 = arith.constant 0 : i32
    %dma_wait3A_95 = arith.constant 0 : i32
    %dma_wait3A_96 = arith.constant 0 : i32
    %dma_wait3A_97 = tpu.memref_slice %arg6[%dma_wait3A_94, %dma_wait3A_95, %dma_wait3A_96] : memref<2x16x125xi32, #tpu.memory_space<vmem>> -> memref<1x16x125xi32, #tpu.memory_space<vmem>>
    %dma_wait3A_98 = tpu.memref_squeeze %dma_wait3A_97 : memref<1x16x125xi32, #tpu.memory_space<vmem>> -> memref<16x125xi32, #tpu.memory_space<vmem>>
    %dma_wait3A_99 = arith.constant 0 : i32
    %dma_wait3A_100 = arith.constant 0 : i32
    %dma_wait3A_101 = tpu.memref_slice %arg3[%add3A_93, %dma_wait3A_99, %dma_wait3A_100] : memref<320x16x125xi32, #tpu.memory_space<hbm>> -> memref<1x16x125xi32, #tpu.memory_space<hbm>>
    %dma_wait3A_102 = tpu.memref_squeeze %dma_wait3A_101 : memref<1x16x125xi32, #tpu.memory_space<hbm>> -> memref<16x125xi32, #tpu.memory_space<hbm>>
    %dma_wait3A_103 = arith.constant 0 : i32
    %dma_wait3A_104 = arith.constant 0 : i32
    %dma_wait3A_105 = tpu.memref_slice %arg6[%dma_wait3A_94, %dma_wait3A_103, %dma_wait3A_104] : memref<2x16x125xi32, #tpu.memory_space<vmem>> -> memref<1x16x125xi32, #tpu.memory_space<vmem>>
    %dma_wait3A_106 = tpu.memref_squeeze %dma_wait3A_105 : memref<1x16x125xi32, #tpu.memory_space<vmem>> -> memref<16x125xi32, #tpu.memory_space<vmem>>
    %dma_wait3A_107 = arith.constant 0 : i32
    %dma_wait3A_108 = arith.constant 0 : i32
    %dma_wait3A_109 = tpu.memref_slice %arg3[%add3A_93, %dma_wait3A_107, %dma_wait3A_108] : memref<320x16x125xi32, #tpu.memory_space<hbm>> -> memref<1x16x125xi32, #tpu.memory_space<hbm>>
    %dma_wait3A_110 = tpu.memref_squeeze %dma_wait3A_109 : memref<1x16x125xi32, #tpu.memory_space<hbm>> -> memref<16x125xi32, #tpu.memory_space<hbm>>
    tpu.wait_dma2 semaphore(%arg12 : memref<!tpu.dma_semaphore, #tpu.memory_space<semaphore_mem>>) src(%dma_wait3A_110 : memref<16x125xi32, #tpu.memory_space<hbm>>) dst(%dma_wait3A_106 : memref<16x125xi32, #tpu.memory_space<vmem>>)
    %scan3A_111 = arith.constant 0 : i32
    %scan3A_112 = arith.constant 0 : i32
    %scan3A_113 = arith.constant 5 : i32
    %scan3A_114 = arith.addi %scan3A_112, %scan3A_113 : i32
    %scan3A_115 = arith.constant 1 : i32
    %scan3A_116 = scf.for %scan3A_119 = %scan3A_112 to %scan3A_114 step %scan3A_115 iter_args(%scan3A_120 = %scan3A_111) -> (i32)  : i32 {
      %jit3A = arith.constant 2 : i32
      %eq3A = arith.constant 0 : i32
      %eq3A_121 = arith.cmpi eq, %jit3A, %eq3A : i32
      %jit3A_122 = arith.constant 1 : i32
      %select_n3A = arith.select %eq3A_121, %jit3A_122, %jit3A : i32
      %rem3A = arith.remsi %scan3A_119, %select_n3A : i32
      %ne3A = arith.constant 0 : i32
      %ne3A_123 = arith.cmpi ne, %rem3A, %ne3A : i32
      %lt3A = arith.constant 0 : i32
      %lt3A_124 = arith.cmpi slt, %rem3A, %lt3A : i32
      %lt3A_125 = arith.constant 0 : i32
      %lt3A_126 = arith.cmpi slt, %select_n3A, %lt3A_125 : i32
      %ne3A_127 = arith.xori %lt3A_124, %lt3A_126 : i1
      %and3A = arith.andi %ne3A_127, %ne3A_123 : i1
      %add3A_128 = arith.addi %rem3A, %select_n3A : i32
      %select_n3A_129 = arith.select %and3A, %add3A_128, %rem3A : i32
      %dma_start3A_130 = arith.constant 0 : i32
      %dma_start3A_131 = arith.constant 0 : i32
      %dma_start3A_132 = tpu.memref_slice %arg5[%select_n3A_129, %dma_start3A_130, %dma_start3A_131] : memref<2x16x125xi32, #tpu.memory_space<vmem>> -> memref<1x1x125xi32, #tpu.memory_space<vmem>>
      %dma_start3A_133 = tpu.memref_squeeze %dma_start3A_132 : memref<1x1x125xi32, #tpu.memory_space<vmem>> -> memref<125xi32, #tpu.memory_space<vmem>>
      %dma_start3A_134 = arith.constant 0 : i32
      %dma_start3A_135 = arith.constant 0 : i32
      %dma_start3A_136 = tpu.memref_slice %arg2[%dma_start3A_134, %dma_start3A_135] : memref<10000x128xf32, #tpu.memory_space<hbm>> -> memref<10000x128xf32, #tpu.memory_space<hbm>>
      tpu.enqueue_indirect_dma source(%dma_start3A_136 : memref<10000x128xf32, #tpu.memory_space<hbm>>) target(%arg7 : memref<125x128xf32, #tpu.memory_space<vmem>>) offsets(%dma_start3A_133 : memref<125xi32, #tpu.memory_space<vmem>>) semaphore(%arg10 : memref<!tpu.dma_semaphore, #tpu.memory_space<semaphore_mem>>)
      %lt3A_137 = arith.constant 4 : i32
      %lt3A_138 = arith.cmpi slt, %scan3A_119, %lt3A_137 : i32
      %convert_element_type3A = arith.extui %lt3A_138 : i1 to i32
      %cond3A = arith.constant 0 : i32
      %cond3A_139 = arith.cmpi ne, %convert_element_type3A, %cond3A : i32
      scf.if %cond3A_139 {
        %add3A_153 = arith.constant 1 : i32
        %add3A_154 = arith.addi %scan3A_119, %add3A_153 : i32
        %sub3A = arith.constant 1 : i32
        %sub3A_155 = arith.subi %sub3A, %select_n3A_129 : i32
        %mul3A_156 = arith.constant 5 : i32
        %mul3A_157 = arith.muli %add3A, %mul3A_156 : i32
        %add3A_158 = arith.addi %mul3A_157, %add3A_154 : i32
        %dma_start3A_159 = arith.constant 0 : i32
        %dma_start3A_160 = arith.constant 0 : i32
        %dma_start3A_161 = tpu.memref_slice %arg5[%sub3A_155, %dma_start3A_159, %dma_start3A_160] : memref<2x16x125xi32, #tpu.memory_space<vmem>> -> memref<1x16x125xi32, #tpu.memory_space<vmem>>
        %dma_start3A_162 = tpu.memref_squeeze %dma_start3A_161 : memref<1x16x125xi32, #tpu.memory_space<vmem>> -> memref<16x125xi32, #tpu.memory_space<vmem>>
        %dma_start3A_163 = arith.constant 0 : i32
        %dma_start3A_164 = arith.constant 0 : i32
        %dma_start3A_165 = tpu.memref_slice %arg3[%add3A_158, %dma_start3A_163, %dma_start3A_164] : memref<320x16x125xi32, #tpu.memory_space<hbm>> -> memref<1x16x125xi32, #tpu.memory_space<hbm>>
        %dma_start3A_166 = tpu.memref_squeeze %dma_start3A_165 : memref<1x16x125xi32, #tpu.memory_space<hbm>> -> memref<16x125xi32, #tpu.memory_space<hbm>>
        %dma_start3A_167 = arith.constant 0 : i32
        %dma_start3A_168 = arith.constant 0 : i32
        %dma_start3A_169 = tpu.memref_slice %arg5[%sub3A_155, %dma_start3A_167, %dma_start3A_168] : memref<2x16x125xi32, #tpu.memory_space<vmem>> -> memref<1x16x125xi32, #tpu.memory_space<vmem>>
        %dma_start3A_170 = tpu.memref_squeeze %dma_start3A_169 : memref<1x16x125xi32, #tpu.memory_space<vmem>> -> memref<16x125xi32, #tpu.memory_space<vmem>>
        %dma_start3A_171 = arith.constant 0 : i32
        %dma_start3A_172 = arith.constant 0 : i32
        %dma_start3A_173 = tpu.memref_slice %arg3[%add3A_158, %dma_start3A_171, %dma_start3A_172] : memref<320x16x125xi32, #tpu.memory_space<hbm>> -> memref<1x16x125xi32, #tpu.memory_space<hbm>>
        %dma_start3A_174 = tpu.memref_squeeze %dma_start3A_173 : memref<1x16x125xi32, #tpu.memory_space<hbm>> -> memref<16x125xi32, #tpu.memory_space<hbm>>
        tpu.enqueue_dma source(%dma_start3A_174 : memref<16x125xi32, #tpu.memory_space<hbm>>) target(%dma_start3A_170 : memref<16x125xi32, #tpu.memory_space<vmem>>) target_semaphore(%arg12 : memref<!tpu.dma_semaphore, #tpu.memory_space<semaphore_mem>>)
        %add3A_175 = arith.constant 32 : i32
        %add3A_176 = arith.addi %add3A_175, %add3A : i32
        %mul3A_177 = arith.constant 5 : i32
        %mul3A_178 = arith.muli %add3A_176, %mul3A_177 : i32
        %add3A_179 = arith.addi %mul3A_178, %add3A_154 : i32
        %dma_start3A_180 = arith.constant 0 : i32
        %dma_start3A_181 = arith.constant 0 : i32
        %dma_start3A_182 = tpu.memref_slice %arg6[%sub3A_155, %dma_start3A_180, %dma_start3A_181] : memref<2x16x125xi32, #tpu.memory_space<vmem>> -> memref<1x16x125xi32, #tpu.memory_space<vmem>>
        %dma_start3A_183 = tpu.memref_squeeze %dma_start3A_182 : memref<1x16x125xi32, #tpu.memory_space<vmem>> -> memref<16x125xi32, #tpu.memory_space<vmem>>
        %dma_start3A_184 = arith.constant 0 : i32
        %dma_start3A_185 = arith.constant 0 : i32
        %dma_start3A_186 = tpu.memref_slice %arg3[%add3A_179, %dma_start3A_184, %dma_start3A_185] : memref<320x16x125xi32, #tpu.memory_space<hbm>> -> memref<1x16x125xi32, #tpu.memory_space<hbm>>
        %dma_start3A_187 = tpu.memref_squeeze %dma_start3A_186 : memref<1x16x125xi32, #tpu.memory_space<hbm>> -> memref<16x125xi32, #tpu.memory_space<hbm>>
        %dma_start3A_188 = arith.constant 0 : i32
        %dma_start3A_189 = arith.constant 0 : i32
        %dma_start3A_190 = tpu.memref_slice %arg6[%sub3A_155, %dma_start3A_188, %dma_start3A_189] : memref<2x16x125xi32, #tpu.memory_space<vmem>> -> memref<1x16x125xi32, #tpu.memory_space<vmem>>
        %dma_start3A_191 = tpu.memref_squeeze %dma_start3A_190 : memref<1x16x125xi32, #tpu.memory_space<vmem>> -> memref<16x125xi32, #tpu.memory_space<vmem>>
        %dma_start3A_192 = arith.constant 0 : i32
        %dma_start3A_193 = arith.constant 0 : i32
        %dma_start3A_194 = tpu.memref_slice %arg3[%add3A_179, %dma_start3A_192, %dma_start3A_193] : memref<320x16x125xi32, #tpu.memory_space<hbm>> -> memref<1x16x125xi32, #tpu.memory_space<hbm>>
        %dma_start3A_195 = tpu.memref_squeeze %dma_start3A_194 : memref<1x16x125xi32, #tpu.memory_space<hbm>> -> memref<16x125xi32, #tpu.memory_space<hbm>>
        tpu.enqueue_dma source(%dma_start3A_195 : memref<16x125xi32, #tpu.memory_space<hbm>>) target(%dma_start3A_191 : memref<16x125xi32, #tpu.memory_space<vmem>>) target_semaphore(%arg12 : memref<!tpu.dma_semaphore, #tpu.memory_space<semaphore_mem>>)
      } else {
      }
      %scan3A_140 = arith.constant 0 : i32
      %scan3A_141 = arith.constant 0 : i32
      %scan3A_142 = arith.constant 8 : i32
      %scan3A_143 = arith.addi %scan3A_141, %scan3A_142 : i32
      %scan3A_144 = arith.constant 1 : i32
      %scan3A_145 = scf.for %scan3A_153 = %scan3A_141 to %scan3A_143 step %scan3A_144 iter_args(%scan3A_154 = %scan3A_140) -> (i32)  : i32 {
        %mul3A_155 = arith.constant 2 : i32
        %mul3A_156 = arith.muli %scan3A_153, %mul3A_155 : i32
        %add3A_157 = arith.constant 1 : i32
        %add3A_158 = arith.addi %mul3A_156, %add3A_157 : i32
        %dma_start3A_159 = arith.constant 0 : i32
        %dma_start3A_160 = tpu.memref_slice %arg5[%select_n3A_129, %add3A_158, %dma_start3A_159] : memref<2x16x125xi32, #tpu.memory_space<vmem>> -> memref<1x1x125xi32, #tpu.memory_space<vmem>>
        %dma_start3A_161 = tpu.memref_squeeze %dma_start3A_160 : memref<1x1x125xi32, #tpu.memory_space<vmem>> -> memref<125xi32, #tpu.memory_space<vmem>>
        %dma_start3A_162 = arith.constant 0 : i32
        %dma_start3A_163 = arith.constant 0 : i32
        %dma_start3A_164 = tpu.memref_slice %arg2[%dma_start3A_162, %dma_start3A_163] : memref<10000x128xf32, #tpu.memory_space<hbm>> -> memref<10000x128xf32, #tpu.memory_space<hbm>>
        tpu.enqueue_indirect_dma source(%dma_start3A_164 : memref<10000x128xf32, #tpu.memory_space<hbm>>) target(%arg8 : memref<125x128xf32, #tpu.memory_space<vmem>>) offsets(%dma_start3A_161 : memref<125xi32, #tpu.memory_space<vmem>>) semaphore(%arg11 : memref<!tpu.dma_semaphore, #tpu.memory_space<semaphore_mem>>)
        %dma_wait3A_165 = arith.constant 0 : i32
        %dma_wait3A_166 = tpu.memref_slice %arg5[%select_n3A_129, %mul3A_156, %dma_wait3A_165] : memref<2x16x125xi32, #tpu.memory_space<vmem>> -> memref<1x1x125xi32, #tpu.memory_space<vmem>>
        %dma_wait3A_167 = tpu.memref_squeeze %dma_wait3A_166 : memref<1x1x125xi32, #tpu.memory_space<vmem>> -> memref<125xi32, #tpu.memory_space<vmem>>
        %dma_wait3A_168 = arith.constant 0 : i32
        %dma_wait3A_169 = arith.constant 0 : i32
        %dma_wait3A_170 = tpu.memref_slice %arg2[%dma_wait3A_168, %dma_wait3A_169] : memref<10000x128xf32, #tpu.memory_space<hbm>> -> memref<10000x128xf32, #tpu.memory_space<hbm>>
        tpu.wait_indirect_dma semaphore(%arg10 : memref<!tpu.dma_semaphore, #tpu.memory_space<semaphore_mem>>) src(%dma_wait3A_170 : memref<10000x128xf32, #tpu.memory_space<hbm>>) dst(%arg7 : memref<125x128xf32, #tpu.memory_space<vmem>>)
        "tpu.region"() ({
          %run_scoped3A = tpu.sem_alloc : memref<!tpu.dma_semaphore, #tpu.memory_space<semaphore_mem>>
          %dma_start3A_187 = arith.constant 0 : i32
          %dma_start3A_188 = tpu.memref_slice %arg6[%select_n3A_129, %mul3A_156, %dma_start3A_187] : memref<2x16x125xi32, #tpu.memory_space<vmem>> -> memref<1x1x125xi32, #tpu.memory_space<vmem>>
          %dma_start3A_189 = tpu.memref_squeeze %dma_start3A_188 : memref<1x1x125xi32, #tpu.memory_space<vmem>> -> memref<125xi32, #tpu.memory_space<vmem>>
          %dma_start3A_190 = arith.constant 0 : i32
          %dma_start3A_191 = arith.constant 0 : i32
          %dma_start3A_192 = tpu.memref_slice %arg9[%dma_start3A_190, %dma_start3A_191] : memref<10240x128xf32, #tpu.memory_space<vmem_shared>> -> memref<10240x128xf32, #tpu.memory_space<vmem_shared>>
          tpu.enqueue_indirect_dma source(%arg7 : memref<125x128xf32, #tpu.memory_space<vmem>>) target(%dma_start3A_192 : memref<10240x128xf32, #tpu.memory_space<vmem_shared>>) offsets(%dma_start3A_189 : memref<125xi32, #tpu.memory_space<vmem>>) semaphore(%run_scoped3A : memref<!tpu.dma_semaphore, #tpu.memory_space<semaphore_mem>>) {add = true}
          %dma_wait3A_193 = arith.constant 0 : i32
          %dma_wait3A_194 = tpu.memref_slice %arg6[%select_n3A_129, %mul3A_156, %dma_wait3A_193] : memref<2x16x125xi32, #tpu.memory_space<vmem>> -> memref<1x1x125xi32, #tpu.memory_space<vmem>>
          %dma_wait3A_195 = tpu.memref_squeeze %dma_wait3A_194 : memref<1x1x125xi32, #tpu.memory_space<vmem>> -> memref<125xi32, #tpu.memory_space<vmem>>
          %dma_wait3A_196 = arith.constant 0 : i32
          %dma_wait3A_197 = arith.constant 0 : i32
          %dma_wait3A_198 = tpu.memref_slice %arg9[%dma_wait3A_196, %dma_wait3A_197] : memref<10240x128xf32, #tpu.memory_space<vmem_shared>> -> memref<10240x128xf32, #tpu.memory_space<vmem_shared>>
          tpu.wait_indirect_dma semaphore(%run_scoped3A : memref<!tpu.dma_semaphore, #tpu.memory_space<semaphore_mem>>) src(%arg7 : memref<125x128xf32, #tpu.memory_space<vmem>>) dst(%dma_wait3A_198 : memref<10240x128xf32, #tpu.memory_space<vmem_shared>>)
          tpu.yield
        }) : () -> ()
        %lt3A_171 = arith.constant 7 : i32
        %lt3A_172 = arith.cmpi slt, %scan3A_153, %lt3A_171 : i32
        %convert_element_type3A_173 = arith.extui %lt3A_172 : i1 to i32
        %cond3A_174 = arith.constant 0 : i32
        %cond3A_175 = arith.cmpi ne, %convert_element_type3A_173, %cond3A_174 : i32
        scf.if %cond3A_175 {
          %add3A_187 = arith.constant 2 : i32
          %add3A_188 = arith.addi %mul3A_156, %add3A_187 : i32
          %dma_start3A_189 = arith.constant 0 : i32
          %dma_start3A_190 = tpu.memref_slice %arg5[%select_n3A_129, %add3A_188, %dma_start3A_189] : memref<2x16x125xi32, #tpu.memory_space<vmem>> -> memref<1x1x125xi32, #tpu.memory_space<vmem>>
          %dma_start3A_191 = tpu.memref_squeeze %dma_start3A_190 : memref<1x1x125xi32, #tpu.memory_space<vmem>> -> memref<125xi32, #tpu.memory_space<vmem>>
          %dma_start3A_192 = arith.constant 0 : i32
          %dma_start3A_193 = arith.constant 0 : i32
          %dma_start3A_194 = tpu.memref_slice %arg2[%dma_start3A_192, %dma_start3A_193] : memref<10000x128xf32, #tpu.memory_space<hbm>> -> memref<10000x128xf32, #tpu.memory_space<hbm>>
          tpu.enqueue_indirect_dma source(%dma_start3A_194 : memref<10000x128xf32, #tpu.memory_space<hbm>>) target(%arg7 : memref<125x128xf32, #tpu.memory_space<vmem>>) offsets(%dma_start3A_191 : memref<125xi32, #tpu.memory_space<vmem>>) semaphore(%arg10 : memref<!tpu.dma_semaphore, #tpu.memory_space<semaphore_mem>>)
        } else {
        }
        %add3A_176 = arith.constant 1 : i32
        %add3A_177 = arith.addi %mul3A_156, %add3A_176 : i32
        %dma_wait3A_178 = arith.constant 0 : i32
        %dma_wait3A_179 = tpu.memref_slice %arg5[%select_n3A_129, %add3A_177, %dma_wait3A_178] : memref<2x16x125xi32, #tpu.memory_space<vmem>> -> memref<1x1x125xi32, #tpu.memory_space<vmem>>
        %dma_wait3A_180 = tpu.memref_squeeze %dma_wait3A_179 : memref<1x1x125xi32, #tpu.memory_space<vmem>> -> memref<125xi32, #tpu.memory_space<vmem>>
        %dma_wait3A_181 = arith.constant 0 : i32
        %dma_wait3A_182 = arith.constant 0 : i32
        %dma_wait3A_183 = tpu.memref_slice %arg2[%dma_wait3A_181, %dma_wait3A_182] : memref<10000x128xf32, #tpu.memory_space<hbm>> -> memref<10000x128xf32, #tpu.memory_space<hbm>>
        tpu.wait_indirect_dma semaphore(%arg11 : memref<!tpu.dma_semaphore, #tpu.memory_space<semaphore_mem>>) src(%dma_wait3A_183 : memref<10000x128xf32, #tpu.memory_space<hbm>>) dst(%arg8 : memref<125x128xf32, #tpu.memory_space<vmem>>)
        %add3A_184 = arith.constant 1 : i32
        %add3A_185 = arith.addi %mul3A_156, %add3A_184 : i32
        "tpu.region"() ({
          %run_scoped3A = tpu.sem_alloc : memref<!tpu.dma_semaphore, #tpu.memory_space<semaphore_mem>>
          %dma_start3A_187 = arith.constant 0 : i32
          %dma_start3A_188 = tpu.memref_slice %arg6[%select_n3A_129, %add3A_185, %dma_start3A_187] : memref<2x16x125xi32, #tpu.memory_space<vmem>> -> memref<1x1x125xi32, #tpu.memory_space<vmem>>
          %dma_start3A_189 = tpu.memref_squeeze %dma_start3A_188 : memref<1x1x125xi32, #tpu.memory_space<vmem>> -> memref<125xi32, #tpu.memory_space<vmem>>
          %dma_start3A_190 = arith.constant 0 : i32
          %dma_start3A_191 = arith.constant 0 : i32
          %dma_start3A_192 = tpu.memref_slice %arg9[%dma_start3A_190, %dma_start3A_191] : memref<10240x128xf32, #tpu.memory_space<vmem_shared>> -> memref<10240x128xf32, #tpu.memory_space<vmem_shared>>
          tpu.enqueue_indirect_dma source(%arg8 : memref<125x128xf32, #tpu.memory_space<vmem>>) target(%dma_start3A_192 : memref<10240x128xf32, #tpu.memory_space<vmem_shared>>) offsets(%dma_start3A_189 : memref<125xi32, #tpu.memory_space<vmem>>) semaphore(%run_scoped3A : memref<!tpu.dma_semaphore, #tpu.memory_space<semaphore_mem>>) {add = true}
          %dma_wait3A_193 = arith.constant 0 : i32
          %dma_wait3A_194 = tpu.memref_slice %arg6[%select_n3A_129, %add3A_185, %dma_wait3A_193] : memref<2x16x125xi32, #tpu.memory_space<vmem>> -> memref<1x1x125xi32, #tpu.memory_space<vmem>>
          %dma_wait3A_195 = tpu.memref_squeeze %dma_wait3A_194 : memref<1x1x125xi32, #tpu.memory_space<vmem>> -> memref<125xi32, #tpu.memory_space<vmem>>
          %dma_wait3A_196 = arith.constant 0 : i32
          %dma_wait3A_197 = arith.constant 0 : i32
          %dma_wait3A_198 = tpu.memref_slice %arg9[%dma_wait3A_196, %dma_wait3A_197] : memref<10240x128xf32, #tpu.memory_space<vmem_shared>> -> memref<10240x128xf32, #tpu.memory_space<vmem_shared>>
          tpu.wait_indirect_dma semaphore(%run_scoped3A : memref<!tpu.dma_semaphore, #tpu.memory_space<semaphore_mem>>) src(%arg8 : memref<125x128xf32, #tpu.memory_space<vmem>>) dst(%dma_wait3A_198 : memref<10240x128xf32, #tpu.memory_space<vmem_shared>>)
          tpu.yield
        }) : () -> ()
        %scan3A_186 = arith.constant 0 : i32
        scf.yield %scan3A_186 : i32
      }
      %scan3A_146 = arith.constant 8 : i32
      %lt3A_147 = arith.constant 4 : i32
      %lt3A_148 = arith.cmpi slt, %scan3A_119, %lt3A_147 : i32
      %convert_element_type3A_149 = arith.extui %lt3A_148 : i1 to i32
      %cond3A_150 = arith.constant 0 : i32
      %cond3A_151 = arith.cmpi ne, %convert_element_type3A_149, %cond3A_150 : i32
      scf.if %cond3A_151 {
        %add3A_153 = arith.constant 1 : i32
        %add3A_154 = arith.addi %scan3A_119, %add3A_153 : i32
        %sub3A = arith.constant 1 : i32
        %sub3A_155 = arith.subi %sub3A, %select_n3A_129 : i32
        %mul3A_156 = arith.constant 5 : i32
        %mul3A_157 = arith.muli %add3A, %mul3A_156 : i32
        %add3A_158 = arith.addi %mul3A_157, %add3A_154 : i32
        %dma_wait3A_159 = arith.constant 0 : i32
        %dma_wait3A_160 = arith.constant 0 : i32
        %dma_wait3A_161 = tpu.memref_slice %arg5[%sub3A_155, %dma_wait3A_159, %dma_wait3A_160] : memref<2x16x125xi32, #tpu.memory_space<vmem>> -> memref<1x16x125xi32, #tpu.memory_space<vmem>>
        %dma_wait3A_162 = tpu.memref_squeeze %dma_wait3A_161 : memref<1x16x125xi32, #tpu.memory_space<vmem>> -> memref<16x125xi32, #tpu.memory_space<vmem>>
        %dma_wait3A_163 = arith.constant 0 : i32
        %dma_wait3A_164 = arith.constant 0 : i32
        %dma_wait3A_165 = tpu.memref_slice %arg3[%add3A_158, %dma_wait3A_163, %dma_wait3A_164] : memref<320x16x125xi32, #tpu.memory_space<hbm>> -> memref<1x16x125xi32, #tpu.memory_space<hbm>>
        %dma_wait3A_166 = tpu.memref_squeeze %dma_wait3A_165 : memref<1x16x125xi32, #tpu.memory_space<hbm>> -> memref<16x125xi32, #tpu.memory_space<hbm>>
        %dma_wait3A_167 = arith.constant 0 : i32
        %dma_wait3A_168 = arith.constant 0 : i32
        %dma_wait3A_169 = tpu.memref_slice %arg5[%sub3A_155, %dma_wait3A_167, %dma_wait3A_168] : memref<2x16x125xi32, #tpu.memory_space<vmem>> -> memref<1x16x125xi32, #tpu.memory_space<vmem>>
        %dma_wait3A_170 = tpu.memref_squeeze %dma_wait3A_169 : memref<1x16x125xi32, #tpu.memory_space<vmem>> -> memref<16x125xi32, #tpu.memory_space<vmem>>
        %dma_wait3A_171 = arith.constant 0 : i32
        %dma_wait3A_172 = arith.constant 0 : i32
        %dma_wait3A_173 = tpu.memref_slice %arg3[%add3A_158, %dma_wait3A_171, %dma_wait3A_172] : memref<320x16x125xi32, #tpu.memory_space<hbm>> -> memref<1x16x125xi32, #tpu.memory_space<hbm>>
        %dma_wait3A_174 = tpu.memref_squeeze %dma_wait3A_173 : memref<1x16x125xi32, #tpu.memory_space<hbm>> -> memref<16x125xi32, #tpu.memory_space<hbm>>
        tpu.wait_dma2 semaphore(%arg12 : memref<!tpu.dma_semaphore, #tpu.memory_space<semaphore_mem>>) src(%dma_wait3A_174 : memref<16x125xi32, #tpu.memory_space<hbm>>) dst(%dma_wait3A_170 : memref<16x125xi32, #tpu.memory_space<vmem>>)
        %add3A_175 = arith.constant 32 : i32
        %add3A_176 = arith.addi %add3A_175, %add3A : i32
        %mul3A_177 = arith.constant 5 : i32
        %mul3A_178 = arith.muli %add3A_176, %mul3A_177 : i32
        %add3A_179 = arith.addi %mul3A_178, %add3A_154 : i32
        %dma_wait3A_180 = arith.constant 0 : i32
        %dma_wait3A_181 = arith.constant 0 : i32
        %dma_wait3A_182 = tpu.memref_slice %arg6[%sub3A_155, %dma_wait3A_180, %dma_wait3A_181] : memref<2x16x125xi32, #tpu.memory_space<vmem>> -> memref<1x16x125xi32, #tpu.memory_space<vmem>>
        %dma_wait3A_183 = tpu.memref_squeeze %dma_wait3A_182 : memref<1x16x125xi32, #tpu.memory_space<vmem>> -> memref<16x125xi32, #tpu.memory_space<vmem>>
        %dma_wait3A_184 = arith.constant 0 : i32
        %dma_wait3A_185 = arith.constant 0 : i32
        %dma_wait3A_186 = tpu.memref_slice %arg3[%add3A_179, %dma_wait3A_184, %dma_wait3A_185] : memref<320x16x125xi32, #tpu.memory_space<hbm>> -> memref<1x16x125xi32, #tpu.memory_space<hbm>>
        %dma_wait3A_187 = tpu.memref_squeeze %dma_wait3A_186 : memref<1x16x125xi32, #tpu.memory_space<hbm>> -> memref<16x125xi32, #tpu.memory_space<hbm>>
        %dma_wait3A_188 = arith.constant 0 : i32
        %dma_wait3A_189 = arith.constant 0 : i32
        %dma_wait3A_190 = tpu.memref_slice %arg6[%sub3A_155, %dma_wait3A_188, %dma_wait3A_189] : memref<2x16x125xi32, #tpu.memory_space<vmem>> -> memref<1x16x125xi32, #tpu.memory_space<vmem>>
        %dma_wait3A_191 = tpu.memref_squeeze %dma_wait3A_190 : memref<1x16x125xi32, #tpu.memory_space<vmem>> -> memref<16x125xi32, #tpu.memory_space<vmem>>
        %dma_wait3A_192 = arith.constant 0 : i32
        %dma_wait3A_193 = arith.constant 0 : i32
        %dma_wait3A_194 = tpu.memref_slice %arg3[%add3A_179, %dma_wait3A_192, %dma_wait3A_193] : memref<320x16x125xi32, #tpu.memory_space<hbm>> -> memref<1x16x125xi32, #tpu.memory_space<hbm>>
        %dma_wait3A_195 = tpu.memref_squeeze %dma_wait3A_194 : memref<1x16x125xi32, #tpu.memory_space<hbm>> -> memref<16x125xi32, #tpu.memory_space<hbm>>
        tpu.wait_dma2 semaphore(%arg12 : memref<!tpu.dma_semaphore, #tpu.memory_space<semaphore_mem>>) src(%dma_wait3A_195 : memref<16x125xi32, #tpu.memory_space<hbm>>) dst(%dma_wait3A_191 : memref<16x125xi32, #tpu.memory_space<vmem>>)
      } else {
      }
      %scan3A_152 = arith.constant 0 : i32
      scf.yield %scan3A_152 : i32
    }
    %scan3A_117 = arith.constant 5 : i32
    %barrier3A_118 = arith.constant 0 : index
    tpu.barrier barrier_id(%barrier3A_118)
    "tpu.region"() ({
      %run_scoped3A = tpu.sem_alloc : memref<!tpu.dma_semaphore, #tpu.memory_space<semaphore_mem>>
      %dma_start3A_119 = arith.constant 0 : i32
      %dma_start3A_120 = tpu.memref_slice %arg4[%arg0, %mul3A_2, %dma_start3A_119] : memref<2x10240x128xf32, #tpu.memory_space<hbm>> -> memref<1x640x128xf32, #tpu.memory_space<hbm>>
      %dma_start3A_121 = tpu.memref_squeeze %dma_start3A_120 : memref<1x640x128xf32, #tpu.memory_space<hbm>> -> memref<640x128xf32, #tpu.memory_space<hbm>>
      %dma_start3A_122 = arith.constant 0 : i32
      %dma_start3A_123 = tpu.memref_slice %arg9[%mul3A_2, %dma_start3A_122] : memref<10240x128xf32, #tpu.memory_space<vmem_shared>> -> memref<640x128xf32, #tpu.memory_space<vmem_shared>>
      tpu.enqueue_dma source(%dma_start3A_123 : memref<640x128xf32, #tpu.memory_space<vmem_shared>>) target(%dma_start3A_121 : memref<640x128xf32, #tpu.memory_space<hbm>>) target_semaphore(%run_scoped3A : memref<!tpu.dma_semaphore, #tpu.memory_space<semaphore_mem>>)
      %dma_wait3A_124 = arith.constant 0 : i32
      %dma_wait3A_125 = tpu.memref_slice %arg4[%arg0, %mul3A_2, %dma_wait3A_124] : memref<2x10240x128xf32, #tpu.memory_space<hbm>> -> memref<1x640x128xf32, #tpu.memory_space<hbm>>
      %dma_wait3A_126 = tpu.memref_squeeze %dma_wait3A_125 : memref<1x640x128xf32, #tpu.memory_space<hbm>> -> memref<640x128xf32, #tpu.memory_space<hbm>>
      %dma_wait3A_127 = arith.constant 0 : i32
      %dma_wait3A_128 = tpu.memref_slice %arg9[%mul3A_2, %dma_wait3A_127] : memref<10240x128xf32, #tpu.memory_space<vmem_shared>> -> memref<640x128xf32, #tpu.memory_space<vmem_shared>>
      tpu.wait_dma2 semaphore(%run_scoped3A : memref<!tpu.dma_semaphore, #tpu.memory_space<semaphore_mem>>) src(%dma_wait3A_128 : memref<640x128xf32, #tpu.memory_space<vmem_shared>>) dst(%dma_wait3A_126 : memref<640x128xf32, #tpu.memory_space<hbm>>)
      tpu.yield
    }) : () -> ()
    return
  }
}

#map = affine_map<(d0, d1) -> (0, 0)>
#map1 = affine_map<(d0, d1) -> (0, 0, 0)>
module attributes {stable_mosaic.version = 14 : i64} {
  func.func @body(%arg0: i32, %arg1: i32, %arg2: memref<10000x128xf32, #tpu.memory_space<hbm>>, %arg3: memref<320x16x125xi32, #tpu.memory_space<hbm>>, %arg4: memref<2x10240x128xf32, #tpu.memory_space<hbm>>, %arg5: memref<2x16x125xi32, #tpu.memory_space<vmem>>, %arg6: memref<2x16x125xi32, #tpu.memory_space<vmem>>, %arg7: memref<125x128xf32, #tpu.memory_space<vmem>>, %arg8: memref<125x128xf32, #tpu.memory_space<vmem>>, %arg9: memref<10240x128xf32, #tpu.memory_space<vmem_shared>>, %arg10: memref<!tpu.dma_semaphore, #tpu.memory_space<semaphore_mem>>, %arg11: memref<!tpu.dma_semaphore, #tpu.memory_space<semaphore_mem>>, %arg12: memref<!tpu.dma_semaphore, #tpu.memory_space<semaphore_mem>>) attributes {dimension_semantics = [#tpu.dimension_semantics<core_parallel>, #tpu.dimension_semantics<subcore_parallel>], iteration_bounds = array<i64: 2, 16>, scalar_prefetch = 0 : i64, scratch_operands = 8 : i64, tpu.core_type = #tpu.core_type<sc_vector_subcore>, window_params = [{transform_indices = #map}, {transform_indices = #map1}, {transform_indices = #map1}]} {
    %mul3A = arith.constant 2 : i32
    %mul3A_0 = arith.muli %arg1, %mul3A : i32
    %add3A = arith.addi %mul3A_0, %arg0 : i32
    %mul3A_1 = arith.constant 640 : i32
    %mul3A_2 = arith.muli %arg1, %mul3A_1 : i32
    %mul3A_3 = arith.constant 5 : i32
    %mul3A_4 = arith.muli %add3A, %mul3A_3 : i32
    %add3A_5 = arith.constant 0 : i32
    %add3A_6 = arith.addi %mul3A_4, %add3A_5 : i32
    %dma_start3A = arith.constant 0 : i32
    %dma_start3A_7 = arith.constant 0 : i32
    %dma_start3A_8 = arith.constant 0 : i32
    %dma_start3A_9 = tpu.memref_slice %arg5[%dma_start3A, %dma_start3A_7, %dma_start3A_8] : memref<2x16x125xi32, #tpu.memory_space<vmem>> -> memref<1x16x125xi32, #tpu.memory_space<vmem>>
    %dma_start3A_10 = tpu.memref_squeeze %dma_start3A_9 : memref<1x16x125xi32, #tpu.memory_space<vmem>> -> memref<16x125xi32, #tpu.memory_space<vmem>>
    %dma_start3A_11 = arith.constant 0 : i32
    %dma_start3A_12 = arith.constant 0 : i32
    %dma_start3A_13 = tpu.memref_slice %arg3[%add3A_6, %dma_start3A_11, %dma_start3A_12] : memref<320x16x125xi32, #tpu.memory_space<hbm>> -> memref<1x16x125xi32, #tpu.memory_space<hbm>>
    %dma_start3A_14 = tpu.memref_squeeze %dma_start3A_13 : memref<1x16x125xi32, #tpu.memory_space<hbm>> -> memref<16x125xi32, #tpu.memory_space<hbm>>
    %dma_start3A_15 = arith.constant 0 : i32
    %dma_start3A_16 = arith.constant 0 : i32
    %dma_start3A_17 = tpu.memref_slice %arg5[%dma_start3A, %dma_start3A_15, %dma_start3A_16] : memref<2x16x125xi32, #tpu.memory_space<vmem>> -> memref<1x16x125xi32, #tpu.memory_space<vmem>>
    %dma_start3A_18 = tpu.memref_squeeze %dma_start3A_17 : memref<1x16x125xi32, #tpu.memory_space<vmem>> -> memref<16x125xi32, #tpu.memory_space<vmem>>
    %dma_start3A_19 = arith.constant 0 : i32
    %dma_start3A_20 = arith.constant 0 : i32
    %dma_start3A_21 = tpu.memref_slice %arg3[%add3A_6, %dma_start3A_19, %dma_start3A_20] : memref<320x16x125xi32, #tpu.memory_space<hbm>> -> memref<1x16x125xi32, #tpu.memory_space<hbm>>
    %dma_start3A_22 = tpu.memref_squeeze %dma_start3A_21 : memref<1x16x125xi32, #tpu.memory_space<hbm>> -> memref<16x125xi32, #tpu.memory_space<hbm>>
    tpu.enqueue_dma source(%dma_start3A_22 : memref<16x125xi32, #tpu.memory_space<hbm>>) target(%dma_start3A_18 : memref<16x125xi32, #tpu.memory_space<vmem>>) target_semaphore(%arg12 : memref<!tpu.dma_semaphore, #tpu.memory_space<semaphore_mem>>)
    %add3A_23 = arith.constant 32 : i32
    %add3A_24 = arith.addi %add3A_23, %add3A : i32
    %mul3A_25 = arith.constant 5 : i32
    %mul3A_26 = arith.muli %add3A_24, %mul3A_25 : i32
    %add3A_27 = arith.constant 0 : i32
    %add3A_28 = arith.addi %mul3A_26, %add3A_27 : i32
    %dma_start3A_29 = arith.constant 0 : i32
    %dma_start3A_30 = arith.constant 0 : i32
    %dma_start3A_31 = arith.constant 0 : i32
    %dma_start3A_32 = tpu.memref_slice %arg6[%dma_start3A_29, %dma_start3A_30, %dma_start3A_31] : memref<2x16x125xi32, #tpu.memory_space<vmem>> -> memref<1x16x125xi32, #tpu.memory_space<vmem>>
    %dma_start3A_33 = tpu.memref_squeeze %dma_start3A_32 : memref<1x16x125xi32, #tpu.memory_space<vmem>> -> memref<16x125xi32, #tpu.memory_space<vmem>>
    %dma_start3A_34 = arith.constant 0 : i32
    %dma_start3A_35 = arith.constant 0 : i32
    %dma_start3A_36 = tpu.memref_slice %arg3[%add3A_28, %dma_start3A_34, %dma_start3A_35] : memref<320x16x125xi32, #tpu.memory_space<hbm>> -> memref<1x16x125xi32, #tpu.memory_space<hbm>>
    %dma_start3A_37 = tpu.memref_squeeze %dma_start3A_36 : memref<1x16x125xi32, #tpu.memory_space<hbm>> -> memref<16x125xi32, #tpu.memory_space<hbm>>
    %dma_start3A_38 = arith.constant 0 : i32
    %dma_start3A_39 = arith.constant 0 : i32
    %dma_start3A_40 = tpu.memref_slice %arg6[%dma_start3A_29, %dma_start3A_38, %dma_start3A_39] : memref<2x16x125xi32, #tpu.memory_space<vmem>> -> memref<1x16x125xi32, #tpu.memory_space<vmem>>
    %dma_start3A_41 = tpu.memref_squeeze %dma_start3A_40 : memref<1x16x125xi32, #tpu.memory_space<vmem>> -> memref<16x125xi32, #tpu.memory_space<vmem>>
    %dma_start3A_42 = arith.constant 0 : i32
    %dma_start3A_43 = arith.constant 0 : i32
    %dma_start3A_44 = tpu.memref_slice %arg3[%add3A_28, %dma_start3A_42, %dma_start3A_43] : memref<320x16x125xi32, #tpu.memory_space<hbm>> -> memref<1x16x125xi32, #tpu.memory_space<hbm>>
    %dma_start3A_45 = tpu.memref_squeeze %dma_start3A_44 : memref<1x16x125xi32, #tpu.memory_space<hbm>> -> memref<16x125xi32, #tpu.memory_space<hbm>>
    tpu.enqueue_dma source(%dma_start3A_45 : memref<16x125xi32, #tpu.memory_space<hbm>>) target(%dma_start3A_41 : memref<16x125xi32, #tpu.memory_space<vmem>>) target_semaphore(%arg12 : memref<!tpu.dma_semaphore, #tpu.memory_space<semaphore_mem>>)
    %scan3A = arith.constant 0 : i32
    %scan3A_46 = arith.constant 0 : i32
    %scan3A_47 = arith.constant 1000 : i32
    %scan3A_48 = arith.addi %scan3A_46, %scan3A_47 : i32
    %scan3A_49 = arith.constant 1 : i32
    %scan3A_50 = scf.for %scan3A_119 = %scan3A_46 to %scan3A_48 step %scan3A_49 iter_args(%scan3A_120 = %scan3A) -> (i32)  : i32 {
      %broadcast_in_dim3A = arith.constant 0.000000e+00 : f32
      %broadcast_in_dim3A_121 = vector.broadcast %broadcast_in_dim3A : f32 to vector<16xf32>
      %jit3A = arith.constant 8 : i32
      %div3A = arith.divsi %scan3A_119, %jit3A : i32
      %sign3A = arith.constant 0 : i32
      %sign3A_122 = arith.cmpi sgt, %scan3A_119, %sign3A : i32
      %sign3A_123 = arith.extui %sign3A_122 : i1 to i32
      %sign3A_124 = arith.constant 0 : i32
      %sign3A_125 = arith.cmpi slt, %scan3A_119, %sign3A_124 : i32
      %sign3A_126 = arith.extui %sign3A_125 : i1 to i32
      %sign3A_127 = arith.subi %sign3A_123, %sign3A_126 : i32
      %sign3A_128 = arith.constant 0 : i32
      %sign3A_129 = arith.cmpi sgt, %jit3A, %sign3A_128 : i32
      %sign3A_130 = arith.extui %sign3A_129 : i1 to i32
      %sign3A_131 = arith.constant 0 : i32
      %sign3A_132 = arith.cmpi slt, %jit3A, %sign3A_131 : i32
      %sign3A_133 = arith.extui %sign3A_132 : i1 to i32
      %sign3A_134 = arith.subi %sign3A_130, %sign3A_133 : i32
      %ne3A = arith.cmpi ne, %sign3A_127, %sign3A_134 : i32
      %rem3A = arith.remsi %scan3A_119, %jit3A : i32
      %ne3A_135 = arith.constant 0 : i32
      %ne3A_136 = arith.cmpi ne, %rem3A, %ne3A_135 : i32
      %and3A = arith.andi %ne3A, %ne3A_136 : i1
      %sub3A = arith.constant 1 : i32
      %sub3A_137 = arith.subi %div3A, %sub3A : i32
      %select_n3A = arith.select %and3A, %sub3A_137, %div3A : i32
      %jit3A_138 = arith.constant 8 : i32
      %eq3A = arith.constant 0 : i32
      %eq3A_139 = arith.cmpi eq, %jit3A_138, %eq3A : i32
      %jit3A_140 = arith.constant 1 : i32
      %select_n3A_141 = arith.select %eq3A_139, %jit3A_140, %jit3A_138 : i32
      %rem3A_142 = arith.remsi %scan3A_119, %select_n3A_141 : i32
      %ne3A_143 = arith.constant 0 : i32
      %ne3A_144 = arith.cmpi ne, %rem3A_142, %ne3A_143 : i32
      %lt3A = arith.constant 0 : i32
      %lt3A_145 = arith.cmpi slt, %rem3A_142, %lt3A : i32
      %lt3A_146 = arith.constant 0 : i32
      %lt3A_147 = arith.cmpi slt, %select_n3A_141, %lt3A_146 : i32
      %ne3A_148 = arith.xori %lt3A_145, %lt3A_147 : i1
      %and3A_149 = arith.andi %ne3A_148, %ne3A_144 : i1
      %add3A_150 = arith.addi %rem3A_142, %select_n3A_141 : i32
      %select_n3A_151 = arith.select %and3A_149, %add3A_150, %rem3A_142 : i32
      %mul3A_152 = arith.constant 16 : i32
      %mul3A_153 = arith.muli %select_n3A_151, %mul3A_152 : i32
      %swap3A = arith.index_cast %select_n3A : i32 to index
      %swap3A_154 = arith.index_cast %mul3A_153 : i32 to index
      %swap3A_155 = tpu.vector_load %arg7[%swap3A, %swap3A_154] {strides = array<i32>} : memref<125x128xf32, #tpu.memory_space<vmem>>, vector<1x16xf32>,
      %swap3A_156 = vector.shape_cast %swap3A_155 : vector<1x16xf32> to vector<16xf32>
      %swap3A_157 = vector.shape_cast %broadcast_in_dim3A_121 : vector<16xf32> to vector<1x16xf32>
      tpu.vector_store %arg7[%swap3A, %swap3A_154], %swap3A_157 {strides = array<i32>} : memref<125x128xf32, #tpu.memory_space<vmem>>, vector<1x16xf32>,
      %scan3A_158 = arith.constant 0 : i32
      scf.yield %scan3A_158 : i32
    }
    %scan3A_51 = arith.constant 1000 : i32
    %add3A_52 = arith.constant 0 : i32
    %add3A_53 = arith.addi %mul3A_2, %add3A_52 : i32
    "tpu.region"() ({
      %run_scoped3A = tpu.sem_alloc : memref<!tpu.dma_semaphore, #tpu.memory_space<semaphore_mem>>
      %dma_start3A_119 = arith.constant 0 : i32
      %dma_start3A_120 = arith.constant 0 : i32
      %dma_start3A_121 = tpu.memref_slice %arg7[%dma_start3A_119, %dma_start3A_120] : memref<125x128xf32, #tpu.memory_space<vmem>> -> memref<80x128xf32, #tpu.memory_space<vmem>>
      %dma_start3A_122 = arith.constant 0 : i32
      %dma_start3A_123 = tpu.memref_slice %arg9[%add3A_53, %dma_start3A_122] : memref<10240x128xf32, #tpu.memory_space<vmem_shared>> -> memref<80x128xf32, #tpu.memory_space<vmem_shared>>
      %dma_start3A_124 = arith.constant 0 : i32
      %dma_start3A_125 = tpu.memref_slice %arg9[%add3A_53, %dma_start3A_124] : memref<10240x128xf32, #tpu.memory_space<vmem_shared>> -> memref<80x128xf32, #tpu.memory_space<vmem_shared>>
      %dma_start3A_126 = arith.constant 0 : i32
      %dma_start3A_127 = arith.constant 0 : i32
      %dma_start3A_128 = tpu.memref_slice %arg7[%dma_start3A_126, %dma_start3A_127] : memref<125x128xf32, #tpu.memory_space<vmem>> -> memref<80x128xf32, #tpu.memory_space<vmem>>
      tpu.enqueue_dma source(%dma_start3A_128 : memref<80x128xf32, #tpu.memory_space<vmem>>) target(%dma_start3A_125 : memref<80x128xf32, #tpu.memory_space<vmem_shared>>) target_semaphore(%run_scoped3A : memref<!tpu.dma_semaphore, #tpu.memory_space<semaphore_mem>>)
      %dma_wait3A_129 = arith.constant 0 : i32
      %dma_wait3A_130 = arith.constant 0 : i32
      %dma_wait3A_131 = tpu.memref_slice %arg7[%dma_wait3A_129, %dma_wait3A_130] : memref<125x128xf32, #tpu.memory_space<vmem>> -> memref<80x128xf32, #tpu.memory_space<vmem>>
      %dma_wait3A_132 = arith.constant 0 : i32
      %dma_wait3A_133 = tpu.memref_slice %arg9[%add3A_53, %dma_wait3A_132] : memref<10240x128xf32, #tpu.memory_space<vmem_shared>> -> memref<80x128xf32, #tpu.memory_space<vmem_shared>>
      %dma_wait3A_134 = arith.constant 0 : i32
      %dma_wait3A_135 = tpu.memref_slice %arg9[%add3A_53, %dma_wait3A_134] : memref<10240x128xf32, #tpu.memory_space<vmem_shared>> -> memref<80x128xf32, #tpu.memory_space<vmem_shared>>
      %dma_wait3A_136 = arith.constant 0 : i32
      %dma_wait3A_137 = arith.constant 0 : i32
      %dma_wait3A_138 = tpu.memref_slice %arg7[%dma_wait3A_136, %dma_wait3A_137] : memref<125x128xf32, #tpu.memory_space<vmem>> -> memref<80x128xf32, #tpu.memory_space<vmem>>
      tpu.wait_dma2 semaphore(%run_scoped3A : memref<!tpu.dma_semaphore, #tpu.memory_space<semaphore_mem>>) src(%dma_wait3A_138 : memref<80x128xf32, #tpu.memory_space<vmem>>) dst(%dma_wait3A_135 : memref<80x128xf32, #tpu.memory_space<vmem_shared>>)
      tpu.yield
    }) : () -> ()
    %add3A_54 = arith.constant 80 : i32
    %add3A_55 = arith.addi %mul3A_2, %add3A_54 : i32
    "tpu.region"() ({
      %run_scoped3A = tpu.sem_alloc : memref<!tpu.dma_semaphore, #tpu.memory_space<semaphore_mem>>
      %dma_start3A_119 = arith.constant 0 : i32
      %dma_start3A_120 = arith.constant 0 : i32
      %dma_start3A_121 = tpu.memref_slice %arg7[%dma_start3A_119, %dma_start3A_120] : memref<125x128xf32, #tpu.memory_space<vmem>> -> memref<80x128xf32, #tpu.memory_space<vmem>>
      %dma_start3A_122 = arith.constant 0 : i32
      %dma_start3A_123 = tpu.memref_slice %arg9[%add3A_55, %dma_start3A_122] : memref<10240x128xf32, #tpu.memory_space<vmem_shared>> -> memref<80x128xf32, #tpu.memory_space<vmem_shared>>
      %dma_start3A_124 = arith.constant 0 : i32
      %dma_start3A_125 = tpu.memref_slice %arg9[%add3A_55, %dma_start3A_124] : memref<10240x128xf32, #tpu.memory_space<vmem_shared>> -> memref<80x128xf32, #tpu.memory_space<vmem_shared>>
      %dma_start3A_126 = arith.constant 0 : i32
      %dma_start3A_127 = arith.constant 0 : i32
      %dma_start3A_128 = tpu.memref_slice %arg7[%dma_start3A_126, %dma_start3A_127] : memref<125x128xf32, #tpu.memory_space<vmem>> -> memref<80x128xf32, #tpu.memory_space<vmem>>
      tpu.enqueue_dma source(%dma_start3A_128 : memref<80x128xf32, #tpu.memory_space<vmem>>) target(%dma_start3A_125 : memref<80x128xf32, #tpu.memory_space<vmem_shared>>) target_semaphore(%run_scoped3A : memref<!tpu.dma_semaphore, #tpu.memory_space<semaphore_mem>>)
      %dma_wait3A_129 = arith.constant 0 : i32
      %dma_wait3A_130 = arith.constant 0 : i32
      %dma_wait3A_131 = tpu.memref_slice %arg7[%dma_wait3A_129, %dma_wait3A_130] : memref<125x128xf32, #tpu.memory_space<vmem>> -> memref<80x128xf32, #tpu.memory_space<vmem>>
      %dma_wait3A_132 = arith.constant 0 : i32
      %dma_wait3A_133 = tpu.memref_slice %arg9[%add3A_55, %dma_wait3A_132] : memref<10240x128xf32, #tpu.memory_space<vmem_shared>> -> memref<80x128xf32, #tpu.memory_space<vmem_shared>>
      %dma_wait3A_134 = arith.constant 0 : i32
      %dma_wait3A_135 = tpu.memref_slice %arg9[%add3A_55, %dma_wait3A_134] : memref<10240x128xf32, #tpu.memory_space<vmem_shared>> -> memref<80x128xf32, #tpu.memory_space<vmem_shared>>
      %dma_wait3A_136 = arith.constant 0 : i32
      %dma_wait3A_137 = arith.constant 0 : i32
      %dma_wait3A_138 = tpu.memref_slice %arg7[%dma_wait3A_136, %dma_wait3A_137] : memref<125x128xf32, #tpu.memory_space<vmem>> -> memref<80x128xf32, #tpu.memory_space<vmem>>
      tpu.wait_dma2 semaphore(%run_scoped3A : memref<!tpu.dma_semaphore, #tpu.memory_space<semaphore_mem>>) src(%dma_wait3A_138 : memref<80x128xf32, #tpu.memory_space<vmem>>) dst(%dma_wait3A_135 : memref<80x128xf32, #tpu.memory_space<vmem_shared>>)
      tpu.yield
    }) : () -> ()
    %add3A_56 = arith.constant 160 : i32
    %add3A_57 = arith.addi %mul3A_2, %add3A_56 : i32
    "tpu.region"() ({
      %run_scoped3A = tpu.sem_alloc : memref<!tpu.dma_semaphore, #tpu.memory_space<semaphore_mem>>
      %dma_start3A_119 = arith.constant 0 : i32
      %dma_start3A_120 = arith.constant 0 : i32
      %dma_start3A_121 = tpu.memref_slice %arg7[%dma_start3A_119, %dma_start3A_120] : memref<125x128xf32, #tpu.memory_space<vmem>> -> memref<80x128xf32, #tpu.memory_space<vmem>>
      %dma_start3A_122 = arith.constant 0 : i32
      %dma_start3A_123 = tpu.memref_slice %arg9[%add3A_57, %dma_start3A_122] : memref<10240x128xf32, #tpu.memory_space<vmem_shared>> -> memref<80x128xf32, #tpu.memory_space<vmem_shared>>
      %dma_start3A_124 = arith.constant 0 : i32
      %dma_start3A_125 = tpu.memref_slice %arg9[%add3A_57, %dma_start3A_124] : memref<10240x128xf32, #tpu.memory_space<vmem_shared>> -> memref<80x128xf32, #tpu.memory_space<vmem_shared>>
      %dma_start3A_126 = arith.constant 0 : i32
      %dma_start3A_127 = arith.constant 0 : i32
      %dma_start3A_128 = tpu.memref_slice %arg7[%dma_start3A_126, %dma_start3A_127] : memref<125x128xf32, #tpu.memory_space<vmem>> -> memref<80x128xf32, #tpu.memory_space<vmem>>
      tpu.enqueue_dma source(%dma_start3A_128 : memref<80x128xf32, #tpu.memory_space<vmem>>) target(%dma_start3A_125 : memref<80x128xf32, #tpu.memory_space<vmem_shared>>) target_semaphore(%run_scoped3A : memref<!tpu.dma_semaphore, #tpu.memory_space<semaphore_mem>>)
      %dma_wait3A_129 = arith.constant 0 : i32
      %dma_wait3A_130 = arith.constant 0 : i32
      %dma_wait3A_131 = tpu.memref_slice %arg7[%dma_wait3A_129, %dma_wait3A_130] : memref<125x128xf32, #tpu.memory_space<vmem>> -> memref<80x128xf32, #tpu.memory_space<vmem>>
      %dma_wait3A_132 = arith.constant 0 : i32
      %dma_wait3A_133 = tpu.memref_slice %arg9[%add3A_57, %dma_wait3A_132] : memref<10240x128xf32, #tpu.memory_space<vmem_shared>> -> memref<80x128xf32, #tpu.memory_space<vmem_shared>>
      %dma_wait3A_134 = arith.constant 0 : i32
      %dma_wait3A_135 = tpu.memref_slice %arg9[%add3A_57, %dma_wait3A_134] : memref<10240x128xf32, #tpu.memory_space<vmem_shared>> -> memref<80x128xf32, #tpu.memory_space<vmem_shared>>
      %dma_wait3A_136 = arith.constant 0 : i32
      %dma_wait3A_137 = arith.constant 0 : i32
      %dma_wait3A_138 = tpu.memref_slice %arg7[%dma_wait3A_136, %dma_wait3A_137] : memref<125x128xf32, #tpu.memory_space<vmem>> -> memref<80x128xf32, #tpu.memory_space<vmem>>
      tpu.wait_dma2 semaphore(%run_scoped3A : memref<!tpu.dma_semaphore, #tpu.memory_space<semaphore_mem>>) src(%dma_wait3A_138 : memref<80x128xf32, #tpu.memory_space<vmem>>) dst(%dma_wait3A_135 : memref<80x128xf32, #tpu.memory_space<vmem_shared>>)
      tpu.yield
    }) : () -> ()
    %add3A_58 = arith.constant 240 : i32
    %add3A_59 = arith.addi %mul3A_2, %add3A_58 : i32
    "tpu.region"() ({
      %run_scoped3A = tpu.sem_alloc : memref<!tpu.dma_semaphore, #tpu.memory_space<semaphore_mem>>
      %dma_start3A_119 = arith.constant 0 : i32
      %dma_start3A_120 = arith.constant 0 : i32
      %dma_start3A_121 = tpu.memref_slice %arg7[%dma_start3A_119, %dma_start3A_120] : memref<125x128xf32, #tpu.memory_space<vmem>> -> memref<80x128xf32, #tpu.memory_space<vmem>>
      %dma_start3A_122 = arith.constant 0 : i32
      %dma_start3A_123 = tpu.memref_slice %arg9[%add3A_59, %dma_start3A_122] : memref<10240x128xf32, #tpu.memory_space<vmem_shared>> -> memref<80x128xf32, #tpu.memory_space<vmem_shared>>
      %dma_start3A_124 = arith.constant 0 : i32
      %dma_start3A_125 = tpu.memref_slice %arg9[%add3A_59, %dma_start3A_124] : memref<10240x128xf32, #tpu.memory_space<vmem_shared>> -> memref<80x128xf32, #tpu.memory_space<vmem_shared>>
      %dma_start3A_126 = arith.constant 0 : i32
      %dma_start3A_127 = arith.constant 0 : i32
      %dma_start3A_128 = tpu.memref_slice %arg7[%dma_start3A_126, %dma_start3A_127] : memref<125x128xf32, #tpu.memory_space<vmem>> -> memref<80x128xf32, #tpu.memory_space<vmem>>
      tpu.enqueue_dma source(%dma_start3A_128 : memref<80x128xf32, #tpu.memory_space<vmem>>) target(%dma_start3A_125 : memref<80x128xf32, #tpu.memory_space<vmem_shared>>) target_semaphore(%run_scoped3A : memref<!tpu.dma_semaphore, #tpu.memory_space<semaphore_mem>>)
      %dma_wait3A_129 = arith.constant 0 : i32
      %dma_wait3A_130 = arith.constant 0 : i32
      %dma_wait3A_131 = tpu.memref_slice %arg7[%dma_wait3A_129, %dma_wait3A_130] : memref<125x128xf32, #tpu.memory_space<vmem>> -> memref<80x128xf32, #tpu.memory_space<vmem>>
      %dma_wait3A_132 = arith.constant 0 : i32
      %dma_wait3A_133 = tpu.memref_slice %arg9[%add3A_59, %dma_wait3A_132] : memref<10240x128xf32, #tpu.memory_space<vmem_shared>> -> memref<80x128xf32, #tpu.memory_space<vmem_shared>>
      %dma_wait3A_134 = arith.constant 0 : i32
      %dma_wait3A_135 = tpu.memref_slice %arg9[%add3A_59, %dma_wait3A_134] : memref<10240x128xf32, #tpu.memory_space<vmem_shared>> -> memref<80x128xf32, #tpu.memory_space<vmem_shared>>
      %dma_wait3A_136 = arith.constant 0 : i32
      %dma_wait3A_137 = arith.constant 0 : i32
      %dma_wait3A_138 = tpu.memref_slice %arg7[%dma_wait3A_136, %dma_wait3A_137] : memref<125x128xf32, #tpu.memory_space<vmem>> -> memref<80x128xf32, #tpu.memory_space<vmem>>
      tpu.wait_dma2 semaphore(%run_scoped3A : memref<!tpu.dma_semaphore, #tpu.memory_space<semaphore_mem>>) src(%dma_wait3A_138 : memref<80x128xf32, #tpu.memory_space<vmem>>) dst(%dma_wait3A_135 : memref<80x128xf32, #tpu.memory_space<vmem_shared>>)
      tpu.yield
    }) : () -> ()
    %add3A_60 = arith.constant 320 : i32
    %add3A_61 = arith.addi %mul3A_2, %add3A_60 : i32
    "tpu.region"() ({
      %run_scoped3A = tpu.sem_alloc : memref<!tpu.dma_semaphore, #tpu.memory_space<semaphore_mem>>
      %dma_start3A_119 = arith.constant 0 : i32
      %dma_start3A_120 = arith.constant 0 : i32
      %dma_start3A_121 = tpu.memref_slice %arg7[%dma_start3A_119, %dma_start3A_120] : memref<125x128xf32, #tpu.memory_space<vmem>> -> memref<80x128xf32, #tpu.memory_space<vmem>>
      %dma_start3A_122 = arith.constant 0 : i32
      %dma_start3A_123 = tpu.memref_slice %arg9[%add3A_61, %dma_start3A_122] : memref<10240x128xf32, #tpu.memory_space<vmem_shared>> -> memref<80x128xf32, #tpu.memory_space<vmem_shared>>
      %dma_start3A_124 = arith.constant 0 : i32
      %dma_start3A_125 = tpu.memref_slice %arg9[%add3A_61, %dma_start3A_124] : memref<10240x128xf32, #tpu.memory_space<vmem_shared>> -> memref<80x128xf32, #tpu.memory_space<vmem_shared>>
      %dma_start3A_126 = arith.constant 0 : i32
      %dma_start3A_127 = arith.constant 0 : i32
      %dma_start3A_128 = tpu.memref_slice %arg7[%dma_start3A_126, %dma_start3A_127] : memref<125x128xf32, #tpu.memory_space<vmem>> -> memref<80x128xf32, #tpu.memory_space<vmem>>
      tpu.enqueue_dma source(%dma_start3A_128 : memref<80x128xf32, #tpu.memory_space<vmem>>) target(%dma_start3A_125 : memref<80x128xf32, #tpu.memory_space<vmem_shared>>) target_semaphore(%run_scoped3A : memref<!tpu.dma_semaphore, #tpu.memory_space<semaphore_mem>>)
      %dma_wait3A_129 = arith.constant 0 : i32
      %dma_wait3A_130 = arith.constant 0 : i32
      %dma_wait3A_131 = tpu.memref_slice %arg7[%dma_wait3A_129, %dma_wait3A_130] : memref<125x128xf32, #tpu.memory_space<vmem>> -> memref<80x128xf32, #tpu.memory_space<vmem>>
      %dma_wait3A_132 = arith.constant 0 : i32
      %dma_wait3A_133 = tpu.memref_slice %arg9[%add3A_61, %dma_wait3A_132] : memref<10240x128xf32, #tpu.memory_space<vmem_shared>> -> memref<80x128xf32, #tpu.memory_space<vmem_shared>>
      %dma_wait3A_134 = arith.constant 0 : i32
      %dma_wait3A_135 = tpu.memref_slice %arg9[%add3A_61, %dma_wait3A_134] : memref<10240x128xf32, #tpu.memory_space<vmem_shared>> -> memref<80x128xf32, #tpu.memory_space<vmem_shared>>
      %dma_wait3A_136 = arith.constant 0 : i32
      %dma_wait3A_137 = arith.constant 0 : i32
      %dma_wait3A_138 = tpu.memref_slice %arg7[%dma_wait3A_136, %dma_wait3A_137] : memref<125x128xf32, #tpu.memory_space<vmem>> -> memref<80x128xf32, #tpu.memory_space<vmem>>
      tpu.wait_dma2 semaphore(%run_scoped3A : memref<!tpu.dma_semaphore, #tpu.memory_space<semaphore_mem>>) src(%dma_wait3A_138 : memref<80x128xf32, #tpu.memory_space<vmem>>) dst(%dma_wait3A_135 : memref<80x128xf32, #tpu.memory_space<vmem_shared>>)
      tpu.yield
    }) : () -> ()
    %add3A_62 = arith.constant 400 : i32
    %add3A_63 = arith.addi %mul3A_2, %add3A_62 : i32
    "tpu.region"() ({
      %run_scoped3A = tpu.sem_alloc : memref<!tpu.dma_semaphore, #tpu.memory_space<semaphore_mem>>
      %dma_start3A_119 = arith.constant 0 : i32
      %dma_start3A_120 = arith.constant 0 : i32
      %dma_start3A_121 = tpu.memref_slice %arg7[%dma_start3A_119, %dma_start3A_120] : memref<125x128xf32, #tpu.memory_space<vmem>> -> memref<80x128xf32, #tpu.memory_space<vmem>>
      %dma_start3A_122 = arith.constant 0 : i32
      %dma_start3A_123 = tpu.memref_slice %arg9[%add3A_63, %dma_start3A_122] : memref<10240x128xf32, #tpu.memory_space<vmem_shared>> -> memref<80x128xf32, #tpu.memory_space<vmem_shared>>
      %dma_start3A_124 = arith.constant 0 : i32
      %dma_start3A_125 = tpu.memref_slice %arg9[%add3A_63, %dma_start3A_124] : memref<10240x128xf32, #tpu.memory_space<vmem_shared>> -> memref<80x128xf32, #tpu.memory_space<vmem_shared>>
      %dma_start3A_126 = arith.constant 0 : i32
      %dma_start3A_127 = arith.constant 0 : i32
      %dma_start3A_128 = tpu.memref_slice %arg7[%dma_start3A_126, %dma_start3A_127] : memref<125x128xf32, #tpu.memory_space<vmem>> -> memref<80x128xf32, #tpu.memory_space<vmem>>
      tpu.enqueue_dma source(%dma_start3A_128 : memref<80x128xf32, #tpu.memory_space<vmem>>) target(%dma_start3A_125 : memref<80x128xf32, #tpu.memory_space<vmem_shared>>) target_semaphore(%run_scoped3A : memref<!tpu.dma_semaphore, #tpu.memory_space<semaphore_mem>>)
      %dma_wait3A_129 = arith.constant 0 : i32
      %dma_wait3A_130 = arith.constant 0 : i32
      %dma_wait3A_131 = tpu.memref_slice %arg7[%dma_wait3A_129, %dma_wait3A_130] : memref<125x128xf32, #tpu.memory_space<vmem>> -> memref<80x128xf32, #tpu.memory_space<vmem>>
      %dma_wait3A_132 = arith.constant 0 : i32
      %dma_wait3A_133 = tpu.memref_slice %arg9[%add3A_63, %dma_wait3A_132] : memref<10240x128xf32, #tpu.memory_space<vmem_shared>> -> memref<80x128xf32, #tpu.memory_space<vmem_shared>>
      %dma_wait3A_134 = arith.constant 0 : i32
      %dma_wait3A_135 = tpu.memref_slice %arg9[%add3A_63, %dma_wait3A_134] : memref<10240x128xf32, #tpu.memory_space<vmem_shared>> -> memref<80x128xf32, #tpu.memory_space<vmem_shared>>
      %dma_wait3A_136 = arith.constant 0 : i32
      %dma_wait3A_137 = arith.constant 0 : i32
      %dma_wait3A_138 = tpu.memref_slice %arg7[%dma_wait3A_136, %dma_wait3A_137] : memref<125x128xf32, #tpu.memory_space<vmem>> -> memref<80x128xf32, #tpu.memory_space<vmem>>
      tpu.wait_dma2 semaphore(%run_scoped3A : memref<!tpu.dma_semaphore, #tpu.memory_space<semaphore_mem>>) src(%dma_wait3A_138 : memref<80x128xf32, #tpu.memory_space<vmem>>) dst(%dma_wait3A_135 : memref<80x128xf32, #tpu.memory_space<vmem_shared>>)
      tpu.yield
    }) : () -> ()
    %add3A_64 = arith.constant 480 : i32
    %add3A_65 = arith.addi %mul3A_2, %add3A_64 : i32
    "tpu.region"() ({
      %run_scoped3A = tpu.sem_alloc : memref<!tpu.dma_semaphore, #tpu.memory_space<semaphore_mem>>
      %dma_start3A_119 = arith.constant 0 : i32
      %dma_start3A_120 = arith.constant 0 : i32
      %dma_start3A_121 = tpu.memref_slice %arg7[%dma_start3A_119, %dma_start3A_120] : memref<125x128xf32, #tpu.memory_space<vmem>> -> memref<80x128xf32, #tpu.memory_space<vmem>>
      %dma_start3A_122 = arith.constant 0 : i32
      %dma_start3A_123 = tpu.memref_slice %arg9[%add3A_65, %dma_start3A_122] : memref<10240x128xf32, #tpu.memory_space<vmem_shared>> -> memref<80x128xf32, #tpu.memory_space<vmem_shared>>
      %dma_start3A_124 = arith.constant 0 : i32
      %dma_start3A_125 = tpu.memref_slice %arg9[%add3A_65, %dma_start3A_124] : memref<10240x128xf32, #tpu.memory_space<vmem_shared>> -> memref<80x128xf32, #tpu.memory_space<vmem_shared>>
      %dma_start3A_126 = arith.constant 0 : i32
      %dma_start3A_127 = arith.constant 0 : i32
      %dma_start3A_128 = tpu.memref_slice %arg7[%dma_start3A_126, %dma_start3A_127] : memref<125x128xf32, #tpu.memory_space<vmem>> -> memref<80x128xf32, #tpu.memory_space<vmem>>
      tpu.enqueue_dma source(%dma_start3A_128 : memref<80x128xf32, #tpu.memory_space<vmem>>) target(%dma_start3A_125 : memref<80x128xf32, #tpu.memory_space<vmem_shared>>) target_semaphore(%run_scoped3A : memref<!tpu.dma_semaphore, #tpu.memory_space<semaphore_mem>>)
      %dma_wait3A_129 = arith.constant 0 : i32
      %dma_wait3A_130 = arith.constant 0 : i32
      %dma_wait3A_131 = tpu.memref_slice %arg7[%dma_wait3A_129, %dma_wait3A_130] : memref<125x128xf32, #tpu.memory_space<vmem>> -> memref<80x128xf32, #tpu.memory_space<vmem>>
      %dma_wait3A_132 = arith.constant 0 : i32
      %dma_wait3A_133 = tpu.memref_slice %arg9[%add3A_65, %dma_wait3A_132] : memref<10240x128xf32, #tpu.memory_space<vmem_shared>> -> memref<80x128xf32, #tpu.memory_space<vmem_shared>>
      %dma_wait3A_134 = arith.constant 0 : i32
      %dma_wait3A_135 = tpu.memref_slice %arg9[%add3A_65, %dma_wait3A_134] : memref<10240x128xf32, #tpu.memory_space<vmem_shared>> -> memref<80x128xf32, #tpu.memory_space<vmem_shared>>
      %dma_wait3A_136 = arith.constant 0 : i32
      %dma_wait3A_137 = arith.constant 0 : i32
      %dma_wait3A_138 = tpu.memref_slice %arg7[%dma_wait3A_136, %dma_wait3A_137] : memref<125x128xf32, #tpu.memory_space<vmem>> -> memref<80x128xf32, #tpu.memory_space<vmem>>
      tpu.wait_dma2 semaphore(%run_scoped3A : memref<!tpu.dma_semaphore, #tpu.memory_space<semaphore_mem>>) src(%dma_wait3A_138 : memref<80x128xf32, #tpu.memory_space<vmem>>) dst(%dma_wait3A_135 : memref<80x128xf32, #tpu.memory_space<vmem_shared>>)
      tpu.yield
    }) : () -> ()
    %add3A_66 = arith.constant 560 : i32
    %add3A_67 = arith.addi %mul3A_2, %add3A_66 : i32
    "tpu.region"() ({
      %run_scoped3A = tpu.sem_alloc : memref<!tpu.dma_semaphore, #tpu.memory_space<semaphore_mem>>
      %dma_start3A_119 = arith.constant 0 : i32
      %dma_start3A_120 = arith.constant 0 : i32
      %dma_start3A_121 = tpu.memref_slice %arg7[%dma_start3A_119, %dma_start3A_120] : memref<125x128xf32, #tpu.memory_space<vmem>> -> memref<80x128xf32, #tpu.memory_space<vmem>>
      %dma_start3A_122 = arith.constant 0 : i32
      %dma_start3A_123 = tpu.memref_slice %arg9[%add3A_67, %dma_start3A_122] : memref<10240x128xf32, #tpu.memory_space<vmem_shared>> -> memref<80x128xf32, #tpu.memory_space<vmem_shared>>
      %dma_start3A_124 = arith.constant 0 : i32
      %dma_start3A_125 = tpu.memref_slice %arg9[%add3A_67, %dma_start3A_124] : memref<10240x128xf32, #tpu.memory_space<vmem_shared>> -> memref<80x128xf32, #tpu.memory_space<vmem_shared>>
      %dma_start3A_126 = arith.constant 0 : i32
      %dma_start3A_127 = arith.constant 0 : i32
      %dma_start3A_128 = tpu.memref_slice %arg7[%dma_start3A_126, %dma_start3A_127] : memref<125x128xf32, #tpu.memory_space<vmem>> -> memref<80x128xf32, #tpu.memory_space<vmem>>
      tpu.enqueue_dma source(%dma_start3A_128 : memref<80x128xf32, #tpu.memory_space<vmem>>) target(%dma_start3A_125 : memref<80x128xf32, #tpu.memory_space<vmem_shared>>) target_semaphore(%run_scoped3A : memref<!tpu.dma_semaphore, #tpu.memory_space<semaphore_mem>>)
      %dma_wait3A_129 = arith.constant 0 : i32
      %dma_wait3A_130 = arith.constant 0 : i32
      %dma_wait3A_131 = tpu.memref_slice %arg7[%dma_wait3A_129, %dma_wait3A_130] : memref<125x128xf32, #tpu.memory_space<vmem>> -> memref<80x128xf32, #tpu.memory_space<vmem>>
      %dma_wait3A_132 = arith.constant 0 : i32
      %dma_wait3A_133 = tpu.memref_slice %arg9[%add3A_67, %dma_wait3A_132] : memref<10240x128xf32, #tpu.memory_space<vmem_shared>> -> memref<80x128xf32, #tpu.memory_space<vmem_shared>>
      %dma_wait3A_134 = arith.constant 0 : i32
      %dma_wait3A_135 = tpu.memref_slice %arg9[%add3A_67, %dma_wait3A_134] : memref<10240x128xf32, #tpu.memory_space<vmem_shared>> -> memref<80x128xf32, #tpu.memory_space<vmem_shared>>
      %dma_wait3A_136 = arith.constant 0 : i32
      %dma_wait3A_137 = arith.constant 0 : i32
      %dma_wait3A_138 = tpu.memref_slice %arg7[%dma_wait3A_136, %dma_wait3A_137] : memref<125x128xf32, #tpu.memory_space<vmem>> -> memref<80x128xf32, #tpu.memory_space<vmem>>
      tpu.wait_dma2 semaphore(%run_scoped3A : memref<!tpu.dma_semaphore, #tpu.memory_space<semaphore_mem>>) src(%dma_wait3A_138 : memref<80x128xf32, #tpu.memory_space<vmem>>) dst(%dma_wait3A_135 : memref<80x128xf32, #tpu.memory_space<vmem_shared>>)
      tpu.yield
    }) : () -> ()
    %barrier3A = arith.constant 0 : index
    tpu.barrier barrier_id(%barrier3A)
    %mul3A_68 = arith.constant 5 : i32
    %mul3A_69 = arith.muli %add3A, %mul3A_68 : i32
    %add3A_70 = arith.constant 0 : i32
    %add3A_71 = arith.addi %mul3A_69, %add3A_70 : i32
    %dma_wait3A = arith.constant 0 : i32
    %dma_wait3A_72 = arith.constant 0 : i32
    %dma_wait3A_73 = arith.constant 0 : i32
    %dma_wait3A_74 = tpu.memref_slice %arg5[%dma_wait3A, %dma_wait3A_72, %dma_wait3A_73] : memref<2x16x125xi32, #tpu.memory_space<vmem>> -> memref<1x16x125xi32, #tpu.memory_space<vmem>>
    %dma_wait3A_75 = tpu.memref_squeeze %dma_wait3A_74 : memref<1x16x125xi32, #tpu.memory_space<vmem>> -> memref<16x125xi32, #tpu.memory_space<vmem>>
    %dma_wait3A_76 = arith.constant 0 : i32
    %dma_wait3A_77 = arith.constant 0 : i32
    %dma_wait3A_78 = tpu.memref_slice %arg3[%add3A_71, %dma_wait3A_76, %dma_wait3A_77] : memref<320x16x125xi32, #tpu.memory_space<hbm>> -> memref<1x16x125xi32, #tpu.memory_space<hbm>>
    %dma_wait3A_79 = tpu.memref_squeeze %dma_wait3A_78 : memref<1x16x125xi32, #tpu.memory_space<hbm>> -> memref<16x125xi32, #tpu.memory_space<hbm>>
    %dma_wait3A_80 = arith.constant 0 : i32
    %dma_wait3A_81 = arith.constant 0 : i32
    %dma_wait3A_82 = tpu.memref_slice %arg5[%dma_wait3A, %dma_wait3A_80, %dma_wait3A_81] : memref<2x16x125xi32, #tpu.memory_space<vmem>> -> memref<1x16x125xi32, #tpu.memory_space<vmem>>
    %dma_wait3A_83 = tpu.memref_squeeze %dma_wait3A_82 : memref<1x16x125xi32, #tpu.memory_space<vmem>> -> memref<16x125xi32, #tpu.memory_space<vmem>>
    %dma_wait3A_84 = arith.constant 0 : i32
    %dma_wait3A_85 = arith.constant 0 : i32
    %dma_wait3A_86 = tpu.memref_slice %arg3[%add3A_71, %dma_wait3A_84, %dma_wait3A_85] : memref<320x16x125xi32, #tpu.memory_space<hbm>> -> memref<1x16x125xi32, #tpu.memory_space<hbm>>
    %dma_wait3A_87 = tpu.memref_squeeze %dma_wait3A_86 : memref<1x16x125xi32, #tpu.memory_space<hbm>> -> memref<16x125xi32, #tpu.memory_space<hbm>>
    tpu.wait_dma2 semaphore(%arg12 : memref<!tpu.dma_semaphore, #tpu.memory_space<semaphore_mem>>) src(%dma_wait3A_87 : memref<16x125xi32, #tpu.memory_space<hbm>>) dst(%dma_wait3A_83 : memref<16x125xi32, #tpu.memory_space<vmem>>)
    %add3A_88 = arith.constant 32 : i32
    %add3A_89 = arith.addi %add3A_88, %add3A : i32
    %mul3A_90 = arith.constant 5 : i32
    %mul3A_91 = arith.muli %add3A_89, %mul3A_90 : i32
    %add3A_92 = arith.constant 0 : i32
    %add3A_93 = arith.addi %mul3A_91, %add3A_92 : i32
    %dma_wait3A_94 = arith.constant 0 : i32
    %dma_wait3A_95 = arith.constant 0 : i32
    %dma_wait3A_96 = arith.constant 0 : i32
    %dma_wait3A_97 = tpu.memref_slice %arg6[%dma_wait3A_94, %dma_wait3A_95, %dma_wait3A_96] : memref<2x16x125xi32, #tpu.memory_space<vmem>> -> memref<1x16x125xi32, #tpu.memory_space<vmem>>
    %dma_wait3A_98 = tpu.memref_squeeze %dma_wait3A_97 : memref<1x16x125xi32, #tpu.memory_space<vmem>> -> memref<16x125xi32, #tpu.memory_space<vmem>>
    %dma_wait3A_99 = arith.constant 0 : i32
    %dma_wait3A_100 = arith.constant 0 : i32
    %dma_wait3A_101 = tpu.memref_slice %arg3[%add3A_93, %dma_wait3A_99, %dma_wait3A_100] : memref<320x16x125xi32, #tpu.memory_space<hbm>> -> memref<1x16x125xi32, #tpu.memory_space<hbm>>
    %dma_wait3A_102 = tpu.memref_squeeze %dma_wait3A_101 : memref<1x16x125xi32, #tpu.memory_space<hbm>> -> memref<16x125xi32, #tpu.memory_space<hbm>>
    %dma_wait3A_103 = arith.constant 0 : i32
    %dma_wait3A_104 = arith.constant 0 : i32
    %dma_wait3A_105 = tpu.memref_slice %arg6[%dma_wait3A_94, %dma_wait3A_103, %dma_wait3A_104] : memref<2x16x125xi32, #tpu.memory_space<vmem>> -> memref<1x16x125xi32, #tpu.memory_space<vmem>>
    %dma_wait3A_106 = tpu.memref_squeeze %dma_wait3A_105 : memref<1x16x125xi32, #tpu.memory_space<vmem>> -> memref<16x125xi32, #tpu.memory_space<vmem>>
    %dma_wait3A_107 = arith.constant 0 : i32
    %dma_wait3A_108 = arith.constant 0 : i32
    %dma_wait3A_109 = tpu.memref_slice %arg3[%add3A_93, %dma_wait3A_107, %dma_wait3A_108] : memref<320x16x125xi32, #tpu.memory_space<hbm>> -> memref<1x16x125xi32, #tpu.memory_space<hbm>>
    %dma_wait3A_110 = tpu.memref_squeeze %dma_wait3A_109 : memref<1x16x125xi32, #tpu.memory_space<hbm>> -> memref<16x125xi32, #tpu.memory_space<hbm>>
    tpu.wait_dma2 semaphore(%arg12 : memref<!tpu.dma_semaphore, #tpu.memory_space<semaphore_mem>>) src(%dma_wait3A_110 : memref<16x125xi32, #tpu.memory_space<hbm>>) dst(%dma_wait3A_106 : memref<16x125xi32, #tpu.memory_space<vmem>>)
    %scan3A_111 = arith.constant 0 : i32
    %scan3A_112 = arith.constant 0 : i32
    %scan3A_113 = arith.constant 5 : i32
    %scan3A_114 = arith.addi %scan3A_112, %scan3A_113 : i32
    %scan3A_115 = arith.constant 1 : i32
    %scan3A_116 = scf.for %scan3A_119 = %scan3A_112 to %scan3A_114 step %scan3A_115 iter_args(%scan3A_120 = %scan3A_111) -> (i32)  : i32 {
      %jit3A = arith.constant 2 : i32
      %eq3A = arith.constant 0 : i32
      %eq3A_121 = arith.cmpi eq, %jit3A, %eq3A : i32
      %jit3A_122 = arith.constant 1 : i32
      %select_n3A = arith.select %eq3A_121, %jit3A_122, %jit3A : i32
      %rem3A = arith.remsi %scan3A_119, %select_n3A : i32
      %ne3A = arith.constant 0 : i32
      %ne3A_123 = arith.cmpi ne, %rem3A, %ne3A : i32
      %lt3A = arith.constant 0 : i32
      %lt3A_124 = arith.cmpi slt, %rem3A, %lt3A : i32
      %lt3A_125 = arith.constant 0 : i32
      %lt3A_126 = arith.cmpi slt, %select_n3A, %lt3A_125 : i32
      %ne3A_127 = arith.xori %lt3A_124, %lt3A_126 : i1
      %and3A = arith.andi %ne3A_127, %ne3A_123 : i1
      %add3A_128 = arith.addi %rem3A, %select_n3A : i32
      %select_n3A_129 = arith.select %and3A, %add3A_128, %rem3A : i32
      %dma_start3A_130 = arith.constant 0 : i32
      %dma_start3A_131 = arith.constant 0 : i32
      %dma_start3A_132 = tpu.memref_slice %arg5[%select_n3A_129, %dma_start3A_130, %dma_start3A_131] : memref<2x16x125xi32, #tpu.memory_space<vmem>> -> memref<1x1x125xi32, #tpu.memory_space<vmem>>
      %dma_start3A_133 = tpu.memref_squeeze %dma_start3A_132 : memref<1x1x125xi32, #tpu.memory_space<vmem>> -> memref<125xi32, #tpu.memory_space<vmem>>
      %dma_start3A_134 = arith.constant 0 : i32
      %dma_start3A_135 = arith.constant 0 : i32
      %dma_start3A_136 = tpu.memref_slice %arg2[%dma_start3A_134, %dma_start3A_135] : memref<10000x128xf32, #tpu.memory_space<hbm>> -> memref<10000x128xf32, #tpu.memory_space<hbm>>
      tpu.enqueue_indirect_dma source(%dma_start3A_136 : memref<10000x128xf32, #tpu.memory_space<hbm>>) target(%arg7 : memref<125x128xf32, #tpu.memory_space<vmem>>) offsets(%dma_start3A_133 : memref<125xi32, #tpu.memory_space<vmem>>) semaphore(%arg10 : memref<!tpu.dma_semaphore, #tpu.memory_space<semaphore_mem>>)
      %lt3A_137 = arith.constant 4 : i32
      %lt3A_138 = arith.cmpi slt, %scan3A_119, %lt3A_137 : i32
      %convert_element_type3A = arith.extui %lt3A_138 : i1 to i32
      %cond3A = arith.constant 0 : i32
      %cond3A_139 = arith.cmpi ne, %convert_element_type3A, %cond3A : i32
      scf.if %cond3A_139 {
        %add3A_153 = arith.constant 1 : i32
        %add3A_154 = arith.addi %scan3A_119, %add3A_153 : i32
        %sub3A = arith.constant 1 : i32
        %sub3A_155 = arith.subi %sub3A, %select_n3A_129 : i32
        %mul3A_156 = arith.constant 5 : i32
        %mul3A_157 = arith.muli %add3A, %mul3A_156 : i32
        %add3A_158 = arith.addi %mul3A_157, %add3A_154 : i32
        %dma_start3A_159 = arith.constant 0 : i32
        %dma_start3A_160 = arith.constant 0 : i32
        %dma_start3A_161 = tpu.memref_slice %arg5[%sub3A_155, %dma_start3A_159, %dma_start3A_160] : memref<2x16x125xi32, #tpu.memory_space<vmem>> -> memref<1x16x125xi32, #tpu.memory_space<vmem>>
        %dma_start3A_162 = tpu.memref_squeeze %dma_start3A_161 : memref<1x16x125xi32, #tpu.memory_space<vmem>> -> memref<16x125xi32, #tpu.memory_space<vmem>>
        %dma_start3A_163 = arith.constant 0 : i32
        %dma_start3A_164 = arith.constant 0 : i32
        %dma_start3A_165 = tpu.memref_slice %arg3[%add3A_158, %dma_start3A_163, %dma_start3A_164] : memref<320x16x125xi32, #tpu.memory_space<hbm>> -> memref<1x16x125xi32, #tpu.memory_space<hbm>>
        %dma_start3A_166 = tpu.memref_squeeze %dma_start3A_165 : memref<1x16x125xi32, #tpu.memory_space<hbm>> -> memref<16x125xi32, #tpu.memory_space<hbm>>
        %dma_start3A_167 = arith.constant 0 : i32
        %dma_start3A_168 = arith.constant 0 : i32
        %dma_start3A_169 = tpu.memref_slice %arg5[%sub3A_155, %dma_start3A_167, %dma_start3A_168] : memref<2x16x125xi32, #tpu.memory_space<vmem>> -> memref<1x16x125xi32, #tpu.memory_space<vmem>>
        %dma_start3A_170 = tpu.memref_squeeze %dma_start3A_169 : memref<1x16x125xi32, #tpu.memory_space<vmem>> -> memref<16x125xi32, #tpu.memory_space<vmem>>
        %dma_start3A_171 = arith.constant 0 : i32
        %dma_start3A_172 = arith.constant 0 : i32
        %dma_start3A_173 = tpu.memref_slice %arg3[%add3A_158, %dma_start3A_171, %dma_start3A_172] : memref<320x16x125xi32, #tpu.memory_space<hbm>> -> memref<1x16x125xi32, #tpu.memory_space<hbm>>
        %dma_start3A_174 = tpu.memref_squeeze %dma_start3A_173 : memref<1x16x125xi32, #tpu.memory_space<hbm>> -> memref<16x125xi32, #tpu.memory_space<hbm>>
        tpu.enqueue_dma source(%dma_start3A_174 : memref<16x125xi32, #tpu.memory_space<hbm>>) target(%dma_start3A_170 : memref<16x125xi32, #tpu.memory_space<vmem>>) target_semaphore(%arg12 : memref<!tpu.dma_semaphore, #tpu.memory_space<semaphore_mem>>)
        %add3A_175 = arith.constant 32 : i32
        %add3A_176 = arith.addi %add3A_175, %add3A : i32
        %mul3A_177 = arith.constant 5 : i32
        %mul3A_178 = arith.muli %add3A_176, %mul3A_177 : i32
        %add3A_179 = arith.addi %mul3A_178, %add3A_154 : i32
        %dma_start3A_180 = arith.constant 0 : i32
        %dma_start3A_181 = arith.constant 0 : i32
        %dma_start3A_182 = tpu.memref_slice %arg6[%sub3A_155, %dma_start3A_180, %dma_start3A_181] : memref<2x16x125xi32, #tpu.memory_space<vmem>> -> memref<1x16x125xi32, #tpu.memory_space<vmem>>
        %dma_start3A_183 = tpu.memref_squeeze %dma_start3A_182 : memref<1x16x125xi32, #tpu.memory_space<vmem>> -> memref<16x125xi32, #tpu.memory_space<vmem>>
        %dma_start3A_184 = arith.constant 0 : i32
        %dma_start3A_185 = arith.constant 0 : i32
        %dma_start3A_186 = tpu.memref_slice %arg3[%add3A_179, %dma_start3A_184, %dma_start3A_185] : memref<320x16x125xi32, #tpu.memory_space<hbm>> -> memref<1x16x125xi32, #tpu.memory_space<hbm>>
        %dma_start3A_187 = tpu.memref_squeeze %dma_start3A_186 : memref<1x16x125xi32, #tpu.memory_space<hbm>> -> memref<16x125xi32, #tpu.memory_space<hbm>>
        %dma_start3A_188 = arith.constant 0 : i32
        %dma_start3A_189 = arith.constant 0 : i32
        %dma_start3A_190 = tpu.memref_slice %arg6[%sub3A_155, %dma_start3A_188, %dma_start3A_189] : memref<2x16x125xi32, #tpu.memory_space<vmem>> -> memref<1x16x125xi32, #tpu.memory_space<vmem>>
        %dma_start3A_191 = tpu.memref_squeeze %dma_start3A_190 : memref<1x16x125xi32, #tpu.memory_space<vmem>> -> memref<16x125xi32, #tpu.memory_space<vmem>>
        %dma_start3A_192 = arith.constant 0 : i32
        %dma_start3A_193 = arith.constant 0 : i32
        %dma_start3A_194 = tpu.memref_slice %arg3[%add3A_179, %dma_start3A_192, %dma_start3A_193] : memref<320x16x125xi32, #tpu.memory_space<hbm>> -> memref<1x16x125xi32, #tpu.memory_space<hbm>>
        %dma_start3A_195 = tpu.memref_squeeze %dma_start3A_194 : memref<1x16x125xi32, #tpu.memory_space<hbm>> -> memref<16x125xi32, #tpu.memory_space<hbm>>
        tpu.enqueue_dma source(%dma_start3A_195 : memref<16x125xi32, #tpu.memory_space<hbm>>) target(%dma_start3A_191 : memref<16x125xi32, #tpu.memory_space<vmem>>) target_semaphore(%arg12 : memref<!tpu.dma_semaphore, #tpu.memory_space<semaphore_mem>>)
      } else {
      }
      %scan3A_140 = arith.constant 0 : i32
      %scan3A_141 = arith.constant 0 : i32
      %scan3A_142 = arith.constant 8 : i32
      %scan3A_143 = arith.addi %scan3A_141, %scan3A_142 : i32
      %scan3A_144 = arith.constant 1 : i32
      %scan3A_145 = scf.for %scan3A_153 = %scan3A_141 to %scan3A_143 step %scan3A_144 iter_args(%scan3A_154 = %scan3A_140) -> (i32)  : i32 {
        %mul3A_155 = arith.constant 2 : i32
        %mul3A_156 = arith.muli %scan3A_153, %mul3A_155 : i32
        %add3A_157 = arith.constant 1 : i32
        %add3A_158 = arith.addi %mul3A_156, %add3A_157 : i32
        %dma_start3A_159 = arith.constant 0 : i32
        %dma_start3A_160 = tpu.memref_slice %arg5[%select_n3A_129, %add3A_158, %dma_start3A_159] : memref<2x16x125xi32, #tpu.memory_space<vmem>> -> memref<1x1x125xi32, #tpu.memory_space<vmem>>
        %dma_start3A_161 = tpu.memref_squeeze %dma_start3A_160 : memref<1x1x125xi32, #tpu.memory_space<vmem>> -> memref<125xi32, #tpu.memory_space<vmem>>
        %dma_start3A_162 = arith.constant 0 : i32
        %dma_start3A_163 = arith.constant 0 : i32
        %dma_start3A_164 = tpu.memref_slice %arg2[%dma_start3A_162, %dma_start3A_163] : memref<10000x128xf32, #tpu.memory_space<hbm>> -> memref<10000x128xf32, #tpu.memory_space<hbm>>
        tpu.enqueue_indirect_dma source(%dma_start3A_164 : memref<10000x128xf32, #tpu.memory_space<hbm>>) target(%arg8 : memref<125x128xf32, #tpu.memory_space<vmem>>) offsets(%dma_start3A_161 : memref<125xi32, #tpu.memory_space<vmem>>) semaphore(%arg11 : memref<!tpu.dma_semaphore, #tpu.memory_space<semaphore_mem>>)
        %dma_wait3A_165 = arith.constant 0 : i32
        %dma_wait3A_166 = tpu.memref_slice %arg5[%select_n3A_129, %mul3A_156, %dma_wait3A_165] : memref<2x16x125xi32, #tpu.memory_space<vmem>> -> memref<1x1x125xi32, #tpu.memory_space<vmem>>
        %dma_wait3A_167 = tpu.memref_squeeze %dma_wait3A_166 : memref<1x1x125xi32, #tpu.memory_space<vmem>> -> memref<125xi32, #tpu.memory_space<vmem>>
        %dma_wait3A_168 = arith.constant 0 : i32
        %dma_wait3A_169 = arith.constant 0 : i32
        %dma_wait3A_170 = tpu.memref_slice %arg2[%dma_wait3A_168, %dma_wait3A_169] : memref<10000x128xf32, #tpu.memory_space<hbm>> -> memref<10000x128xf32, #tpu.memory_space<hbm>>
        tpu.wait_indirect_dma semaphore(%arg10 : memref<!tpu.dma_semaphore, #tpu.memory_space<semaphore_mem>>) src(%dma_wait3A_170 : memref<10000x128xf32, #tpu.memory_space<hbm>>) dst(%arg7 : memref<125x128xf32, #tpu.memory_space<vmem>>)
        "tpu.region"() ({
          %run_scoped3A = tpu.sem_alloc : memref<!tpu.dma_semaphore, #tpu.memory_space<semaphore_mem>>
          %dma_start3A_187 = arith.constant 0 : i32
          %dma_start3A_188 = tpu.memref_slice %arg6[%select_n3A_129, %mul3A_156, %dma_start3A_187] : memref<2x16x125xi32, #tpu.memory_space<vmem>> -> memref<1x1x125xi32, #tpu.memory_space<vmem>>
          %dma_start3A_189 = tpu.memref_squeeze %dma_start3A_188 : memref<1x1x125xi32, #tpu.memory_space<vmem>> -> memref<125xi32, #tpu.memory_space<vmem>>
          %dma_start3A_190 = arith.constant 0 : i32
          %dma_start3A_191 = arith.constant 0 : i32
          %dma_start3A_192 = tpu.memref_slice %arg9[%dma_start3A_190, %dma_start3A_191] : memref<10240x128xf32, #tpu.memory_space<vmem_shared>> -> memref<10240x128xf32, #tpu.memory_space<vmem_shared>>
          tpu.enqueue_indirect_dma source(%arg7 : memref<125x128xf32, #tpu.memory_space<vmem>>) target(%dma_start3A_192 : memref<10240x128xf32, #tpu.memory_space<vmem_shared>>) offsets(%dma_start3A_189 : memref<125xi32, #tpu.memory_space<vmem>>) semaphore(%run_scoped3A : memref<!tpu.dma_semaphore, #tpu.memory_space<semaphore_mem>>) {add = true}
          %dma_wait3A_193 = arith.constant 0 : i32
          %dma_wait3A_194 = tpu.memref_slice %arg6[%select_n3A_129, %mul3A_156, %dma_wait3A_193] : memref<2x16x125xi32, #tpu.memory_space<vmem>> -> memref<1x1x125xi32, #tpu.memory_space<vmem>>
          %dma_wait3A_195 = tpu.memref_squeeze %dma_wait3A_194 : memref<1x1x125xi32, #tpu.memory_space<vmem>> -> memref<125xi32, #tpu.memory_space<vmem>>
          %dma_wait3A_196 = arith.constant 0 : i32
          %dma_wait3A_197 = arith.constant 0 : i32
          %dma_wait3A_198 = tpu.memref_slice %arg9[%dma_wait3A_196, %dma_wait3A_197] : memref<10240x128xf32, #tpu.memory_space<vmem_shared>> -> memref<10240x128xf32, #tpu.memory_space<vmem_shared>>
          tpu.wait_indirect_dma semaphore(%run_scoped3A : memref<!tpu.dma_semaphore, #tpu.memory_space<semaphore_mem>>) src(%arg7 : memref<125x128xf32, #tpu.memory_space<vmem>>) dst(%dma_wait3A_198 : memref<10240x128xf32, #tpu.memory_space<vmem_shared>>)
          tpu.yield
        }) : () -> ()
        %lt3A_171 = arith.constant 7 : i32
        %lt3A_172 = arith.cmpi slt, %scan3A_153, %lt3A_171 : i32
        %convert_element_type3A_173 = arith.extui %lt3A_172 : i1 to i32
        %cond3A_174 = arith.constant 0 : i32
        %cond3A_175 = arith.cmpi ne, %convert_element_type3A_173, %cond3A_174 : i32
        scf.if %cond3A_175 {
          %add3A_187 = arith.constant 2 : i32
          %add3A_188 = arith.addi %mul3A_156, %add3A_187 : i32
          %dma_start3A_189 = arith.constant 0 : i32
          %dma_start3A_190 = tpu.memref_slice %arg5[%select_n3A_129, %add3A_188, %dma_start3A_189] : memref<2x16x125xi32, #tpu.memory_space<vmem>> -> memref<1x1x125xi32, #tpu.memory_space<vmem>>
          %dma_start3A_191 = tpu.memref_squeeze %dma_start3A_190 : memref<1x1x125xi32, #tpu.memory_space<vmem>> -> memref<125xi32, #tpu.memory_space<vmem>>
          %dma_start3A_192 = arith.constant 0 : i32
          %dma_start3A_193 = arith.constant 0 : i32
          %dma_start3A_194 = tpu.memref_slice %arg2[%dma_start3A_192, %dma_start3A_193] : memref<10000x128xf32, #tpu.memory_space<hbm>> -> memref<10000x128xf32, #tpu.memory_space<hbm>>
          tpu.enqueue_indirect_dma source(%dma_start3A_194 : memref<10000x128xf32, #tpu.memory_space<hbm>>) target(%arg7 : memref<125x128xf32, #tpu.memory_space<vmem>>) offsets(%dma_start3A_191 : memref<125xi32, #tpu.memory_space<vmem>>) semaphore(%arg10 : memref<!tpu.dma_semaphore, #tpu.memory_space<semaphore_mem>>)
        } else {
        }
        %add3A_176 = arith.constant 1 : i32
        %add3A_177 = arith.addi %mul3A_156, %add3A_176 : i32
        %dma_wait3A_178 = arith.constant 0 : i32
        %dma_wait3A_179 = tpu.memref_slice %arg5[%select_n3A_129, %add3A_177, %dma_wait3A_178] : memref<2x16x125xi32, #tpu.memory_space<vmem>> -> memref<1x1x125xi32, #tpu.memory_space<vmem>>
        %dma_wait3A_180 = tpu.memref_squeeze %dma_wait3A_179 : memref<1x1x125xi32, #tpu.memory_space<vmem>> -> memref<125xi32, #tpu.memory_space<vmem>>
        %dma_wait3A_181 = arith.constant 0 : i32
        %dma_wait3A_182 = arith.constant 0 : i32
        %dma_wait3A_183 = tpu.memref_slice %arg2[%dma_wait3A_181, %dma_wait3A_182] : memref<10000x128xf32, #tpu.memory_space<hbm>> -> memref<10000x128xf32, #tpu.memory_space<hbm>>
        tpu.wait_indirect_dma semaphore(%arg11 : memref<!tpu.dma_semaphore, #tpu.memory_space<semaphore_mem>>) src(%dma_wait3A_183 : memref<10000x128xf32, #tpu.memory_space<hbm>>) dst(%arg8 : memref<125x128xf32, #tpu.memory_space<vmem>>)
        %add3A_184 = arith.constant 1 : i32
        %add3A_185 = arith.addi %mul3A_156, %add3A_184 : i32
        "tpu.region"() ({
          %run_scoped3A = tpu.sem_alloc : memref<!tpu.dma_semaphore, #tpu.memory_space<semaphore_mem>>
          %dma_start3A_187 = arith.constant 0 : i32
          %dma_start3A_188 = tpu.memref_slice %arg6[%select_n3A_129, %add3A_185, %dma_start3A_187] : memref<2x16x125xi32, #tpu.memory_space<vmem>> -> memref<1x1x125xi32, #tpu.memory_space<vmem>>
          %dma_start3A_189 = tpu.memref_squeeze %dma_start3A_188 : memref<1x1x125xi32, #tpu.memory_space<vmem>> -> memref<125xi32, #tpu.memory_space<vmem>>
          %dma_start3A_190 = arith.constant 0 : i32
          %dma_start3A_191 = arith.constant 0 : i32
          %dma_start3A_192 = tpu.memref_slice %arg9[%dma_start3A_190, %dma_start3A_191] : memref<10240x128xf32, #tpu.memory_space<vmem_shared>> -> memref<10240x128xf32, #tpu.memory_space<vmem_shared>>
          tpu.enqueue_indirect_dma source(%arg8 : memref<125x128xf32, #tpu.memory_space<vmem>>) target(%dma_start3A_192 : memref<10240x128xf32, #tpu.memory_space<vmem_shared>>) offsets(%dma_start3A_189 : memref<125xi32, #tpu.memory_space<vmem>>) semaphore(%run_scoped3A : memref<!tpu.dma_semaphore, #tpu.memory_space<semaphore_mem>>) {add = true}
          %dma_wait3A_193 = arith.constant 0 : i32
          %dma_wait3A_194 = tpu.memref_slice %arg6[%select_n3A_129, %add3A_185, %dma_wait3A_193] : memref<2x16x125xi32, #tpu.memory_space<vmem>> -> memref<1x1x125xi32, #tpu.memory_space<vmem>>
          %dma_wait3A_195 = tpu.memref_squeeze %dma_wait3A_194 : memref<1x1x125xi32, #tpu.memory_space<vmem>> -> memref<125xi32, #tpu.memory_space<vmem>>
          %dma_wait3A_196 = arith.constant 0 : i32
          %dma_wait3A_197 = arith.constant 0 : i32
          %dma_wait3A_198 = tpu.memref_slice %arg9[%dma_wait3A_196, %dma_wait3A_197] : memref<10240x128xf32, #tpu.memory_space<vmem_shared>> -> memref<10240x128xf32, #tpu.memory_space<vmem_shared>>
          tpu.wait_indirect_dma semaphore(%run_scoped3A : memref<!tpu.dma_semaphore, #tpu.memory_space<semaphore_mem>>) src(%arg8 : memref<125x128xf32, #tpu.memory_space<vmem>>) dst(%dma_wait3A_198 : memref<10240x128xf32, #tpu.memory_space<vmem_shared>>)
          tpu.yield
        }) : () -> ()
        %scan3A_186 = arith.constant 0 : i32
        scf.yield %scan3A_186 : i32
      }
      %scan3A_146 = arith.constant 8 : i32
      %lt3A_147 = arith.constant 4 : i32
      %lt3A_148 = arith.cmpi slt, %scan3A_119, %lt3A_147 : i32
      %convert_element_type3A_149 = arith.extui %lt3A_148 : i1 to i32
      %cond3A_150 = arith.constant 0 : i32
      %cond3A_151 = arith.cmpi ne, %convert_element_type3A_149, %cond3A_150 : i32
      scf.if %cond3A_151 {
        %add3A_153 = arith.constant 1 : i32
        %add3A_154 = arith.addi %scan3A_119, %add3A_153 : i32
        %sub3A = arith.constant 1 : i32
        %sub3A_155 = arith.subi %sub3A, %select_n3A_129 : i32
        %mul3A_156 = arith.constant 5 : i32
        %mul3A_157 = arith.muli %add3A, %mul3A_156 : i32
        %add3A_158 = arith.addi %mul3A_157, %add3A_154 : i32
        %dma_wait3A_159 = arith.constant 0 : i32
        %dma_wait3A_160 = arith.constant 0 : i32
        %dma_wait3A_161 = tpu.memref_slice %arg5[%sub3A_155, %dma_wait3A_159, %dma_wait3A_160] : memref<2x16x125xi32, #tpu.memory_space<vmem>> -> memref<1x16x125xi32, #tpu.memory_space<vmem>>
        %dma_wait3A_162 = tpu.memref_squeeze %dma_wait3A_161 : memref<1x16x125xi32, #tpu.memory_space<vmem>> -> memref<16x125xi32, #tpu.memory_space<vmem>>
        %dma_wait3A_163 = arith.constant 0 : i32
        %dma_wait3A_164 = arith.constant 0 : i32
        %dma_wait3A_165 = tpu.memref_slice %arg3[%add3A_158, %dma_wait3A_163, %dma_wait3A_164] : memref<320x16x125xi32, #tpu.memory_space<hbm>> -> memref<1x16x125xi32, #tpu.memory_space<hbm>>
        %dma_wait3A_166 = tpu.memref_squeeze %dma_wait3A_165 : memref<1x16x125xi32, #tpu.memory_space<hbm>> -> memref<16x125xi32, #tpu.memory_space<hbm>>
        %dma_wait3A_167 = arith.constant 0 : i32
        %dma_wait3A_168 = arith.constant 0 : i32
        %dma_wait3A_169 = tpu.memref_slice %arg5[%sub3A_155, %dma_wait3A_167, %dma_wait3A_168] : memref<2x16x125xi32, #tpu.memory_space<vmem>> -> memref<1x16x125xi32, #tpu.memory_space<vmem>>
        %dma_wait3A_170 = tpu.memref_squeeze %dma_wait3A_169 : memref<1x16x125xi32, #tpu.memory_space<vmem>> -> memref<16x125xi32, #tpu.memory_space<vmem>>
        %dma_wait3A_171 = arith.constant 0 : i32
        %dma_wait3A_172 = arith.constant 0 : i32
        %dma_wait3A_173 = tpu.memref_slice %arg3[%add3A_158, %dma_wait3A_171, %dma_wait3A_172] : memref<320x16x125xi32, #tpu.memory_space<hbm>> -> memref<1x16x125xi32, #tpu.memory_space<hbm>>
        %dma_wait3A_174 = tpu.memref_squeeze %dma_wait3A_173 : memref<1x16x125xi32, #tpu.memory_space<hbm>> -> memref<16x125xi32, #tpu.memory_space<hbm>>
        tpu.wait_dma2 semaphore(%arg12 : memref<!tpu.dma_semaphore, #tpu.memory_space<semaphore_mem>>) src(%dma_wait3A_174 : memref<16x125xi32, #tpu.memory_space<hbm>>) dst(%dma_wait3A_170 : memref<16x125xi32, #tpu.memory_space<vmem>>)
        %add3A_175 = arith.constant 32 : i32
        %add3A_176 = arith.addi %add3A_175, %add3A : i32
        %mul3A_177 = arith.constant 5 : i32
        %mul3A_178 = arith.muli %add3A_176, %mul3A_177 : i32
        %add3A_179 = arith.addi %mul3A_178, %add3A_154 : i32
        %dma_wait3A_180 = arith.constant 0 : i32
        %dma_wait3A_181 = arith.constant 0 : i32
        %dma_wait3A_182 = tpu.memref_slice %arg6[%sub3A_155, %dma_wait3A_180, %dma_wait3A_181] : memref<2x16x125xi32, #tpu.memory_space<vmem>> -> memref<1x16x125xi32, #tpu.memory_space<vmem>>
        %dma_wait3A_183 = tpu.memref_squeeze %dma_wait3A_182 : memref<1x16x125xi32, #tpu.memory_space<vmem>> -> memref<16x125xi32, #tpu.memory_space<vmem>>
        %dma_wait3A_184 = arith.constant 0 : i32
        %dma_wait3A_185 = arith.constant 0 : i32
        %dma_wait3A_186 = tpu.memref_slice %arg3[%add3A_179, %dma_wait3A_184, %dma_wait3A_185] : memref<320x16x125xi32, #tpu.memory_space<hbm>> -> memref<1x16x125xi32, #tpu.memory_space<hbm>>
        %dma_wait3A_187 = tpu.memref_squeeze %dma_wait3A_186 : memref<1x16x125xi32, #tpu.memory_space<hbm>> -> memref<16x125xi32, #tpu.memory_space<hbm>>
        %dma_wait3A_188 = arith.constant 0 : i32
        %dma_wait3A_189 = arith.constant 0 : i32
        %dma_wait3A_190 = tpu.memref_slice %arg6[%sub3A_155, %dma_wait3A_188, %dma_wait3A_189] : memref<2x16x125xi32, #tpu.memory_space<vmem>> -> memref<1x16x125xi32, #tpu.memory_space<vmem>>
        %dma_wait3A_191 = tpu.memref_squeeze %dma_wait3A_190 : memref<1x16x125xi32, #tpu.memory_space<vmem>> -> memref<16x125xi32, #tpu.memory_space<vmem>>
        %dma_wait3A_192 = arith.constant 0 : i32
        %dma_wait3A_193 = arith.constant 0 : i32
        %dma_wait3A_194 = tpu.memref_slice %arg3[%add3A_179, %dma_wait3A_192, %dma_wait3A_193] : memref<320x16x125xi32, #tpu.memory_space<hbm>> -> memref<1x16x125xi32, #tpu.memory_space<hbm>>
        %dma_wait3A_195 = tpu.memref_squeeze %dma_wait3A_194 : memref<1x16x125xi32, #tpu.memory_space<hbm>> -> memref<16x125xi32, #tpu.memory_space<hbm>>
        tpu.wait_dma2 semaphore(%arg12 : memref<!tpu.dma_semaphore, #tpu.memory_space<semaphore_mem>>) src(%dma_wait3A_195 : memref<16x125xi32, #tpu.memory_space<hbm>>) dst(%dma_wait3A_191 : memref<16x125xi32, #tpu.memory_space<vmem>>)
      } else {
      }
      %scan3A_152 = arith.constant 0 : i32
      scf.yield %scan3A_152 : i32
    }
    %scan3A_117 = arith.constant 5 : i32
    %barrier3A_118 = arith.constant 0 : index
    tpu.barrier barrier_id(%barrier3A_118)
    "tpu.region"() ({
      %run_scoped3A = tpu.sem_alloc : memref<!tpu.dma_semaphore, #tpu.memory_space<semaphore_mem>>
      %dma_start3A_119 = arith.constant 0 : i32
      %dma_start3A_120 = tpu.memref_slice %arg4[%arg0, %mul3A_2, %dma_start3A_119] : memref<2x10240x128xf32, #tpu.memory_space<hbm>> -> memref<1x640x128xf32, #tpu.memory_space<hbm>>
      %dma_start3A_121 = tpu.memref_squeeze %dma_start3A_120 : memref<1x640x128xf32, #tpu.memory_space<hbm>> -> memref<640x128xf32, #tpu.memory_space<hbm>>
      %dma_start3A_122 = arith.constant 0 : i32
      %dma_start3A_123 = tpu.memref_slice %arg9[%mul3A_2, %dma_start3A_122] : memref<10240x128xf32, #tpu.memory_space<vmem_shared>> -> memref<640x128xf32, #tpu.memory_space<vmem_shared>>
      tpu.enqueue_dma source(%dma_start3A_123 : memref<640x128xf32, #tpu.memory_space<vmem_shared>>) target(%dma_start3A_121 : memref<640x128xf32, #tpu.memory_space<hbm>>) target_semaphore(%run_scoped3A : memref<!tpu.dma_semaphore, #tpu.memory_space<semaphore_mem>>)
      %dma_wait3A_124 = arith.constant 0 : i32
      %dma_wait3A_125 = tpu.memref_slice %arg4[%arg0, %mul3A_2, %dma_wait3A_124] : memref<2x10240x128xf32, #tpu.memory_space<hbm>> -> memref<1x640x128xf32, #tpu.memory_space<hbm>>
      %dma_wait3A_126 = tpu.memref_squeeze %dma_wait3A_125 : memref<1x640x128xf32, #tpu.memory_space<hbm>> -> memref<640x128xf32, #tpu.memory_space<hbm>>
      %dma_wait3A_127 = arith.constant 0 : i32
      %dma_wait3A_128 = tpu.memref_slice %arg9[%mul3A_2, %dma_wait3A_127] : memref<10240x128xf32, #tpu.memory_space<vmem_shared>> -> memref<640x128xf32, #tpu.memory_space<vmem_shared>>
      tpu.wait_dma2 semaphore(%run_scoped3A : memref<!tpu.dma_semaphore, #tpu.memory_space<semaphore_mem>>) src(%dma_wait3A_128 : memref<640x128xf32, #tpu.memory_space<vmem_shared>>) dst(%dma_wait3A_126 : memref<640x128xf32, #tpu.memory_space<hbm>>)
      tpu.yield
    }) : () -> ()
    return
  }
}

#map = affine_map<(d0, d1) -> (0)>
module attributes {stable_mosaic.version = 14 : i64} {
  func.func @body(%arg0: i32, %arg1: i32, %arg2: memref<320000xi32, #tpu.memory_space<hbm>>, %arg3: memref<2621440xf32, #tpu.memory_space<hbm>>, %arg4: memref<2000xi32, #tpu.memory_space<vmem>>, %arg5: memref<10240xf32, #tpu.memory_space<vmem>>, %arg6: memref<10240xf32, #tpu.memory_space<vmem>>, %arg7: memref<2048xf32, #tpu.memory_space<vmem>>, %arg8: memref<163840xf32, #tpu.memory_space<vmem_shared>>) attributes {dimension_semantics = [#tpu.dimension_semantics<core_parallel>, #tpu.dimension_semantics<subcore_parallel>], iteration_bounds = array<i64: 2, 16>, scalar_prefetch = 0 : i64, scratch_operands = 5 : i64, tpu.core_type = #tpu.core_type<sc_vector_subcore>, window_params = [{transform_indices = #map}, {transform_indices = #map}]} {
    %mul3A = arith.constant 2 : i32
    %mul3A_0 = arith.muli %arg1, %mul3A : i32
    %add3A = arith.addi %mul3A_0, %arg0 : i32
    %broadcast_in_dim3A = arith.constant 1.000000e+00 : f32
    %broadcast_in_dim3A_1 = vector.broadcast %broadcast_in_dim3A : f32 to vector<16xf32>
    %scan3A = arith.constant 0 : i32
    %scan3A_2 = arith.constant 0 : i32
    %scan3A_3 = arith.constant 640 : i32
    %scan3A_4 = arith.addi %scan3A_2, %scan3A_3 : i32
    %scan3A_5 = arith.constant 1 : i32
    %scan3A_6 = scf.for %scan3A_72 = %scan3A_2 to %scan3A_4 step %scan3A_5 iter_args(%scan3A_73 = %scan3A) -> (i32)  : i32 {
      %broadcast_in_dim3A_74 = arith.constant 0.000000e+00 : f32
      %broadcast_in_dim3A_75 = vector.broadcast %broadcast_in_dim3A_74 : f32 to vector<16xf32>
      %mul3A_76 = arith.constant 16 : i32
      %mul3A_77 = arith.muli %scan3A_72, %mul3A_76 : i32
      %swap3A = arith.index_cast %mul3A_77 : i32 to index
      %swap3A_78 = tpu.vector_load %arg5[%swap3A] {strides = array<i32>} : memref<10240xf32, #tpu.memory_space<vmem>>, vector<16xf32>,
      tpu.vector_store %arg5[%swap3A], %broadcast_in_dim3A_75 {strides = array<i32>} : memref<10240xf32, #tpu.memory_space<vmem>>, vector<16xf32>,
      %scan3A_79 = arith.constant 0 : i32
      scf.yield %scan3A_79 : i32
    }
    %scan3A_7 = arith.constant 640 : i32
    %scan3A_8 = arith.constant 0 : i32
    %scan3A_9 = arith.constant 0 : i32
    %scan3A_10 = arith.constant 5 : i32
    %scan3A_11 = arith.addi %scan3A_9, %scan3A_10 : i32
    %scan3A_12 = arith.constant 1 : i32
    %scan3A_13 = scf.for %scan3A_72 = %scan3A_9 to %scan3A_11 step %scan3A_12 iter_args(%scan3A_73 = %scan3A_8) -> (i32)  : i32 {
      %mul3A_74 = arith.constant 10000 : i32
      %mul3A_75 = arith.muli %add3A, %mul3A_74 : i32
      %mul3A_76 = arith.constant 2000 : i32
      %mul3A_77 = arith.muli %scan3A_72, %mul3A_76 : i32
      %add3A_78 = arith.addi %mul3A_75, %mul3A_77 : i32
      "tpu.region"() ({
        %run_scoped3A = tpu.sem_alloc : memref<!tpu.dma_semaphore, #tpu.memory_space<semaphore_mem>>
        %dma_start3A = tpu.memref_slice %arg2[%add3A_78] : memref<320000xi32, #tpu.memory_space<hbm>> -> memref<2000xi32, #tpu.memory_space<hbm>>
        %dma_start3A_87 = tpu.memref_slice %arg2[%add3A_78] : memref<320000xi32, #tpu.memory_space<hbm>> -> memref<2000xi32, #tpu.memory_space<hbm>>
        tpu.enqueue_dma source(%dma_start3A_87 : memref<2000xi32, #tpu.memory_space<hbm>>) target(%arg4 : memref<2000xi32, #tpu.memory_space<vmem>>) target_semaphore(%run_scoped3A : memref<!tpu.dma_semaphore, #tpu.memory_space<semaphore_mem>>)
        %dma_wait3A = tpu.memref_slice %arg2[%add3A_78] : memref<320000xi32, #tpu.memory_space<hbm>> -> memref<2000xi32, #tpu.memory_space<hbm>>
        %dma_wait3A_88 = tpu.memref_slice %arg2[%add3A_78] : memref<320000xi32, #tpu.memory_space<hbm>> -> memref<2000xi32, #tpu.memory_space<hbm>>
        tpu.wait_dma2 semaphore(%run_scoped3A : memref<!tpu.dma_semaphore, #tpu.memory_space<semaphore_mem>>) src(%dma_wait3A_88 : memref<2000xi32, #tpu.memory_space<hbm>>) dst(%arg4 : memref<2000xi32, #tpu.memory_space<vmem>>)
        tpu.yield
      }) : () -> ()
      %scan3A_79 = arith.constant 0 : i32
      %scan3A_80 = arith.constant 0 : i32
      %scan3A_81 = arith.constant 125 : i32
      %scan3A_82 = arith.addi %scan3A_80, %scan3A_81 : i32
      %scan3A_83 = arith.constant 1 : i32
      %scan3A_84 = scf.for %scan3A_87 = %scan3A_80 to %scan3A_82 step %scan3A_83 iter_args(%scan3A_88 = %scan3A_79) -> (i32)  : i32 {
        %mul3A_89 = arith.constant 16 : i32
        %mul3A_90 = arith.muli %scan3A_87, %mul3A_89 : i32
        %get3A = arith.index_cast %mul3A_90 : i32 to index
        %get3A_91 = tpu.vector_load %arg4[%get3A] {strides = array<i32>} : memref<2000xi32, #tpu.memory_space<vmem>>, vector<16xi32>,
        tpu.vector_store_idx %arg5[%get3A_91], %broadcast_in_dim3A_1 {add = true} : memref<10240xf32, #tpu.memory_space<vmem>>[vector<16xi32>], vector<16xf32>,
        %scan3A_92 = arith.constant 0 : i32
        scf.yield %scan3A_92 : i32
      }
      %scan3A_85 = arith.constant 125 : i32
      %scan3A_86 = arith.constant 0 : i32
      scf.yield %scan3A_86 : i32
    }
    %scan3A_14 = arith.constant 5 : i32
    %mul3A_15 = arith.constant 10240 : i32
    %mul3A_16 = arith.muli %arg1, %mul3A_15 : i32
    "tpu.region"() ({
      %run_scoped3A = tpu.sem_alloc : memref<!tpu.dma_semaphore, #tpu.memory_space<semaphore_mem>>
      %dma_start3A = tpu.memref_slice %arg8[%mul3A_16] : memref<163840xf32, #tpu.memory_space<vmem_shared>> -> memref<10240xf32, #tpu.memory_space<vmem_shared>>
      %dma_start3A_72 = tpu.memref_slice %arg8[%mul3A_16] : memref<163840xf32, #tpu.memory_space<vmem_shared>> -> memref<10240xf32, #tpu.memory_space<vmem_shared>>
      tpu.enqueue_dma source(%arg5 : memref<10240xf32, #tpu.memory_space<vmem>>) target(%dma_start3A_72 : memref<10240xf32, #tpu.memory_space<vmem_shared>>) target_semaphore(%run_scoped3A : memref<!tpu.dma_semaphore, #tpu.memory_space<semaphore_mem>>)
      %dma_wait3A = tpu.memref_slice %arg8[%mul3A_16] : memref<163840xf32, #tpu.memory_space<vmem_shared>> -> memref<10240xf32, #tpu.memory_space<vmem_shared>>
      %dma_wait3A_73 = tpu.memref_slice %arg8[%mul3A_16] : memref<163840xf32, #tpu.memory_space<vmem_shared>> -> memref<10240xf32, #tpu.memory_space<vmem_shared>>
      tpu.wait_dma2 semaphore(%run_scoped3A : memref<!tpu.dma_semaphore, #tpu.memory_space<semaphore_mem>>) src(%arg5 : memref<10240xf32, #tpu.memory_space<vmem>>) dst(%dma_wait3A_73 : memref<10240xf32, #tpu.memory_space<vmem_shared>>)
      tpu.yield
    }) : () -> ()
    %barrier3A = arith.constant 0 : index
    tpu.barrier barrier_id(%barrier3A)
    %mul3A_17 = arith.constant 640 : i32
    %mul3A_18 = arith.muli %arg1, %mul3A_17 : i32
    %add3A_19 = arith.constant 0 : i32
    %add3A_20 = arith.addi %add3A_19, %mul3A_18 : i32
    "tpu.region"() ({
      %run_scoped3A = tpu.sem_alloc : memref<!tpu.dma_semaphore, #tpu.memory_space<semaphore_mem>>
      %dma_start3A = arith.constant 0 : i32
      %dma_start3A_72 = tpu.memref_slice %arg6[%dma_start3A] : memref<10240xf32, #tpu.memory_space<vmem>> -> memref<640xf32, #tpu.memory_space<vmem>>
      %dma_start3A_73 = tpu.memref_slice %arg8[%add3A_20] : memref<163840xf32, #tpu.memory_space<vmem_shared>> -> memref<640xf32, #tpu.memory_space<vmem_shared>>
      %dma_start3A_74 = arith.constant 0 : i32
      %dma_start3A_75 = tpu.memref_slice %arg6[%dma_start3A_74] : memref<10240xf32, #tpu.memory_space<vmem>> -> memref<640xf32, #tpu.memory_space<vmem>>
      %dma_start3A_76 = tpu.memref_slice %arg8[%add3A_20] : memref<163840xf32, #tpu.memory_space<vmem_shared>> -> memref<640xf32, #tpu.memory_space<vmem_shared>>
      tpu.enqueue_dma source(%dma_start3A_76 : memref<640xf32, #tpu.memory_space<vmem_shared>>) target(%dma_start3A_75 : memref<640xf32, #tpu.memory_space<vmem>>) target_semaphore(%run_scoped3A : memref<!tpu.dma_semaphore, #tpu.memory_space<semaphore_mem>>)
      %dma_wait3A = arith.constant 0 : i32
      %dma_wait3A_77 = tpu.memref_slice %arg6[%dma_wait3A] : memref<10240xf32, #tpu.memory_space<vmem>> -> memref<640xf32, #tpu.memory_space<vmem>>
      %dma_wait3A_78 = tpu.memref_slice %arg8[%add3A_20] : memref<163840xf32, #tpu.memory_space<vmem_shared>> -> memref<640xf32, #tpu.memory_space<vmem_shared>>
      %dma_wait3A_79 = arith.constant 0 : i32
      %dma_wait3A_80 = tpu.memref_slice %arg6[%dma_wait3A_79] : memref<10240xf32, #tpu.memory_space<vmem>> -> memref<640xf32, #tpu.memory_space<vmem>>
      %dma_wait3A_81 = tpu.memref_slice %arg8[%add3A_20] : memref<163840xf32, #tpu.memory_space<vmem_shared>> -> memref<640xf32, #tpu.memory_space<vmem_shared>>
      tpu.wait_dma2 semaphore(%run_scoped3A : memref<!tpu.dma_semaphore, #tpu.memory_space<semaphore_mem>>) src(%dma_wait3A_81 : memref<640xf32, #tpu.memory_space<vmem_shared>>) dst(%dma_wait3A_80 : memref<640xf32, #tpu.memory_space<vmem>>)
      tpu.yield
    }) : () -> ()
    %add3A_21 = arith.constant 10240 : i32
    %add3A_22 = arith.addi %add3A_21, %mul3A_18 : i32
    "tpu.region"() ({
      %run_scoped3A = tpu.sem_alloc : memref<!tpu.dma_semaphore, #tpu.memory_space<semaphore_mem>>
      %dma_start3A = arith.constant 640 : i32
      %dma_start3A_72 = tpu.memref_slice %arg6[%dma_start3A] : memref<10240xf32, #tpu.memory_space<vmem>> -> memref<640xf32, #tpu.memory_space<vmem>>
      %dma_start3A_73 = tpu.memref_slice %arg8[%add3A_22] : memref<163840xf32, #tpu.memory_space<vmem_shared>> -> memref<640xf32, #tpu.memory_space<vmem_shared>>
      %dma_start3A_74 = arith.constant 640 : i32
      %dma_start3A_75 = tpu.memref_slice %arg6[%dma_start3A_74] : memref<10240xf32, #tpu.memory_space<vmem>> -> memref<640xf32, #tpu.memory_space<vmem>>
      %dma_start3A_76 = tpu.memref_slice %arg8[%add3A_22] : memref<163840xf32, #tpu.memory_space<vmem_shared>> -> memref<640xf32, #tpu.memory_space<vmem_shared>>
      tpu.enqueue_dma source(%dma_start3A_76 : memref<640xf32, #tpu.memory_space<vmem_shared>>) target(%dma_start3A_75 : memref<640xf32, #tpu.memory_space<vmem>>) target_semaphore(%run_scoped3A : memref<!tpu.dma_semaphore, #tpu.memory_space<semaphore_mem>>)
      %dma_wait3A = arith.constant 640 : i32
      %dma_wait3A_77 = tpu.memref_slice %arg6[%dma_wait3A] : memref<10240xf32, #tpu.memory_space<vmem>> -> memref<640xf32, #tpu.memory_space<vmem>>
      %dma_wait3A_78 = tpu.memref_slice %arg8[%add3A_22] : memref<163840xf32, #tpu.memory_space<vmem_shared>> -> memref<640xf32, #tpu.memory_space<vmem_shared>>
      %dma_wait3A_79 = arith.constant 640 : i32
      %dma_wait3A_80 = tpu.memref_slice %arg6[%dma_wait3A_79] : memref<10240xf32, #tpu.memory_space<vmem>> -> memref<640xf32, #tpu.memory_space<vmem>>
      %dma_wait3A_81 = tpu.memref_slice %arg8[%add3A_22] : memref<163840xf32, #tpu.memory_space<vmem_shared>> -> memref<640xf32, #tpu.memory_space<vmem_shared>>
      tpu.wait_dma2 semaphore(%run_scoped3A : memref<!tpu.dma_semaphore, #tpu.memory_space<semaphore_mem>>) src(%dma_wait3A_81 : memref<640xf32, #tpu.memory_space<vmem_shared>>) dst(%dma_wait3A_80 : memref<640xf32, #tpu.memory_space<vmem>>)
      tpu.yield
    }) : () -> ()
    %add3A_23 = arith.constant 20480 : i32
    %add3A_24 = arith.addi %add3A_23, %mul3A_18 : i32
    "tpu.region"() ({
      %run_scoped3A = tpu.sem_alloc : memref<!tpu.dma_semaphore, #tpu.memory_space<semaphore_mem>>
      %dma_start3A = arith.constant 1280 : i32
      %dma_start3A_72 = tpu.memref_slice %arg6[%dma_start3A] : memref<10240xf32, #tpu.memory_space<vmem>> -> memref<640xf32, #tpu.memory_space<vmem>>
      %dma_start3A_73 = tpu.memref_slice %arg8[%add3A_24] : memref<163840xf32, #tpu.memory_space<vmem_shared>> -> memref<640xf32, #tpu.memory_space<vmem_shared>>
      %dma_start3A_74 = arith.constant 1280 : i32
      %dma_start3A_75 = tpu.memref_slice %arg6[%dma_start3A_74] : memref<10240xf32, #tpu.memory_space<vmem>> -> memref<640xf32, #tpu.memory_space<vmem>>
      %dma_start3A_76 = tpu.memref_slice %arg8[%add3A_24] : memref<163840xf32, #tpu.memory_space<vmem_shared>> -> memref<640xf32, #tpu.memory_space<vmem_shared>>
      tpu.enqueue_dma source(%dma_start3A_76 : memref<640xf32, #tpu.memory_space<vmem_shared>>) target(%dma_start3A_75 : memref<640xf32, #tpu.memory_space<vmem>>) target_semaphore(%run_scoped3A : memref<!tpu.dma_semaphore, #tpu.memory_space<semaphore_mem>>)
      %dma_wait3A = arith.constant 1280 : i32
      %dma_wait3A_77 = tpu.memref_slice %arg6[%dma_wait3A] : memref<10240xf32, #tpu.memory_space<vmem>> -> memref<640xf32, #tpu.memory_space<vmem>>
      %dma_wait3A_78 = tpu.memref_slice %arg8[%add3A_24] : memref<163840xf32, #tpu.memory_space<vmem_shared>> -> memref<640xf32, #tpu.memory_space<vmem_shared>>
      %dma_wait3A_79 = arith.constant 1280 : i32
      %dma_wait3A_80 = tpu.memref_slice %arg6[%dma_wait3A_79] : memref<10240xf32, #tpu.memory_space<vmem>> -> memref<640xf32, #tpu.memory_space<vmem>>
      %dma_wait3A_81 = tpu.memref_slice %arg8[%add3A_24] : memref<163840xf32, #tpu.memory_space<vmem_shared>> -> memref<640xf32, #tpu.memory_space<vmem_shared>>
      tpu.wait_dma2 semaphore(%run_scoped3A : memref<!tpu.dma_semaphore, #tpu.memory_space<semaphore_mem>>) src(%dma_wait3A_81 : memref<640xf32, #tpu.memory_space<vmem_shared>>) dst(%dma_wait3A_80 : memref<640xf32, #tpu.memory_space<vmem>>)
      tpu.yield
    }) : () -> ()
    %add3A_25 = arith.constant 30720 : i32
    %add3A_26 = arith.addi %add3A_25, %mul3A_18 : i32
    "tpu.region"() ({
      %run_scoped3A = tpu.sem_alloc : memref<!tpu.dma_semaphore, #tpu.memory_space<semaphore_mem>>
      %dma_start3A = arith.constant 1920 : i32
      %dma_start3A_72 = tpu.memref_slice %arg6[%dma_start3A] : memref<10240xf32, #tpu.memory_space<vmem>> -> memref<640xf32, #tpu.memory_space<vmem>>
      %dma_start3A_73 = tpu.memref_slice %arg8[%add3A_26] : memref<163840xf32, #tpu.memory_space<vmem_shared>> -> memref<640xf32, #tpu.memory_space<vmem_shared>>
      %dma_start3A_74 = arith.constant 1920 : i32
      %dma_start3A_75 = tpu.memref_slice %arg6[%dma_start3A_74] : memref<10240xf32, #tpu.memory_space<vmem>> -> memref<640xf32, #tpu.memory_space<vmem>>
      %dma_start3A_76 = tpu.memref_slice %arg8[%add3A_26] : memref<163840xf32, #tpu.memory_space<vmem_shared>> -> memref<640xf32, #tpu.memory_space<vmem_shared>>
      tpu.enqueue_dma source(%dma_start3A_76 : memref<640xf32, #tpu.memory_space<vmem_shared>>) target(%dma_start3A_75 : memref<640xf32, #tpu.memory_space<vmem>>) target_semaphore(%run_scoped3A : memref<!tpu.dma_semaphore, #tpu.memory_space<semaphore_mem>>)
      %dma_wait3A = arith.constant 1920 : i32
      %dma_wait3A_77 = tpu.memref_slice %arg6[%dma_wait3A] : memref<10240xf32, #tpu.memory_space<vmem>> -> memref<640xf32, #tpu.memory_space<vmem>>
      %dma_wait3A_78 = tpu.memref_slice %arg8[%add3A_26] : memref<163840xf32, #tpu.memory_space<vmem_shared>> -> memref<640xf32, #tpu.memory_space<vmem_shared>>
      %dma_wait3A_79 = arith.constant 1920 : i32
      %dma_wait3A_80 = tpu.memref_slice %arg6[%dma_wait3A_79] : memref<10240xf32, #tpu.memory_space<vmem>> -> memref<640xf32, #tpu.memory_space<vmem>>
      %dma_wait3A_81 = tpu.memref_slice %arg8[%add3A_26] : memref<163840xf32, #tpu.memory_space<vmem_shared>> -> memref<640xf32, #tpu.memory_space<vmem_shared>>
      tpu.wait_dma2 semaphore(%run_scoped3A : memref<!tpu.dma_semaphore, #tpu.memory_space<semaphore_mem>>) src(%dma_wait3A_81 : memref<640xf32, #tpu.memory_space<vmem_shared>>) dst(%dma_wait3A_80 : memref<640xf32, #tpu.memory_space<vmem>>)
      tpu.yield
    }) : () -> ()
    %add3A_27 = arith.constant 40960 : i32
    %add3A_28 = arith.addi %add3A_27, %mul3A_18 : i32
    "tpu.region"() ({
      %run_scoped3A = tpu.sem_alloc : memref<!tpu.dma_semaphore, #tpu.memory_space<semaphore_mem>>
      %dma_start3A = arith.constant 2560 : i32
      %dma_start3A_72 = tpu.memref_slice %arg6[%dma_start3A] : memref<10240xf32, #tpu.memory_space<vmem>> -> memref<640xf32, #tpu.memory_space<vmem>>
      %dma_start3A_73 = tpu.memref_slice %arg8[%add3A_28] : memref<163840xf32, #tpu.memory_space<vmem_shared>> -> memref<640xf32, #tpu.memory_space<vmem_shared>>
      %dma_start3A_74 = arith.constant 2560 : i32
      %dma_start3A_75 = tpu.memref_slice %arg6[%dma_start3A_74] : memref<10240xf32, #tpu.memory_space<vmem>> -> memref<640xf32, #tpu.memory_space<vmem>>
      %dma_start3A_76 = tpu.memref_slice %arg8[%add3A_28] : memref<163840xf32, #tpu.memory_space<vmem_shared>> -> memref<640xf32, #tpu.memory_space<vmem_shared>>
      tpu.enqueue_dma source(%dma_start3A_76 : memref<640xf32, #tpu.memory_space<vmem_shared>>) target(%dma_start3A_75 : memref<640xf32, #tpu.memory_space<vmem>>) target_semaphore(%run_scoped3A : memref<!tpu.dma_semaphore, #tpu.memory_space<semaphore_mem>>)
      %dma_wait3A = arith.constant 2560 : i32
      %dma_wait3A_77 = tpu.memref_slice %arg6[%dma_wait3A] : memref<10240xf32, #tpu.memory_space<vmem>> -> memref<640xf32, #tpu.memory_space<vmem>>
      %dma_wait3A_78 = tpu.memref_slice %arg8[%add3A_28] : memref<163840xf32, #tpu.memory_space<vmem_shared>> -> memref<640xf32, #tpu.memory_space<vmem_shared>>
      %dma_wait3A_79 = arith.constant 2560 : i32
      %dma_wait3A_80 = tpu.memref_slice %arg6[%dma_wait3A_79] : memref<10240xf32, #tpu.memory_space<vmem>> -> memref<640xf32, #tpu.memory_space<vmem>>
      %dma_wait3A_81 = tpu.memref_slice %arg8[%add3A_28] : memref<163840xf32, #tpu.memory_space<vmem_shared>> -> memref<640xf32, #tpu.memory_space<vmem_shared>>
      tpu.wait_dma2 semaphore(%run_scoped3A : memref<!tpu.dma_semaphore, #tpu.memory_space<semaphore_mem>>) src(%dma_wait3A_81 : memref<640xf32, #tpu.memory_space<vmem_shared>>) dst(%dma_wait3A_80 : memref<640xf32, #tpu.memory_space<vmem>>)
      tpu.yield
    }) : () -> ()
    %add3A_29 = arith.constant 51200 : i32
    %add3A_30 = arith.addi %add3A_29, %mul3A_18 : i32
    "tpu.region"() ({
      %run_scoped3A = tpu.sem_alloc : memref<!tpu.dma_semaphore, #tpu.memory_space<semaphore_mem>>
      %dma_start3A = arith.constant 3200 : i32
      %dma_start3A_72 = tpu.memref_slice %arg6[%dma_start3A] : memref<10240xf32, #tpu.memory_space<vmem>> -> memref<640xf32, #tpu.memory_space<vmem>>
      %dma_start3A_73 = tpu.memref_slice %arg8[%add3A_30] : memref<163840xf32, #tpu.memory_space<vmem_shared>> -> memref<640xf32, #tpu.memory_space<vmem_shared>>
      %dma_start3A_74 = arith.constant 3200 : i32
      %dma_start3A_75 = tpu.memref_slice %arg6[%dma_start3A_74] : memref<10240xf32, #tpu.memory_space<vmem>> -> memref<640xf32, #tpu.memory_space<vmem>>
      %dma_start3A_76 = tpu.memref_slice %arg8[%add3A_30] : memref<163840xf32, #tpu.memory_space<vmem_shared>> -> memref<640xf32, #tpu.memory_space<vmem_shared>>
      tpu.enqueue_dma source(%dma_start3A_76 : memref<640xf32, #tpu.memory_space<vmem_shared>>) target(%dma_start3A_75 : memref<640xf32, #tpu.memory_space<vmem>>) target_semaphore(%run_scoped3A : memref<!tpu.dma_semaphore, #tpu.memory_space<semaphore_mem>>)
      %dma_wait3A = arith.constant 3200 : i32
      %dma_wait3A_77 = tpu.memref_slice %arg6[%dma_wait3A] : memref<10240xf32, #tpu.memory_space<vmem>> -> memref<640xf32, #tpu.memory_space<vmem>>
      %dma_wait3A_78 = tpu.memref_slice %arg8[%add3A_30] : memref<163840xf32, #tpu.memory_space<vmem_shared>> -> memref<640xf32, #tpu.memory_space<vmem_shared>>
      %dma_wait3A_79 = arith.constant 3200 : i32
      %dma_wait3A_80 = tpu.memref_slice %arg6[%dma_wait3A_79] : memref<10240xf32, #tpu.memory_space<vmem>> -> memref<640xf32, #tpu.memory_space<vmem>>
      %dma_wait3A_81 = tpu.memref_slice %arg8[%add3A_30] : memref<163840xf32, #tpu.memory_space<vmem_shared>> -> memref<640xf32, #tpu.memory_space<vmem_shared>>
      tpu.wait_dma2 semaphore(%run_scoped3A : memref<!tpu.dma_semaphore, #tpu.memory_space<semaphore_mem>>) src(%dma_wait3A_81 : memref<640xf32, #tpu.memory_space<vmem_shared>>) dst(%dma_wait3A_80 : memref<640xf32, #tpu.memory_space<vmem>>)
      tpu.yield
    }) : () -> ()
    %add3A_31 = arith.constant 61440 : i32
    %add3A_32 = arith.addi %add3A_31, %mul3A_18 : i32
    "tpu.region"() ({
      %run_scoped3A = tpu.sem_alloc : memref<!tpu.dma_semaphore, #tpu.memory_space<semaphore_mem>>
      %dma_start3A = arith.constant 3840 : i32
      %dma_start3A_72 = tpu.memref_slice %arg6[%dma_start3A] : memref<10240xf32, #tpu.memory_space<vmem>> -> memref<640xf32, #tpu.memory_space<vmem>>
      %dma_start3A_73 = tpu.memref_slice %arg8[%add3A_32] : memref<163840xf32, #tpu.memory_space<vmem_shared>> -> memref<640xf32, #tpu.memory_space<vmem_shared>>
      %dma_start3A_74 = arith.constant 3840 : i32
      %dma_start3A_75 = tpu.memref_slice %arg6[%dma_start3A_74] : memref<10240xf32, #tpu.memory_space<vmem>> -> memref<640xf32, #tpu.memory_space<vmem>>
      %dma_start3A_76 = tpu.memref_slice %arg8[%add3A_32] : memref<163840xf32, #tpu.memory_space<vmem_shared>> -> memref<640xf32, #tpu.memory_space<vmem_shared>>
      tpu.enqueue_dma source(%dma_start3A_76 : memref<640xf32, #tpu.memory_space<vmem_shared>>) target(%dma_start3A_75 : memref<640xf32, #tpu.memory_space<vmem>>) target_semaphore(%run_scoped3A : memref<!tpu.dma_semaphore, #tpu.memory_space<semaphore_mem>>)
      %dma_wait3A = arith.constant 3840 : i32
      %dma_wait3A_77 = tpu.memref_slice %arg6[%dma_wait3A] : memref<10240xf32, #tpu.memory_space<vmem>> -> memref<640xf32, #tpu.memory_space<vmem>>
      %dma_wait3A_78 = tpu.memref_slice %arg8[%add3A_32] : memref<163840xf32, #tpu.memory_space<vmem_shared>> -> memref<640xf32, #tpu.memory_space<vmem_shared>>
      %dma_wait3A_79 = arith.constant 3840 : i32
      %dma_wait3A_80 = tpu.memref_slice %arg6[%dma_wait3A_79] : memref<10240xf32, #tpu.memory_space<vmem>> -> memref<640xf32, #tpu.memory_space<vmem>>
      %dma_wait3A_81 = tpu.memref_slice %arg8[%add3A_32] : memref<163840xf32, #tpu.memory_space<vmem_shared>> -> memref<640xf32, #tpu.memory_space<vmem_shared>>
      tpu.wait_dma2 semaphore(%run_scoped3A : memref<!tpu.dma_semaphore, #tpu.memory_space<semaphore_mem>>) src(%dma_wait3A_81 : memref<640xf32, #tpu.memory_space<vmem_shared>>) dst(%dma_wait3A_80 : memref<640xf32, #tpu.memory_space<vmem>>)
      tpu.yield
    }) : () -> ()
    %add3A_33 = arith.constant 71680 : i32
    %add3A_34 = arith.addi %add3A_33, %mul3A_18 : i32
    "tpu.region"() ({
      %run_scoped3A = tpu.sem_alloc : memref<!tpu.dma_semaphore, #tpu.memory_space<semaphore_mem>>
      %dma_start3A = arith.constant 4480 : i32
      %dma_start3A_72 = tpu.memref_slice %arg6[%dma_start3A] : memref<10240xf32, #tpu.memory_space<vmem>> -> memref<640xf32, #tpu.memory_space<vmem>>
      %dma_start3A_73 = tpu.memref_slice %arg8[%add3A_34] : memref<163840xf32, #tpu.memory_space<vmem_shared>> -> memref<640xf32, #tpu.memory_space<vmem_shared>>
      %dma_start3A_74 = arith.constant 4480 : i32
      %dma_start3A_75 = tpu.memref_slice %arg6[%dma_start3A_74] : memref<10240xf32, #tpu.memory_space<vmem>> -> memref<640xf32, #tpu.memory_space<vmem>>
      %dma_start3A_76 = tpu.memref_slice %arg8[%add3A_34] : memref<163840xf32, #tpu.memory_space<vmem_shared>> -> memref<640xf32, #tpu.memory_space<vmem_shared>>
      tpu.enqueue_dma source(%dma_start3A_76 : memref<640xf32, #tpu.memory_space<vmem_shared>>) target(%dma_start3A_75 : memref<640xf32, #tpu.memory_space<vmem>>) target_semaphore(%run_scoped3A : memref<!tpu.dma_semaphore, #tpu.memory_space<semaphore_mem>>)
      %dma_wait3A = arith.constant 4480 : i32
      %dma_wait3A_77 = tpu.memref_slice %arg6[%dma_wait3A] : memref<10240xf32, #tpu.memory_space<vmem>> -> memref<640xf32, #tpu.memory_space<vmem>>
      %dma_wait3A_78 = tpu.memref_slice %arg8[%add3A_34] : memref<163840xf32, #tpu.memory_space<vmem_shared>> -> memref<640xf32, #tpu.memory_space<vmem_shared>>
      %dma_wait3A_79 = arith.constant 4480 : i32
      %dma_wait3A_80 = tpu.memref_slice %arg6[%dma_wait3A_79] : memref<10240xf32, #tpu.memory_space<vmem>> -> memref<640xf32, #tpu.memory_space<vmem>>
      %dma_wait3A_81 = tpu.memref_slice %arg8[%add3A_34] : memref<163840xf32, #tpu.memory_space<vmem_shared>> -> memref<640xf32, #tpu.memory_space<vmem_shared>>
      tpu.wait_dma2 semaphore(%run_scoped3A : memref<!tpu.dma_semaphore, #tpu.memory_space<semaphore_mem>>) src(%dma_wait3A_81 : memref<640xf32, #tpu.memory_space<vmem_shared>>) dst(%dma_wait3A_80 : memref<640xf32, #tpu.memory_space<vmem>>)
      tpu.yield
    }) : () -> ()
    %add3A_35 = arith.constant 81920 : i32
    %add3A_36 = arith.addi %add3A_35, %mul3A_18 : i32
    "tpu.region"() ({
      %run_scoped3A = tpu.sem_alloc : memref<!tpu.dma_semaphore, #tpu.memory_space<semaphore_mem>>
      %dma_start3A = arith.constant 5120 : i32
      %dma_start3A_72 = tpu.memref_slice %arg6[%dma_start3A] : memref<10240xf32, #tpu.memory_space<vmem>> -> memref<640xf32, #tpu.memory_space<vmem>>
      %dma_start3A_73 = tpu.memref_slice %arg8[%add3A_36] : memref<163840xf32, #tpu.memory_space<vmem_shared>> -> memref<640xf32, #tpu.memory_space<vmem_shared>>
      %dma_start3A_74 = arith.constant 5120 : i32
      %dma_start3A_75 = tpu.memref_slice %arg6[%dma_start3A_74] : memref<10240xf32, #tpu.memory_space<vmem>> -> memref<640xf32, #tpu.memory_space<vmem>>
      %dma_start3A_76 = tpu.memref_slice %arg8[%add3A_36] : memref<163840xf32, #tpu.memory_space<vmem_shared>> -> memref<640xf32, #tpu.memory_space<vmem_shared>>
      tpu.enqueue_dma source(%dma_start3A_76 : memref<640xf32, #tpu.memory_space<vmem_shared>>) target(%dma_start3A_75 : memref<640xf32, #tpu.memory_space<vmem>>) target_semaphore(%run_scoped3A : memref<!tpu.dma_semaphore, #tpu.memory_space<semaphore_mem>>)
      %dma_wait3A = arith.constant 5120 : i32
      %dma_wait3A_77 = tpu.memref_slice %arg6[%dma_wait3A] : memref<10240xf32, #tpu.memory_space<vmem>> -> memref<640xf32, #tpu.memory_space<vmem>>
      %dma_wait3A_78 = tpu.memref_slice %arg8[%add3A_36] : memref<163840xf32, #tpu.memory_space<vmem_shared>> -> memref<640xf32, #tpu.memory_space<vmem_shared>>
      %dma_wait3A_79 = arith.constant 5120 : i32
      %dma_wait3A_80 = tpu.memref_slice %arg6[%dma_wait3A_79] : memref<10240xf32, #tpu.memory_space<vmem>> -> memref<640xf32, #tpu.memory_space<vmem>>
      %dma_wait3A_81 = tpu.memref_slice %arg8[%add3A_36] : memref<163840xf32, #tpu.memory_space<vmem_shared>> -> memref<640xf32, #tpu.memory_space<vmem_shared>>
      tpu.wait_dma2 semaphore(%run_scoped3A : memref<!tpu.dma_semaphore, #tpu.memory_space<semaphore_mem>>) src(%dma_wait3A_81 : memref<640xf32, #tpu.memory_space<vmem_shared>>) dst(%dma_wait3A_80 : memref<640xf32, #tpu.memory_space<vmem>>)
      tpu.yield
    }) : () -> ()
    %add3A_37 = arith.constant 92160 : i32
    %add3A_38 = arith.addi %add3A_37, %mul3A_18 : i32
    "tpu.region"() ({
      %run_scoped3A = tpu.sem_alloc : memref<!tpu.dma_semaphore, #tpu.memory_space<semaphore_mem>>
      %dma_start3A = arith.constant 5760 : i32
      %dma_start3A_72 = tpu.memref_slice %arg6[%dma_start3A] : memref<10240xf32, #tpu.memory_space<vmem>> -> memref<640xf32, #tpu.memory_space<vmem>>
      %dma_start3A_73 = tpu.memref_slice %arg8[%add3A_38] : memref<163840xf32, #tpu.memory_space<vmem_shared>> -> memref<640xf32, #tpu.memory_space<vmem_shared>>
      %dma_start3A_74 = arith.constant 5760 : i32
      %dma_start3A_75 = tpu.memref_slice %arg6[%dma_start3A_74] : memref<10240xf32, #tpu.memory_space<vmem>> -> memref<640xf32, #tpu.memory_space<vmem>>
      %dma_start3A_76 = tpu.memref_slice %arg8[%add3A_38] : memref<163840xf32, #tpu.memory_space<vmem_shared>> -> memref<640xf32, #tpu.memory_space<vmem_shared>>
      tpu.enqueue_dma source(%dma_start3A_76 : memref<640xf32, #tpu.memory_space<vmem_shared>>) target(%dma_start3A_75 : memref<640xf32, #tpu.memory_space<vmem>>) target_semaphore(%run_scoped3A : memref<!tpu.dma_semaphore, #tpu.memory_space<semaphore_mem>>)
      %dma_wait3A = arith.constant 5760 : i32
      %dma_wait3A_77 = tpu.memref_slice %arg6[%dma_wait3A] : memref<10240xf32, #tpu.memory_space<vmem>> -> memref<640xf32, #tpu.memory_space<vmem>>
      %dma_wait3A_78 = tpu.memref_slice %arg8[%add3A_38] : memref<163840xf32, #tpu.memory_space<vmem_shared>> -> memref<640xf32, #tpu.memory_space<vmem_shared>>
      %dma_wait3A_79 = arith.constant 5760 : i32
      %dma_wait3A_80 = tpu.memref_slice %arg6[%dma_wait3A_79] : memref<10240xf32, #tpu.memory_space<vmem>> -> memref<640xf32, #tpu.memory_space<vmem>>
      %dma_wait3A_81 = tpu.memref_slice %arg8[%add3A_38] : memref<163840xf32, #tpu.memory_space<vmem_shared>> -> memref<640xf32, #tpu.memory_space<vmem_shared>>
      tpu.wait_dma2 semaphore(%run_scoped3A : memref<!tpu.dma_semaphore, #tpu.memory_space<semaphore_mem>>) src(%dma_wait3A_81 : memref<640xf32, #tpu.memory_space<vmem_shared>>) dst(%dma_wait3A_80 : memref<640xf32, #tpu.memory_space<vmem>>)
      tpu.yield
    }) : () -> ()
    %add3A_39 = arith.constant 102400 : i32
    %add3A_40 = arith.addi %add3A_39, %mul3A_18 : i32
    "tpu.region"() ({
      %run_scoped3A = tpu.sem_alloc : memref<!tpu.dma_semaphore, #tpu.memory_space<semaphore_mem>>
      %dma_start3A = arith.constant 6400 : i32
      %dma_start3A_72 = tpu.memref_slice %arg6[%dma_start3A] : memref<10240xf32, #tpu.memory_space<vmem>> -> memref<640xf32, #tpu.memory_space<vmem>>
      %dma_start3A_73 = tpu.memref_slice %arg8[%add3A_40] : memref<163840xf32, #tpu.memory_space<vmem_shared>> -> memref<640xf32, #tpu.memory_space<vmem_shared>>
      %dma_start3A_74 = arith.constant 6400 : i32
      %dma_start3A_75 = tpu.memref_slice %arg6[%dma_start3A_74] : memref<10240xf32, #tpu.memory_space<vmem>> -> memref<640xf32, #tpu.memory_space<vmem>>
      %dma_start3A_76 = tpu.memref_slice %arg8[%add3A_40] : memref<163840xf32, #tpu.memory_space<vmem_shared>> -> memref<640xf32, #tpu.memory_space<vmem_shared>>
      tpu.enqueue_dma source(%dma_start3A_76 : memref<640xf32, #tpu.memory_space<vmem_shared>>) target(%dma_start3A_75 : memref<640xf32, #tpu.memory_space<vmem>>) target_semaphore(%run_scoped3A : memref<!tpu.dma_semaphore, #tpu.memory_space<semaphore_mem>>)
      %dma_wait3A = arith.constant 6400 : i32
      %dma_wait3A_77 = tpu.memref_slice %arg6[%dma_wait3A] : memref<10240xf32, #tpu.memory_space<vmem>> -> memref<640xf32, #tpu.memory_space<vmem>>
      %dma_wait3A_78 = tpu.memref_slice %arg8[%add3A_40] : memref<163840xf32, #tpu.memory_space<vmem_shared>> -> memref<640xf32, #tpu.memory_space<vmem_shared>>
      %dma_wait3A_79 = arith.constant 6400 : i32
      %dma_wait3A_80 = tpu.memref_slice %arg6[%dma_wait3A_79] : memref<10240xf32, #tpu.memory_space<vmem>> -> memref<640xf32, #tpu.memory_space<vmem>>
      %dma_wait3A_81 = tpu.memref_slice %arg8[%add3A_40] : memref<163840xf32, #tpu.memory_space<vmem_shared>> -> memref<640xf32, #tpu.memory_space<vmem_shared>>
      tpu.wait_dma2 semaphore(%run_scoped3A : memref<!tpu.dma_semaphore, #tpu.memory_space<semaphore_mem>>) src(%dma_wait3A_81 : memref<640xf32, #tpu.memory_space<vmem_shared>>) dst(%dma_wait3A_80 : memref<640xf32, #tpu.memory_space<vmem>>)
      tpu.yield
    }) : () -> ()
    %add3A_41 = arith.constant 112640 : i32
    %add3A_42 = arith.addi %add3A_41, %mul3A_18 : i32
    "tpu.region"() ({
      %run_scoped3A = tpu.sem_alloc : memref<!tpu.dma_semaphore, #tpu.memory_space<semaphore_mem>>
      %dma_start3A = arith.constant 7040 : i32
      %dma_start3A_72 = tpu.memref_slice %arg6[%dma_start3A] : memref<10240xf32, #tpu.memory_space<vmem>> -> memref<640xf32, #tpu.memory_space<vmem>>
      %dma_start3A_73 = tpu.memref_slice %arg8[%add3A_42] : memref<163840xf32, #tpu.memory_space<vmem_shared>> -> memref<640xf32, #tpu.memory_space<vmem_shared>>
      %dma_start3A_74 = arith.constant 7040 : i32
      %dma_start3A_75 = tpu.memref_slice %arg6[%dma_start3A_74] : memref<10240xf32, #tpu.memory_space<vmem>> -> memref<640xf32, #tpu.memory_space<vmem>>
      %dma_start3A_76 = tpu.memref_slice %arg8[%add3A_42] : memref<163840xf32, #tpu.memory_space<vmem_shared>> -> memref<640xf32, #tpu.memory_space<vmem_shared>>
      tpu.enqueue_dma source(%dma_start3A_76 : memref<640xf32, #tpu.memory_space<vmem_shared>>) target(%dma_start3A_75 : memref<640xf32, #tpu.memory_space<vmem>>) target_semaphore(%run_scoped3A : memref<!tpu.dma_semaphore, #tpu.memory_space<semaphore_mem>>)
      %dma_wait3A = arith.constant 7040 : i32
      %dma_wait3A_77 = tpu.memref_slice %arg6[%dma_wait3A] : memref<10240xf32, #tpu.memory_space<vmem>> -> memref<640xf32, #tpu.memory_space<vmem>>
      %dma_wait3A_78 = tpu.memref_slice %arg8[%add3A_42] : memref<163840xf32, #tpu.memory_space<vmem_shared>> -> memref<640xf32, #tpu.memory_space<vmem_shared>>
      %dma_wait3A_79 = arith.constant 7040 : i32
      %dma_wait3A_80 = tpu.memref_slice %arg6[%dma_wait3A_79] : memref<10240xf32, #tpu.memory_space<vmem>> -> memref<640xf32, #tpu.memory_space<vmem>>
      %dma_wait3A_81 = tpu.memref_slice %arg8[%add3A_42] : memref<163840xf32, #tpu.memory_space<vmem_shared>> -> memref<640xf32, #tpu.memory_space<vmem_shared>>
      tpu.wait_dma2 semaphore(%run_scoped3A : memref<!tpu.dma_semaphore, #tpu.memory_space<semaphore_mem>>) src(%dma_wait3A_81 : memref<640xf32, #tpu.memory_space<vmem_shared>>) dst(%dma_wait3A_80 : memref<640xf32, #tpu.memory_space<vmem>>)
      tpu.yield
    }) : () -> ()
    %add3A_43 = arith.constant 122880 : i32
    %add3A_44 = arith.addi %add3A_43, %mul3A_18 : i32
    "tpu.region"() ({
      %run_scoped3A = tpu.sem_alloc : memref<!tpu.dma_semaphore, #tpu.memory_space<semaphore_mem>>
      %dma_start3A = arith.constant 7680 : i32
      %dma_start3A_72 = tpu.memref_slice %arg6[%dma_start3A] : memref<10240xf32, #tpu.memory_space<vmem>> -> memref<640xf32, #tpu.memory_space<vmem>>
      %dma_start3A_73 = tpu.memref_slice %arg8[%add3A_44] : memref<163840xf32, #tpu.memory_space<vmem_shared>> -> memref<640xf32, #tpu.memory_space<vmem_shared>>
      %dma_start3A_74 = arith.constant 7680 : i32
      %dma_start3A_75 = tpu.memref_slice %arg6[%dma_start3A_74] : memref<10240xf32, #tpu.memory_space<vmem>> -> memref<640xf32, #tpu.memory_space<vmem>>
      %dma_start3A_76 = tpu.memref_slice %arg8[%add3A_44] : memref<163840xf32, #tpu.memory_space<vmem_shared>> -> memref<640xf32, #tpu.memory_space<vmem_shared>>
      tpu.enqueue_dma source(%dma_start3A_76 : memref<640xf32, #tpu.memory_space<vmem_shared>>) target(%dma_start3A_75 : memref<640xf32, #tpu.memory_space<vmem>>) target_semaphore(%run_scoped3A : memref<!tpu.dma_semaphore, #tpu.memory_space<semaphore_mem>>)
      %dma_wait3A = arith.constant 7680 : i32
      %dma_wait3A_77 = tpu.memref_slice %arg6[%dma_wait3A] : memref<10240xf32, #tpu.memory_space<vmem>> -> memref<640xf32, #tpu.memory_space<vmem>>
      %dma_wait3A_78 = tpu.memref_slice %arg8[%add3A_44] : memref<163840xf32, #tpu.memory_space<vmem_shared>> -> memref<640xf32, #tpu.memory_space<vmem_shared>>
      %dma_wait3A_79 = arith.constant 7680 : i32
      %dma_wait3A_80 = tpu.memref_slice %arg6[%dma_wait3A_79] : memref<10240xf32, #tpu.memory_space<vmem>> -> memref<640xf32, #tpu.memory_space<vmem>>
      %dma_wait3A_81 = tpu.memref_slice %arg8[%add3A_44] : memref<163840xf32, #tpu.memory_space<vmem_shared>> -> memref<640xf32, #tpu.memory_space<vmem_shared>>
      tpu.wait_dma2 semaphore(%run_scoped3A : memref<!tpu.dma_semaphore, #tpu.memory_space<semaphore_mem>>) src(%dma_wait3A_81 : memref<640xf32, #tpu.memory_space<vmem_shared>>) dst(%dma_wait3A_80 : memref<640xf32, #tpu.memory_space<vmem>>)
      tpu.yield
    }) : () -> ()
    %add3A_45 = arith.constant 133120 : i32
    %add3A_46 = arith.addi %add3A_45, %mul3A_18 : i32
    "tpu.region"() ({
      %run_scoped3A = tpu.sem_alloc : memref<!tpu.dma_semaphore, #tpu.memory_space<semaphore_mem>>
      %dma_start3A = arith.constant 8320 : i32
      %dma_start3A_72 = tpu.memref_slice %arg6[%dma_start3A] : memref<10240xf32, #tpu.memory_space<vmem>> -> memref<640xf32, #tpu.memory_space<vmem>>
      %dma_start3A_73 = tpu.memref_slice %arg8[%add3A_46] : memref<163840xf32, #tpu.memory_space<vmem_shared>> -> memref<640xf32, #tpu.memory_space<vmem_shared>>
      %dma_start3A_74 = arith.constant 8320 : i32
      %dma_start3A_75 = tpu.memref_slice %arg6[%dma_start3A_74] : memref<10240xf32, #tpu.memory_space<vmem>> -> memref<640xf32, #tpu.memory_space<vmem>>
      %dma_start3A_76 = tpu.memref_slice %arg8[%add3A_46] : memref<163840xf32, #tpu.memory_space<vmem_shared>> -> memref<640xf32, #tpu.memory_space<vmem_shared>>
      tpu.enqueue_dma source(%dma_start3A_76 : memref<640xf32, #tpu.memory_space<vmem_shared>>) target(%dma_start3A_75 : memref<640xf32, #tpu.memory_space<vmem>>) target_semaphore(%run_scoped3A : memref<!tpu.dma_semaphore, #tpu.memory_space<semaphore_mem>>)
      %dma_wait3A = arith.constant 8320 : i32
      %dma_wait3A_77 = tpu.memref_slice %arg6[%dma_wait3A] : memref<10240xf32, #tpu.memory_space<vmem>> -> memref<640xf32, #tpu.memory_space<vmem>>
      %dma_wait3A_78 = tpu.memref_slice %arg8[%add3A_46] : memref<163840xf32, #tpu.memory_space<vmem_shared>> -> memref<640xf32, #tpu.memory_space<vmem_shared>>
      %dma_wait3A_79 = arith.constant 8320 : i32
      %dma_wait3A_80 = tpu.memref_slice %arg6[%dma_wait3A_79] : memref<10240xf32, #tpu.memory_space<vmem>> -> memref<640xf32, #tpu.memory_space<vmem>>
      %dma_wait3A_81 = tpu.memref_slice %arg8[%add3A_46] : memref<163840xf32, #tpu.memory_space<vmem_shared>> -> memref<640xf32, #tpu.memory_space<vmem_shared>>
      tpu.wait_dma2 semaphore(%run_scoped3A : memref<!tpu.dma_semaphore, #tpu.memory_space<semaphore_mem>>) src(%dma_wait3A_81 : memref<640xf32, #tpu.memory_space<vmem_shared>>) dst(%dma_wait3A_80 : memref<640xf32, #tpu.memory_space<vmem>>)
      tpu.yield
    }) : () -> ()
    %add3A_47 = arith.constant 143360 : i32
    %add3A_48 = arith.addi %add3A_47, %mul3A_18 : i32
    "tpu.region"() ({
      %run_scoped3A = tpu.sem_alloc : memref<!tpu.dma_semaphore, #tpu.memory_space<semaphore_mem>>
      %dma_start3A = arith.constant 8960 : i32
      %dma_start3A_72 = tpu.memref_slice %arg6[%dma_start3A] : memref<10240xf32, #tpu.memory_space<vmem>> -> memref<640xf32, #tpu.memory_space<vmem>>
      %dma_start3A_73 = tpu.memref_slice %arg8[%add3A_48] : memref<163840xf32, #tpu.memory_space<vmem_shared>> -> memref<640xf32, #tpu.memory_space<vmem_shared>>
      %dma_start3A_74 = arith.constant 8960 : i32
      %dma_start3A_75 = tpu.memref_slice %arg6[%dma_start3A_74] : memref<10240xf32, #tpu.memory_space<vmem>> -> memref<640xf32, #tpu.memory_space<vmem>>
      %dma_start3A_76 = tpu.memref_slice %arg8[%add3A_48] : memref<163840xf32, #tpu.memory_space<vmem_shared>> -> memref<640xf32, #tpu.memory_space<vmem_shared>>
      tpu.enqueue_dma source(%dma_start3A_76 : memref<640xf32, #tpu.memory_space<vmem_shared>>) target(%dma_start3A_75 : memref<640xf32, #tpu.memory_space<vmem>>) target_semaphore(%run_scoped3A : memref<!tpu.dma_semaphore, #tpu.memory_space<semaphore_mem>>)
      %dma_wait3A = arith.constant 8960 : i32
      %dma_wait3A_77 = tpu.memref_slice %arg6[%dma_wait3A] : memref<10240xf32, #tpu.memory_space<vmem>> -> memref<640xf32, #tpu.memory_space<vmem>>
      %dma_wait3A_78 = tpu.memref_slice %arg8[%add3A_48] : memref<163840xf32, #tpu.memory_space<vmem_shared>> -> memref<640xf32, #tpu.memory_space<vmem_shared>>
      %dma_wait3A_79 = arith.constant 8960 : i32
      %dma_wait3A_80 = tpu.memref_slice %arg6[%dma_wait3A_79] : memref<10240xf32, #tpu.memory_space<vmem>> -> memref<640xf32, #tpu.memory_space<vmem>>
      %dma_wait3A_81 = tpu.memref_slice %arg8[%add3A_48] : memref<163840xf32, #tpu.memory_space<vmem_shared>> -> memref<640xf32, #tpu.memory_space<vmem_shared>>
      tpu.wait_dma2 semaphore(%run_scoped3A : memref<!tpu.dma_semaphore, #tpu.memory_space<semaphore_mem>>) src(%dma_wait3A_81 : memref<640xf32, #tpu.memory_space<vmem_shared>>) dst(%dma_wait3A_80 : memref<640xf32, #tpu.memory_space<vmem>>)
      tpu.yield
    }) : () -> ()
    %add3A_49 = arith.constant 153600 : i32
    %add3A_50 = arith.addi %add3A_49, %mul3A_18 : i32
    "tpu.region"() ({
      %run_scoped3A = tpu.sem_alloc : memref<!tpu.dma_semaphore, #tpu.memory_space<semaphore_mem>>
      %dma_start3A = arith.constant 9600 : i32
      %dma_start3A_72 = tpu.memref_slice %arg6[%dma_start3A] : memref<10240xf32, #tpu.memory_space<vmem>> -> memref<640xf32, #tpu.memory_space<vmem>>
      %dma_start3A_73 = tpu.memref_slice %arg8[%add3A_50] : memref<163840xf32, #tpu.memory_space<vmem_shared>> -> memref<640xf32, #tpu.memory_space<vmem_shared>>
      %dma_start3A_74 = arith.constant 9600 : i32
      %dma_start3A_75 = tpu.memref_slice %arg6[%dma_start3A_74] : memref<10240xf32, #tpu.memory_space<vmem>> -> memref<640xf32, #tpu.memory_space<vmem>>
      %dma_start3A_76 = tpu.memref_slice %arg8[%add3A_50] : memref<163840xf32, #tpu.memory_space<vmem_shared>> -> memref<640xf32, #tpu.memory_space<vmem_shared>>
      tpu.enqueue_dma source(%dma_start3A_76 : memref<640xf32, #tpu.memory_space<vmem_shared>>) target(%dma_start3A_75 : memref<640xf32, #tpu.memory_space<vmem>>) target_semaphore(%run_scoped3A : memref<!tpu.dma_semaphore, #tpu.memory_space<semaphore_mem>>)
      %dma_wait3A = arith.constant 9600 : i32
      %dma_wait3A_77 = tpu.memref_slice %arg6[%dma_wait3A] : memref<10240xf32, #tpu.memory_space<vmem>> -> memref<640xf32, #tpu.memory_space<vmem>>
      %dma_wait3A_78 = tpu.memref_slice %arg8[%add3A_50] : memref<163840xf32, #tpu.memory_space<vmem_shared>> -> memref<640xf32, #tpu.memory_space<vmem_shared>>
      %dma_wait3A_79 = arith.constant 9600 : i32
      %dma_wait3A_80 = tpu.memref_slice %arg6[%dma_wait3A_79] : memref<10240xf32, #tpu.memory_space<vmem>> -> memref<640xf32, #tpu.memory_space<vmem>>
      %dma_wait3A_81 = tpu.memref_slice %arg8[%add3A_50] : memref<163840xf32, #tpu.memory_space<vmem_shared>> -> memref<640xf32, #tpu.memory_space<vmem_shared>>
      tpu.wait_dma2 semaphore(%run_scoped3A : memref<!tpu.dma_semaphore, #tpu.memory_space<semaphore_mem>>) src(%dma_wait3A_81 : memref<640xf32, #tpu.memory_space<vmem_shared>>) dst(%dma_wait3A_80 : memref<640xf32, #tpu.memory_space<vmem>>)
      tpu.yield
    }) : () -> ()
    %scan3A_51 = arith.constant 0 : i32
    %scan3A_52 = arith.constant 0 : i32
    %scan3A_53 = arith.constant 40 : i32
    %scan3A_54 = arith.addi %scan3A_52, %scan3A_53 : i32
    %scan3A_55 = arith.constant 1 : i32
    %scan3A_56 = scf.for %scan3A_72 = %scan3A_52 to %scan3A_54 step %scan3A_55 iter_args(%scan3A_73 = %scan3A_51) -> (i32)  : i32 {
      %mul3A_74 = arith.constant 16 : i32
      %mul3A_75 = arith.muli %scan3A_72, %mul3A_74 : i32
      %get3A = arith.index_cast %mul3A_75 : i32 to index
      %get3A_76 = tpu.vector_load %arg6[%get3A] {strides = array<i32>} : memref<10240xf32, #tpu.memory_space<vmem>>, vector<16xf32>,
      %mul3A_77 = arith.constant 16 : i32
      %mul3A_78 = arith.muli %scan3A_72, %mul3A_77 : i32
      %add3A_79 = arith.constant 640 : i32
      %add3A_80 = arith.addi %add3A_79, %mul3A_78 : i32
      %get3A_81 = arith.index_cast %add3A_80 : i32 to index
      %get3A_82 = tpu.vector_load %arg6[%get3A_81] {strides = array<i32>} : memref<10240xf32, #tpu.memory_space<vmem>>, vector<16xf32>,
      %add3A_83 = arith.addf %get3A_76, %get3A_82 : vector<16xf32>
      %mul3A_84 = arith.constant 16 : i32
      %mul3A_85 = arith.muli %scan3A_72, %mul3A_84 : i32
      %add3A_86 = arith.constant 1280 : i32
      %add3A_87 = arith.addi %add3A_86, %mul3A_85 : i32
      %get3A_88 = arith.index_cast %add3A_87 : i32 to index
      %get3A_89 = tpu.vector_load %arg6[%get3A_88] {strides = array<i32>} : memref<10240xf32, #tpu.memory_space<vmem>>, vector<16xf32>,
      %add3A_90 = arith.addf %add3A_83, %get3A_89 : vector<16xf32>
      %mul3A_91 = arith.constant 16 : i32
      %mul3A_92 = arith.muli %scan3A_72, %mul3A_91 : i32
      %add3A_93 = arith.constant 1920 : i32
      %add3A_94 = arith.addi %add3A_93, %mul3A_92 : i32
      %get3A_95 = arith.index_cast %add3A_94 : i32 to index
      %get3A_96 = tpu.vector_load %arg6[%get3A_95] {strides = array<i32>} : memref<10240xf32, #tpu.memory_space<vmem>>, vector<16xf32>,
      %add3A_97 = arith.addf %add3A_90, %get3A_96 : vector<16xf32>
      %mul3A_98 = arith.constant 16 : i32
      %mul3A_99 = arith.muli %scan3A_72, %mul3A_98 : i32
      %add3A_100 = arith.constant 2560 : i32
      %add3A_101 = arith.addi %add3A_100, %mul3A_99 : i32
      %get3A_102 = arith.index_cast %add3A_101 : i32 to index
      %get3A_103 = tpu.vector_load %arg6[%get3A_102] {strides = array<i32>} : memref<10240xf32, #tpu.memory_space<vmem>>, vector<16xf32>,
      %add3A_104 = arith.addf %add3A_97, %get3A_103 : vector<16xf32>
      %mul3A_105 = arith.constant 16 : i32
      %mul3A_106 = arith.muli %scan3A_72, %mul3A_105 : i32
      %add3A_107 = arith.constant 3200 : i32
      %add3A_108 = arith.addi %add3A_107, %mul3A_106 : i32
      %get3A_109 = arith.index_cast %add3A_108 : i32 to index
      %get3A_110 = tpu.vector_load %arg6[%get3A_109] {strides = array<i32>} : memref<10240xf32, #tpu.memory_space<vmem>>, vector<16xf32>,
      %add3A_111 = arith.addf %add3A_104, %get3A_110 : vector<16xf32>
      %mul3A_112 = arith.constant 16 : i32
      %mul3A_113 = arith.muli %scan3A_72, %mul3A_112 : i32
      %add3A_114 = arith.constant 3840 : i32
      %add3A_115 = arith.addi %add3A_114, %mul3A_113 : i32
      %get3A_116 = arith.index_cast %add3A_115 : i32 to index
      %get3A_117 = tpu.vector_load %arg6[%get3A_116] {strides = array<i32>} : memref<10240xf32, #tpu.memory_space<vmem>>, vector<16xf32>,
      %add3A_118 = arith.addf %add3A_111, %get3A_117 : vector<16xf32>
      %mul3A_119 = arith.constant 16 : i32
      %mul3A_120 = arith.muli %scan3A_72, %mul3A_119 : i32
      %add3A_121 = arith.constant 4480 : i32
      %add3A_122 = arith.addi %add3A_121, %mul3A_120 : i32
      %get3A_123 = arith.index_cast %add3A_122 : i32 to index
      %get3A_124 = tpu.vector_load %arg6[%get3A_123] {strides = array<i32>} : memref<10240xf32, #tpu.memory_space<vmem>>, vector<16xf32>,
      %add3A_125 = arith.addf %add3A_118, %get3A_124 : vector<16xf32>
      %mul3A_126 = arith.constant 16 : i32
      %mul3A_127 = arith.muli %scan3A_72, %mul3A_126 : i32
      %add3A_128 = arith.constant 5120 : i32
      %add3A_129 = arith.addi %add3A_128, %mul3A_127 : i32
      %get3A_130 = arith.index_cast %add3A_129 : i32 to index
      %get3A_131 = tpu.vector_load %arg6[%get3A_130] {strides = array<i32>} : memref<10240xf32, #tpu.memory_space<vmem>>, vector<16xf32>,
      %add3A_132 = arith.addf %add3A_125, %get3A_131 : vector<16xf32>
      %mul3A_133 = arith.constant 16 : i32
      %mul3A_134 = arith.muli %scan3A_72, %mul3A_133 : i32
      %add3A_135 = arith.constant 5760 : i32
      %add3A_136 = arith.addi %add3A_135, %mul3A_134 : i32
      %get3A_137 = arith.index_cast %add3A_136 : i32 to index
      %get3A_138 = tpu.vector_load %arg6[%get3A_137] {strides = array<i32>} : memref<10240xf32, #tpu.memory_space<vmem>>, vector<16xf32>,
      %add3A_139 = arith.addf %add3A_132, %get3A_138 : vector<16xf32>
      %mul3A_140 = arith.constant 16 : i32
      %mul3A_141 = arith.muli %scan3A_72, %mul3A_140 : i32
      %add3A_142 = arith.constant 6400 : i32
      %add3A_143 = arith.addi %add3A_142, %mul3A_141 : i32
      %get3A_144 = arith.index_cast %add3A_143 : i32 to index
      %get3A_145 = tpu.vector_load %arg6[%get3A_144] {strides = array<i32>} : memref<10240xf32, #tpu.memory_space<vmem>>, vector<16xf32>,
      %add3A_146 = arith.addf %add3A_139, %get3A_145 : vector<16xf32>
      %mul3A_147 = arith.constant 16 : i32
      %mul3A_148 = arith.muli %scan3A_72, %mul3A_147 : i32
      %add3A_149 = arith.constant 7040 : i32
      %add3A_150 = arith.addi %add3A_149, %mul3A_148 : i32
      %get3A_151 = arith.index_cast %add3A_150 : i32 to index
      %get3A_152 = tpu.vector_load %arg6[%get3A_151] {strides = array<i32>} : memref<10240xf32, #tpu.memory_space<vmem>>, vector<16xf32>,
      %add3A_153 = arith.addf %add3A_146, %get3A_152 : vector<16xf32>
      %mul3A_154 = arith.constant 16 : i32
      %mul3A_155 = arith.muli %scan3A_72, %mul3A_154 : i32
      %add3A_156 = arith.constant 7680 : i32
      %add3A_157 = arith.addi %add3A_156, %mul3A_155 : i32
      %get3A_158 = arith.index_cast %add3A_157 : i32 to index
      %get3A_159 = tpu.vector_load %arg6[%get3A_158] {strides = array<i32>} : memref<10240xf32, #tpu.memory_space<vmem>>, vector<16xf32>,
      %add3A_160 = arith.addf %add3A_153, %get3A_159 : vector<16xf32>
      %mul3A_161 = arith.constant 16 : i32
      %mul3A_162 = arith.muli %scan3A_72, %mul3A_161 : i32
      %add3A_163 = arith.constant 8320 : i32
      %add3A_164 = arith.addi %add3A_163, %mul3A_162 : i32
      %get3A_165 = arith.index_cast %add3A_164 : i32 to index
      %get3A_166 = tpu.vector_load %arg6[%get3A_165] {strides = array<i32>} : memref<10240xf32, #tpu.memory_space<vmem>>, vector<16xf32>,
      %add3A_167 = arith.addf %add3A_160, %get3A_166 : vector<16xf32>
      %mul3A_168 = arith.constant 16 : i32
      %mul3A_169 = arith.muli %scan3A_72, %mul3A_168 : i32
      %add3A_170 = arith.constant 8960 : i32
      %add3A_171 = arith.addi %add3A_170, %mul3A_169 : i32
      %get3A_172 = arith.index_cast %add3A_171 : i32 to index
      %get3A_173 = tpu.vector_load %arg6[%get3A_172] {strides = array<i32>} : memref<10240xf32, #tpu.memory_space<vmem>>, vector<16xf32>,
      %add3A_174 = arith.addf %add3A_167, %get3A_173 : vector<16xf32>
      %mul3A_175 = arith.constant 16 : i32
      %mul3A_176 = arith.muli %scan3A_72, %mul3A_175 : i32
      %add3A_177 = arith.constant 9600 : i32
      %add3A_178 = arith.addi %add3A_177, %mul3A_176 : i32
      %get3A_179 = arith.index_cast %add3A_178 : i32 to index
      %get3A_180 = tpu.vector_load %arg6[%get3A_179] {strides = array<i32>} : memref<10240xf32, #tpu.memory_space<vmem>>, vector<16xf32>,
      %add3A_181 = arith.addf %add3A_174, %get3A_180 : vector<16xf32>
      %mul3A_182 = arith.constant 16 : i32
      %mul3A_183 = arith.muli %scan3A_72, %mul3A_182 : i32
      %swap3A = arith.index_cast %mul3A_183 : i32 to index
      %swap3A_184 = tpu.vector_load %arg5[%swap3A] {strides = array<i32>} : memref<10240xf32, #tpu.memory_space<vmem>>, vector<16xf32>,
      tpu.vector_store %arg5[%swap3A], %add3A_181 {strides = array<i32>} : memref<10240xf32, #tpu.memory_space<vmem>>, vector<16xf32>,
      %scan3A_185 = arith.constant 0 : i32
      scf.yield %scan3A_185 : i32
    }
    %scan3A_57 = arith.constant 40 : i32
    %mul3A_58 = arith.constant 10240 : i32
    %mul3A_59 = arith.muli %arg0, %mul3A_58 : i32
    %mul3A_60 = arith.constant 128 : i32
    %mul3A_61 = arith.muli %mul3A_59, %mul3A_60 : i32
    %mul3A_62 = arith.constant 128 : i32
    %mul3A_63 = arith.muli %mul3A_18, %mul3A_62 : i32
    %add3A_64 = arith.addi %mul3A_61, %mul3A_63 : i32
    %scan3A_65 = arith.constant 0 : i32
    %scan3A_66 = arith.constant 0 : i32
    %scan3A_67 = arith.constant 40 : i32
    %scan3A_68 = arith.addi %scan3A_66, %scan3A_67 : i32
    %scan3A_69 = arith.constant 1 : i32
    %scan3A_70 = scf.for %scan3A_72 = %scan3A_66 to %scan3A_68 step %scan3A_69 iter_args(%scan3A_73 = %scan3A_65) -> (i32)  : i32 {
      %mul3A_74 = arith.constant 16 : i32
      %mul3A_75 = arith.muli %scan3A_72, %mul3A_74 : i32
      %add3A_76 = arith.constant 0 : i32
      %add3A_77 = arith.addi %mul3A_75, %add3A_76 : i32
      %broadcast_in_dim3A_78 = vector.broadcast %add3A_77 : i32 to vector<16xi32>
      %gather3A = tpu.vector_load_idx %arg5[%broadcast_in_dim3A_78] : memref<10240xf32, #tpu.memory_space<vmem>>[vector<16xi32>], vector<16xf32>,
      %swap3A = arith.constant 0 : index
      %swap3A_79 = tpu.vector_load %arg7[%swap3A] {strides = array<i32>} : memref<2048xf32, #tpu.memory_space<vmem>>, vector<16xf32>,
      tpu.vector_store %arg7[%swap3A], %gather3A {strides = array<i32>} : memref<2048xf32, #tpu.memory_space<vmem>>, vector<16xf32>,
      %swap3A_80 = arith.constant 16 : index
      %swap3A_81 = tpu.vector_load %arg7[%swap3A_80] {strides = array<i32>} : memref<2048xf32, #tpu.memory_space<vmem>>, vector<16xf32>,
      tpu.vector_store %arg7[%swap3A_80], %gather3A {strides = array<i32>} : memref<2048xf32, #tpu.memory_space<vmem>>, vector<16xf32>,
      %swap3A_82 = arith.constant 32 : index
      %swap3A_83 = tpu.vector_load %arg7[%swap3A_82] {strides = array<i32>} : memref<2048xf32, #tpu.memory_space<vmem>>, vector<16xf32>,
      tpu.vector_store %arg7[%swap3A_82], %gather3A {strides = array<i32>} : memref<2048xf32, #tpu.memory_space<vmem>>, vector<16xf32>,
      %swap3A_84 = arith.constant 48 : index
      %swap3A_85 = tpu.vector_load %arg7[%swap3A_84] {strides = array<i32>} : memref<2048xf32, #tpu.memory_space<vmem>>, vector<16xf32>,
      tpu.vector_store %arg7[%swap3A_84], %gather3A {strides = array<i32>} : memref<2048xf32, #tpu.memory_space<vmem>>, vector<16xf32>,
      %swap3A_86 = arith.constant 64 : index
      %swap3A_87 = tpu.vector_load %arg7[%swap3A_86] {strides = array<i32>} : memref<2048xf32, #tpu.memory_space<vmem>>, vector<16xf32>,
      tpu.vector_store %arg7[%swap3A_86], %gather3A {strides = array<i32>} : memref<2048xf32, #tpu.memory_space<vmem>>, vector<16xf32>,
      %swap3A_88 = arith.constant 80 : index
      %swap3A_89 = tpu.vector_load %arg7[%swap3A_88] {strides = array<i32>} : memref<2048xf32, #tpu.memory_space<vmem>>, vector<16xf32>,
      tpu.vector_store %arg7[%swap3A_88], %gather3A {strides = array<i32>} : memref<2048xf32, #tpu.memory_space<vmem>>, vector<16xf32>,
      %swap3A_90 = arith.constant 96 : index
      %swap3A_91 = tpu.vector_load %arg7[%swap3A_90] {strides = array<i32>} : memref<2048xf32, #tpu.memory_space<vmem>>, vector<16xf32>,
      tpu.vector_store %arg7[%swap3A_90], %gather3A {strides = array<i32>} : memref<2048xf32, #tpu.memory_space<vmem>>, vector<16xf32>,
      %swap3A_92 = arith.constant 112 : index
      %swap3A_93 = tpu.vector_load %arg7[%swap3A_92] {strides = array<i32>} : memref<2048xf32, #tpu.memory_space<vmem>>, vector<16xf32>,
      tpu.vector_store %arg7[%swap3A_92], %gather3A {strides = array<i32>} : memref<2048xf32, #tpu.memory_space<vmem>>, vector<16xf32>,
      %mul3A_94 = arith.constant 16 : i32
      %mul3A_95 = arith.muli %scan3A_72, %mul3A_94 : i32
      %add3A_96 = arith.constant 1 : i32
      %add3A_97 = arith.addi %mul3A_95, %add3A_96 : i32
      %broadcast_in_dim3A_98 = vector.broadcast %add3A_97 : i32 to vector<16xi32>
      %gather3A_99 = tpu.vector_load_idx %arg5[%broadcast_in_dim3A_98] : memref<10240xf32, #tpu.memory_space<vmem>>[vector<16xi32>], vector<16xf32>,
      %swap3A_100 = arith.constant 128 : index
      %swap3A_101 = tpu.vector_load %arg7[%swap3A_100] {strides = array<i32>} : memref<2048xf32, #tpu.memory_space<vmem>>, vector<16xf32>,
      tpu.vector_store %arg7[%swap3A_100], %gather3A_99 {strides = array<i32>} : memref<2048xf32, #tpu.memory_space<vmem>>, vector<16xf32>,
      %swap3A_102 = arith.constant 144 : index
      %swap3A_103 = tpu.vector_load %arg7[%swap3A_102] {strides = array<i32>} : memref<2048xf32, #tpu.memory_space<vmem>>, vector<16xf32>,
      tpu.vector_store %arg7[%swap3A_102], %gather3A_99 {strides = array<i32>} : memref<2048xf32, #tpu.memory_space<vmem>>, vector<16xf32>,
      %swap3A_104 = arith.constant 160 : index
      %swap3A_105 = tpu.vector_load %arg7[%swap3A_104] {strides = array<i32>} : memref<2048xf32, #tpu.memory_space<vmem>>, vector<16xf32>,
      tpu.vector_store %arg7[%swap3A_104], %gather3A_99 {strides = array<i32>} : memref<2048xf32, #tpu.memory_space<vmem>>, vector<16xf32>,
      %swap3A_106 = arith.constant 176 : index
      %swap3A_107 = tpu.vector_load %arg7[%swap3A_106] {strides = array<i32>} : memref<2048xf32, #tpu.memory_space<vmem>>, vector<16xf32>,
      tpu.vector_store %arg7[%swap3A_106], %gather3A_99 {strides = array<i32>} : memref<2048xf32, #tpu.memory_space<vmem>>, vector<16xf32>,
      %swap3A_108 = arith.constant 192 : index
      %swap3A_109 = tpu.vector_load %arg7[%swap3A_108] {strides = array<i32>} : memref<2048xf32, #tpu.memory_space<vmem>>, vector<16xf32>,
      tpu.vector_store %arg7[%swap3A_108], %gather3A_99 {strides = array<i32>} : memref<2048xf32, #tpu.memory_space<vmem>>, vector<16xf32>,
      %swap3A_110 = arith.constant 208 : index
      %swap3A_111 = tpu.vector_load %arg7[%swap3A_110] {strides = array<i32>} : memref<2048xf32, #tpu.memory_space<vmem>>, vector<16xf32>,
      tpu.vector_store %arg7[%swap3A_110], %gather3A_99 {strides = array<i32>} : memref<2048xf32, #tpu.memory_space<vmem>>, vector<16xf32>,
      %swap3A_112 = arith.constant 224 : index
      %swap3A_113 = tpu.vector_load %arg7[%swap3A_112] {strides = array<i32>} : memref<2048xf32, #tpu.memory_space<vmem>>, vector<16xf32>,
      tpu.vector_store %arg7[%swap3A_112], %gather3A_99 {strides = array<i32>} : memref<2048xf32, #tpu.memory_space<vmem>>, vector<16xf32>,
      %swap3A_114 = arith.constant 240 : index
      %swap3A_115 = tpu.vector_load %arg7[%swap3A_114] {strides = array<i32>} : memref<2048xf32, #tpu.memory_space<vmem>>, vector<16xf32>,
      tpu.vector_store %arg7[%swap3A_114], %gather3A_99 {strides = array<i32>} : memref<2048xf32, #tpu.memory_space<vmem>>, vector<16xf32>,
      %mul3A_116 = arith.constant 16 : i32
      %mul3A_117 = arith.muli %scan3A_72, %mul3A_116 : i32
      %add3A_118 = arith.constant 2 : i32
      %add3A_119 = arith.addi %mul3A_117, %add3A_118 : i32
      %broadcast_in_dim3A_120 = vector.broadcast %add3A_119 : i32 to vector<16xi32>
      %gather3A_121 = tpu.vector_load_idx %arg5[%broadcast_in_dim3A_120] : memref<10240xf32, #tpu.memory_space<vmem>>[vector<16xi32>], vector<16xf32>,
      %swap3A_122 = arith.constant 256 : index
      %swap3A_123 = tpu.vector_load %arg7[%swap3A_122] {strides = array<i32>} : memref<2048xf32, #tpu.memory_space<vmem>>, vector<16xf32>,
      tpu.vector_store %arg7[%swap3A_122], %gather3A_121 {strides = array<i32>} : memref<2048xf32, #tpu.memory_space<vmem>>, vector<16xf32>,
      %swap3A_124 = arith.constant 272 : index
      %swap3A_125 = tpu.vector_load %arg7[%swap3A_124] {strides = array<i32>} : memref<2048xf32, #tpu.memory_space<vmem>>, vector<16xf32>,
      tpu.vector_store %arg7[%swap3A_124], %gather3A_121 {strides = array<i32>} : memref<2048xf32, #tpu.memory_space<vmem>>, vector<16xf32>,
      %swap3A_126 = arith.constant 288 : index
      %swap3A_127 = tpu.vector_load %arg7[%swap3A_126] {strides = array<i32>} : memref<2048xf32, #tpu.memory_space<vmem>>, vector<16xf32>,
      tpu.vector_store %arg7[%swap3A_126], %gather3A_121 {strides = array<i32>} : memref<2048xf32, #tpu.memory_space<vmem>>, vector<16xf32>,
      %swap3A_128 = arith.constant 304 : index
      %swap3A_129 = tpu.vector_load %arg7[%swap3A_128] {strides = array<i32>} : memref<2048xf32, #tpu.memory_space<vmem>>, vector<16xf32>,
      tpu.vector_store %arg7[%swap3A_128], %gather3A_121 {strides = array<i32>} : memref<2048xf32, #tpu.memory_space<vmem>>, vector<16xf32>,
      %swap3A_130 = arith.constant 320 : index
      %swap3A_131 = tpu.vector_load %arg7[%swap3A_130] {strides = array<i32>} : memref<2048xf32, #tpu.memory_space<vmem>>, vector<16xf32>,
      tpu.vector_store %arg7[%swap3A_130], %gather3A_121 {strides = array<i32>} : memref<2048xf32, #tpu.memory_space<vmem>>, vector<16xf32>,
      %swap3A_132 = arith.constant 336 : index
      %swap3A_133 = tpu.vector_load %arg7[%swap3A_132] {strides = array<i32>} : memref<2048xf32, #tpu.memory_space<vmem>>, vector<16xf32>,
      tpu.vector_store %arg7[%swap3A_132], %gather3A_121 {strides = array<i32>} : memref<2048xf32, #tpu.memory_space<vmem>>, vector<16xf32>,
      %swap3A_134 = arith.constant 352 : index
      %swap3A_135 = tpu.vector_load %arg7[%swap3A_134] {strides = array<i32>} : memref<2048xf32, #tpu.memory_space<vmem>>, vector<16xf32>,
      tpu.vector_store %arg7[%swap3A_134], %gather3A_121 {strides = array<i32>} : memref<2048xf32, #tpu.memory_space<vmem>>, vector<16xf32>,
      %swap3A_136 = arith.constant 368 : index
      %swap3A_137 = tpu.vector_load %arg7[%swap3A_136] {strides = array<i32>} : memref<2048xf32, #tpu.memory_space<vmem>>, vector<16xf32>,
      tpu.vector_store %arg7[%swap3A_136], %gather3A_121 {strides = array<i32>} : memref<2048xf32, #tpu.memory_space<vmem>>, vector<16xf32>,
      %mul3A_138 = arith.constant 16 : i32
      %mul3A_139 = arith.muli %scan3A_72, %mul3A_138 : i32
      %add3A_140 = arith.constant 3 : i32
      %add3A_141 = arith.addi %mul3A_139, %add3A_140 : i32
      %broadcast_in_dim3A_142 = vector.broadcast %add3A_141 : i32 to vector<16xi32>
      %gather3A_143 = tpu.vector_load_idx %arg5[%broadcast_in_dim3A_142] : memref<10240xf32, #tpu.memory_space<vmem>>[vector<16xi32>], vector<16xf32>,
      %swap3A_144 = arith.constant 384 : index
      %swap3A_145 = tpu.vector_load %arg7[%swap3A_144] {strides = array<i32>} : memref<2048xf32, #tpu.memory_space<vmem>>, vector<16xf32>,
      tpu.vector_store %arg7[%swap3A_144], %gather3A_143 {strides = array<i32>} : memref<2048xf32, #tpu.memory_space<vmem>>, vector<16xf32>,
      %swap3A_146 = arith.constant 400 : index
      %swap3A_147 = tpu.vector_load %arg7[%swap3A_146] {strides = array<i32>} : memref<2048xf32, #tpu.memory_space<vmem>>, vector<16xf32>,
      tpu.vector_store %arg7[%swap3A_146], %gather3A_143 {strides = array<i32>} : memref<2048xf32, #tpu.memory_space<vmem>>, vector<16xf32>,
      %swap3A_148 = arith.constant 416 : index
      %swap3A_149 = tpu.vector_load %arg7[%swap3A_148] {strides = array<i32>} : memref<2048xf32, #tpu.memory_space<vmem>>, vector<16xf32>,
      tpu.vector_store %arg7[%swap3A_148], %gather3A_143 {strides = array<i32>} : memref<2048xf32, #tpu.memory_space<vmem>>, vector<16xf32>,
      %swap3A_150 = arith.constant 432 : index
      %swap3A_151 = tpu.vector_load %arg7[%swap3A_150] {strides = array<i32>} : memref<2048xf32, #tpu.memory_space<vmem>>, vector<16xf32>,
      tpu.vector_store %arg7[%swap3A_150], %gather3A_143 {strides = array<i32>} : memref<2048xf32, #tpu.memory_space<vmem>>, vector<16xf32>,
      %swap3A_152 = arith.constant 448 : index
      %swap3A_153 = tpu.vector_load %arg7[%swap3A_152] {strides = array<i32>} : memref<2048xf32, #tpu.memory_space<vmem>>, vector<16xf32>,
      tpu.vector_store %arg7[%swap3A_152], %gather3A_143 {strides = array<i32>} : memref<2048xf32, #tpu.memory_space<vmem>>, vector<16xf32>,
      %swap3A_154 = arith.constant 464 : index
      %swap3A_155 = tpu.vector_load %arg7[%swap3A_154] {strides = array<i32>} : memref<2048xf32, #tpu.memory_space<vmem>>, vector<16xf32>,
      tpu.vector_store %arg7[%swap3A_154], %gather3A_143 {strides = array<i32>} : memref<2048xf32, #tpu.memory_space<vmem>>, vector<16xf32>,
      %swap3A_156 = arith.constant 480 : index
      %swap3A_157 = tpu.vector_load %arg7[%swap3A_156] {strides = array<i32>} : memref<2048xf32, #tpu.memory_space<vmem>>, vector<16xf32>,
      tpu.vector_store %arg7[%swap3A_156], %gather3A_143 {strides = array<i32>} : memref<2048xf32, #tpu.memory_space<vmem>>, vector<16xf32>,
      %swap3A_158 = arith.constant 496 : index
      %swap3A_159 = tpu.vector_load %arg7[%swap3A_158] {strides = array<i32>} : memref<2048xf32, #tpu.memory_space<vmem>>, vector<16xf32>,
      tpu.vector_store %arg7[%swap3A_158], %gather3A_143 {strides = array<i32>} : memref<2048xf32, #tpu.memory_space<vmem>>, vector<16xf32>,
      %mul3A_160 = arith.constant 16 : i32
      %mul3A_161 = arith.muli %scan3A_72, %mul3A_160 : i32
      %add3A_162 = arith.constant 4 : i32
      %add3A_163 = arith.addi %mul3A_161, %add3A_162 : i32
      %broadcast_in_dim3A_164 = vector.broadcast %add3A_163 : i32 to vector<16xi32>
      %gather3A_165 = tpu.vector_load_idx %arg5[%broadcast_in_dim3A_164] : memref<10240xf32, #tpu.memory_space<vmem>>[vector<16xi32>], vector<16xf32>,
      %swap3A_166 = arith.constant 512 : index
      %swap3A_167 = tpu.vector_load %arg7[%swap3A_166] {strides = array<i32>} : memref<2048xf32, #tpu.memory_space<vmem>>, vector<16xf32>,
      tpu.vector_store %arg7[%swap3A_166], %gather3A_165 {strides = array<i32>} : memref<2048xf32, #tpu.memory_space<vmem>>, vector<16xf32>,
      %swap3A_168 = arith.constant 528 : index
      %swap3A_169 = tpu.vector_load %arg7[%swap3A_168] {strides = array<i32>} : memref<2048xf32, #tpu.memory_space<vmem>>, vector<16xf32>,
      tpu.vector_store %arg7[%swap3A_168], %gather3A_165 {strides = array<i32>} : memref<2048xf32, #tpu.memory_space<vmem>>, vector<16xf32>,
      %swap3A_170 = arith.constant 544 : index
      %swap3A_171 = tpu.vector_load %arg7[%swap3A_170] {strides = array<i32>} : memref<2048xf32, #tpu.memory_space<vmem>>, vector<16xf32>,
      tpu.vector_store %arg7[%swap3A_170], %gather3A_165 {strides = array<i32>} : memref<2048xf32, #tpu.memory_space<vmem>>, vector<16xf32>,
      %swap3A_172 = arith.constant 560 : index
      %swap3A_173 = tpu.vector_load %arg7[%swap3A_172] {strides = array<i32>} : memref<2048xf32, #tpu.memory_space<vmem>>, vector<16xf32>,
      tpu.vector_store %arg7[%swap3A_172], %gather3A_165 {strides = array<i32>} : memref<2048xf32, #tpu.memory_space<vmem>>, vector<16xf32>,
      %swap3A_174 = arith.constant 576 : index
      %swap3A_175 = tpu.vector_load %arg7[%swap3A_174] {strides = array<i32>} : memref<2048xf32, #tpu.memory_space<vmem>>, vector<16xf32>,
      tpu.vector_store %arg7[%swap3A_174], %gather3A_165 {strides = array<i32>} : memref<2048xf32, #tpu.memory_space<vmem>>, vector<16xf32>,
      %swap3A_176 = arith.constant 592 : index
      %swap3A_177 = tpu.vector_load %arg7[%swap3A_176] {strides = array<i32>} : memref<2048xf32, #tpu.memory_space<vmem>>, vector<16xf32>,
      tpu.vector_store %arg7[%swap3A_176], %gather3A_165 {strides = array<i32>} : memref<2048xf32, #tpu.memory_space<vmem>>, vector<16xf32>,
      %swap3A_178 = arith.constant 608 : index
      %swap3A_179 = tpu.vector_load %arg7[%swap3A_178] {strides = array<i32>} : memref<2048xf32, #tpu.memory_space<vmem>>, vector<16xf32>,
      tpu.vector_store %arg7[%swap3A_178], %gather3A_165 {strides = array<i32>} : memref<2048xf32, #tpu.memory_space<vmem>>, vector<16xf32>,
      %swap3A_180 = arith.constant 624 : index
      %swap3A_181 = tpu.vector_load %arg7[%swap3A_180] {strides = array<i32>} : memref<2048xf32, #tpu.memory_space<vmem>>, vector<16xf32>,
      tpu.vector_store %arg7[%swap3A_180], %gather3A_165 {strides = array<i32>} : memref<2048xf32, #tpu.memory_space<vmem>>, vector<16xf32>,
      %mul3A_182 = arith.constant 16 : i32
      %mul3A_183 = arith.muli %scan3A_72, %mul3A_182 : i32
      %add3A_184 = arith.constant 5 : i32
      %add3A_185 = arith.addi %mul3A_183, %add3A_184 : i32
      %broadcast_in_dim3A_186 = vector.broadcast %add3A_185 : i32 to vector<16xi32>
      %gather3A_187 = tpu.vector_load_idx %arg5[%broadcast_in_dim3A_186] : memref<10240xf32, #tpu.memory_space<vmem>>[vector<16xi32>], vector<16xf32>,
      %swap3A_188 = arith.constant 640 : index
      %swap3A_189 = tpu.vector_load %arg7[%swap3A_188] {strides = array<i32>} : memref<2048xf32, #tpu.memory_space<vmem>>, vector<16xf32>,
      tpu.vector_store %arg7[%swap3A_188], %gather3A_187 {strides = array<i32>} : memref<2048xf32, #tpu.memory_space<vmem>>, vector<16xf32>,
      %swap3A_190 = arith.constant 656 : index
      %swap3A_191 = tpu.vector_load %arg7[%swap3A_190] {strides = array<i32>} : memref<2048xf32, #tpu.memory_space<vmem>>, vector<16xf32>,
      tpu.vector_store %arg7[%swap3A_190], %gather3A_187 {strides = array<i32>} : memref<2048xf32, #tpu.memory_space<vmem>>, vector<16xf32>,
      %swap3A_192 = arith.constant 672 : index
      %swap3A_193 = tpu.vector_load %arg7[%swap3A_192] {strides = array<i32>} : memref<2048xf32, #tpu.memory_space<vmem>>, vector<16xf32>,
      tpu.vector_store %arg7[%swap3A_192], %gather3A_187 {strides = array<i32>} : memref<2048xf32, #tpu.memory_space<vmem>>, vector<16xf32>,
      %swap3A_194 = arith.constant 688 : index
      %swap3A_195 = tpu.vector_load %arg7[%swap3A_194] {strides = array<i32>} : memref<2048xf32, #tpu.memory_space<vmem>>, vector<16xf32>,
      tpu.vector_store %arg7[%swap3A_194], %gather3A_187 {strides = array<i32>} : memref<2048xf32, #tpu.memory_space<vmem>>, vector<16xf32>,
      %swap3A_196 = arith.constant 704 : index
      %swap3A_197 = tpu.vector_load %arg7[%swap3A_196] {strides = array<i32>} : memref<2048xf32, #tpu.memory_space<vmem>>, vector<16xf32>,
      tpu.vector_store %arg7[%swap3A_196], %gather3A_187 {strides = array<i32>} : memref<2048xf32, #tpu.memory_space<vmem>>, vector<16xf32>,
      %swap3A_198 = arith.constant 720 : index
      %swap3A_199 = tpu.vector_load %arg7[%swap3A_198] {strides = array<i32>} : memref<2048xf32, #tpu.memory_space<vmem>>, vector<16xf32>,
      tpu.vector_store %arg7[%swap3A_198], %gather3A_187 {strides = array<i32>} : memref<2048xf32, #tpu.memory_space<vmem>>, vector<16xf32>,
      %swap3A_200 = arith.constant 736 : index
      %swap3A_201 = tpu.vector_load %arg7[%swap3A_200] {strides = array<i32>} : memref<2048xf32, #tpu.memory_space<vmem>>, vector<16xf32>,
      tpu.vector_store %arg7[%swap3A_200], %gather3A_187 {strides = array<i32>} : memref<2048xf32, #tpu.memory_space<vmem>>, vector<16xf32>,
      %swap3A_202 = arith.constant 752 : index
      %swap3A_203 = tpu.vector_load %arg7[%swap3A_202] {strides = array<i32>} : memref<2048xf32, #tpu.memory_space<vmem>>, vector<16xf32>,
      tpu.vector_store %arg7[%swap3A_202], %gather3A_187 {strides = array<i32>} : memref<2048xf32, #tpu.memory_space<vmem>>, vector<16xf32>,
      %mul3A_204 = arith.constant 16 : i32
      %mul3A_205 = arith.muli %scan3A_72, %mul3A_204 : i32
      %add3A_206 = arith.constant 6 : i32
      %add3A_207 = arith.addi %mul3A_205, %add3A_206 : i32
      %broadcast_in_dim3A_208 = vector.broadcast %add3A_207 : i32 to vector<16xi32>
      %gather3A_209 = tpu.vector_load_idx %arg5[%broadcast_in_dim3A_208] : memref<10240xf32, #tpu.memory_space<vmem>>[vector<16xi32>], vector<16xf32>,
      %swap3A_210 = arith.constant 768 : index
      %swap3A_211 = tpu.vector_load %arg7[%swap3A_210] {strides = array<i32>} : memref<2048xf32, #tpu.memory_space<vmem>>, vector<16xf32>,
      tpu.vector_store %arg7[%swap3A_210], %gather3A_209 {strides = array<i32>} : memref<2048xf32, #tpu.memory_space<vmem>>, vector<16xf32>,
      %swap3A_212 = arith.constant 784 : index
      %swap3A_213 = tpu.vector_load %arg7[%swap3A_212] {strides = array<i32>} : memref<2048xf32, #tpu.memory_space<vmem>>, vector<16xf32>,
      tpu.vector_store %arg7[%swap3A_212], %gather3A_209 {strides = array<i32>} : memref<2048xf32, #tpu.memory_space<vmem>>, vector<16xf32>,
      %swap3A_214 = arith.constant 800 : index
      %swap3A_215 = tpu.vector_load %arg7[%swap3A_214] {strides = array<i32>} : memref<2048xf32, #tpu.memory_space<vmem>>, vector<16xf32>,
      tpu.vector_store %arg7[%swap3A_214], %gather3A_209 {strides = array<i32>} : memref<2048xf32, #tpu.memory_space<vmem>>, vector<16xf32>,
      %swap3A_216 = arith.constant 816 : index
      %swap3A_217 = tpu.vector_load %arg7[%swap3A_216] {strides = array<i32>} : memref<2048xf32, #tpu.memory_space<vmem>>, vector<16xf32>,
      tpu.vector_store %arg7[%swap3A_216], %gather3A_209 {strides = array<i32>} : memref<2048xf32, #tpu.memory_space<vmem>>, vector<16xf32>,
      %swap3A_218 = arith.constant 832 : index
      %swap3A_219 = tpu.vector_load %arg7[%swap3A_218] {strides = array<i32>} : memref<2048xf32, #tpu.memory_space<vmem>>, vector<16xf32>,
      tpu.vector_store %arg7[%swap3A_218], %gather3A_209 {strides = array<i32>} : memref<2048xf32, #tpu.memory_space<vmem>>, vector<16xf32>,
      %swap3A_220 = arith.constant 848 : index
      %swap3A_221 = tpu.vector_load %arg7[%swap3A_220] {strides = array<i32>} : memref<2048xf32, #tpu.memory_space<vmem>>, vector<16xf32>,
      tpu.vector_store %arg7[%swap3A_220], %gather3A_209 {strides = array<i32>} : memref<2048xf32, #tpu.memory_space<vmem>>, vector<16xf32>,
      %swap3A_222 = arith.constant 864 : index
      %swap3A_223 = tpu.vector_load %arg7[%swap3A_222] {strides = array<i32>} : memref<2048xf32, #tpu.memory_space<vmem>>, vector<16xf32>,
      tpu.vector_store %arg7[%swap3A_222], %gather3A_209 {strides = array<i32>} : memref<2048xf32, #tpu.memory_space<vmem>>, vector<16xf32>,
      %swap3A_224 = arith.constant 880 : index
      %swap3A_225 = tpu.vector_load %arg7[%swap3A_224] {strides = array<i32>} : memref<2048xf32, #tpu.memory_space<vmem>>, vector<16xf32>,
      tpu.vector_store %arg7[%swap3A_224], %gather3A_209 {strides = array<i32>} : memref<2048xf32, #tpu.memory_space<vmem>>, vector<16xf32>,
      %mul3A_226 = arith.constant 16 : i32
      %mul3A_227 = arith.muli %scan3A_72, %mul3A_226 : i32
      %add3A_228 = arith.constant 7 : i32
      %add3A_229 = arith.addi %mul3A_227, %add3A_228 : i32
      %broadcast_in_dim3A_230 = vector.broadcast %add3A_229 : i32 to vector<16xi32>
      %gather3A_231 = tpu.vector_load_idx %arg5[%broadcast_in_dim3A_230] : memref<10240xf32, #tpu.memory_space<vmem>>[vector<16xi32>], vector<16xf32>,
      %swap3A_232 = arith.constant 896 : index
      %swap3A_233 = tpu.vector_load %arg7[%swap3A_232] {strides = array<i32>} : memref<2048xf32, #tpu.memory_space<vmem>>, vector<16xf32>,
      tpu.vector_store %arg7[%swap3A_232], %gather3A_231 {strides = array<i32>} : memref<2048xf32, #tpu.memory_space<vmem>>, vector<16xf32>,
      %swap3A_234 = arith.constant 912 : index
      %swap3A_235 = tpu.vector_load %arg7[%swap3A_234] {strides = array<i32>} : memref<2048xf32, #tpu.memory_space<vmem>>, vector<16xf32>,
      tpu.vector_store %arg7[%swap3A_234], %gather3A_231 {strides = array<i32>} : memref<2048xf32, #tpu.memory_space<vmem>>, vector<16xf32>,
      %swap3A_236 = arith.constant 928 : index
      %swap3A_237 = tpu.vector_load %arg7[%swap3A_236] {strides = array<i32>} : memref<2048xf32, #tpu.memory_space<vmem>>, vector<16xf32>,
      tpu.vector_store %arg7[%swap3A_236], %gather3A_231 {strides = array<i32>} : memref<2048xf32, #tpu.memory_space<vmem>>, vector<16xf32>,
      %swap3A_238 = arith.constant 944 : index
      %swap3A_239 = tpu.vector_load %arg7[%swap3A_238] {strides = array<i32>} : memref<2048xf32, #tpu.memory_space<vmem>>, vector<16xf32>,
      tpu.vector_store %arg7[%swap3A_238], %gather3A_231 {strides = array<i32>} : memref<2048xf32, #tpu.memory_space<vmem>>, vector<16xf32>,
      %swap3A_240 = arith.constant 960 : index
      %swap3A_241 = tpu.vector_load %arg7[%swap3A_240] {strides = array<i32>} : memref<2048xf32, #tpu.memory_space<vmem>>, vector<16xf32>,
      tpu.vector_store %arg7[%swap3A_240], %gather3A_231 {strides = array<i32>} : memref<2048xf32, #tpu.memory_space<vmem>>, vector<16xf32>,
      %swap3A_242 = arith.constant 976 : index
      %swap3A_243 = tpu.vector_load %arg7[%swap3A_242] {strides = array<i32>} : memref<2048xf32, #tpu.memory_space<vmem>>, vector<16xf32>,
      tpu.vector_store %arg7[%swap3A_242], %gather3A_231 {strides = array<i32>} : memref<2048xf32, #tpu.memory_space<vmem>>, vector<16xf32>,
      %swap3A_244 = arith.constant 992 : index
      %swap3A_245 = tpu.vector_load %arg7[%swap3A_244] {strides = array<i32>} : memref<2048xf32, #tpu.memory_space<vmem>>, vector<16xf32>,
      tpu.vector_store %arg7[%swap3A_244], %gather3A_231 {strides = array<i32>} : memref<2048xf32, #tpu.memory_space<vmem>>, vector<16xf32>,
      %swap3A_246 = arith.constant 1008 : index
      %swap3A_247 = tpu.vector_load %arg7[%swap3A_246] {strides = array<i32>} : memref<2048xf32, #tpu.memory_space<vmem>>, vector<16xf32>,
      tpu.vector_store %arg7[%swap3A_246], %gather3A_231 {strides = array<i32>} : memref<2048xf32, #tpu.memory_space<vmem>>, vector<16xf32>,
      %mul3A_248 = arith.constant 16 : i32
      %mul3A_249 = arith.muli %scan3A_72, %mul3A_248 : i32
      %add3A_250 = arith.constant 8 : i32
      %add3A_251 = arith.addi %mul3A_249, %add3A_250 : i32
      %broadcast_in_dim3A_252 = vector.broadcast %add3A_251 : i32 to vector<16xi32>
      %gather3A_253 = tpu.vector_load_idx %arg5[%broadcast_in_dim3A_252] : memref<10240xf32, #tpu.memory_space<vmem>>[vector<16xi32>], vector<16xf32>,
      %swap3A_254 = arith.constant 1024 : index
      %swap3A_255 = tpu.vector_load %arg7[%swap3A_254] {strides = array<i32>} : memref<2048xf32, #tpu.memory_space<vmem>>, vector<16xf32>,
      tpu.vector_store %arg7[%swap3A_254], %gather3A_253 {strides = array<i32>} : memref<2048xf32, #tpu.memory_space<vmem>>, vector<16xf32>,
      %swap3A_256 = arith.constant 1040 : index
      %swap3A_257 = tpu.vector_load %arg7[%swap3A_256] {strides = array<i32>} : memref<2048xf32, #tpu.memory_space<vmem>>, vector<16xf32>,
      tpu.vector_store %arg7[%swap3A_256], %gather3A_253 {strides = array<i32>} : memref<2048xf32, #tpu.memory_space<vmem>>, vector<16xf32>,
      %swap3A_258 = arith.constant 1056 : index
      %swap3A_259 = tpu.vector_load %arg7[%swap3A_258] {strides = array<i32>} : memref<2048xf32, #tpu.memory_space<vmem>>, vector<16xf32>,
      tpu.vector_store %arg7[%swap3A_258], %gather3A_253 {strides = array<i32>} : memref<2048xf32, #tpu.memory_space<vmem>>, vector<16xf32>,
      %swap3A_260 = arith.constant 1072 : index
      %swap3A_261 = tpu.vector_load %arg7[%swap3A_260] {strides = array<i32>} : memref<2048xf32, #tpu.memory_space<vmem>>, vector<16xf32>,
      tpu.vector_store %arg7[%swap3A_260], %gather3A_253 {strides = array<i32>} : memref<2048xf32, #tpu.memory_space<vmem>>, vector<16xf32>,
      %swap3A_262 = arith.constant 1088 : index
      %swap3A_263 = tpu.vector_load %arg7[%swap3A_262] {strides = array<i32>} : memref<2048xf32, #tpu.memory_space<vmem>>, vector<16xf32>,
      tpu.vector_store %arg7[%swap3A_262], %gather3A_253 {strides = array<i32>} : memref<2048xf32, #tpu.memory_space<vmem>>, vector<16xf32>,
      %swap3A_264 = arith.constant 1104 : index
      %swap3A_265 = tpu.vector_load %arg7[%swap3A_264] {strides = array<i32>} : memref<2048xf32, #tpu.memory_space<vmem>>, vector<16xf32>,
      tpu.vector_store %arg7[%swap3A_264], %gather3A_253 {strides = array<i32>} : memref<2048xf32, #tpu.memory_space<vmem>>, vector<16xf32>,
      %swap3A_266 = arith.constant 1120 : index
      %swap3A_267 = tpu.vector_load %arg7[%swap3A_266] {strides = array<i32>} : memref<2048xf32, #tpu.memory_space<vmem>>, vector<16xf32>,
      tpu.vector_store %arg7[%swap3A_266], %gather3A_253 {strides = array<i32>} : memref<2048xf32, #tpu.memory_space<vmem>>, vector<16xf32>,
      %swap3A_268 = arith.constant 1136 : index
      %swap3A_269 = tpu.vector_load %arg7[%swap3A_268] {strides = array<i32>} : memref<2048xf32, #tpu.memory_space<vmem>>, vector<16xf32>,
      tpu.vector_store %arg7[%swap3A_268], %gather3A_253 {strides = array<i32>} : memref<2048xf32, #tpu.memory_space<vmem>>, vector<16xf32>,
      %mul3A_270 = arith.constant 16 : i32
      %mul3A_271 = arith.muli %scan3A_72, %mul3A_270 : i32
      %add3A_272 = arith.constant 9 : i32
      %add3A_273 = arith.addi %mul3A_271, %add3A_272 : i32
      %broadcast_in_dim3A_274 = vector.broadcast %add3A_273 : i32 to vector<16xi32>
      %gather3A_275 = tpu.vector_load_idx %arg5[%broadcast_in_dim3A_274] : memref<10240xf32, #tpu.memory_space<vmem>>[vector<16xi32>], vector<16xf32>,
      %swap3A_276 = arith.constant 1152 : index
      %swap3A_277 = tpu.vector_load %arg7[%swap3A_276] {strides = array<i32>} : memref<2048xf32, #tpu.memory_space<vmem>>, vector<16xf32>,
      tpu.vector_store %arg7[%swap3A_276], %gather3A_275 {strides = array<i32>} : memref<2048xf32, #tpu.memory_space<vmem>>, vector<16xf32>,
      %swap3A_278 = arith.constant 1168 : index
      %swap3A_279 = tpu.vector_load %arg7[%swap3A_278] {strides = array<i32>} : memref<2048xf32, #tpu.memory_space<vmem>>, vector<16xf32>,
      tpu.vector_store %arg7[%swap3A_278], %gather3A_275 {strides = array<i32>} : memref<2048xf32, #tpu.memory_space<vmem>>, vector<16xf32>,
      %swap3A_280 = arith.constant 1184 : index
      %swap3A_281 = tpu.vector_load %arg7[%swap3A_280] {strides = array<i32>} : memref<2048xf32, #tpu.memory_space<vmem>>, vector<16xf32>,
      tpu.vector_store %arg7[%swap3A_280], %gather3A_275 {strides = array<i32>} : memref<2048xf32, #tpu.memory_space<vmem>>, vector<16xf32>,
      %swap3A_282 = arith.constant 1200 : index
      %swap3A_283 = tpu.vector_load %arg7[%swap3A_282] {strides = array<i32>} : memref<2048xf32, #tpu.memory_space<vmem>>, vector<16xf32>,
      tpu.vector_store %arg7[%swap3A_282], %gather3A_275 {strides = array<i32>} : memref<2048xf32, #tpu.memory_space<vmem>>, vector<16xf32>,
      %swap3A_284 = arith.constant 1216 : index
      %swap3A_285 = tpu.vector_load %arg7[%swap3A_284] {strides = array<i32>} : memref<2048xf32, #tpu.memory_space<vmem>>, vector<16xf32>,
      tpu.vector_store %arg7[%swap3A_284], %gather3A_275 {strides = array<i32>} : memref<2048xf32, #tpu.memory_space<vmem>>, vector<16xf32>,
      %swap3A_286 = arith.constant 1232 : index
      %swap3A_287 = tpu.vector_load %arg7[%swap3A_286] {strides = array<i32>} : memref<2048xf32, #tpu.memory_space<vmem>>, vector<16xf32>,
      tpu.vector_store %arg7[%swap3A_286], %gather3A_275 {strides = array<i32>} : memref<2048xf32, #tpu.memory_space<vmem>>, vector<16xf32>,
      %swap3A_288 = arith.constant 1248 : index
      %swap3A_289 = tpu.vector_load %arg7[%swap3A_288] {strides = array<i32>} : memref<2048xf32, #tpu.memory_space<vmem>>, vector<16xf32>,
      tpu.vector_store %arg7[%swap3A_288], %gather3A_275 {strides = array<i32>} : memref<2048xf32, #tpu.memory_space<vmem>>, vector<16xf32>,
      %swap3A_290 = arith.constant 1264 : index
      %swap3A_291 = tpu.vector_load %arg7[%swap3A_290] {strides = array<i32>} : memref<2048xf32, #tpu.memory_space<vmem>>, vector<16xf32>,
      tpu.vector_store %arg7[%swap3A_290], %gather3A_275 {strides = array<i32>} : memref<2048xf32, #tpu.memory_space<vmem>>, vector<16xf32>,
      %mul3A_292 = arith.constant 16 : i32
      %mul3A_293 = arith.muli %scan3A_72, %mul3A_292 : i32
      %add3A_294 = arith.constant 10 : i32
      %add3A_295 = arith.addi %mul3A_293, %add3A_294 : i32
      %broadcast_in_dim3A_296 = vector.broadcast %add3A_295 : i32 to vector<16xi32>
      %gather3A_297 = tpu.vector_load_idx %arg5[%broadcast_in_dim3A_296] : memref<10240xf32, #tpu.memory_space<vmem>>[vector<16xi32>], vector<16xf32>,
      %swap3A_298 = arith.constant 1280 : index
      %swap3A_299 = tpu.vector_load %arg7[%swap3A_298] {strides = array<i32>} : memref<2048xf32, #tpu.memory_space<vmem>>, vector<16xf32>,
      tpu.vector_store %arg7[%swap3A_298], %gather3A_297 {strides = array<i32>} : memref<2048xf32, #tpu.memory_space<vmem>>, vector<16xf32>,
      %swap3A_300 = arith.constant 1296 : index
      %swap3A_301 = tpu.vector_load %arg7[%swap3A_300] {strides = array<i32>} : memref<2048xf32, #tpu.memory_space<vmem>>, vector<16xf32>,
      tpu.vector_store %arg7[%swap3A_300], %gather3A_297 {strides = array<i32>} : memref<2048xf32, #tpu.memory_space<vmem>>, vector<16xf32>,
      %swap3A_302 = arith.constant 1312 : index
      %swap3A_303 = tpu.vector_load %arg7[%swap3A_302] {strides = array<i32>} : memref<2048xf32, #tpu.memory_space<vmem>>, vector<16xf32>,
      tpu.vector_store %arg7[%swap3A_302], %gather3A_297 {strides = array<i32>} : memref<2048xf32, #tpu.memory_space<vmem>>, vector<16xf32>,
      %swap3A_304 = arith.constant 1328 : index
      %swap3A_305 = tpu.vector_load %arg7[%swap3A_304] {strides = array<i32>} : memref<2048xf32, #tpu.memory_space<vmem>>, vector<16xf32>,
      tpu.vector_store %arg7[%swap3A_304], %gather3A_297 {strides = array<i32>} : memref<2048xf32, #tpu.memory_space<vmem>>, vector<16xf32>,
      %swap3A_306 = arith.constant 1344 : index
      %swap3A_307 = tpu.vector_load %arg7[%swap3A_306] {strides = array<i32>} : memref<2048xf32, #tpu.memory_space<vmem>>, vector<16xf32>,
      tpu.vector_store %arg7[%swap3A_306], %gather3A_297 {strides = array<i32>} : memref<2048xf32, #tpu.memory_space<vmem>>, vector<16xf32>,
      %swap3A_308 = arith.constant 1360 : index
      %swap3A_309 = tpu.vector_load %arg7[%swap3A_308] {strides = array<i32>} : memref<2048xf32, #tpu.memory_space<vmem>>, vector<16xf32>,
      tpu.vector_store %arg7[%swap3A_308], %gather3A_297 {strides = array<i32>} : memref<2048xf32, #tpu.memory_space<vmem>>, vector<16xf32>,
      %swap3A_310 = arith.constant 1376 : index
      %swap3A_311 = tpu.vector_load %arg7[%swap3A_310] {strides = array<i32>} : memref<2048xf32, #tpu.memory_space<vmem>>, vector<16xf32>,
      tpu.vector_store %arg7[%swap3A_310], %gather3A_297 {strides = array<i32>} : memref<2048xf32, #tpu.memory_space<vmem>>, vector<16xf32>,
      %swap3A_312 = arith.constant 1392 : index
      %swap3A_313 = tpu.vector_load %arg7[%swap3A_312] {strides = array<i32>} : memref<2048xf32, #tpu.memory_space<vmem>>, vector<16xf32>,
      tpu.vector_store %arg7[%swap3A_312], %gather3A_297 {strides = array<i32>} : memref<2048xf32, #tpu.memory_space<vmem>>, vector<16xf32>,
      %mul3A_314 = arith.constant 16 : i32
      %mul3A_315 = arith.muli %scan3A_72, %mul3A_314 : i32
      %add3A_316 = arith.constant 11 : i32
      %add3A_317 = arith.addi %mul3A_315, %add3A_316 : i32
      %broadcast_in_dim3A_318 = vector.broadcast %add3A_317 : i32 to vector<16xi32>
      %gather3A_319 = tpu.vector_load_idx %arg5[%broadcast_in_dim3A_318] : memref<10240xf32, #tpu.memory_space<vmem>>[vector<16xi32>], vector<16xf32>,
      %swap3A_320 = arith.constant 1408 : index
      %swap3A_321 = tpu.vector_load %arg7[%swap3A_320] {strides = array<i32>} : memref<2048xf32, #tpu.memory_space<vmem>>, vector<16xf32>,
      tpu.vector_store %arg7[%swap3A_320], %gather3A_319 {strides = array<i32>} : memref<2048xf32, #tpu.memory_space<vmem>>, vector<16xf32>,
      %swap3A_322 = arith.constant 1424 : index
      %swap3A_323 = tpu.vector_load %arg7[%swap3A_322] {strides = array<i32>} : memref<2048xf32, #tpu.memory_space<vmem>>, vector<16xf32>,
      tpu.vector_store %arg7[%swap3A_322], %gather3A_319 {strides = array<i32>} : memref<2048xf32, #tpu.memory_space<vmem>>, vector<16xf32>,
      %swap3A_324 = arith.constant 1440 : index
      %swap3A_325 = tpu.vector_load %arg7[%swap3A_324] {strides = array<i32>} : memref<2048xf32, #tpu.memory_space<vmem>>, vector<16xf32>,
      tpu.vector_store %arg7[%swap3A_324], %gather3A_319 {strides = array<i32>} : memref<2048xf32, #tpu.memory_space<vmem>>, vector<16xf32>,
      %swap3A_326 = arith.constant 1456 : index
      %swap3A_327 = tpu.vector_load %arg7[%swap3A_326] {strides = array<i32>} : memref<2048xf32, #tpu.memory_space<vmem>>, vector<16xf32>,
      tpu.vector_store %arg7[%swap3A_326], %gather3A_319 {strides = array<i32>} : memref<2048xf32, #tpu.memory_space<vmem>>, vector<16xf32>,
      %swap3A_328 = arith.constant 1472 : index
      %swap3A_329 = tpu.vector_load %arg7[%swap3A_328] {strides = array<i32>} : memref<2048xf32, #tpu.memory_space<vmem>>, vector<16xf32>,
      tpu.vector_store %arg7[%swap3A_328], %gather3A_319 {strides = array<i32>} : memref<2048xf32, #tpu.memory_space<vmem>>, vector<16xf32>,
      %swap3A_330 = arith.constant 1488 : index
      %swap3A_331 = tpu.vector_load %arg7[%swap3A_330] {strides = array<i32>} : memref<2048xf32, #tpu.memory_space<vmem>>, vector<16xf32>,
      tpu.vector_store %arg7[%swap3A_330], %gather3A_319 {strides = array<i32>} : memref<2048xf32, #tpu.memory_space<vmem>>, vector<16xf32>,
      %swap3A_332 = arith.constant 1504 : index
      %swap3A_333 = tpu.vector_load %arg7[%swap3A_332] {strides = array<i32>} : memref<2048xf32, #tpu.memory_space<vmem>>, vector<16xf32>,
      tpu.vector_store %arg7[%swap3A_332], %gather3A_319 {strides = array<i32>} : memref<2048xf32, #tpu.memory_space<vmem>>, vector<16xf32>,
      %swap3A_334 = arith.constant 1520 : index
      %swap3A_335 = tpu.vector_load %arg7[%swap3A_334] {strides = array<i32>} : memref<2048xf32, #tpu.memory_space<vmem>>, vector<16xf32>,
      tpu.vector_store %arg7[%swap3A_334], %gather3A_319 {strides = array<i32>} : memref<2048xf32, #tpu.memory_space<vmem>>, vector<16xf32>,
      %mul3A_336 = arith.constant 16 : i32
      %mul3A_337 = arith.muli %scan3A_72, %mul3A_336 : i32
      %add3A_338 = arith.constant 12 : i32
      %add3A_339 = arith.addi %mul3A_337, %add3A_338 : i32
      %broadcast_in_dim3A_340 = vector.broadcast %add3A_339 : i32 to vector<16xi32>
      %gather3A_341 = tpu.vector_load_idx %arg5[%broadcast_in_dim3A_340] : memref<10240xf32, #tpu.memory_space<vmem>>[vector<16xi32>], vector<16xf32>,
      %swap3A_342 = arith.constant 1536 : index
      %swap3A_343 = tpu.vector_load %arg7[%swap3A_342] {strides = array<i32>} : memref<2048xf32, #tpu.memory_space<vmem>>, vector<16xf32>,
      tpu.vector_store %arg7[%swap3A_342], %gather3A_341 {strides = array<i32>} : memref<2048xf32, #tpu.memory_space<vmem>>, vector<16xf32>,
      %swap3A_344 = arith.constant 1552 : index
      %swap3A_345 = tpu.vector_load %arg7[%swap3A_344] {strides = array<i32>} : memref<2048xf32, #tpu.memory_space<vmem>>, vector<16xf32>,
      tpu.vector_store %arg7[%swap3A_344], %gather3A_341 {strides = array<i32>} : memref<2048xf32, #tpu.memory_space<vmem>>, vector<16xf32>,
      %swap3A_346 = arith.constant 1568 : index
      %swap3A_347 = tpu.vector_load %arg7[%swap3A_346] {strides = array<i32>} : memref<2048xf32, #tpu.memory_space<vmem>>, vector<16xf32>,
      tpu.vector_store %arg7[%swap3A_346], %gather3A_341 {strides = array<i32>} : memref<2048xf32, #tpu.memory_space<vmem>>, vector<16xf32>,
      %swap3A_348 = arith.constant 1584 : index
      %swap3A_349 = tpu.vector_load %arg7[%swap3A_348] {strides = array<i32>} : memref<2048xf32, #tpu.memory_space<vmem>>, vector<16xf32>,
      tpu.vector_store %arg7[%swap3A_348], %gather3A_341 {strides = array<i32>} : memref<2048xf32, #tpu.memory_space<vmem>>, vector<16xf32>,
      %swap3A_350 = arith.constant 1600 : index
      %swap3A_351 = tpu.vector_load %arg7[%swap3A_350] {strides = array<i32>} : memref<2048xf32, #tpu.memory_space<vmem>>, vector<16xf32>,
      tpu.vector_store %arg7[%swap3A_350], %gather3A_341 {strides = array<i32>} : memref<2048xf32, #tpu.memory_space<vmem>>, vector<16xf32>,
      %swap3A_352 = arith.constant 1616 : index
      %swap3A_353 = tpu.vector_load %arg7[%swap3A_352] {strides = array<i32>} : memref<2048xf32, #tpu.memory_space<vmem>>, vector<16xf32>,
      tpu.vector_store %arg7[%swap3A_352], %gather3A_341 {strides = array<i32>} : memref<2048xf32, #tpu.memory_space<vmem>>, vector<16xf32>,
      %swap3A_354 = arith.constant 1632 : index
      %swap3A_355 = tpu.vector_load %arg7[%swap3A_354] {strides = array<i32>} : memref<2048xf32, #tpu.memory_space<vmem>>, vector<16xf32>,
      tpu.vector_store %arg7[%swap3A_354], %gather3A_341 {strides = array<i32>} : memref<2048xf32, #tpu.memory_space<vmem>>, vector<16xf32>,
      %swap3A_356 = arith.constant 1648 : index
      %swap3A_357 = tpu.vector_load %arg7[%swap3A_356] {strides = array<i32>} : memref<2048xf32, #tpu.memory_space<vmem>>, vector<16xf32>,
      tpu.vector_store %arg7[%swap3A_356], %gather3A_341 {strides = array<i32>} : memref<2048xf32, #tpu.memory_space<vmem>>, vector<16xf32>,
      %mul3A_358 = arith.constant 16 : i32
      %mul3A_359 = arith.muli %scan3A_72, %mul3A_358 : i32
      %add3A_360 = arith.constant 13 : i32
      %add3A_361 = arith.addi %mul3A_359, %add3A_360 : i32
      %broadcast_in_dim3A_362 = vector.broadcast %add3A_361 : i32 to vector<16xi32>
      %gather3A_363 = tpu.vector_load_idx %arg5[%broadcast_in_dim3A_362] : memref<10240xf32, #tpu.memory_space<vmem>>[vector<16xi32>], vector<16xf32>,
      %swap3A_364 = arith.constant 1664 : index
      %swap3A_365 = tpu.vector_load %arg7[%swap3A_364] {strides = array<i32>} : memref<2048xf32, #tpu.memory_space<vmem>>, vector<16xf32>,
      tpu.vector_store %arg7[%swap3A_364], %gather3A_363 {strides = array<i32>} : memref<2048xf32, #tpu.memory_space<vmem>>, vector<16xf32>,
      %swap3A_366 = arith.constant 1680 : index
      %swap3A_367 = tpu.vector_load %arg7[%swap3A_366] {strides = array<i32>} : memref<2048xf32, #tpu.memory_space<vmem>>, vector<16xf32>,
      tpu.vector_store %arg7[%swap3A_366], %gather3A_363 {strides = array<i32>} : memref<2048xf32, #tpu.memory_space<vmem>>, vector<16xf32>,
      %swap3A_368 = arith.constant 1696 : index
      %swap3A_369 = tpu.vector_load %arg7[%swap3A_368] {strides = array<i32>} : memref<2048xf32, #tpu.memory_space<vmem>>, vector<16xf32>,
      tpu.vector_store %arg7[%swap3A_368], %gather3A_363 {strides = array<i32>} : memref<2048xf32, #tpu.memory_space<vmem>>, vector<16xf32>,
      %swap3A_370 = arith.constant 1712 : index
      %swap3A_371 = tpu.vector_load %arg7[%swap3A_370] {strides = array<i32>} : memref<2048xf32, #tpu.memory_space<vmem>>, vector<16xf32>,
      tpu.vector_store %arg7[%swap3A_370], %gather3A_363 {strides = array<i32>} : memref<2048xf32, #tpu.memory_space<vmem>>, vector<16xf32>,
      %swap3A_372 = arith.constant 1728 : index
      %swap3A_373 = tpu.vector_load %arg7[%swap3A_372] {strides = array<i32>} : memref<2048xf32, #tpu.memory_space<vmem>>, vector<16xf32>,
      tpu.vector_store %arg7[%swap3A_372], %gather3A_363 {strides = array<i32>} : memref<2048xf32, #tpu.memory_space<vmem>>, vector<16xf32>,
      %swap3A_374 = arith.constant 1744 : index
      %swap3A_375 = tpu.vector_load %arg7[%swap3A_374] {strides = array<i32>} : memref<2048xf32, #tpu.memory_space<vmem>>, vector<16xf32>,
      tpu.vector_store %arg7[%swap3A_374], %gather3A_363 {strides = array<i32>} : memref<2048xf32, #tpu.memory_space<vmem>>, vector<16xf32>,
      %swap3A_376 = arith.constant 1760 : index
      %swap3A_377 = tpu.vector_load %arg7[%swap3A_376] {strides = array<i32>} : memref<2048xf32, #tpu.memory_space<vmem>>, vector<16xf32>,
      tpu.vector_store %arg7[%swap3A_376], %gather3A_363 {strides = array<i32>} : memref<2048xf32, #tpu.memory_space<vmem>>, vector<16xf32>,
      %swap3A_378 = arith.constant 1776 : index
      %swap3A_379 = tpu.vector_load %arg7[%swap3A_378] {strides = array<i32>} : memref<2048xf32, #tpu.memory_space<vmem>>, vector<16xf32>,
      tpu.vector_store %arg7[%swap3A_378], %gather3A_363 {strides = array<i32>} : memref<2048xf32, #tpu.memory_space<vmem>>, vector<16xf32>,
      %mul3A_380 = arith.constant 16 : i32
      %mul3A_381 = arith.muli %scan3A_72, %mul3A_380 : i32
      %add3A_382 = arith.constant 14 : i32
      %add3A_383 = arith.addi %mul3A_381, %add3A_382 : i32
      %broadcast_in_dim3A_384 = vector.broadcast %add3A_383 : i32 to vector<16xi32>
      %gather3A_385 = tpu.vector_load_idx %arg5[%broadcast_in_dim3A_384] : memref<10240xf32, #tpu.memory_space<vmem>>[vector<16xi32>], vector<16xf32>,
      %swap3A_386 = arith.constant 1792 : index
      %swap3A_387 = tpu.vector_load %arg7[%swap3A_386] {strides = array<i32>} : memref<2048xf32, #tpu.memory_space<vmem>>, vector<16xf32>,
      tpu.vector_store %arg7[%swap3A_386], %gather3A_385 {strides = array<i32>} : memref<2048xf32, #tpu.memory_space<vmem>>, vector<16xf32>,
      %swap3A_388 = arith.constant 1808 : index
      %swap3A_389 = tpu.vector_load %arg7[%swap3A_388] {strides = array<i32>} : memref<2048xf32, #tpu.memory_space<vmem>>, vector<16xf32>,
      tpu.vector_store %arg7[%swap3A_388], %gather3A_385 {strides = array<i32>} : memref<2048xf32, #tpu.memory_space<vmem>>, vector<16xf32>,
      %swap3A_390 = arith.constant 1824 : index
      %swap3A_391 = tpu.vector_load %arg7[%swap3A_390] {strides = array<i32>} : memref<2048xf32, #tpu.memory_space<vmem>>, vector<16xf32>,
      tpu.vector_store %arg7[%swap3A_390], %gather3A_385 {strides = array<i32>} : memref<2048xf32, #tpu.memory_space<vmem>>, vector<16xf32>,
      %swap3A_392 = arith.constant 1840 : index
      %swap3A_393 = tpu.vector_load %arg7[%swap3A_392] {strides = array<i32>} : memref<2048xf32, #tpu.memory_space<vmem>>, vector<16xf32>,
      tpu.vector_store %arg7[%swap3A_392], %gather3A_385 {strides = array<i32>} : memref<2048xf32, #tpu.memory_space<vmem>>, vector<16xf32>,
      %swap3A_394 = arith.constant 1856 : index
      %swap3A_395 = tpu.vector_load %arg7[%swap3A_394] {strides = array<i32>} : memref<2048xf32, #tpu.memory_space<vmem>>, vector<16xf32>,
      tpu.vector_store %arg7[%swap3A_394], %gather3A_385 {strides = array<i32>} : memref<2048xf32, #tpu.memory_space<vmem>>, vector<16xf32>,
      %swap3A_396 = arith.constant 1872 : index
      %swap3A_397 = tpu.vector_load %arg7[%swap3A_396] {strides = array<i32>} : memref<2048xf32, #tpu.memory_space<vmem>>, vector<16xf32>,
      tpu.vector_store %arg7[%swap3A_396], %gather3A_385 {strides = array<i32>} : memref<2048xf32, #tpu.memory_space<vmem>>, vector<16xf32>,
      %swap3A_398 = arith.constant 1888 : index
      %swap3A_399 = tpu.vector_load %arg7[%swap3A_398] {strides = array<i32>} : memref<2048xf32, #tpu.memory_space<vmem>>, vector<16xf32>,
      tpu.vector_store %arg7[%swap3A_398], %gather3A_385 {strides = array<i32>} : memref<2048xf32, #tpu.memory_space<vmem>>, vector<16xf32>,
      %swap3A_400 = arith.constant 1904 : index
      %swap3A_401 = tpu.vector_load %arg7[%swap3A_400] {strides = array<i32>} : memref<2048xf32, #tpu.memory_space<vmem>>, vector<16xf32>,
      tpu.vector_store %arg7[%swap3A_400], %gather3A_385 {strides = array<i32>} : memref<2048xf32, #tpu.memory_space<vmem>>, vector<16xf32>,
      %mul3A_402 = arith.constant 16 : i32
      %mul3A_403 = arith.muli %scan3A_72, %mul3A_402 : i32
      %add3A_404 = arith.constant 15 : i32
      %add3A_405 = arith.addi %mul3A_403, %add3A_404 : i32
      %broadcast_in_dim3A_406 = vector.broadcast %add3A_405 : i32 to vector<16xi32>
      %gather3A_407 = tpu.vector_load_idx %arg5[%broadcast_in_dim3A_406] : memref<10240xf32, #tpu.memory_space<vmem>>[vector<16xi32>], vector<16xf32>,
      %swap3A_408 = arith.constant 1920 : index
      %swap3A_409 = tpu.vector_load %arg7[%swap3A_408] {strides = array<i32>} : memref<2048xf32, #tpu.memory_space<vmem>>, vector<16xf32>,
      tpu.vector_store %arg7[%swap3A_408], %gather3A_407 {strides = array<i32>} : memref<2048xf32, #tpu.memory_space<vmem>>, vector<16xf32>,
      %swap3A_410 = arith.constant 1936 : index
      %swap3A_411 = tpu.vector_load %arg7[%swap3A_410] {strides = array<i32>} : memref<2048xf32, #tpu.memory_space<vmem>>, vector<16xf32>,
      tpu.vector_store %arg7[%swap3A_410], %gather3A_407 {strides = array<i32>} : memref<2048xf32, #tpu.memory_space<vmem>>, vector<16xf32>,
      %swap3A_412 = arith.constant 1952 : index
      %swap3A_413 = tpu.vector_load %arg7[%swap3A_412] {strides = array<i32>} : memref<2048xf32, #tpu.memory_space<vmem>>, vector<16xf32>,
      tpu.vector_store %arg7[%swap3A_412], %gather3A_407 {strides = array<i32>} : memref<2048xf32, #tpu.memory_space<vmem>>, vector<16xf32>,
      %swap3A_414 = arith.constant 1968 : index
      %swap3A_415 = tpu.vector_load %arg7[%swap3A_414] {strides = array<i32>} : memref<2048xf32, #tpu.memory_space<vmem>>, vector<16xf32>,
      tpu.vector_store %arg7[%swap3A_414], %gather3A_407 {strides = array<i32>} : memref<2048xf32, #tpu.memory_space<vmem>>, vector<16xf32>,
      %swap3A_416 = arith.constant 1984 : index
      %swap3A_417 = tpu.vector_load %arg7[%swap3A_416] {strides = array<i32>} : memref<2048xf32, #tpu.memory_space<vmem>>, vector<16xf32>,
      tpu.vector_store %arg7[%swap3A_416], %gather3A_407 {strides = array<i32>} : memref<2048xf32, #tpu.memory_space<vmem>>, vector<16xf32>,
      %swap3A_418 = arith.constant 2000 : index
      %swap3A_419 = tpu.vector_load %arg7[%swap3A_418] {strides = array<i32>} : memref<2048xf32, #tpu.memory_space<vmem>>, vector<16xf32>,
      tpu.vector_store %arg7[%swap3A_418], %gather3A_407 {strides = array<i32>} : memref<2048xf32, #tpu.memory_space<vmem>>, vector<16xf32>,
      %swap3A_420 = arith.constant 2016 : index
      %swap3A_421 = tpu.vector_load %arg7[%swap3A_420] {strides = array<i32>} : memref<2048xf32, #tpu.memory_space<vmem>>, vector<16xf32>,
      tpu.vector_store %arg7[%swap3A_420], %gather3A_407 {strides = array<i32>} : memref<2048xf32, #tpu.memory_space<vmem>>, vector<16xf32>,
      %swap3A_422 = arith.constant 2032 : index
      %swap3A_423 = tpu.vector_load %arg7[%swap3A_422] {strides = array<i32>} : memref<2048xf32, #tpu.memory_space<vmem>>, vector<16xf32>,
      tpu.vector_store %arg7[%swap3A_422], %gather3A_407 {strides = array<i32>} : memref<2048xf32, #tpu.memory_space<vmem>>, vector<16xf32>,
      %mul3A_424 = arith.constant 16 : i32
      %mul3A_425 = arith.muli %scan3A_72, %mul3A_424 : i32
      %mul3A_426 = arith.constant 128 : i32
      %mul3A_427 = arith.muli %mul3A_425, %mul3A_426 : i32
      %add3A_428 = arith.addi %add3A_64, %mul3A_427 : i32
      "tpu.region"() ({
        %run_scoped3A = tpu.sem_alloc : memref<!tpu.dma_semaphore, #tpu.memory_space<semaphore_mem>>
        %dma_start3A = tpu.memref_slice %arg3[%add3A_428] : memref<2621440xf32, #tpu.memory_space<hbm>> -> memref<2048xf32, #tpu.memory_space<hbm>>
        %dma_start3A_430 = tpu.memref_slice %arg3[%add3A_428] : memref<2621440xf32, #tpu.memory_space<hbm>> -> memref<2048xf32, #tpu.memory_space<hbm>>
        tpu.enqueue_dma source(%arg7 : memref<2048xf32, #tpu.memory_space<vmem>>) target(%dma_start3A_430 : memref<2048xf32, #tpu.memory_space<hbm>>) target_semaphore(%run_scoped3A : memref<!tpu.dma_semaphore, #tpu.memory_space<semaphore_mem>>)
        %dma_wait3A = tpu.memref_slice %arg3[%add3A_428] : memref<2621440xf32, #tpu.memory_space<hbm>> -> memref<2048xf32, #tpu.memory_space<hbm>>
        %dma_wait3A_431 = tpu.memref_slice %arg3[%add3A_428] : memref<2621440xf32, #tpu.memory_space<hbm>> -> memref<2048xf32, #tpu.memory_space<hbm>>
        tpu.wait_dma2 semaphore(%run_scoped3A : memref<!tpu.dma_semaphore, #tpu.memory_space<semaphore_mem>>) src(%arg7 : memref<2048xf32, #tpu.memory_space<vmem>>) dst(%dma_wait3A_431 : memref<2048xf32, #tpu.memory_space<hbm>>)
        tpu.yield
      }) : () -> ()
      %scan3A_429 = arith.constant 0 : i32
      scf.yield %scan3A_429 : i32
    }
    %scan3A_71 = arith.constant 40 : i32
    return
  }
}

module attributes {stable_mosaic.version = 14 : i64} {
  func.func @_sage_body(%arg0: i32, %arg1: memref<2x2000x128xf32, #tpu.memory_space<vmem>>, %arg2: memref<2x2000x128xf32, #tpu.memory_space<vmem>>, %arg3: memref<2000x128xf32, #tpu.memory_space<vmem>>, %arg4: memref<128x128xf32, #tpu.memory_space<vmem>>, %arg5: memref<1x128xf32, #tpu.memory_space<vmem>>, %arg6: memref<128x128xf32, #tpu.memory_space<vmem>>, %arg7: memref<2000x128xf32, #tpu.memory_space<vmem>>) attributes {dimension_semantics = [#tpu.dimension_semantics<arbitrary>], iteration_bounds = array<i64: 5>, scalar_prefetch = 0 : i64, scratch_operands = 0 : i64, tpu.core_type = #tpu.core_type<tc>, window_params = [{transform_indices = @transform_0, window_bounds = array<i64: 2, 2000, 128>}, {transform_indices = @transform_1, window_bounds = array<i64: 2, 2000, 128>}, {transform_indices = @transform_2, window_bounds = array<i64: 2000, 128>}, {pipeline_mode = #tpu.pipeline_mode<synchronous>, transform_indices = @transform_3, window_bounds = array<i64: 128, 128>}, {pipeline_mode = #tpu.pipeline_mode<synchronous>, transform_indices = @transform_4, window_bounds = array<i64: 1, 128>}, {pipeline_mode = #tpu.pipeline_mode<synchronous>, transform_indices = @transform_5, window_bounds = array<i64: 128, 128>}, {transform_indices = @transform_6, window_bounds = array<i64: 2000, 128>}]} {
    %get3A = arith.constant 0 : index
    %get3A_0 = arith.constant 0 : index
    %get3A_1 = arith.constant 0 : index
    %get3A_2 = vector.load %arg1[%get3A, %get3A_0, %get3A_1] : memref<2x2000x128xf32, #tpu.memory_space<vmem>>, vector<1x2000x128xf32>
    %get3A_3 = vector.shape_cast %get3A_2 : vector<1x2000x128xf32> to vector<2000x128xf32>
    %get3A_4 = arith.constant 1 : index
    %get3A_5 = arith.constant 0 : index
    %get3A_6 = arith.constant 0 : index
    %get3A_7 = vector.load %arg1[%get3A_4, %get3A_5, %get3A_6] : memref<2x2000x128xf32, #tpu.memory_space<vmem>>, vector<1x2000x128xf32>
    %get3A_8 = vector.shape_cast %get3A_7 : vector<1x2000x128xf32> to vector<2000x128xf32>
    %add3A = arith.addf %get3A_3, %get3A_8 : vector<2000x128xf32>
    %get3A_9 = arith.constant 0 : index
    %get3A_10 = arith.constant 0 : index
    %get3A_11 = arith.constant 0 : index
    %get3A_12 = vector.load %arg2[%get3A_9, %get3A_10, %get3A_11] : memref<2x2000x128xf32, #tpu.memory_space<vmem>>, vector<1x2000x128xf32>
    %get3A_13 = vector.shape_cast %get3A_12 : vector<1x2000x128xf32> to vector<2000x128xf32>
    %get3A_14 = arith.constant 1 : index
    %get3A_15 = arith.constant 0 : index
    %get3A_16 = arith.constant 0 : index
    %get3A_17 = vector.load %arg2[%get3A_14, %get3A_15, %get3A_16] : memref<2x2000x128xf32, #tpu.memory_space<vmem>>, vector<1x2000x128xf32>
    %get3A_18 = vector.shape_cast %get3A_17 : vector<1x2000x128xf32> to vector<2000x128xf32>
    %add3A_19 = arith.addf %get3A_13, %get3A_18 : vector<2000x128xf32>
    %max3A = arith.constant 1.000000e+00 : f32
    %max3A_20 = vector.broadcast %max3A : f32 to vector<2000x128xf32>
    %max3A_21 = arith.maximumf %add3A_19, %max3A_20 : vector<2000x128xf32>
    %div3A = arith.constant 1.000000e+00 : f32
    %div3A_22 = vector.broadcast %div3A : f32 to vector<2000x128xf32>
    %div3A_23 = arith.divf %div3A_22, %max3A_21 : vector<2000x128xf32>
    %mul3A = arith.mulf %add3A, %div3A_23 : vector<2000x128xf32>
    %get3A_24 = arith.constant 0 : index
    %get3A_25 = arith.constant 0 : index
    %get3A_26 = vector.load %arg4[%get3A_24, %get3A_25] : memref<128x128xf32, #tpu.memory_space<vmem>>, vector<128x128xf32>
    %dot_general3A = arith.constant dense<0.000000e+00> : vector<2000x128xf32>
    %dot_general3A_27 = tpu.matmul %mul3A, %get3A_26, %dot_general3A {dimension_numbers = #tpu.dot_dimension_numbers<[1], [1], [0], [0], [0, 0, 1, 0], [], []>, transpose_lhs_hint = false} : vector<2000x128xf32>, vector<128x128xf32>, vector<2000x128xf32> -> vector<2000x128xf32>
    %get3A_28 = arith.constant 0 : index
    %get3A_29 = arith.constant 0 : index
    %get3A_30 = vector.load %arg5[%get3A_28, %get3A_29] : memref<1x128xf32, #tpu.memory_space<vmem>>, vector<1x128xf32>
    %add3A_31 = vector.broadcast %get3A_30 : vector<1x128xf32> to vector<2000x128xf32>
    %add3A_32 = arith.addf %dot_general3A_27, %add3A_31 : vector<2000x128xf32>
    %get3A_33 = arith.constant 0 : index
    %get3A_34 = arith.constant 0 : index
    %get3A_35 = vector.load %arg3[%get3A_33, %get3A_34] : memref<2000x128xf32, #tpu.memory_space<vmem>>, vector<2000x128xf32>
    %get3A_36 = arith.constant 0 : index
    %get3A_37 = arith.constant 0 : index
    %get3A_38 = vector.load %arg6[%get3A_36, %get3A_37] : memref<128x128xf32, #tpu.memory_space<vmem>>, vector<128x128xf32>
    %dot_general3A_39 = arith.constant dense<0.000000e+00> : vector<2000x128xf32>
    %dot_general3A_40 = tpu.matmul %get3A_35, %get3A_38, %dot_general3A_39 {dimension_numbers = #tpu.dot_dimension_numbers<[1], [1], [0], [0], [0, 0, 1, 0], [], []>, transpose_lhs_hint = false} : vector<2000x128xf32>, vector<128x128xf32>, vector<2000x128xf32> -> vector<2000x128xf32>
    %add3A_41 = arith.addf %add3A_32, %dot_general3A_40 : vector<2000x128xf32>
    %max3A_42 = arith.constant 0.000000e+00 : f32
    %max3A_43 = vector.broadcast %max3A_42 : f32 to vector<2000x128xf32>
    %max3A_44 = arith.maximumf %add3A_41, %max3A_43 : vector<2000x128xf32>
    %swap3A = arith.constant 0 : index
    %swap3A_45 = arith.constant 0 : index
    %swap3A_46 = vector.load %arg7[%swap3A, %swap3A_45] : memref<2000x128xf32, #tpu.memory_space<vmem>>, vector<2000x128xf32>
    tpu.vector_store %arg7[%swap3A, %swap3A_45], %max3A_44 {strides = array<i32>} : memref<2000x128xf32, #tpu.memory_space<vmem>>, vector<2000x128xf32>,
    return
  }
  func.func @transform_0(%arg0: i32) -> (i32, i32, i32) {
    %c0_i32 = arith.constant 0 : i32
    %c0_i32_0 = arith.constant 0 : i32
    %c0_i32_1 = arith.constant 0 : i32
    return %c0_i32, %arg0, %c0_i32_0 : i32, i32, i32
  }
  func.func @transform_1(%arg0: i32) -> (i32, i32, i32) {
    %c0_i32 = arith.constant 0 : i32
    %c0_i32_0 = arith.constant 0 : i32
    %c0_i32_1 = arith.constant 0 : i32
    return %c0_i32, %arg0, %c0_i32_0 : i32, i32, i32
  }
  func.func @transform_2(%arg0: i32) -> (i32, i32) {
    %c0_i32 = arith.constant 0 : i32
    %c0_i32_0 = arith.constant 0 : i32
    return %arg0, %c0_i32 : i32, i32
  }
  func.func @transform_3(%arg0: i32) -> (i32, i32) {
    %c0_i32 = arith.constant 0 : i32
    %c0_i32_0 = arith.constant 0 : i32
    %c0_i32_1 = arith.constant 0 : i32
    return %c0_i32, %c0_i32_0 : i32, i32
  }
  func.func @transform_4(%arg0: i32) -> (i32, i32) {
    %c0_i32 = arith.constant 0 : i32
    %c0_i32_0 = arith.constant 0 : i32
    %c0_i32_1 = arith.constant 0 : i32
    return %c0_i32, %c0_i32_0 : i32, i32
  }
  func.func @transform_5(%arg0: i32) -> (i32, i32) {
    %c0_i32 = arith.constant 0 : i32
    %c0_i32_0 = arith.constant 0 : i32
    %c0_i32_1 = arith.constant 0 : i32
    return %c0_i32, %c0_i32_0 : i32, i32
  }
  func.func @transform_6(%arg0: i32) -> (i32, i32) {
    %c0_i32 = arith.constant 0 : i32
    %c0_i32_0 = arith.constant 0 : i32
    return %arg0, %c0_i32 : i32, i32
  }
}

module attributes {stable_mosaic.version = 14 : i64} {
  func.func @_head_body(%arg0: i32, %arg1: memref<2x2000x128xf32, #tpu.memory_space<vmem>>, %arg2: memref<2x2000x128xf32, #tpu.memory_space<vmem>>, %arg3: memref<2000x128xf32, #tpu.memory_space<vmem>>, %arg4: memref<1x1x2000xi32, #tpu.memory_space<vmem>>, %arg5: memref<128x128xf32, #tpu.memory_space<vmem>>, %arg6: memref<1x128xf32, #tpu.memory_space<vmem>>, %arg7: memref<128x128xf32, #tpu.memory_space<vmem>>, %arg8: memref<64x128xf32, #tpu.memory_space<vmem>>, %arg9: memref<1x64xf32, #tpu.memory_space<vmem>>, %arg10: memref<1x64xf32, #tpu.memory_space<vmem>>, %arg11: memref<1x1xf32, #tpu.memory_space<vmem>>, %arg12: memref<1x64xf32, #tpu.memory_space<vmem>>, %arg13: memref<64x128xf32, #tpu.memory_space<vmem>>, %arg14: memref<64x128xf32, #tpu.memory_space<vmem>>) attributes {dimension_semantics = [#tpu.dimension_semantics<arbitrary>], iteration_bounds = array<i64: 5>, scalar_prefetch = 0 : i64, scratch_operands = 2 : i64, tpu.core_type = #tpu.core_type<tc>, window_params = [{transform_indices = @transform_0, window_bounds = array<i64: 2, 2000, 128>}, {transform_indices = @transform_1, window_bounds = array<i64: 2, 2000, 128>}, {transform_indices = @transform_2, window_bounds = array<i64: 2000, 128>}, {transform_indices = @transform_3, window_bounds = array<i64: 1, 1, 2000>}, {pipeline_mode = #tpu.pipeline_mode<synchronous>, transform_indices = @transform_4, window_bounds = array<i64: 128, 128>}, {pipeline_mode = #tpu.pipeline_mode<synchronous>, transform_indices = @transform_5, window_bounds = array<i64: 1, 128>}, {pipeline_mode = #tpu.pipeline_mode<synchronous>, transform_indices = @transform_6, window_bounds = array<i64: 128, 128>}, {pipeline_mode = #tpu.pipeline_mode<synchronous>, transform_indices = @transform_7, window_bounds = array<i64: 64, 128>}, {pipeline_mode = #tpu.pipeline_mode<synchronous>, transform_indices = @transform_8, window_bounds = array<i64: 1, 64>}, {pipeline_mode = #tpu.pipeline_mode<synchronous>, transform_indices = @transform_9, window_bounds = array<i64: 1, 64>}, {pipeline_mode = #tpu.pipeline_mode<synchronous>, transform_indices = @transform_10, window_bounds = array<i64: 1, 1>}, {pipeline_mode = #tpu.pipeline_mode<synchronous>, transform_indices = @transform_11, window_bounds = array<i64: 1, 64>}]} {
    %eq3A = arith.constant 0 : i32
    %eq3A_0 = arith.cmpi eq, %arg0, %eq3A : i32
    %convert_element_type3A = arith.extui %eq3A_0 : i1 to i32
    %cond3A = arith.constant 0 : i32
    %cond3A_1 = arith.cmpi ne, %convert_element_type3A, %cond3A : i32
    scf.if %cond3A_1 {
      %broadcast_in_dim3A_80 = arith.constant 0.000000e+00 : f32
      %broadcast_in_dim3A_81 = vector.broadcast %broadcast_in_dim3A_80 : f32 to vector<64x128xf32>
      %swap3A_82 = arith.constant 0 : index
      %swap3A_83 = arith.constant 0 : index
      %swap3A_84 = vector.load %arg13[%swap3A_82, %swap3A_83] : memref<64x128xf32, #tpu.memory_space<vmem>>, vector<64x128xf32>
      tpu.vector_store %arg13[%swap3A_82, %swap3A_83], %broadcast_in_dim3A_81 {strides = array<i32>} : memref<64x128xf32, #tpu.memory_space<vmem>>, vector<64x128xf32>,
      %broadcast_in_dim3A_85 = arith.constant 0.000000e+00 : f32
      %broadcast_in_dim3A_86 = vector.broadcast %broadcast_in_dim3A_85 : f32 to vector<64x128xf32>
      %swap3A_87 = arith.constant 0 : index
      %swap3A_88 = arith.constant 0 : index
      %swap3A_89 = vector.load %arg14[%swap3A_87, %swap3A_88] : memref<64x128xf32, #tpu.memory_space<vmem>>, vector<64x128xf32>
      tpu.vector_store %arg14[%swap3A_87, %swap3A_88], %broadcast_in_dim3A_86 {strides = array<i32>} : memref<64x128xf32, #tpu.memory_space<vmem>>, vector<64x128xf32>,
    } else {
    }
    %get3A = arith.constant 0 : index
    %get3A_2 = arith.constant 0 : index
    %get3A_3 = arith.constant 0 : index
    %get3A_4 = vector.load %arg1[%get3A, %get3A_2, %get3A_3] : memref<2x2000x128xf32, #tpu.memory_space<vmem>>, vector<1x2000x128xf32>
    %get3A_5 = vector.shape_cast %get3A_4 : vector<1x2000x128xf32> to vector<2000x128xf32>
    %get3A_6 = arith.constant 1 : index
    %get3A_7 = arith.constant 0 : index
    %get3A_8 = arith.constant 0 : index
    %get3A_9 = vector.load %arg1[%get3A_6, %get3A_7, %get3A_8] : memref<2x2000x128xf32, #tpu.memory_space<vmem>>, vector<1x2000x128xf32>
    %get3A_10 = vector.shape_cast %get3A_9 : vector<1x2000x128xf32> to vector<2000x128xf32>
    %add3A = arith.addf %get3A_5, %get3A_10 : vector<2000x128xf32>
    %get3A_11 = arith.constant 0 : index
    %get3A_12 = arith.constant 0 : index
    %get3A_13 = arith.constant 0 : index
    %get3A_14 = vector.load %arg2[%get3A_11, %get3A_12, %get3A_13] : memref<2x2000x128xf32, #tpu.memory_space<vmem>>, vector<1x2000x128xf32>
    %get3A_15 = vector.shape_cast %get3A_14 : vector<1x2000x128xf32> to vector<2000x128xf32>
    %get3A_16 = arith.constant 1 : index
    %get3A_17 = arith.constant 0 : index
    %get3A_18 = arith.constant 0 : index
    %get3A_19 = vector.load %arg2[%get3A_16, %get3A_17, %get3A_18] : memref<2x2000x128xf32, #tpu.memory_space<vmem>>, vector<1x2000x128xf32>
    %get3A_20 = vector.shape_cast %get3A_19 : vector<1x2000x128xf32> to vector<2000x128xf32>
    %add3A_21 = arith.addf %get3A_15, %get3A_20 : vector<2000x128xf32>
    %max3A = arith.constant 1.000000e+00 : f32
    %max3A_22 = vector.broadcast %max3A : f32 to vector<2000x128xf32>
    %max3A_23 = arith.maximumf %add3A_21, %max3A_22 : vector<2000x128xf32>
    %div3A = arith.constant 1.000000e+00 : f32
    %div3A_24 = vector.broadcast %div3A : f32 to vector<2000x128xf32>
    %div3A_25 = arith.divf %div3A_24, %max3A_23 : vector<2000x128xf32>
    %mul3A = arith.mulf %add3A, %div3A_25 : vector<2000x128xf32>
    %get3A_26 = arith.constant 0 : index
    %get3A_27 = arith.constant 0 : index
    %get3A_28 = vector.load %arg5[%get3A_26, %get3A_27] : memref<128x128xf32, #tpu.memory_space<vmem>>, vector<128x128xf32>
    %dot_general3A = arith.constant dense<0.000000e+00> : vector<2000x128xf32>
    %dot_general3A_29 = tpu.matmul %mul3A, %get3A_28, %dot_general3A {dimension_numbers = #tpu.dot_dimension_numbers<[1], [1], [0], [0], [0, 0, 1, 0], [], []>, transpose_lhs_hint = false} : vector<2000x128xf32>, vector<128x128xf32>, vector<2000x128xf32> -> vector<2000x128xf32>
    %get3A_30 = arith.constant 0 : index
    %get3A_31 = arith.constant 0 : index
    %get3A_32 = vector.load %arg6[%get3A_30, %get3A_31] : memref<1x128xf32, #tpu.memory_space<vmem>>, vector<1x128xf32>
    %add3A_33 = vector.broadcast %get3A_32 : vector<1x128xf32> to vector<2000x128xf32>
    %add3A_34 = arith.addf %dot_general3A_29, %add3A_33 : vector<2000x128xf32>
    %get3A_35 = arith.constant 0 : index
    %get3A_36 = arith.constant 0 : index
    %get3A_37 = vector.load %arg3[%get3A_35, %get3A_36] : memref<2000x128xf32, #tpu.memory_space<vmem>>, vector<2000x128xf32>
    %get3A_38 = arith.constant 0 : index
    %get3A_39 = arith.constant 0 : index
    %get3A_40 = vector.load %arg7[%get3A_38, %get3A_39] : memref<128x128xf32, #tpu.memory_space<vmem>>, vector<128x128xf32>
    %dot_general3A_41 = arith.constant dense<0.000000e+00> : vector<2000x128xf32>
    %dot_general3A_42 = tpu.matmul %get3A_37, %get3A_40, %dot_general3A_41 {dimension_numbers = #tpu.dot_dimension_numbers<[1], [1], [0], [0], [0, 0, 1, 0], [], []>, transpose_lhs_hint = false} : vector<2000x128xf32>, vector<128x128xf32>, vector<2000x128xf32> -> vector<2000x128xf32>
    %add3A_43 = arith.addf %add3A_34, %dot_general3A_42 : vector<2000x128xf32>
    %max3A_44 = arith.constant 0.000000e+00 : f32
    %max3A_45 = vector.broadcast %max3A_44 : f32 to vector<2000x128xf32>
    %max3A_46 = arith.maximumf %add3A_43, %max3A_45 : vector<2000x128xf32>
    %get3A_47 = arith.constant 0 : index
    %get3A_48 = arith.constant 0 : index
    %get3A_49 = arith.constant 0 : index
    %get3A_50 = vector.load %arg4[%get3A_47, %get3A_48, %get3A_49] : memref<1x1x2000xi32, #tpu.memory_space<vmem>>, vector<1x1x2000xi32>
    %get3A_51 = vector.shape_cast %get3A_50 : vector<1x1x2000xi32> to vector<2000xi32>
    %iota3A = tpu.iota {dimensions = array<i32: 1>} : vector<2000x64xi32>
    %broadcast_in_dim3A = vector.shape_cast %get3A_51 : vector<2000xi32> to vector<2000x1xi32>
    %eq3A_52 = vector.broadcast %broadcast_in_dim3A : vector<2000x1xi32> to vector<2000x64xi32>
    %eq3A_53 = arith.cmpi eq, %eq3A_52, %iota3A : vector<2000x64xi32>
    %convert_element_type3A_54 = arith.extui %eq3A_53 : vector<2000x64xi1> to vector<2000x64xi32>
    %convert_element_type3A_55 = arith.sitofp %convert_element_type3A_54 : vector<2000x64xi32> to vector<2000x64xf32>
    %get3A_56 = arith.constant 0 : index
    %get3A_57 = arith.constant 0 : index
    %get3A_58 = vector.load %arg13[%get3A_56, %get3A_57] : memref<64x128xf32, #tpu.memory_space<vmem>>, vector<64x128xf32>
    %dot_general3A_59 = arith.constant dense<0.000000e+00> : vector<64x128xf32>
    %dot_general3A_60 = tpu.matmul %convert_element_type3A_55, %max3A_46, %dot_general3A_59 {dimension_numbers = #tpu.dot_dimension_numbers<[0], [0], [1], [1], [0, 1, 1, 1], [], []>, transpose_lhs_hint = false} : vector<2000x64xf32>, vector<2000x128xf32>, vector<64x128xf32> -> vector<64x128xf32>
    %add3A_61 = arith.addf %get3A_58, %dot_general3A_60 : vector<64x128xf32>
    %swap3A = arith.constant 0 : index
    %swap3A_62 = arith.constant 0 : index
    %swap3A_63 = vector.load %arg13[%swap3A, %swap3A_62] : memref<64x128xf32, #tpu.memory_space<vmem>>, vector<64x128xf32>
    tpu.vector_store %arg13[%swap3A, %swap3A_62], %add3A_61 {strides = array<i32>} : memref<64x128xf32, #tpu.memory_space<vmem>>, vector<64x128xf32>,
    %get3A_64 = arith.constant 0 : index
    %get3A_65 = arith.constant 0 : index
    %get3A_66 = vector.load %arg14[%get3A_64, %get3A_65] : memref<64x128xf32, #tpu.memory_space<vmem>>, vector<64x128xf32>
    %broadcast_in_dim3A_67 = arith.constant 1.000000e+00 : f32
    %broadcast_in_dim3A_68 = vector.broadcast %broadcast_in_dim3A_67 : f32 to vector<2000x128xf32>
    %dot_general3A_69 = arith.constant dense<0.000000e+00> : vector<64x128xf32>
    %dot_general3A_70 = tpu.matmul %convert_element_type3A_55, %broadcast_in_dim3A_68, %dot_general3A_69 {dimension_numbers = #tpu.dot_dimension_numbers<[0], [0], [1], [1], [0, 1, 1, 1], [], []>, transpose_lhs_hint = false} : vector<2000x64xf32>, vector<2000x128xf32>, vector<64x128xf32> -> vector<64x128xf32>
    %add3A_71 = arith.addf %get3A_66, %dot_general3A_70 : vector<64x128xf32>
    %swap3A_72 = arith.constant 0 : index
    %swap3A_73 = arith.constant 0 : index
    %swap3A_74 = vector.load %arg14[%swap3A_72, %swap3A_73] : memref<64x128xf32, #tpu.memory_space<vmem>>, vector<64x128xf32>
    tpu.vector_store %arg14[%swap3A_72, %swap3A_73], %add3A_71 {strides = array<i32>} : memref<64x128xf32, #tpu.memory_space<vmem>>, vector<64x128xf32>,
    %eq3A_75 = arith.constant 4 : i32
    %eq3A_76 = arith.cmpi eq, %arg0, %eq3A_75 : i32
    %convert_element_type3A_77 = arith.extui %eq3A_76 : i1 to i32
    %cond3A_78 = arith.constant 0 : i32
    %cond3A_79 = arith.cmpi ne, %convert_element_type3A_77, %cond3A_78 : i32
    scf.if %cond3A_79 {
      %get3A_80 = arith.constant 0 : index
      %get3A_81 = arith.constant 0 : index
      %get3A_82 = vector.load %arg13[%get3A_80, %get3A_81] : memref<64x128xf32, #tpu.memory_space<vmem>>, vector<64x128xf32>
      %get3A_83 = arith.constant 0 : index
      %get3A_84 = arith.constant 0 : index
      %get3A_85 = vector.load %arg14[%get3A_83, %get3A_84] : memref<64x128xf32, #tpu.memory_space<vmem>>, vector<64x128xf32>
      %max3A_86 = arith.constant 1.000000e+00 : f32
      %max3A_87 = vector.broadcast %max3A_86 : f32 to vector<64x128xf32>
      %max3A_88 = arith.maximumf %get3A_85, %max3A_87 : vector<64x128xf32>
      %div3A_89 = arith.constant 1.000000e+00 : f32
      %div3A_90 = vector.broadcast %div3A_89 : f32 to vector<64x128xf32>
      %div3A_91 = arith.divf %div3A_90, %max3A_88 : vector<64x128xf32>
      %mul3A_92 = arith.mulf %get3A_82, %div3A_91 : vector<64x128xf32>
      %get3A_93 = arith.constant 0 : index
      %get3A_94 = arith.constant 0 : index
      %get3A_95 = vector.load %arg8[%get3A_93, %get3A_94] : memref<64x128xf32, #tpu.memory_space<vmem>>, vector<64x128xf32>
      %dot_general3A_96 = arith.constant dense<0.000000e+00> : vector<64x64xf32>
      %dot_general3A_97 = tpu.matmul %mul3A_92, %get3A_95, %dot_general3A_96 {dimension_numbers = #tpu.dot_dimension_numbers<[1], [1], [0], [0], [0, 0, 1, 0], [], []>, transpose_lhs_hint = false} : vector<64x128xf32>, vector<64x128xf32>, vector<64x64xf32> -> vector<64x64xf32>
      %get3A_98 = arith.constant 0 : index
      %get3A_99 = arith.constant 0 : index
      %get3A_100 = vector.load %arg9[%get3A_98, %get3A_99] : memref<1x64xf32, #tpu.memory_space<vmem>>, vector<1x64xf32>
      %add3A_101 = vector.broadcast %get3A_100 : vector<1x64xf32> to vector<64x64xf32>
      %add3A_102 = arith.addf %dot_general3A_97, %add3A_101 : vector<64x64xf32>
      %max3A_103 = arith.constant 0.000000e+00 : f32
      %max3A_104 = vector.broadcast %max3A_103 : f32 to vector<64x64xf32>
      %max3A_105 = arith.maximumf %add3A_102, %max3A_104 : vector<64x64xf32>
      %get3A_106 = arith.constant 0 : index
      %get3A_107 = arith.constant 0 : index
      %get3A_108 = vector.load %arg10[%get3A_106, %get3A_107] : memref<1x64xf32, #tpu.memory_space<vmem>>, vector<1x64xf32>
      %dot_general3A_109 = arith.constant dense<0.000000e+00> : vector<1x64xf32>
      %dot_general3A_110 = tpu.matmul %get3A_108, %max3A_105, %dot_general3A_109 {dimension_numbers = #tpu.dot_dimension_numbers<[1], [1], [0], [0], [0, 0, 1, 0], [], []>, transpose_lhs_hint = false} : vector<1x64xf32>, vector<64x64xf32>, vector<1x64xf32> -> vector<1x64xf32>
      %get3A_111 = arith.constant 0 : index
      %get3A_112 = arith.constant 0 : index
      %get3A_113 = vector.load %arg11[%get3A_111, %get3A_112] : memref<1x1xf32, #tpu.memory_space<vmem>>, vector<1x1xf32>
      %get3A_114 = vector.extract %get3A_113[0, 0] : f32 from vector<1x1xf32>
      %add3A_115 = vector.broadcast %get3A_114 : f32 to vector<1x64xf32>
      %add3A_116 = arith.addf %dot_general3A_110, %add3A_115 : vector<1x64xf32>
      %swap3A_117 = arith.constant 0 : index
      %swap3A_118 = arith.constant 0 : index
      %swap3A_119 = vector.load %arg12[%swap3A_117, %swap3A_118] : memref<1x64xf32, #tpu.memory_space<vmem>>, vector<1x64xf32>
      tpu.vector_store %arg12[%swap3A_117, %swap3A_118], %add3A_116 {strides = array<i32>} : memref<1x64xf32, #tpu.memory_space<vmem>>, vector<1x64xf32>,
    } else {
    }
    return
  }
  func.func @transform_0(%arg0: i32) -> (i32, i32, i32) {
    %c0_i32 = arith.constant 0 : i32
    %c0_i32_0 = arith.constant 0 : i32
    %c0_i32_1 = arith.constant 0 : i32
    return %c0_i32, %arg0, %c0_i32_0 : i32, i32, i32
  }
  func.func @transform_1(%arg0: i32) -> (i32, i32, i32) {
    %c0_i32 = arith.constant 0 : i32
    %c0_i32_0 = arith.constant 0 : i32
    %c0_i32_1 = arith.constant 0 : i32
    return %c0_i32, %arg0, %c0_i32_0 : i32, i32, i32
  }
  func.func @transform_2(%arg0: i32) -> (i32, i32) {
    %c0_i32 = arith.constant 0 : i32
    %c0_i32_0 = arith.constant 0 : i32
    return %arg0, %c0_i32 : i32, i32
  }
  func.func @transform_3(%arg0: i32) -> (i32, i32, i32) {
    %c0_i32 = arith.constant 0 : i32
    %c0_i32_0 = arith.constant 0 : i32
    %c0_i32_1 = arith.constant 0 : i32
    return %arg0, %c0_i32, %c0_i32_0 : i32, i32, i32
  }
  func.func @transform_4(%arg0: i32) -> (i32, i32) {
    %c0_i32 = arith.constant 0 : i32
    %c0_i32_0 = arith.constant 0 : i32
    %c0_i32_1 = arith.constant 0 : i32
    return %c0_i32, %c0_i32_0 : i32, i32
  }
  func.func @transform_5(%arg0: i32) -> (i32, i32) {
    %c0_i32 = arith.constant 0 : i32
    %c0_i32_0 = arith.constant 0 : i32
    %c0_i32_1 = arith.constant 0 : i32
    return %c0_i32, %c0_i32_0 : i32, i32
  }
  func.func @transform_6(%arg0: i32) -> (i32, i32) {
    %c0_i32 = arith.constant 0 : i32
    %c0_i32_0 = arith.constant 0 : i32
    %c0_i32_1 = arith.constant 0 : i32
    return %c0_i32, %c0_i32_0 : i32, i32
  }
  func.func @transform_7(%arg0: i32) -> (i32, i32) {
    %c0_i32 = arith.constant 0 : i32
    %c0_i32_0 = arith.constant 0 : i32
    %c0_i32_1 = arith.constant 0 : i32
    return %c0_i32, %c0_i32_0 : i32, i32
  }
  func.func @transform_8(%arg0: i32) -> (i32, i32) {
    %c0_i32 = arith.constant 0 : i32
    %c0_i32_0 = arith.constant 0 : i32
    %c0_i32_1 = arith.constant 0 : i32
    return %c0_i32, %c0_i32_0 : i32, i32
  }
  func.func @transform_9(%arg0: i32) -> (i32, i32) {
    %c0_i32 = arith.constant 0 : i32
    %c0_i32_0 = arith.constant 0 : i32
    %c0_i32_1 = arith.constant 0 : i32
    return %c0_i32, %c0_i32_0 : i32, i32
  }
  func.func @transform_10(%arg0: i32) -> (i32, i32) {
    %c0_i32 = arith.constant 0 : i32
    %c0_i32_0 = arith.constant 0 : i32
    %c0_i32_1 = arith.constant 0 : i32
    return %c0_i32, %c0_i32_0 : i32, i32
  }
  func.func @transform_11(%arg0: i32) -> (i32, i32) {
    %c0_i32 = arith.constant 0 : i32
    %c0_i32_0 = arith.constant 0 : i32
    %c0_i32_1 = arith.constant 0 : i32
    return %c0_i32, %c0_i32_0 : i32, i32
  }
}

</mosaic_0001>

<sc_bundles>
// kernel: kernel.10.cloned.1.call-start
scs
__scs_entry_jumppad:
0x0: {  	(pc) =	sbr.rel $0x88, $3  }
0x1: {  	(tag) =	ssettag $0x0;
	lr =	simm.s32 $0x1  }
0x2: {  	[smem:$0x3F94] =	sst lr;
	_ =	strace $0xD0000000  }
0x3: {  	_ = 	snop  }
0x4: {  	_ = 	snop  }
0x5: {  	_ = 	snop  }
0x6: {  	_ = 	snop  }
0x7: {  	_ = 	snop  }
__scs_overlays_trampoline_lowered:
0x8: {  	[smem:$0x3FA3] =	sst s0  }
0x9: {  	[smem:$0x3FA4] =	sst s1  }
0xa: {  	[smem:$0x3FA5] =	sst s2  }
0xb: {  	[smem:$0x3FA6] =	sst s3  }
0xc: {  	[smem:$0x3FA7] =	sst s4  }
0xd: {  	[smem:$0x3FA8] =	sst s5  }
0xe: {  	[smem:$0x3FA9] =	sst s6  }
0xf: {  	[smem:$0x3FAA] =	sst s7  }
0x10: {  	[smem:$0x3FAB] =	sst s8  }
0x11: {  	[smem:$0x3FAC] =	sst s9;
	s0 =	simm.s32 @!p0 $0x0  }
0x12: {  	s1 =	sld [smem:$0x3F92];
	s0 =	simm.s32 @p0 $0x1  }
0x13: {  	[smem:$0x3FAD] =	sst s0;
	s0 =	simm.s32 @!p1 $0x0  }
0x14: {  	s2 =	sld [smem:$0x3F91];
	s0 =	simm.s32 @p1 $0x1  }
0x15: {  	[smem:$0x3FAE] =	sst s0;
	s0 =	simm.s32 @!p2 $0x0  }
0x16: {  	s3 =	sld [smem:$0x3FDB];
	s0 =	simm.s32 @p2 $0x1  }
0x17: {  	s4 =	simm.s32 $0x1BF5;
	[smem:$0x3FB0] =	sst s0  }
0x18: {  	s0 =	sld [smem:$0x3F93];
	_ =	swait.ge [sflag:s4], $0x0  }
0x19: {  	s7 =	sld [smem:$0x3F94]  }
0x1a: {  	s8 =	sadd.s32 $0xFFFFE003, lr  }
0x1b: {  	s9 =	sadd.s32 $0xFFFFFEF7, lr;
	s5 =	simm.s32 $0xFFFFFFFF;
	p2 =	slt.u32 s8, $0xFFFFF086  }
0x1c: {  	p1 =	slt.u32 s9, $0xF7A;
	s5 =	simm.s32 @!p2 $0x0  }
0x1d: {  	s5 =	simm.s32 @p1 $0x1;
	p0 =	seq.s32 s7, s2  }
0x1e: {  	s7 =	smul.u32 @!p0 $0xF7A, s2;
	p2 =	seq.s32 @!p0 s5, $0x0  }
0x1f: {  	s9 =	smul.u32 $0xF7A, s1;
	s8 =	simm.s32 @!p0 $0x1BF5;
	p2 =	por !p2, p0  }
0x20: {  	[sflag:s8] =	ssyncset.s32 @!p0 $0xFFFFF086;
	s6 =	sadd.s32 @!p0 s3, s7;
	s7 =	simm.s32 @!p0 $0x108  }
0x21: {  	s3 =	sadd.s32 s3, s9;
	s6 =	sadd.s32 @!p0 $0x88, s6;
	s7 =	simm.s32 @p2 $0x1082  }
0x22: {  	[simem:s7], [sflag:s8] =	dma.local @!p0 [hbm:s6], $0xF7A  }
0x23: {  	s9 =	sor.u32 $0xD0000000, s2;
	s6 =	simm.s32 $0x108;
	_ =	swait.ge @!p0 [sflag:s8], $0x0  }
0x24: {  	s3 =	sadd.s32 $0x88, s3;
	s6 =	simm.s32 @!p1 $0x1082;
	[sflag:s4] =	ssyncset.s32 $0xFFFFF086  }
0x25: {  	[simem:s6], [sflag:s4] =	dma.local [hbm:s3], $0xF7A  }
0x26: {  	[smem:$0x3F94] =	sst s1;
	(tag) =	ssettag s2;
	_ =	strace s9  }
0x27: {  	s1 =	sld [smem:$0x3FA4]  }
0x28: {  	s2 =	sld [smem:$0x3FA5]  }
0x29: {  	s4 =	sld [smem:$0x3FA7]  }
0x2a: {  	p0 =	seq.s32 s5, $0x0;
	s5 =	sld [smem:$0x3FA8]  }
0x2b: {  	s6 =	sld [smem:$0x3FA9]  }
0x2c: {  	s7 =	sld [smem:$0x3FAA]  }
0x2d: {  	s3 =	simm.s32 $0x108;
	s8 =	sld [smem:$0x3FAB]  }
0x2e: {  	s3 =	simm.s32 @!p0 $0x1082;
	s9 =	sld [smem:$0x3FAC]  }
0x2f: {  	lr =	sadd.s32 s0, s3;
	s0 =	sld [smem:$0x3FA3]  }
0x30: {  	s3 =	sld [smem:$0x3FA6]  }
0x31: {  	[smem:$0x3FAF] =	sst s10  }
0x32: {  	s10 =	sld [smem:$0x3FAD];
	_ =	sdelay $0x3  }
0x33: {  	p0 =	seq.s32 s10, $0x1;
	s10 =	sld [smem:$0x3FAF];
	_ =	sdelay $0x3  }
0x34: {  	[smem:$0x3FAF] =	sst s10  }
0x35: {  	s10 =	sld [smem:$0x3FAE];
	_ =	sdelay $0x3  }
0x36: {  	p1 =	seq.s32 s10, $0x1;
	s10 =	sld [smem:$0x3FAF];
	_ =	sdelay $0x3  }
0x37: {  	[smem:$0x3FAF] =	sst s10  }
0x38: {  	s10 =	sld [smem:$0x3FB0]  }
0x39: {  	_ = 	snop;
	(pc) =	sbr.ind lr, $3  }
0x3a: {  	_ = 	snop  }
0x3b: {  	_ = 	snop  }
0x3c: {  	p2 =	seq.s32 s10, $0x1;
	s10 =	sld [smem:$0x3FAF]  }
0x3d: {  	_ =	shalt  }
0x3e: {  	_ =	shalt  }
0x3f: {  	_ =	shalt  }
0x40: {  	_ =	shalt  }
0x41: {  	_ =	shalt  }
0x42: {  	_ =	shalt  }
0x43: {  	_ =	shalt  }
0x44: {  	_ =	shalt  }
0x45: {  	_ =	shalt  }
0x46: {  	_ =	shalt  }
0x47: {  	_ =	shalt  }
0x48: {  	_ =	shalt  }
0x49: {  	_ =	shalt  }
0x4a: {  	_ =	shalt  }
0x4b: {  	_ =	shalt  }
0x4c: {  	_ =	shalt  }
0x4d: {  	_ =	shalt  }
0x4e: {  	_ =	shalt  }
0x4f: {  	_ =	shalt  }
0x50: {  	_ =	shalt  }
0x51: {  	_ =	shalt  }
0x52: {  	_ =	shalt  }
0x53: {  	_ =	shalt  }
0x54: {  	_ =	shalt  }
0x55: {  	_ =	shalt  }
0x56: {  	_ =	shalt  }
0x57: {  	_ =	shalt  }
0x58: {  	_ =	shalt  }
0x59: {  	_ =	shalt  }
0x5a: {  	_ =	shalt  }
0x5b: {  	_ =	shalt  }
0x5c: {  	_ =	shalt  }
0x5d: {  	_ =	shalt  }
0x5e: {  	_ =	shalt  }
0x5f: {  	_ =	shalt  }
0x60: {  	_ =	shalt  }
0x61: {  	_ =	shalt  }
0x62: {  	_ =	shalt  }
0x63: {  	_ =	shalt  }
0x64: {  	_ =	shalt  }
0x65: {  	_ =	shalt  }
0x66: {  	_ =	shalt  }
0x67: {  	_ =	shalt  }
0x68: {  	_ =	shalt  }
0x69: {  	_ =	shalt  }
0x6a: {  	_ =	shalt  }
0x6b: {  	_ =	shalt  }
0x6c: {  	_ =	shalt  }
0x6d: {  	_ =	shalt  }
0x6e: {  	_ =	shalt  }
0x6f: {  	_ =	shalt  }
0x70: {  	_ =	shalt  }
0x71: {  	_ =	shalt  }
0x72: {  	_ =	shalt  }
0x73: {  	_ =	shalt  }
0x74: {  	_ =	shalt  }
0x75: {  	_ =	shalt  }
0x76: {  	_ =	shalt  }
0x77: {  	_ =	shalt  }
0x78: {  	_ =	shalt  }
0x79: {  	_ =	shalt  }
0x7a: {  	_ =	shalt  }
0x7b: {  	_ =	shalt  }
0x7c: {  	_ =	shalt  }
0x7d: {  	_ =	shalt  }
0x7e: {  	_ =	shalt  }
0x7f: {  	_ =	shalt  }
0x80: {  	_ =	shalt  }
0x81: {  	_ =	shalt  }
0x82: {  	_ =	shalt  }
0x83: {  	_ =	shalt  }
0x84: {  	_ =	shalt  }
0x85: {  	_ =	shalt  }
0x86: {  	_ =	shalt  }
0x87: {  	_ =	shalt  }
.Lfunc_end0:
.L_simem_size_0:
called_computation.1_lowered:
.L_overlay_start_0:
0x88: {  	s2 =	sld [smem:$0x3FD9]  }
0x89: {  	s3 =	sld [smem:$0x3FFE];
	_ =	sdelay $0x1  }
0x8a: {  	s1 =	srdreg.scid  }
0x8b: {  	s0 =	sand.u32 $0x1, s1  }
0x8c: {  	s17 =	sshll.u32 s0, $0xA;
	s2 =	sadd.s32 s3, s2  }
0x8d: {  	s2 =	sadd.s32 s2, s17  }
0x8e: {  	[smem:$0x3FBB] =	sst s2  }
0x8f: {  	_ = 	snop  }
0x90: {  	s2 =	sld [smem:$0x3FC9];
	(tm) =	ssettm $0x1  }
0x91: {  	s18 =	sld [smem:$0x3FFB];
	_ =	sdelay $0x3  }
0x92: {  	_ =	strace s18  }
0x93: {  	s3 =	sld [smem:$0x3FFC];
	_ =	sdelay $0x3  }
0x94: {  	_ =	strace s3  }
0x95: {  	s3 =	sld [smem:$0x3FFD];
	_ =	sdelay $0x3  }
0x96: {  	_ =	strace s3  }
0x97: {  	_ =	strace $0x8FFFFFFF  }
0x98: {  	s19 =	sld [smem:$0x3FDB];
	_ =	sdelay $0x1  }
0x99: {  	s4 =	simm.s32 $_scs_section_size  }
0x9a: {  	s5 =	simm.s32 $_size__tile_overlayer_lowered;
	s6 =	simm.s32 $_tile_overlayer_lowered  }
0x9b: {  	s22 =	simm.s32 $0x1BFF;
	s21 =	sshll.u32 s6, $0x1;
	s3 =	sadd.s32 s4, s19  }
0x9c: {  	s7 =	simm.s32 $0x0;
	s20 =	sshll.u32 s5, $0x1;
	s5 =	sadd.s32 s21, s3  }
0x9d: {  	[timem:s7], [sflag:s22] =	dma.local [hbm:s5], s20  }
0x9e: {  	_ =	swait.ge [sflag:s22], s20  }
0x9f: {  	s4 =	ssub.s32 $0x0, s20;
	[sflag:s22] =	ssyncset.done $0x0  }
0xa0: {  	[sflag:s22] =	ssyncadd.s32 s4;
	_ =	sdelay $0x1  }
0xa1: {  	s23 =	simm.s32 $0x1B8B  }
0xa2: {  	_ =	swait.ge [sflag:s23], $0x1  }
0xa3: {  	[sflag:s23] =	ssyncset.done $0x0  }
0xa4: {  	s25 =	simm.s32 $0x1B8E;
	s24 =	sld [smem:$0x3FFE];
	[sflag:s23] =	ssyncadd.s32 $0xFFFFFFFF  }
0xa5: {  	s26 =	simm.s32 $execute0_lowered;
	[smem:$0x3FD2] =	sst s25  }
0xa6: {  	s5 =	sshll.u32 s26, $0x1;
	_ =	strace $0x80000046;
	[dreg:$0x1] =	wrdreg $0xFFFFFFFF  }
0xa7: {  	s28 =	simm.s32 $_size_execute0_lowered;
	s3 =	sadd.s32 s3, s5;
	[dreg:$0x0] =	wrdreg $0x0  }
0xa8: {  	s5 =	sshll.u32 s28, $0x1;
	[dreg:$0x2] =	wrdreg s3  }
0xa9: {  	[dreg:$0x3] =	wrdreg s5  }
0xaa: {  	[dreg:$0x4] =	wrdreg $0xC0  }
0xab: {  	_ =	task [dreg:s7], $0x5FFFF  }
0xac: {  	[dreg:$0x1] =	wrdreg $0xFFFFFFFF  }
0xad: {  	[dreg:$0x0] =	wrdreg $0x60  }
0xae: {  	[dreg:$0x2] =	wrdreg s2  }
0xaf: {  	[dreg:$0x3] =	wrdreg s24  }
0xb0: {  	[dreg:$0x4] =	wrdreg $0xA0000  }
0xb1: {  	[dreg:$0x5] =	wrdreg $0xA  }
0xb2: {  	_ =	task.clear_ibuf [dreg:s7], $0x6FFFF;
	_ =	strace $0x90000046  }
0xb3: {  	s29 =	simm.s32 $0xA;
	_ =	strace $0x80000048  }
0xb4: {  	_ =	swait.ge [sflag:s29], $0x1  }
0xb5: {  	[sflag:s29] =	ssyncadd.s32 $0xFFFFFFFF  }
0xb6: {  	_ =	strace $0x90000048  }
0xb7: {  	_ =	sfence  }
0xb8: {  	s30 =	sld [smem:$0x0];
	_ =	sdelay $0x2  }
0xb9: {  	s31 =	sshll.u32 s1, $0xD;
	s1 =	sshrl.u32 s1, $0x2  }
0xba: {  	s3 =	sand.u32 $0x4000, s31;
	s1 =	sadd.s32 s1, s30  }
0xbb: {  	s0 =	sor.u32 s3, s0;
	s1 =	sshll.u32 s1, $0x11  }
0xbc: {  	s0 =	sor.u32 s1, s0  }
0xbd: {  	s0 =	sadd.s32 $0x8F2B, s0  }
0xbe: {  	[sflag:s0] =	ssyncadd.remote.s32 $0x1  }
0xbf: {  	_ =	sfence.sel $0xFFFF  }
0xc0: {  	[dreg:$0x0] =	wrdreg $0xFFFFFFFF;
	(pc) =	sbr.abs _section_cstart, $3  }
0xc1: {  	[dreg:$0x1] =	wrdreg $0xFFFFFFFF  }
0xc2: {  	_ =	task.clear_ibuf [dreg:s7], $0x2FFFF;
	_ =	strace $0x9FFFFFFF  }
0xc3: {  	(tm) =	ssettm $0x7FFFFFFF  }
tec
execute0_lowered:
.L_overlay_start_1:
0x0: {  	(tag) =	ssettag $0x1  }
0x1: {  	s0 =	rddreg [dreg:$0x0]  }
0x2: {  	s1 =	rddreg [dreg:$0x1];
	s2 =	srdreg.scid  }
0x3: {  	s3 =	rddreg [dreg:$0x2];
	s25 =	stileid.u32;
	s4 =	simm.s32 $0x0  }
0x4: {  	s20 =	simm.s32 $0x2000;
	s21 =	simm.s32 $0x4;
	s22 =	simm.s32 $0x3  }
0x5: {  	s23 =	simm.s32 $0x7D;
	s24 =	simm.s32 $0x6000;
	s6 =	smul.u32 $0x14000, s25  }
0x6: {  	s28 =	simm.s32 $0x0;
	s7 =	sand.u32 $0x1, s2;
	s9 =	smul.u32 $0x50000, s25  }
0x7: {  	[smem:$0x7FF] =	sst s4;
	s16 =	sadd.s32 $0x2E00, s1;
	s12 =	smul.u32 $0xA, s25  }
0x8: {  	s26 =	sshll.u32 s25, $0x1;
	s25 =	simm.s32 $0x1;
	s5 =	smul.u32 $0x140000, s7  }
0x9: {  	_ =	strace $0x80000047;
	s8 =	ssub.s32 $0x2, s7;
	s13 =	smul.u32 $0x5, s7  }
0xa: {  	s29 =	sshrl.u32 s8, $0x1;
	s30 =	sshrl.u32 s9, $0x2;
	s5 =	sadd.s32 s6, s5  }
0xb: {  	s6 =	sor.u32 s7, s26;
	s17 =	ssub.s32 s8, s29;
	s14 =	sadd.s32 s13, s12  }
0xc: {  	s5 =	sshrl.u32 s5, $0x3;
	s6 =	smul.u32 $0x500, s6;
	s18 =	sshll.u32 s14, $0x8  }
0xd: {  	s26 =	simm.s32 $0x2;
	s1 =	sadd.s32 s5, s1;
	s31 =	sadd.s32 s18, s16  }
.Ltmp0:
0xe: {  	s5 =	sadd.s32 s16, s6;
	s6 =	sadd.s32 s30, s3;
	(pc) =	sbr.rel .LBB2_1-.Ltmp0, $4  }
0xf: {  	s15 =	sadd.s32 $0x16E00, s1;
	s16 =	smax.u32 s17, $0x1;
	s17 =	sadd.s32 $0xA100, s31  }
0x10: {  	s18 =	sadd.s32 $0x100, s31;
	s7 =	sadd.s32 $0xA000, s5;
	s8 =	sadd.s32 $0x2800, s6  }
0x11: {  	s9 =	sadd.s32 $0x5000, s6;
	s10 =	sadd.s32 $0x7800, s6;
	s11 =	sadd.s32 $0xA000, s6  }
0x12: {  	v0 =	vimm.f32 $0.0e+00;
	s12 =	sadd.s32 $0xC800, s6;
	s13 =	sadd.s32 $0xF000, s6;
	s14 =	sadd.s32 $0x11800, s6  }
.LBB2_6:
0x13: {  	s1 =	stileid.u32;
	s28 =	sadd.s32 $0x1, s28  }
0x14: {  	[bflag:$0x0] =	sbarrier.arrive $0xFFFF;
	s1 =	sshll.u32 s1, $0x6;
	p0 =	sne.s32 s28, s16  }
.Ltmp1:
0x15: {  	s2 =	sshrl.u32 s6, $0x3;
	s1 =	sor.u32 $0x1C04, s1;
	(pc) =	sbr.rel @!p0 .LBB2_7-.Ltmp1, $4  }
0x16: {  	[hbm:s15], [sflag:s1] =	dma.local [spmem:s2], $0x2800  }
0x17: {  	_ =	swait.ge [sflag:s21], $0x2800  }
0x18: {  	[sflag:s21] =	ssyncset.done $0x0  }
0x19: {  	[sflag:s21] =	ssyncadd.s32 $0xFFFFD800  }
.LBB2_1:
0x1a: {  	[tilespmem:s4], [sflag:$0x3] =	stream.linear.gather [hbm4b:s5+s4], $0x800, $0x38;
	[tilespmem:$0x1E000] =	vst v63  }
0x1b: {  	s31 =	sand.u32 $0xFE00, s4  }
0x1c: {  	s1 =	simm.s32 $0x1000;
	s29 =	sand.u32 $0x70, s4;
	s30 =	sshrl.u32 s31, $0x2  }
0x1d: {  	[tilespmem:s1], [sflag:$0x3] =	stream.linear.gather [hbm4b:s7+s4], $0x800, $0x38;
	[tilespmem:$0x1E000] =	vst v63  }
0x1e: {  	s1 =	simm.s32 $0x40;
	s30 =	sor.u32 s29, s30;
	s29 =	simm.s32 $0x0  }
.LBB2_2:
0x1f: {  	p0 =	sne.s32 s1, $0xF9C0  }
0x20: {  	[tilespmem:s30+$0x2000] =	vst v0;
	s29 =	sadd.s32 $0x10, s29;
	s30 =	smov.u32 s1;
	s1 =	sadd.s32 $0x40, s1  }
.Ltmp2:
0x21: {  	(pc) =	sbr.rel @p0 .LBB2_2-.Ltmp2, $4  }
0x22: {  	_ = 	snop  }
0x23: {  	s30 =	sand.u32 $0xFE00, s30  }
0x24: {  	s31 =	sand.u32 $0x70, s29;
	s30 =	sshrl.u32 s30, $0x2  }
0x25: {  	s30 =	sor.u32 s31, s30  }
0x26: {  	[tilespmem:s30+$0x2000] =	vst v0  }
0x27: {  	[spmem:s6] =	stream.linear.scatter [tilespmem:s20], [sflag:$0x4], $0x2800, $0x38;
	[tilespmem:$0x1E000] =	vst v63  }
0x28: {  	_ =	swait.ge [sflag:s21], $0x2800  }
0x29: {  	[sflag:s21] =	ssyncset.done $0x0  }
0x2a: {  	[sflag:s21] =	ssyncadd.s32 $0xFFFFD800  }
0x2b: {  	[spmem:s8] =	stream.linear.scatter [tilespmem:s20], [sflag:$0x4], $0x2800, $0x38;
	[tilespmem:$0x1E000] =	vst v63  }
0x2c: {  	_ =	swait.ge [sflag:s21], $0x2800  }
0x2d: {  	[sflag:s21] =	ssyncset.done $0x0  }
0x2e: {  	[sflag:s21] =	ssyncadd.s32 $0xFFFFD800  }
0x2f: {  	[spmem:s9] =	stream.linear.scatter [tilespmem:s20], [sflag:$0x4], $0x2800, $0x38;
	[tilespmem:$0x1E000] =	vst v63  }
0x30: {  	_ =	swait.ge [sflag:s21], $0x2800  }
0x31: {  	[sflag:s21] =	ssyncset.done $0x0  }
0x32: {  	[sflag:s21] =	ssyncadd.s32 $0xFFFFD800  }
0x33: {  	[spmem:s10] =	stream.linear.scatter [tilespmem:s20], [sflag:$0x4], $0x2800, $0x38;
	[tilespmem:$0x1E000] =	vst v63  }
0x34: {  	_ =	swait.ge [sflag:s21], $0x2800  }
0x35: {  	[sflag:s21] =	ssyncset.done $0x0  }
0x36: {  	[sflag:s21] =	ssyncadd.s32 $0xFFFFD800  }
0x37: {  	[spmem:s11] =	stream.linear.scatter [tilespmem:s20], [sflag:$0x4], $0x2800, $0x38;
	[tilespmem:$0x1E000] =	vst v63  }
0x38: {  	_ =	swait.ge [sflag:s21], $0x2800  }
0x39: {  	[sflag:s21] =	ssyncset.done $0x0  }
0x3a: {  	[sflag:s21] =	ssyncadd.s32 $0xFFFFD800  }
0x3b: {  	[spmem:s12] =	stream.linear.scatter [tilespmem:s20], [sflag:$0x4], $0x2800, $0x38;
	[tilespmem:$0x1E000] =	vst v63  }
0x3c: {  	_ =	swait.ge [sflag:s21], $0x2800  }
0x3d: {  	[sflag:s21] =	ssyncset.done $0x0  }
0x3e: {  	[sflag:s21] =	ssyncadd.s32 $0xFFFFD800  }
0x3f: {  	[spmem:s13] =	stream.linear.scatter [tilespmem:s20], [sflag:$0x4], $0x2800, $0x38;
	[tilespmem:$0x1E000] =	vst v63  }
0x40: {  	_ =	swait.ge [sflag:s21], $0x2800  }
0x41: {  	[sflag:s21] =	ssyncset.done $0x0  }
0x42: {  	[sflag:s21] =	ssyncadd.s32 $0xFFFFD800  }
0x43: {  	[spmem:s14] =	stream.linear.scatter [tilespmem:s20], [sflag:$0x4], $0x2800, $0x38;
	[tilespmem:$0x1E000] =	vst v63  }
0x44: {  	_ =	swait.ge [sflag:s21], $0x2800  }
0x45: {  	[sflag:s21] =	ssyncset.done $0x0  }
0x46: {  	[sflag:s21] =	ssyncadd.s32 $0xFFFFD800  }
0x47: {  	[bflag:$0x0] =	sbarrier.arrive $0xFFFF  }
0x48: {  	_ =	swait.ge [sflag:s22], $0x800  }
0x49: {  	[sflag:s22] =	ssyncset.done $0x0  }
0x4a: {  	[sflag:s22] =	ssyncadd.s32 $0xFFFFF800  }
0x4b: {  	_ =	swait.ge [sflag:s22], $0x800  }
0x4c: {  	s29 =	simm.s32 $0x0;
	[sflag:s22] =	ssyncset.done $0x0  }
0x4d: {  	s30 =	smov.u32 s18;
	s31 =	smov.u32 s17;
	[sflag:s22] =	ssyncadd.s32 $0xFFFFF800  }
.LBB2_4:
0x4e: {  	s1 =	sand.u32 $0x800, s29;
	p0 =	seq.s32 s29, $0x2000  }
0x4f: {  	[tilespmem:s20], [sflag:$0x1] =	stream.indirect.gather [hbm4b:s0+s23], $0x80, s1, s23, $0xb8;
	[tilespmem:$0x1E000] =	vst v63  }
0x50: {  	s19 =	sxor.u32 @!p0 $0x800, s1;
	s2 =	simm.s32 @!p0 $0x0  }
0x51: {  	[tilespmem:s19], [sflag:$0x3] =	stream.linear.gather @!p0 [hbm4b:s30+s2], $0x800, $0x38;
	[tilespmem:$0x1E000] =	vst v63  }
0x52: {  	s19 =	sor.u32 @!p0 $0x1000, s19  }
0x53: {  	[tilespmem:s19], [sflag:$0x3] =	stream.linear.gather @!p0 [hbm4b:s31+s2], $0x800, $0x38;
	[tilespmem:$0x1E000] =	vst v63  }
0x54: {  	s19 =	sor.u32 $0x80, s1  }
0x55: {  	[tilespmem:s24], [sflag:$0x2] =	stream.indirect.gather [hbm4b:s0+s23], $0x80, s19, s23, $0xb8;
	[tilespmem:$0x1E000] =	vst v63  }
0x56: {  	_ =	swait.ge [sflag:s25], $0x3E80  }
0x57: {  	[sflag:s25] =	ssyncset.done $0x0  }
0x58: {  	s19 =	sor.u32 $0x1000, s1;
	[sflag:s25] =	ssyncadd.s32 $0xFFFFC180  }
0x59: {  	[spmem:s3] =	stream.indirect.scatter.add.f32 [tilespmem:s20], [sflag:$0x4], $0x80, s19, s23, $0xb8;
	[tilespmem:$0x1E000] =	vst v63  }
0x5a: {  	_ =	swait.ge [sflag:s21], $0x3E80  }
0x5b: {  	[sflag:s21] =	ssyncset.done $0x0  }
0x5c: {  	s19 =	sadd.s32 $0x100, s1;
	[sflag:s21] =	ssyncadd.s32 $0xFFFFC180  }
0x5d: {  	[tilespmem:s20], [sflag:$0x1] =	stream.indirect.gather [hbm4b:s0+s23], $0x80, s19, s23, $0xb8;
	[tilespmem:$0x1E000] =	vst v63  }
0x5e: {  	_ =	swait.ge [sflag:s26], $0x3E80  }
0x5f: {  	[sflag:s26] =	ssyncset.done $0x0  }
0x60: {  	s19 =	sor.u32 $0x1080, s1;
	[sflag:s26] =	ssyncadd.s32 $0xFFFFC180  }
0x61: {  	[spmem:s3] =	stream.indirect.scatter.add.f32 [tilespmem:s24], [sflag:$0x4], $0x80, s19, s23, $0xb8;
	[tilespmem:$0x1E000] =	vst v63  }
0x62: {  	_ =	swait.ge [sflag:s21], $0x3E80  }
0x63: {  	[sflag:s21] =	ssyncset.done $0x0  }
0x64: {  	s19 =	sor.u32 $0x180, s1;
	[sflag:s21] =	ssyncadd.s32 $0xFFFFC180  }
0x65: {  	[tilespmem:s24], [sflag:$0x2] =	stream.indirect.gather [hbm4b:s0+s23], $0x80, s19, s23, $0xb8;
	[tilespmem:$0x1E000] =	vst v63  }
0x66: {  	_ =	swait.ge [sflag:s25], $0x3E80  }
0x67: {  	[sflag:s25] =	ssyncset.done $0x0  }
0x68: {  	s19 =	sadd.s32 $0x1100, s1;
	[sflag:s25] =	ssyncadd.s32 $0xFFFFC180  }
0x69: {  	[spmem:s3] =	stream.indirect.scatter.add.f32 [tilespmem:s20], [sflag:$0x4], $0x80, s19, s23, $0xb8;
	[tilespmem:$0x1E000] =	vst v63  }
0x6a: {  	_ =	swait.ge [sflag:s21], $0x3E80  }
0x6b: {  	[sflag:s21] =	ssyncset.done $0x0  }
0x6c: {  	s19 =	sadd.s32 $0x200, s1;
	[sflag:s21] =	ssyncadd.s32 $0xFFFFC180  }
0x6d: {  	[tilespmem:s20], [sflag:$0x1] =	stream.indirect.gather [hbm4b:s0+s23], $0x80, s19, s23, $0xb8;
	[tilespmem:$0x1E000] =	vst v63  }
0x6e: {  	_ =	swait.ge [sflag:s26], $0x3E80  }
0x6f: {  	[sflag:s26] =	ssyncset.done $0x0  }
0x70: {  	s19 =	sor.u32 $0x1180, s1;
	[sflag:s26] =	ssyncadd.s32 $0xFFFFC180  }
0x71: {  	[spmem:s3] =	stream.indirect.scatter.add.f32 [tilespmem:s24], [sflag:$0x4], $0x80, s19, s23, $0xb8;
	[tilespmem:$0x1E000] =	vst v63  }
0x72: {  	_ =	swait.ge [sflag:s21], $0x3E80  }
0x73: {  	[sflag:s21] =	ssyncset.done $0x0  }
0x74: {  	s19 =	sor.u32 $0x280, s1;
	[sflag:s21] =	ssyncadd.s32 $0xFFFFC180  }
0x75: {  	[tilespmem:s24], [sflag:$0x2] =	stream.indirect.gather [hbm4b:s0+s23], $0x80, s19, s23, $0xb8;
	[tilespmem:$0x1E000] =	vst v63  }
0x76: {  	_ =	swait.ge [sflag:s25], $0x3E80  }
0x77: {  	[sflag:s25] =	ssyncset.done $0x0  }
0x78: {  	s19 =	sadd.s32 $0x1200, s1;
	[sflag:s25] =	ssyncadd.s32 $0xFFFFC180  }
0x79: {  	[spmem:s3] =	stream.indirect.scatter.add.f32 [tilespmem:s20], [sflag:$0x4], $0x80, s19, s23, $0xb8;
	[tilespmem:$0x1E000] =	vst v63  }
0x7a: {  	_ =	swait.ge [sflag:s21], $0x3E80  }
0x7b: {  	[sflag:s21] =	ssyncset.done $0x0  }
0x7c: {  	s19 =	sadd.s32 $0x300, s1;
	[sflag:s21] =	ssyncadd.s32 $0xFFFFC180  }
0x7d: {  	[tilespmem:s20], [sflag:$0x1] =	stream.indirect.gather [hbm4b:s0+s23], $0x80, s19, s23, $0xb8;
	[tilespmem:$0x1E000] =	vst v63  }
0x7e: {  	_ =	swait.ge [sflag:s26], $0x3E80  }
0x7f: {  	[sflag:s26] =	ssyncset.done $0x0  }
0x80: {  	s19 =	sor.u32 $0x1280, s1;
	[sflag:s26] =	ssyncadd.s32 $0xFFFFC180  }
0x81: {  	[spmem:s3] =	stream.indirect.scatter.add.f32 [tilespmem:s24], [sflag:$0x4], $0x80, s19, s23, $0xb8;
	[tilespmem:$0x1E000] =	vst v63  }
0x82: {  	_ =	swait.ge [sflag:s21], $0x3E80  }
0x83: {  	[sflag:s21] =	ssyncset.done $0x0  }
0x84: {  	s19 =	sor.u32 $0x380, s1;
	[sflag:s21] =	ssyncadd.s32 $0xFFFFC180  }
0x85: {  	[tilespmem:s24], [sflag:$0x2] =	stream.indirect.gather [hbm4b:s0+s23], $0x80, s19, s23, $0xb8;
	[tilespmem:$0x1E000] =	vst v63  }
0x86: {  	_ =	swait.ge [sflag:s25], $0x3E80  }
0x87: {  	[sflag:s25] =	ssyncset.done $0x0  }
0x88: {  	s19 =	sadd.s32 $0x1300, s1;
	[sflag:s25] =	ssyncadd.s32 $0xFFFFC180  }
0x89: {  	[spmem:s3] =	stream.indirect.scatter.add.f32 [tilespmem:s20], [sflag:$0x4], $0x80, s19, s23, $0xb8;
	[tilespmem:$0x1E000] =	vst v63  }
0x8a: {  	_ =	swait.ge [sflag:s21], $0x3E80  }
0x8b: {  	[sflag:s21] =	ssyncset.done $0x0  }
0x8c: {  	s19 =	sadd.s32 $0x400, s1;
	[sflag:s21] =	ssyncadd.s32 $0xFFFFC180  }
0x8d: {  	[tilespmem:s20], [sflag:$0x1] =	stream.indirect.gather [hbm4b:s0+s23], $0x80, s19, s23, $0xb8;
	[tilespmem:$0x1E000] =	vst v63  }
0x8e: {  	_ =	swait.ge [sflag:s26], $0x3E80  }
0x8f: {  	[sflag:s26] =	ssyncset.done $0x0  }
0x90: {  	s19 =	sor.u32 $0x1380, s1;
	[sflag:s26] =	ssyncadd.s32 $0xFFFFC180  }
0x91: {  	[spmem:s3] =	stream.indirect.scatter.add.f32 [tilespmem:s24], [sflag:$0x4], $0x80, s19, s23, $0xb8;
	[tilespmem:$0x1E000] =	vst v63  }
0x92: {  	_ =	swait.ge [sflag:s21], $0x3E80  }
0x93: {  	[sflag:s21] =	ssyncset.done $0x0  }
0x94: {  	s19 =	sor.u32 $0x480, s1;
	[sflag:s21] =	ssyncadd.s32 $0xFFFFC180  }
0x95: {  	[tilespmem:s24], [sflag:$0x2] =	stream.indirect.gather [hbm4b:s0+s23], $0x80, s19, s23, $0xb8;
	[tilespmem:$0x1E000] =	vst v63  }
0x96: {  	_ =	swait.ge [sflag:s25], $0x3E80  }
0x97: {  	[sflag:s25] =	ssyncset.done $0x0  }
0x98: {  	s19 =	sadd.s32 $0x1400, s1;
	[sflag:s25] =	ssyncadd.s32 $0xFFFFC180  }
0x99: {  	[spmem:s3] =	stream.indirect.scatter.add.f32 [tilespmem:s20], [sflag:$0x4], $0x80, s19, s23, $0xb8;
	[tilespmem:$0x1E000] =	vst v63  }
0x9a: {  	_ =	swait.ge [sflag:s21], $0x3E80  }
0x9b: {  	[sflag:s21] =	ssyncset.done $0x0  }
0x9c: {  	s19 =	sadd.s32 $0x500, s1;
	[sflag:s21] =	ssyncadd.s32 $0xFFFFC180  }
0x9d: {  	[tilespmem:s20], [sflag:$0x1] =	stream.indirect.gather [hbm4b:s0+s23], $0x80, s19, s23, $0xb8;
	[tilespmem:$0x1E000] =	vst v63  }
0x9e: {  	_ =	swait.ge [sflag:s26], $0x3E80  }
0x9f: {  	[sflag:s26] =	ssyncset.done $0x0  }
0xa0: {  	s19 =	sor.u32 $0x1480, s1;
	[sflag:s26] =	ssyncadd.s32 $0xFFFFC180  }
0xa1: {  	[spmem:s3] =	stream.indirect.scatter.add.f32 [tilespmem:s24], [sflag:$0x4], $0x80, s19, s23, $0xb8;
	[tilespmem:$0x1E000] =	vst v63  }
0xa2: {  	_ =	swait.ge [sflag:s21], $0x3E80  }
0xa3: {  	[sflag:s21] =	ssyncset.done $0x0  }
0xa4: {  	s19 =	sor.u32 $0x580, s1;
	[sflag:s21] =	ssyncadd.s32 $0xFFFFC180  }
0xa5: {  	[tilespmem:s24], [sflag:$0x2] =	stream.indirect.gather [hbm4b:s0+s23], $0x80, s19, s23, $0xb8;
	[tilespmem:$0x1E000] =	vst v63  }
0xa6: {  	_ =	swait.ge [sflag:s25], $0x3E80  }
0xa7: {  	[sflag:s25] =	ssyncset.done $0x0  }
0xa8: {  	s19 =	sadd.s32 $0x1500, s1;
	[sflag:s25] =	ssyncadd.s32 $0xFFFFC180  }
0xa9: {  	[spmem:s3] =	stream.indirect.scatter.add.f32 [tilespmem:s20], [sflag:$0x4], $0x80, s19, s23, $0xb8;
	[tilespmem:$0x1E000] =	vst v63  }
0xaa: {  	_ =	swait.ge [sflag:s21], $0x3E80  }
0xab: {  	[sflag:s21] =	ssyncset.done $0x0  }
0xac: {  	s19 =	sadd.s32 $0x600, s1;
	[sflag:s21] =	ssyncadd.s32 $0xFFFFC180  }
0xad: {  	[tilespmem:s20], [sflag:$0x1] =	stream.indirect.gather [hbm4b:s0+s23], $0x80, s19, s23, $0xb8;
	[tilespmem:$0x1E000] =	vst v63  }
0xae: {  	_ =	swait.ge [sflag:s26], $0x3E80  }
0xaf: {  	[sflag:s26] =	ssyncset.done $0x0  }
0xb0: {  	s19 =	sor.u32 $0x1580, s1;
	[sflag:s26] =	ssyncadd.s32 $0xFFFFC180  }
0xb1: {  	[spmem:s3] =	stream.indirect.scatter.add.f32 [tilespmem:s24], [sflag:$0x4], $0x80, s19, s23, $0xb8;
	[tilespmem:$0x1E000] =	vst v63  }
0xb2: {  	_ =	swait.ge [sflag:s21], $0x3E80  }
0xb3: {  	[sflag:s21] =	ssyncset.done $0x0  }
0xb4: {  	s19 =	sor.u32 $0x680, s1;
	[sflag:s21] =	ssyncadd.s32 $0xFFFFC180  }
0xb5: {  	[tilespmem:s24], [sflag:$0x2] =	stream.indirect.gather [hbm4b:s0+s23], $0x80, s19, s23, $0xb8;
	[tilespmem:$0x1E000] =	vst v63  }
0xb6: {  	_ =	swait.ge [sflag:s25], $0x3E80  }
0xb7: {  	[sflag:s25] =	ssyncset.done $0x0  }
0xb8: {  	s19 =	sadd.s32 $0x1600, s1;
	[sflag:s25] =	ssyncadd.s32 $0xFFFFC180  }
0xb9: {  	[spmem:s3] =	stream.indirect.scatter.add.f32 [tilespmem:s20], [sflag:$0x4], $0x80, s19, s23, $0xb8;
	[tilespmem:$0x1E000] =	vst v63  }
0xba: {  	_ =	swait.ge [sflag:s21], $0x3E80  }
0xbb: {  	[sflag:s21] =	ssyncset.done $0x0  }
0xbc: {  	s19 =	sadd.s32 $0x700, s1;
	[sflag:s21] =	ssyncadd.s32 $0xFFFFC180  }
0xbd: {  	[tilespmem:s20], [sflag:$0x1] =	stream.indirect.gather [hbm4b:s0+s23], $0x80, s19, s23, $0xb8;
	[tilespmem:$0x1E000] =	vst v63  }
0xbe: {  	_ =	swait.ge [sflag:s26], $0x3E80  }
0xbf: {  	[sflag:s26] =	ssyncset.done $0x0  }
0xc0: {  	s19 =	sor.u32 $0x1680, s1;
	[sflag:s26] =	ssyncadd.s32 $0xFFFFC180  }
0xc1: {  	[spmem:s3] =	stream.indirect.scatter.add.f32 [tilespmem:s24], [sflag:$0x4], $0x80, s19, s23, $0xb8;
	[tilespmem:$0x1E000] =	vst v63  }
0xc2: {  	_ =	swait.ge [sflag:s21], $0x3E80  }
0xc3: {  	[sflag:s21] =	ssyncset.done $0x0  }
0xc4: {  	s19 =	sor.u32 $0x780, s1;
	[sflag:s21] =	ssyncadd.s32 $0xFFFFC180  }
0xc5: {  	[tilespmem:s24], [sflag:$0x2] =	stream.indirect.gather [hbm4b:s0+s23], $0x80, s19, s23, $0xb8;
	[tilespmem:$0x1E000] =	vst v63  }
0xc6: {  	_ =	swait.ge [sflag:s25], $0x3E80  }
0xc7: {  	[sflag:s25] =	ssyncset.done $0x0  }
0xc8: {  	s19 =	sadd.s32 $0x1700, s1;
	[sflag:s25] =	ssyncadd.s32 $0xFFFFC180  }
0xc9: {  	[spmem:s3] =	stream.indirect.scatter.add.f32 [tilespmem:s20], [sflag:$0x4], $0x80, s19, s23, $0xb8;
	[tilespmem:$0x1E000] =	vst v63  }
0xca: {  	_ =	swait.ge [sflag:s21], $0x3E80  }
0xcb: {  	[sflag:s21] =	ssyncset.done $0x0  }
0xcc: {  	[sflag:s21] =	ssyncadd.s32 $0xFFFFC180  }
0xcd: {  	_ =	swait.ge [sflag:s26], $0x3E80  }
0xce: {  	[sflag:s26] =	ssyncset.done $0x0  }
.Ltmp3:
0xcf: {  	s1 =	sor.u32 $0x1780, s1;
	[sflag:s26] =	ssyncadd.s32 $0xFFFFC180;
	(pc) =	sbr.rel @p0 .LBB2_6-.Ltmp3, $4  }
0xd0: {  	[spmem:s3] =	stream.indirect.scatter.add.f32 [tilespmem:s24], [sflag:$0x4], $0x80, s1, s23, $0xb8;
	[tilespmem:$0x1E000] =	vst v63  }
0xd1: {  	_ =	swait.ge [sflag:s21], $0x3E80  }
0xd2: {  	[sflag:s21] =	ssyncset.done $0x0  }
0xd3: {  	[sflag:s21] =	ssyncadd.s32 $0xFFFFC180  }
0xd4: {  	_ =	swait.ge [sflag:s22], $0x800  }
.Ltmp4:
0xd5: {  	[sflag:s22] =	ssyncset.done $0x0;
	(pc) =	sbr.rel .LBB2_4-.Ltmp4, $4  }
0xd6: {  	[sflag:s22] =	ssyncadd.s32 $0xFFFFF800  }
0xd7: {  	_ =	swait.ge [sflag:s22], $0x800  }
0xd8: {  	s31 =	sadd.s32 $0x100, s31;
	[sflag:s22] =	ssyncset.done $0x0  }
0xd9: {  	s30 =	sadd.s32 $0x100, s30;
	s29 =	sadd.s32 $0x800, s29;
	[sflag:s22] =	ssyncadd.s32 $0xFFFFF800  }
.LBB2_7:
0xda: {  	_ =	sfence.sel $0x180000  }
0xdb: {  	[bflag:$0x0] =	sbarrier.arrive $0xFFFF  }
0xdc: {  	_ =	strace $0x90000047  }
0xdd: {  	s0 =	stileid.u32;
	[bflag:$0x2] =	sbarrier.arrive $0xFFFF  }
0xde: {  	p0 =	sne.s32 s0, $0x0;
	s0 =	rddreg [dreg:$0x3]  }
0xdf: {  	s0 =	sadd.s32 @!p0 $0x100000, s0  }
0xe0: {  	[sflag:s0] =	ssyncadd.tile.s32 @!p0 $0x1;
	_ =	shalt  }
.Lfunc_end2:
_tile_overlayer_lowered:
.L_overlay_start_2:
0xe1: {  	(tag) =	ssettag $0x2  }
0xe2: {  	s0 =	rddreg [dreg:$0x0];
	s2 =	stileid.u32  }
0xe3: {  	s1 =	rddreg [dreg:$0x1];
	p0 =	sne.s32 s2, $0x0  }
0xe4: {  	s3 =	rddreg [dreg:$0x2];
	[bflag:$0x3] =	sbarrier.arrive $0xFFFF;
	s2 =	simm.s32 @!p0 $0x1C04  }
0xe5: {  	[timem:s3], [sflag:s2] =	dma.local @!p0 [hbm:s0], s1  }
0xe6: {  	s0 =	simm.s32 @!p0 $0x4  }
0xe7: {  	_ =	swait.ge @!p0 [sflag:s0], s1  }
0xe8: {  	s1 =	ssub.s32 @!p0 $0x0, s1;
	[sflag:s0] =	ssyncset.done @!p0 $0x0  }
0xe9: {  	[sflag:s0] =	ssyncadd.s32 @!p0 s1  }
0xea: {  	[bflag:$0x3] =	sbarrier.arrive $0xFFFF  }
0xeb: {  	_ =	shalt  }

// kernel: kernel.13.cloned.1.call-start
scs
__scs_entry_jumppad:
0x0: {  	(pc) =	sbr.rel $0x88, $3  }
0x1: {  	(tag) =	ssettag $0x0;
	lr =	simm.s32 $0x1  }
0x2: {  	[smem:$0x3F94] =	sst lr;
	_ =	strace $0xD0000000  }
0x3: {  	_ = 	snop  }
0x4: {  	_ = 	snop  }
0x5: {  	_ = 	snop  }
0x6: {  	_ = 	snop  }
0x7: {  	_ = 	snop  }
__scs_overlays_trampoline_lowered:
0x8: {  	[smem:$0x3FA3] =	sst s0  }
0x9: {  	[smem:$0x3FA4] =	sst s1  }
0xa: {  	[smem:$0x3FA5] =	sst s2  }
0xb: {  	[smem:$0x3FA6] =	sst s3  }
0xc: {  	[smem:$0x3FA7] =	sst s4  }
0xd: {  	[smem:$0x3FA8] =	sst s5  }
0xe: {  	[smem:$0x3FA9] =	sst s6  }
0xf: {  	[smem:$0x3FAA] =	sst s7  }
0x10: {  	[smem:$0x3FAB] =	sst s8  }
0x11: {  	[smem:$0x3FAC] =	sst s9;
	s0 =	simm.s32 @!p0 $0x0  }
0x12: {  	s1 =	sld [smem:$0x3F92];
	s0 =	simm.s32 @p0 $0x1  }
0x13: {  	[smem:$0x3FAD] =	sst s0;
	s0 =	simm.s32 @!p1 $0x0  }
0x14: {  	s2 =	sld [smem:$0x3F91];
	s0 =	simm.s32 @p1 $0x1  }
0x15: {  	[smem:$0x3FAE] =	sst s0;
	s0 =	simm.s32 @!p2 $0x0  }
0x16: {  	s3 =	sld [smem:$0x3FDB];
	s0 =	simm.s32 @p2 $0x1  }
0x17: {  	s4 =	simm.s32 $0x1BF5;
	[smem:$0x3FB0] =	sst s0  }
0x18: {  	s0 =	sld [smem:$0x3F93];
	_ =	swait.ge [sflag:s4], $0x0  }
0x19: {  	s7 =	sld [smem:$0x3F94]  }
0x1a: {  	s8 =	sadd.s32 $0xFFFFE003, lr  }
0x1b: {  	s9 =	sadd.s32 $0xFFFFFEF7, lr;
	s5 =	simm.s32 $0xFFFFFFFF;
	p2 =	slt.u32 s8, $0xFFFFF086  }
0x1c: {  	p1 =	slt.u32 s9, $0xF7A;
	s5 =	simm.s32 @!p2 $0x0  }
0x1d: {  	s5 =	simm.s32 @p1 $0x1;
	p0 =	seq.s32 s7, s2  }
0x1e: {  	s7 =	smul.u32 @!p0 $0xF7A, s2;
	p2 =	seq.s32 @!p0 s5, $0x0  }
0x1f: {  	s9 =	smul.u32 $0xF7A, s1;
	s8 =	simm.s32 @!p0 $0x1BF5;
	p2 =	por !p2, p0  }
0x20: {  	[sflag:s8] =	ssyncset.s32 @!p0 $0xFFFFF086;
	s6 =	sadd.s32 @!p0 s3, s7;
	s7 =	simm.s32 @!p0 $0x108  }
0x21: {  	s3 =	sadd.s32 s3, s9;
	s6 =	sadd.s32 @!p0 $0x88, s6;
	s7 =	simm.s32 @p2 $0x1082  }
0x22: {  	[simem:s7], [sflag:s8] =	dma.local @!p0 [hbm:s6], $0xF7A  }
0x23: {  	s9 =	sor.u32 $0xD0000000, s2;
	s6 =	simm.s32 $0x108;
	_ =	swait.ge @!p0 [sflag:s8], $0x0  }
0x24: {  	s3 =	sadd.s32 $0x88, s3;
	s6 =	simm.s32 @!p1 $0x1082;
	[sflag:s4] =	ssyncset.s32 $0xFFFFF086  }
0x25: {  	[simem:s6], [sflag:s4] =	dma.local [hbm:s3], $0xF7A  }
0x26: {  	[smem:$0x3F94] =	sst s1;
	(tag) =	ssettag s2;
	_ =	strace s9  }
0x27: {  	s1 =	sld [smem:$0x3FA4]  }
0x28: {  	s2 =	sld [smem:$0x3FA5]  }
0x29: {  	s4 =	sld [smem:$0x3FA7]  }
0x2a: {  	p0 =	seq.s32 s5, $0x0;
	s5 =	sld [smem:$0x3FA8]  }
0x2b: {  	s6 =	sld [smem:$0x3FA9]  }
0x2c: {  	s7 =	sld [smem:$0x3FAA]  }
0x2d: {  	s3 =	simm.s32 $0x108;
	s8 =	sld [smem:$0x3FAB]  }
0x2e: {  	s3 =	simm.s32 @!p0 $0x1082;
	s9 =	sld [smem:$0x3FAC]  }
0x2f: {  	lr =	sadd.s32 s0, s3;
	s0 =	sld [smem:$0x3FA3]  }
0x30: {  	s3 =	sld [smem:$0x3FA6]  }
0x31: {  	[smem:$0x3FAF] =	sst s10  }
0x32: {  	s10 =	sld [smem:$0x3FAD];
	_ =	sdelay $0x3  }
0x33: {  	p0 =	seq.s32 s10, $0x1;
	s10 =	sld [smem:$0x3FAF];
	_ =	sdelay $0x3  }
0x34: {  	[smem:$0x3FAF] =	sst s10  }
0x35: {  	s10 =	sld [smem:$0x3FAE];
	_ =	sdelay $0x3  }
0x36: {  	p1 =	seq.s32 s10, $0x1;
	s10 =	sld [smem:$0x3FAF];
	_ =	sdelay $0x3  }
0x37: {  	[smem:$0x3FAF] =	sst s10  }
0x38: {  	s10 =	sld [smem:$0x3FB0]  }
0x39: {  	_ = 	snop;
	(pc) =	sbr.ind lr, $3  }
0x3a: {  	_ = 	snop  }
0x3b: {  	_ = 	snop  }
0x3c: {  	p2 =	seq.s32 s10, $0x1;
	s10 =	sld [smem:$0x3FAF]  }
0x3d: {  	_ =	shalt  }
0x3e: {  	_ =	shalt  }
0x3f: {  	_ =	shalt  }
0x40: {  	_ =	shalt  }
0x41: {  	_ =	shalt  }
0x42: {  	_ =	shalt  }
0x43: {  	_ =	shalt  }
0x44: {  	_ =	shalt  }
0x45: {  	_ =	shalt  }
0x46: {  	_ =	shalt  }
0x47: {  	_ =	shalt  }
0x48: {  	_ =	shalt  }
0x49: {  	_ =	shalt  }
0x4a: {  	_ =	shalt  }
0x4b: {  	_ =	shalt  }
0x4c: {  	_ =	shalt  }
0x4d: {  	_ =	shalt  }
0x4e: {  	_ =	shalt  }
0x4f: {  	_ =	shalt  }
0x50: {  	_ =	shalt  }
0x51: {  	_ =	shalt  }
0x52: {  	_ =	shalt  }
0x53: {  	_ =	shalt  }
0x54: {  	_ =	shalt  }
0x55: {  	_ =	shalt  }
0x56: {  	_ =	shalt  }
0x57: {  	_ =	shalt  }
0x58: {  	_ =	shalt  }
0x59: {  	_ =	shalt  }
0x5a: {  	_ =	shalt  }
0x5b: {  	_ =	shalt  }
0x5c: {  	_ =	shalt  }
0x5d: {  	_ =	shalt  }
0x5e: {  	_ =	shalt  }
0x5f: {  	_ =	shalt  }
0x60: {  	_ =	shalt  }
0x61: {  	_ =	shalt  }
0x62: {  	_ =	shalt  }
0x63: {  	_ =	shalt  }
0x64: {  	_ =	shalt  }
0x65: {  	_ =	shalt  }
0x66: {  	_ =	shalt  }
0x67: {  	_ =	shalt  }
0x68: {  	_ =	shalt  }
0x69: {  	_ =	shalt  }
0x6a: {  	_ =	shalt  }
0x6b: {  	_ =	shalt  }
0x6c: {  	_ =	shalt  }
0x6d: {  	_ =	shalt  }
0x6e: {  	_ =	shalt  }
0x6f: {  	_ =	shalt  }
0x70: {  	_ =	shalt  }
0x71: {  	_ =	shalt  }
0x72: {  	_ =	shalt  }
0x73: {  	_ =	shalt  }
0x74: {  	_ =	shalt  }
0x75: {  	_ =	shalt  }
0x76: {  	_ =	shalt  }
0x77: {  	_ =	shalt  }
0x78: {  	_ =	shalt  }
0x79: {  	_ =	shalt  }
0x7a: {  	_ =	shalt  }
0x7b: {  	_ =	shalt  }
0x7c: {  	_ =	shalt  }
0x7d: {  	_ =	shalt  }
0x7e: {  	_ =	shalt  }
0x7f: {  	_ =	shalt  }
0x80: {  	_ =	shalt  }
0x81: {  	_ =	shalt  }
0x82: {  	_ =	shalt  }
0x83: {  	_ =	shalt  }
0x84: {  	_ =	shalt  }
0x85: {  	_ =	shalt  }
0x86: {  	_ =	shalt  }
0x87: {  	_ =	shalt  }
.Lfunc_end0:
.L_simem_size_0:
called_computation.2_lowered:
.L_overlay_start_0:
0x88: {  	s2 =	sld [smem:$0x3FD9]  }
0x89: {  	s3 =	sld [smem:$0x3FFE];
	_ =	sdelay $0x1  }
0x8a: {  	s1 =	srdreg.scid  }
0x8b: {  	s0 =	sand.u32 $0x1, s1  }
0x8c: {  	s16 =	sshll.u32 s0, $0xA;
	s2 =	sadd.s32 s3, s2  }
0x8d: {  	s2 =	sadd.s32 s2, s16  }
0x8e: {  	[smem:$0x3FBB] =	sst s2  }
0x8f: {  	_ = 	snop  }
0x90: {  	(tm) =	ssettm $0x1  }
0x91: {  	s17 =	sld [smem:$0x3FFB];
	_ =	sdelay $0x3  }
0x92: {  	_ =	strace s17  }
0x93: {  	s2 =	sld [smem:$0x3FFC];
	_ =	sdelay $0x3  }
0x94: {  	_ =	strace s2  }
0x95: {  	s2 =	sld [smem:$0x3FFD];
	_ =	sdelay $0x3  }
0x96: {  	_ =	strace s2  }
0x97: {  	_ =	strace $0x8FFFFFFF  }
0x98: {  	s18 =	sld [smem:$0x3FDB];
	_ =	sdelay $0x1  }
0x99: {  	s19 =	simm.s32 $_scs_section_size  }
0x9a: {  	s4 =	simm.s32 $_size__tile_overlayer_lowered;
	s5 =	simm.s32 $_tile_overlayer_lowered  }
0x9b: {  	s22 =	simm.s32 $0x1BFF;
	s21 =	sshll.u32 s5, $0x1;
	s2 =	sadd.s32 s19, s18  }
0x9c: {  	s6 =	simm.s32 $0x0;
	s20 =	sshll.u32 s4, $0x1;
	s4 =	sadd.s32 s21, s2  }
0x9d: {  	[timem:s6], [sflag:s22] =	dma.local [hbm:s4], s20  }
0x9e: {  	_ =	swait.ge [sflag:s22], s20  }
0x9f: {  	s3 =	ssub.s32 $0x0, s20;
	[sflag:s22] =	ssyncset.done $0x0  }
0xa0: {  	[sflag:s22] =	ssyncadd.s32 s3;
	_ =	sdelay $0x1  }
0xa1: {  	s23 =	simm.s32 $0x1B8B  }
0xa2: {  	_ =	swait.ge [sflag:s23], $0x1  }
0xa3: {  	[sflag:s23] =	ssyncset.done $0x0  }
0xa4: {  	s25 =	simm.s32 $0x1B8E;
	s24 =	sld [smem:$0x3FFE];
	[sflag:s23] =	ssyncadd.s32 $0xFFFFFFFF  }
0xa5: {  	s26 =	simm.s32 $execute0_lowered;
	[smem:$0x3FD2] =	sst s25  }
0xa6: {  	s4 =	sshll.u32 s26, $0x1;
	_ =	strace $0x8000004C;
	[dreg:$0x1] =	wrdreg $0xFFFFFFFF  }
0xa7: {  	s28 =	simm.s32 $_size_execute0_lowered;
	s2 =	sadd.s32 s2, s4;
	[dreg:$0x0] =	wrdreg $0x0  }
0xa8: {  	s4 =	sshll.u32 s28, $0x1;
	[dreg:$0x2] =	wrdreg s2  }
0xa9: {  	[dreg:$0x3] =	wrdreg s4  }
0xaa: {  	[dreg:$0x4] =	wrdreg $0xC0  }
0xab: {  	_ =	task [dreg:s6], $0x5FFFF  }
0xac: {  	[dreg:$0x1] =	wrdreg $0xFFFFFFFF  }
0xad: {  	[dreg:$0x0] =	wrdreg $0x60  }
0xae: {  	[dreg:$0x2] =	wrdreg s24  }
0xaf: {  	[dreg:$0x3] =	wrdreg $0xA0000  }
0xb0: {  	[dreg:$0x4] =	wrdreg $0x9  }
0xb1: {  	_ =	task.clear_ibuf [dreg:s6], $0x5FFFF;
	_ =	strace $0x9000004C  }
0xb2: {  	s29 =	simm.s32 $0x9;
	_ =	strace $0x8000004E  }
0xb3: {  	_ =	swait.ge [sflag:s29], $0x1  }
0xb4: {  	[sflag:s29] =	ssyncadd.s32 $0xFFFFFFFF  }
0xb5: {  	_ =	strace $0x9000004E  }
0xb6: {  	_ =	sfence  }
0xb7: {  	s30 =	sld [smem:$0x0];
	_ =	sdelay $0x2  }
0xb8: {  	s31 =	sshll.u32 s1, $0xD;
	s1 =	sshrl.u32 s1, $0x2  }
0xb9: {  	s3 =	sand.u32 $0x4000, s31;
	s1 =	sadd.s32 s1, s30  }
0xba: {  	s0 =	sor.u32 s3, s0;
	s1 =	sshll.u32 s1, $0x11  }
0xbb: {  	s0 =	sor.u32 s1, s0  }
0xbc: {  	s0 =	sadd.s32 $0x8F2B, s0  }
0xbd: {  	[sflag:s0] =	ssyncadd.remote.s32 $0x1  }
0xbe: {  	_ =	sfence.sel $0xFFFF  }
0xbf: {  	[dreg:$0x0] =	wrdreg $0xFFFFFFFF;
	(pc) =	sbr.abs _section_cstart, $3  }
0xc0: {  	[dreg:$0x1] =	wrdreg $0xFFFFFFFF  }
0xc1: {  	_ =	task.clear_ibuf [dreg:s6], $0x2FFFF;
	_ =	strace $0x9FFFFFFF  }
0xc2: {  	(tm) =	ssettm $0x7FFFFFFF  }
0xc3: {  	_ =	shalt  }
tec
execute0_lowered:
.L_overlay_start_1:
0x0: {  	(tag) =	ssettag $0x1  }
0x1: {  	s0 =	rddreg [dreg:$0x0]  }
0x2: {  	s1 =	srdreg.scid;
	s2 =	rddreg [dreg:$0x1]  }
0x3: {  	s25 =	stileid.u32;
	s3 =	simm.s32 $0x0;
	s20 =	simm.s32 $0x2000  }
0x4: {  	s21 =	simm.s32 $0x4;
	s22 =	simm.s32 $0x3;
	s23 =	simm.s32 $0x7D  }
0x5: {  	s24 =	simm.s32 $0x6000;
	s28 =	simm.s32 $0x0;
	s6 =	smul.u32 $0x14000, s25  }
0x6: {  	s7 =	sand.u32 $0x1, s1;
	[smem:$0x7FF] =	sst s3;
	s9 =	smul.u32 $0x50000, s25  }
0x7: {  	s4 =	sadd.s32 $0x16E00, s0;
	s16 =	sadd.s32 $0x2E00, s0;
	s12 =	smul.u32 $0xA, s25  }
0x8: {  	s26 =	sshll.u32 s25, $0x1;
	s25 =	simm.s32 $0x1;
	s5 =	smul.u32 $0x140000, s7  }
0x9: {  	_ =	strace $0x8000004D;
	s8 =	ssub.s32 $0x2, s7;
	s13 =	smul.u32 $0x5, s7  }
0xa: {  	s29 =	sshrl.u32 s8, $0x1;
	s30 =	sshrl.u32 s9, $0x2;
	s5 =	sadd.s32 s6, s5  }
0xb: {  	s6 =	sor.u32 s7, s26;
	s17 =	ssub.s32 s8, s29;
	s14 =	sadd.s32 s13, s12  }
0xc: {  	s5 =	sshrl.u32 s5, $0x3;
	s6 =	smul.u32 $0x500, s6;
	s18 =	sshll.u32 s14, $0x8  }
0xd: {  	s26 =	simm.s32 $0x2;
	s0 =	sadd.s32 s5, s0;
	s31 =	sadd.s32 s18, s16  }
.Ltmp0:
0xe: {  	s5 =	sadd.s32 s16, s6;
	s6 =	sadd.s32 s30, s2;
	(pc) =	sbr.rel .LBB2_1-.Ltmp0, $4  }
0xf: {  	s15 =	sadd.s32 $0xC0C00, s0;
	s16 =	smax.u32 s17, $0x1;
	s17 =	sadd.s32 $0xA100, s31  }
0x10: {  	s18 =	sadd.s32 $0x100, s31;
	s7 =	sadd.s32 $0xA000, s5;
	s8 =	sadd.s32 $0x2800, s6  }
0x11: {  	s9 =	sadd.s32 $0x5000, s6;
	s10 =	sadd.s32 $0x7800, s6;
	s11 =	sadd.s32 $0xA000, s6  }
0x12: {  	v0 =	vimm.f32 $0.0e+00;
	s12 =	sadd.s32 $0xC800, s6;
	s13 =	sadd.s32 $0xF000, s6;
	s14 =	sadd.s32 $0x11800, s6  }
.LBB2_6:
0x13: {  	s0 =	stileid.u32;
	s28 =	sadd.s32 $0x1, s28  }
0x14: {  	[bflag:$0x0] =	sbarrier.arrive $0xFFFF;
	s0 =	sshll.u32 s0, $0x6;
	p0 =	sne.s32 s28, s16  }
.Ltmp1:
0x15: {  	s1 =	sshrl.u32 s6, $0x3;
	s0 =	sor.u32 $0x1C04, s0;
	(pc) =	sbr.rel @!p0 .LBB2_7-.Ltmp1, $4  }
0x16: {  	[hbm:s15], [sflag:s0] =	dma.local [spmem:s1], $0x2800  }
0x17: {  	_ =	swait.ge [sflag:s21], $0x2800  }
0x18: {  	[sflag:s21] =	ssyncset.done $0x0  }
0x19: {  	[sflag:s21] =	ssyncadd.s32 $0xFFFFD800  }
.LBB2_1:
0x1a: {  	[tilespmem:s3], [sflag:$0x3] =	stream.linear.gather [hbm4b:s5+s3], $0x800, $0x38;
	[tilespmem:$0x1E000] =	vst v63  }
0x1b: {  	s31 =	sand.u32 $0xFE00, s3  }
0x1c: {  	s0 =	simm.s32 $0x1000;
	s29 =	sand.u32 $0x70, s3;
	s30 =	sshrl.u32 s31, $0x2  }
0x1d: {  	[tilespmem:s0], [sflag:$0x3] =	stream.linear.gather [hbm4b:s7+s3], $0x800, $0x38;
	[tilespmem:$0x1E000] =	vst v63  }
0x1e: {  	s0 =	simm.s32 $0x40;
	s30 =	sor.u32 s29, s30;
	s29 =	simm.s32 $0x0  }
.LBB2_2:
0x1f: {  	p0 =	sne.s32 s0, $0xF9C0  }
0x20: {  	[tilespmem:s30+$0x2000] =	vst v0;
	s29 =	sadd.s32 $0x10, s29;
	s30 =	smov.u32 s0;
	s0 =	sadd.s32 $0x40, s0  }
.Ltmp2:
0x21: {  	(pc) =	sbr.rel @p0 .LBB2_2-.Ltmp2, $4  }
0x22: {  	_ = 	snop  }
0x23: {  	s30 =	sand.u32 $0xFE00, s30  }
0x24: {  	s31 =	sand.u32 $0x70, s29;
	s30 =	sshrl.u32 s30, $0x2  }
0x25: {  	s30 =	sor.u32 s31, s30  }
0x26: {  	[tilespmem:s30+$0x2000] =	vst v0  }
0x27: {  	[spmem:s6] =	stream.linear.scatter [tilespmem:s20], [sflag:$0x4], $0x2800, $0x38;
	[tilespmem:$0x1E000] =	vst v63  }
0x28: {  	_ =	swait.ge [sflag:s21], $0x2800  }
0x29: {  	[sflag:s21] =	ssyncset.done $0x0  }
0x2a: {  	[sflag:s21] =	ssyncadd.s32 $0xFFFFD800  }
0x2b: {  	[spmem:s8] =	stream.linear.scatter [tilespmem:s20], [sflag:$0x4], $0x2800, $0x38;
	[tilespmem:$0x1E000] =	vst v63  }
0x2c: {  	_ =	swait.ge [sflag:s21], $0x2800  }
0x2d: {  	[sflag:s21] =	ssyncset.done $0x0  }
0x2e: {  	[sflag:s21] =	ssyncadd.s32 $0xFFFFD800  }
0x2f: {  	[spmem:s9] =	stream.linear.scatter [tilespmem:s20], [sflag:$0x4], $0x2800, $0x38;
	[tilespmem:$0x1E000] =	vst v63  }
0x30: {  	_ =	swait.ge [sflag:s21], $0x2800  }
0x31: {  	[sflag:s21] =	ssyncset.done $0x0  }
0x32: {  	[sflag:s21] =	ssyncadd.s32 $0xFFFFD800  }
0x33: {  	[spmem:s10] =	stream.linear.scatter [tilespmem:s20], [sflag:$0x4], $0x2800, $0x38;
	[tilespmem:$0x1E000] =	vst v63  }
0x34: {  	_ =	swait.ge [sflag:s21], $0x2800  }
0x35: {  	[sflag:s21] =	ssyncset.done $0x0  }
0x36: {  	[sflag:s21] =	ssyncadd.s32 $0xFFFFD800  }
0x37: {  	[spmem:s11] =	stream.linear.scatter [tilespmem:s20], [sflag:$0x4], $0x2800, $0x38;
	[tilespmem:$0x1E000] =	vst v63  }
0x38: {  	_ =	swait.ge [sflag:s21], $0x2800  }
0x39: {  	[sflag:s21] =	ssyncset.done $0x0  }
0x3a: {  	[sflag:s21] =	ssyncadd.s32 $0xFFFFD800  }
0x3b: {  	[spmem:s12] =	stream.linear.scatter [tilespmem:s20], [sflag:$0x4], $0x2800, $0x38;
	[tilespmem:$0x1E000] =	vst v63  }
0x3c: {  	_ =	swait.ge [sflag:s21], $0x2800  }
0x3d: {  	[sflag:s21] =	ssyncset.done $0x0  }
0x3e: {  	[sflag:s21] =	ssyncadd.s32 $0xFFFFD800  }
0x3f: {  	[spmem:s13] =	stream.linear.scatter [tilespmem:s20], [sflag:$0x4], $0x2800, $0x38;
	[tilespmem:$0x1E000] =	vst v63  }
0x40: {  	_ =	swait.ge [sflag:s21], $0x2800  }
0x41: {  	[sflag:s21] =	ssyncset.done $0x0  }
0x42: {  	[sflag:s21] =	ssyncadd.s32 $0xFFFFD800  }
0x43: {  	[spmem:s14] =	stream.linear.scatter [tilespmem:s20], [sflag:$0x4], $0x2800, $0x38;
	[tilespmem:$0x1E000] =	vst v63  }
0x44: {  	_ =	swait.ge [sflag:s21], $0x2800  }
0x45: {  	[sflag:s21] =	ssyncset.done $0x0  }
0x46: {  	[sflag:s21] =	ssyncadd.s32 $0xFFFFD800  }
0x47: {  	[bflag:$0x0] =	sbarrier.arrive $0xFFFF  }
0x48: {  	_ =	swait.ge [sflag:s22], $0x800  }
0x49: {  	[sflag:s22] =	ssyncset.done $0x0  }
0x4a: {  	[sflag:s22] =	ssyncadd.s32 $0xFFFFF800  }
0x4b: {  	_ =	swait.ge [sflag:s22], $0x800  }
0x4c: {  	s29 =	simm.s32 $0x0;
	[sflag:s22] =	ssyncset.done $0x0  }
0x4d: {  	s30 =	smov.u32 s18;
	s31 =	smov.u32 s17;
	[sflag:s22] =	ssyncadd.s32 $0xFFFFF800  }
.LBB2_4:
0x4e: {  	s0 =	sand.u32 $0x800, s29;
	p0 =	seq.s32 s29, $0x2000  }
0x4f: {  	[tilespmem:s20], [sflag:$0x1] =	stream.indirect.gather [hbm4b:s4+s23], $0x80, s0, s23, $0xb8;
	[tilespmem:$0x1E000] =	vst v63  }
0x50: {  	s19 =	sxor.u32 @!p0 $0x800, s0;
	s1 =	simm.s32 @!p0 $0x0  }
0x51: {  	[tilespmem:s19], [sflag:$0x3] =	stream.linear.gather @!p0 [hbm4b:s30+s1], $0x800, $0x38;
	[tilespmem:$0x1E000] =	vst v63  }
0x52: {  	s19 =	sor.u32 @!p0 $0x1000, s19  }
0x53: {  	[tilespmem:s19], [sflag:$0x3] =	stream.linear.gather @!p0 [hbm4b:s31+s1], $0x800, $0x38;
	[tilespmem:$0x1E000] =	vst v63  }
0x54: {  	s19 =	sor.u32 $0x80, s0  }
0x55: {  	[tilespmem:s24], [sflag:$0x2] =	stream.indirect.gather [hbm4b:s4+s23], $0x80, s19, s23, $0xb8;
	[tilespmem:$0x1E000] =	vst v63  }
0x56: {  	_ =	swait.ge [sflag:s25], $0x3E80  }
0x57: {  	[sflag:s25] =	ssyncset.done $0x0  }
0x58: {  	s19 =	sor.u32 $0x1000, s0;
	[sflag:s25] =	ssyncadd.s32 $0xFFFFC180  }
0x59: {  	[spmem:s2] =	stream.indirect.scatter.add.f32 [tilespmem:s20], [sflag:$0x4], $0x80, s19, s23, $0xb8;
	[tilespmem:$0x1E000] =	vst v63  }
0x5a: {  	_ =	swait.ge [sflag:s21], $0x3E80  }
0x5b: {  	[sflag:s21] =	ssyncset.done $0x0  }
0x5c: {  	s19 =	sadd.s32 $0x100, s0;
	[sflag:s21] =	ssyncadd.s32 $0xFFFFC180  }
0x5d: {  	[tilespmem:s20], [sflag:$0x1] =	stream.indirect.gather [hbm4b:s4+s23], $0x80, s19, s23, $0xb8;
	[tilespmem:$0x1E000] =	vst v63  }
0x5e: {  	_ =	swait.ge [sflag:s26], $0x3E80  }
0x5f: {  	[sflag:s26] =	ssyncset.done $0x0  }
0x60: {  	s19 =	sor.u32 $0x1080, s0;
	[sflag:s26] =	ssyncadd.s32 $0xFFFFC180  }
0x61: {  	[spmem:s2] =	stream.indirect.scatter.add.f32 [tilespmem:s24], [sflag:$0x4], $0x80, s19, s23, $0xb8;
	[tilespmem:$0x1E000] =	vst v63  }
0x62: {  	_ =	swait.ge [sflag:s21], $0x3E80  }
0x63: {  	[sflag:s21] =	ssyncset.done $0x0  }
0x64: {  	s19 =	sor.u32 $0x180, s0;
	[sflag:s21] =	ssyncadd.s32 $0xFFFFC180  }
0x65: {  	[tilespmem:s24], [sflag:$0x2] =	stream.indirect.gather [hbm4b:s4+s23], $0x80, s19, s23, $0xb8;
	[tilespmem:$0x1E000] =	vst v63  }
0x66: {  	_ =	swait.ge [sflag:s25], $0x3E80  }
0x67: {  	[sflag:s25] =	ssyncset.done $0x0  }
0x68: {  	s19 =	sadd.s32 $0x1100, s0;
	[sflag:s25] =	ssyncadd.s32 $0xFFFFC180  }
0x69: {  	[spmem:s2] =	stream.indirect.scatter.add.f32 [tilespmem:s20], [sflag:$0x4], $0x80, s19, s23, $0xb8;
	[tilespmem:$0x1E000] =	vst v63  }
0x6a: {  	_ =	swait.ge [sflag:s21], $0x3E80  }
0x6b: {  	[sflag:s21] =	ssyncset.done $0x0  }
0x6c: {  	s19 =	sadd.s32 $0x200, s0;
	[sflag:s21] =	ssyncadd.s32 $0xFFFFC180  }
0x6d: {  	[tilespmem:s20], [sflag:$0x1] =	stream.indirect.gather [hbm4b:s4+s23], $0x80, s19, s23, $0xb8;
	[tilespmem:$0x1E000] =	vst v63  }
0x6e: {  	_ =	swait.ge [sflag:s26], $0x3E80  }
0x6f: {  	[sflag:s26] =	ssyncset.done $0x0  }
0x70: {  	s19 =	sor.u32 $0x1180, s0;
	[sflag:s26] =	ssyncadd.s32 $0xFFFFC180  }
0x71: {  	[spmem:s2] =	stream.indirect.scatter.add.f32 [tilespmem:s24], [sflag:$0x4], $0x80, s19, s23, $0xb8;
	[tilespmem:$0x1E000] =	vst v63  }
0x72: {  	_ =	swait.ge [sflag:s21], $0x3E80  }
0x73: {  	[sflag:s21] =	ssyncset.done $0x0  }
0x74: {  	s19 =	sor.u32 $0x280, s0;
	[sflag:s21] =	ssyncadd.s32 $0xFFFFC180  }
0x75: {  	[tilespmem:s24], [sflag:$0x2] =	stream.indirect.gather [hbm4b:s4+s23], $0x80, s19, s23, $0xb8;
	[tilespmem:$0x1E000] =	vst v63  }
0x76: {  	_ =	swait.ge [sflag:s25], $0x3E80  }
0x77: {  	[sflag:s25] =	ssyncset.done $0x0  }
0x78: {  	s19 =	sadd.s32 $0x1200, s0;
	[sflag:s25] =	ssyncadd.s32 $0xFFFFC180  }
0x79: {  	[spmem:s2] =	stream.indirect.scatter.add.f32 [tilespmem:s20], [sflag:$0x4], $0x80, s19, s23, $0xb8;
	[tilespmem:$0x1E000] =	vst v63  }
0x7a: {  	_ =	swait.ge [sflag:s21], $0x3E80  }
0x7b: {  	[sflag:s21] =	ssyncset.done $0x0  }
0x7c: {  	s19 =	sadd.s32 $0x300, s0;
	[sflag:s21] =	ssyncadd.s32 $0xFFFFC180  }
0x7d: {  	[tilespmem:s20], [sflag:$0x1] =	stream.indirect.gather [hbm4b:s4+s23], $0x80, s19, s23, $0xb8;
	[tilespmem:$0x1E000] =	vst v63  }
0x7e: {  	_ =	swait.ge [sflag:s26], $0x3E80  }
0x7f: {  	[sflag:s26] =	ssyncset.done $0x0  }
0x80: {  	s19 =	sor.u32 $0x1280, s0;
	[sflag:s26] =	ssyncadd.s32 $0xFFFFC180  }
0x81: {  	[spmem:s2] =	stream.indirect.scatter.add.f32 [tilespmem:s24], [sflag:$0x4], $0x80, s19, s23, $0xb8;
	[tilespmem:$0x1E000] =	vst v63  }
0x82: {  	_ =	swait.ge [sflag:s21], $0x3E80  }
0x83: {  	[sflag:s21] =	ssyncset.done $0x0  }
0x84: {  	s19 =	sor.u32 $0x380, s0;
	[sflag:s21] =	ssyncadd.s32 $0xFFFFC180  }
0x85: {  	[tilespmem:s24], [sflag:$0x2] =	stream.indirect.gather [hbm4b:s4+s23], $0x80, s19, s23, $0xb8;
	[tilespmem:$0x1E000] =	vst v63  }
0x86: {  	_ =	swait.ge [sflag:s25], $0x3E80  }
0x87: {  	[sflag:s25] =	ssyncset.done $0x0  }
0x88: {  	s19 =	sadd.s32 $0x1300, s0;
	[sflag:s25] =	ssyncadd.s32 $0xFFFFC180  }
0x89: {  	[spmem:s2] =	stream.indirect.scatter.add.f32 [tilespmem:s20], [sflag:$0x4], $0x80, s19, s23, $0xb8;
	[tilespmem:$0x1E000] =	vst v63  }
0x8a: {  	_ =	swait.ge [sflag:s21], $0x3E80  }
0x8b: {  	[sflag:s21] =	ssyncset.done $0x0  }
0x8c: {  	s19 =	sadd.s32 $0x400, s0;
	[sflag:s21] =	ssyncadd.s32 $0xFFFFC180  }
0x8d: {  	[tilespmem:s20], [sflag:$0x1] =	stream.indirect.gather [hbm4b:s4+s23], $0x80, s19, s23, $0xb8;
	[tilespmem:$0x1E000] =	vst v63  }
0x8e: {  	_ =	swait.ge [sflag:s26], $0x3E80  }
0x8f: {  	[sflag:s26] =	ssyncset.done $0x0  }
0x90: {  	s19 =	sor.u32 $0x1380, s0;
	[sflag:s26] =	ssyncadd.s32 $0xFFFFC180  }
0x91: {  	[spmem:s2] =	stream.indirect.scatter.add.f32 [tilespmem:s24], [sflag:$0x4], $0x80, s19, s23, $0xb8;
	[tilespmem:$0x1E000] =	vst v63  }
0x92: {  	_ =	swait.ge [sflag:s21], $0x3E80  }
0x93: {  	[sflag:s21] =	ssyncset.done $0x0  }
0x94: {  	s19 =	sor.u32 $0x480, s0;
	[sflag:s21] =	ssyncadd.s32 $0xFFFFC180  }
0x95: {  	[tilespmem:s24], [sflag:$0x2] =	stream.indirect.gather [hbm4b:s4+s23], $0x80, s19, s23, $0xb8;
	[tilespmem:$0x1E000] =	vst v63  }
0x96: {  	_ =	swait.ge [sflag:s25], $0x3E80  }
0x97: {  	[sflag:s25] =	ssyncset.done $0x0  }
0x98: {  	s19 =	sadd.s32 $0x1400, s0;
	[sflag:s25] =	ssyncadd.s32 $0xFFFFC180  }
0x99: {  	[spmem:s2] =	stream.indirect.scatter.add.f32 [tilespmem:s20], [sflag:$0x4], $0x80, s19, s23, $0xb8;
	[tilespmem:$0x1E000] =	vst v63  }
0x9a: {  	_ =	swait.ge [sflag:s21], $0x3E80  }
0x9b: {  	[sflag:s21] =	ssyncset.done $0x0  }
0x9c: {  	s19 =	sadd.s32 $0x500, s0;
	[sflag:s21] =	ssyncadd.s32 $0xFFFFC180  }
0x9d: {  	[tilespmem:s20], [sflag:$0x1] =	stream.indirect.gather [hbm4b:s4+s23], $0x80, s19, s23, $0xb8;
	[tilespmem:$0x1E000] =	vst v63  }
0x9e: {  	_ =	swait.ge [sflag:s26], $0x3E80  }
0x9f: {  	[sflag:s26] =	ssyncset.done $0x0  }
0xa0: {  	s19 =	sor.u32 $0x1480, s0;
	[sflag:s26] =	ssyncadd.s32 $0xFFFFC180  }
0xa1: {  	[spmem:s2] =	stream.indirect.scatter.add.f32 [tilespmem:s24], [sflag:$0x4], $0x80, s19, s23, $0xb8;
	[tilespmem:$0x1E000] =	vst v63  }
0xa2: {  	_ =	swait.ge [sflag:s21], $0x3E80  }
0xa3: {  	[sflag:s21] =	ssyncset.done $0x0  }
0xa4: {  	s19 =	sor.u32 $0x580, s0;
	[sflag:s21] =	ssyncadd.s32 $0xFFFFC180  }
0xa5: {  	[tilespmem:s24], [sflag:$0x2] =	stream.indirect.gather [hbm4b:s4+s23], $0x80, s19, s23, $0xb8;
	[tilespmem:$0x1E000] =	vst v63  }
0xa6: {  	_ =	swait.ge [sflag:s25], $0x3E80  }
0xa7: {  	[sflag:s25] =	ssyncset.done $0x0  }
0xa8: {  	s19 =	sadd.s32 $0x1500, s0;
	[sflag:s25] =	ssyncadd.s32 $0xFFFFC180  }
0xa9: {  	[spmem:s2] =	stream.indirect.scatter.add.f32 [tilespmem:s20], [sflag:$0x4], $0x80, s19, s23, $0xb8;
	[tilespmem:$0x1E000] =	vst v63  }
0xaa: {  	_ =	swait.ge [sflag:s21], $0x3E80  }
0xab: {  	[sflag:s21] =	ssyncset.done $0x0  }
0xac: {  	s19 =	sadd.s32 $0x600, s0;
	[sflag:s21] =	ssyncadd.s32 $0xFFFFC180  }
0xad: {  	[tilespmem:s20], [sflag:$0x1] =	stream.indirect.gather [hbm4b:s4+s23], $0x80, s19, s23, $0xb8;
	[tilespmem:$0x1E000] =	vst v63  }
0xae: {  	_ =	swait.ge [sflag:s26], $0x3E80  }
0xaf: {  	[sflag:s26] =	ssyncset.done $0x0  }
0xb0: {  	s19 =	sor.u32 $0x1580, s0;
	[sflag:s26] =	ssyncadd.s32 $0xFFFFC180  }
0xb1: {  	[spmem:s2] =	stream.indirect.scatter.add.f32 [tilespmem:s24], [sflag:$0x4], $0x80, s19, s23, $0xb8;
	[tilespmem:$0x1E000] =	vst v63  }
0xb2: {  	_ =	swait.ge [sflag:s21], $0x3E80  }
0xb3: {  	[sflag:s21] =	ssyncset.done $0x0  }
0xb4: {  	s19 =	sor.u32 $0x680, s0;
	[sflag:s21] =	ssyncadd.s32 $0xFFFFC180  }
0xb5: {  	[tilespmem:s24], [sflag:$0x2] =	stream.indirect.gather [hbm4b:s4+s23], $0x80, s19, s23, $0xb8;
	[tilespmem:$0x1E000] =	vst v63  }
0xb6: {  	_ =	swait.ge [sflag:s25], $0x3E80  }
0xb7: {  	[sflag:s25] =	ssyncset.done $0x0  }
0xb8: {  	s19 =	sadd.s32 $0x1600, s0;
	[sflag:s25] =	ssyncadd.s32 $0xFFFFC180  }
0xb9: {  	[spmem:s2] =	stream.indirect.scatter.add.f32 [tilespmem:s20], [sflag:$0x4], $0x80, s19, s23, $0xb8;
	[tilespmem:$0x1E000] =	vst v63  }
0xba: {  	_ =	swait.ge [sflag:s21], $0x3E80  }
0xbb: {  	[sflag:s21] =	ssyncset.done $0x0  }
0xbc: {  	s19 =	sadd.s32 $0x700, s0;
	[sflag:s21] =	ssyncadd.s32 $0xFFFFC180  }
0xbd: {  	[tilespmem:s20], [sflag:$0x1] =	stream.indirect.gather [hbm4b:s4+s23], $0x80, s19, s23, $0xb8;
	[tilespmem:$0x1E000] =	vst v63  }
0xbe: {  	_ =	swait.ge [sflag:s26], $0x3E80  }
0xbf: {  	[sflag:s26] =	ssyncset.done $0x0  }
0xc0: {  	s19 =	sor.u32 $0x1680, s0;
	[sflag:s26] =	ssyncadd.s32 $0xFFFFC180  }
0xc1: {  	[spmem:s2] =	stream.indirect.scatter.add.f32 [tilespmem:s24], [sflag:$0x4], $0x80, s19, s23, $0xb8;
	[tilespmem:$0x1E000] =	vst v63  }
0xc2: {  	_ =	swait.ge [sflag:s21], $0x3E80  }
0xc3: {  	[sflag:s21] =	ssyncset.done $0x0  }
0xc4: {  	s19 =	sor.u32 $0x780, s0;
	[sflag:s21] =	ssyncadd.s32 $0xFFFFC180  }
0xc5: {  	[tilespmem:s24], [sflag:$0x2] =	stream.indirect.gather [hbm4b:s4+s23], $0x80, s19, s23, $0xb8;
	[tilespmem:$0x1E000] =	vst v63  }
0xc6: {  	_ =	swait.ge [sflag:s25], $0x3E80  }
0xc7: {  	[sflag:s25] =	ssyncset.done $0x0  }
0xc8: {  	s19 =	sadd.s32 $0x1700, s0;
	[sflag:s25] =	ssyncadd.s32 $0xFFFFC180  }
0xc9: {  	[spmem:s2] =	stream.indirect.scatter.add.f32 [tilespmem:s20], [sflag:$0x4], $0x80, s19, s23, $0xb8;
	[tilespmem:$0x1E000] =	vst v63  }
0xca: {  	_ =	swait.ge [sflag:s21], $0x3E80  }
0xcb: {  	[sflag:s21] =	ssyncset.done $0x0  }
0xcc: {  	[sflag:s21] =	ssyncadd.s32 $0xFFFFC180  }
0xcd: {  	_ =	swait.ge [sflag:s26], $0x3E80  }
0xce: {  	[sflag:s26] =	ssyncset.done $0x0  }
.Ltmp3:
0xcf: {  	s0 =	sor.u32 $0x1780, s0;
	[sflag:s26] =	ssyncadd.s32 $0xFFFFC180;
	(pc) =	sbr.rel @p0 .LBB2_6-.Ltmp3, $4  }
0xd0: {  	[spmem:s2] =	stream.indirect.scatter.add.f32 [tilespmem:s24], [sflag:$0x4], $0x80, s0, s23, $0xb8;
	[tilespmem:$0x1E000] =	vst v63  }
0xd1: {  	_ =	swait.ge [sflag:s21], $0x3E80  }
0xd2: {  	[sflag:s21] =	ssyncset.done $0x0  }
0xd3: {  	[sflag:s21] =	ssyncadd.s32 $0xFFFFC180  }
0xd4: {  	_ =	swait.ge [sflag:s22], $0x800  }
.Ltmp4:
0xd5: {  	[sflag:s22] =	ssyncset.done $0x0;
	(pc) =	sbr.rel .LBB2_4-.Ltmp4, $4  }
0xd6: {  	[sflag:s22] =	ssyncadd.s32 $0xFFFFF800  }
0xd7: {  	_ =	swait.ge [sflag:s22], $0x800  }
0xd8: {  	s31 =	sadd.s32 $0x100, s31;
	[sflag:s22] =	ssyncset.done $0x0  }
0xd9: {  	s30 =	sadd.s32 $0x100, s30;
	s29 =	sadd.s32 $0x800, s29;
	[sflag:s22] =	ssyncadd.s32 $0xFFFFF800  }
.LBB2_7:
0xda: {  	_ =	sfence.sel $0x180000  }
0xdb: {  	[bflag:$0x0] =	sbarrier.arrive $0xFFFF  }
0xdc: {  	_ =	strace $0x9000004D  }
0xdd: {  	s0 =	stileid.u32;
	[bflag:$0x2] =	sbarrier.arrive $0xFFFF  }
0xde: {  	p0 =	sne.s32 s0, $0x0;
	s0 =	rddreg [dreg:$0x2]  }
0xdf: {  	s0 =	sadd.s32 @!p0 $0x100000, s0  }
0xe0: {  	[sflag:s0] =	ssyncadd.tile.s32 @!p0 $0x1;
	_ =	shalt  }
.Lfunc_end2:
_tile_overlayer_lowered:
.L_overlay_start_2:
0xe1: {  	(tag) =	ssettag $0x2  }
0xe2: {  	s0 =	rddreg [dreg:$0x0];
	s2 =	stileid.u32  }
0xe3: {  	s1 =	rddreg [dreg:$0x1];
	p0 =	sne.s32 s2, $0x0  }
0xe4: {  	s3 =	rddreg [dreg:$0x2];
	[bflag:$0x3] =	sbarrier.arrive $0xFFFF;
	s2 =	simm.s32 @!p0 $0x1C04  }
0xe5: {  	[timem:s3], [sflag:s2] =	dma.local @!p0 [hbm:s0], s1  }
0xe6: {  	s0 =	simm.s32 @!p0 $0x4  }
0xe7: {  	_ =	swait.ge @!p0 [sflag:s0], s1  }
0xe8: {  	s1 =	ssub.s32 @!p0 $0x0, s1;
	[sflag:s0] =	ssyncset.done @!p0 $0x0  }
0xe9: {  	[sflag:s0] =	ssyncadd.s32 @!p0 s1  }
0xea: {  	[bflag:$0x3] =	sbarrier.arrive $0xFFFF  }
0xeb: {  	_ =	shalt  }

// kernel: kernel.7.cloned.1.call-start
scs
__scs_entry_jumppad:
0x0: {  	(pc) =	sbr.rel $0x88, $3  }
0x1: {  	(tag) =	ssettag $0x0;
	lr =	simm.s32 $0x1  }
0x2: {  	[smem:$0x3F94] =	sst lr;
	_ =	strace $0xD0000000  }
0x3: {  	_ = 	snop  }
0x4: {  	_ = 	snop  }
0x5: {  	_ = 	snop  }
0x6: {  	_ = 	snop  }
0x7: {  	_ = 	snop  }
__scs_overlays_trampoline_lowered:
0x8: {  	[smem:$0x3FA3] =	sst s0  }
0x9: {  	[smem:$0x3FA4] =	sst s1  }
0xa: {  	[smem:$0x3FA5] =	sst s2  }
0xb: {  	[smem:$0x3FA6] =	sst s3  }
0xc: {  	[smem:$0x3FA7] =	sst s4  }
0xd: {  	[smem:$0x3FA8] =	sst s5  }
0xe: {  	[smem:$0x3FA9] =	sst s6  }
0xf: {  	[smem:$0x3FAA] =	sst s7  }
0x10: {  	[smem:$0x3FAB] =	sst s8  }
0x11: {  	[smem:$0x3FAC] =	sst s9;
	s0 =	simm.s32 @!p0 $0x0  }
0x12: {  	s1 =	sld [smem:$0x3F92];
	s0 =	simm.s32 @p0 $0x1  }
0x13: {  	[smem:$0x3FAD] =	sst s0;
	s0 =	simm.s32 @!p1 $0x0  }
0x14: {  	s2 =	sld [smem:$0x3F91];
	s0 =	simm.s32 @p1 $0x1  }
0x15: {  	[smem:$0x3FAE] =	sst s0;
	s0 =	simm.s32 @!p2 $0x0  }
0x16: {  	s3 =	sld [smem:$0x3FDB];
	s0 =	simm.s32 @p2 $0x1  }
0x17: {  	s4 =	simm.s32 $0x1BF5;
	[smem:$0x3FB0] =	sst s0  }
0x18: {  	s0 =	sld [smem:$0x3F93];
	_ =	swait.ge [sflag:s4], $0x0  }
0x19: {  	s7 =	sld [smem:$0x3F94]  }
0x1a: {  	s8 =	sadd.s32 $0xFFFFE003, lr  }
0x1b: {  	s9 =	sadd.s32 $0xFFFFFEF7, lr;
	s5 =	simm.s32 $0xFFFFFFFF;
	p2 =	slt.u32 s8, $0xFFFFF086  }
0x1c: {  	p1 =	slt.u32 s9, $0xF7A;
	s5 =	simm.s32 @!p2 $0x0  }
0x1d: {  	s5 =	simm.s32 @p1 $0x1;
	p0 =	seq.s32 s7, s2  }
0x1e: {  	s7 =	smul.u32 @!p0 $0xF7A, s2;
	p2 =	seq.s32 @!p0 s5, $0x0  }
0x1f: {  	s9 =	smul.u32 $0xF7A, s1;
	s8 =	simm.s32 @!p0 $0x1BF5;
	p2 =	por !p2, p0  }
0x20: {  	[sflag:s8] =	ssyncset.s32 @!p0 $0xFFFFF086;
	s6 =	sadd.s32 @!p0 s3, s7;
	s7 =	simm.s32 @!p0 $0x108  }
0x21: {  	s3 =	sadd.s32 s3, s9;
	s6 =	sadd.s32 @!p0 $0x88, s6;
	s7 =	simm.s32 @p2 $0x1082  }
0x22: {  	[simem:s7], [sflag:s8] =	dma.local @!p0 [hbm:s6], $0xF7A  }
0x23: {  	s9 =	sor.u32 $0xD0000000, s2;
	s6 =	simm.s32 $0x108;
	_ =	swait.ge @!p0 [sflag:s8], $0x0  }
0x24: {  	s3 =	sadd.s32 $0x88, s3;
	s6 =	simm.s32 @!p1 $0x1082;
	[sflag:s4] =	ssyncset.s32 $0xFFFFF086  }
0x25: {  	[simem:s6], [sflag:s4] =	dma.local [hbm:s3], $0xF7A  }
0x26: {  	[smem:$0x3F94] =	sst s1;
	(tag) =	ssettag s2;
	_ =	strace s9  }
0x27: {  	s1 =	sld [smem:$0x3FA4]  }
0x28: {  	s2 =	sld [smem:$0x3FA5]  }
0x29: {  	s4 =	sld [smem:$0x3FA7]  }
0x2a: {  	p0 =	seq.s32 s5, $0x0;
	s5 =	sld [smem:$0x3FA8]  }
0x2b: {  	s6 =	sld [smem:$0x3FA9]  }
0x2c: {  	s7 =	sld [smem:$0x3FAA]  }
0x2d: {  	s3 =	simm.s32 $0x108;
	s8 =	sld [smem:$0x3FAB]  }
0x2e: {  	s3 =	simm.s32 @!p0 $0x1082;
	s9 =	sld [smem:$0x3FAC]  }
0x2f: {  	lr =	sadd.s32 s0, s3;
	s0 =	sld [smem:$0x3FA3]  }
0x30: {  	s3 =	sld [smem:$0x3FA6]  }
0x31: {  	[smem:$0x3FAF] =	sst s10  }
0x32: {  	s10 =	sld [smem:$0x3FAD];
	_ =	sdelay $0x3  }
0x33: {  	p0 =	seq.s32 s10, $0x1;
	s10 =	sld [smem:$0x3FAF];
	_ =	sdelay $0x3  }
0x34: {  	[smem:$0x3FAF] =	sst s10  }
0x35: {  	s10 =	sld [smem:$0x3FAE];
	_ =	sdelay $0x3  }
0x36: {  	p1 =	seq.s32 s10, $0x1;
	s10 =	sld [smem:$0x3FAF];
	_ =	sdelay $0x3  }
0x37: {  	[smem:$0x3FAF] =	sst s10  }
0x38: {  	s10 =	sld [smem:$0x3FB0]  }
0x39: {  	_ = 	snop;
	(pc) =	sbr.ind lr, $3  }
0x3a: {  	_ = 	snop  }
0x3b: {  	_ = 	snop  }
0x3c: {  	p2 =	seq.s32 s10, $0x1;
	s10 =	sld [smem:$0x3FAF]  }
0x3d: {  	_ =	shalt  }
0x3e: {  	_ =	shalt  }
0x3f: {  	_ =	shalt  }
0x40: {  	_ =	shalt  }
0x41: {  	_ =	shalt  }
0x42: {  	_ =	shalt  }
0x43: {  	_ =	shalt  }
0x44: {  	_ =	shalt  }
0x45: {  	_ =	shalt  }
0x46: {  	_ =	shalt  }
0x47: {  	_ =	shalt  }
0x48: {  	_ =	shalt  }
0x49: {  	_ =	shalt  }
0x4a: {  	_ =	shalt  }
0x4b: {  	_ =	shalt  }
0x4c: {  	_ =	shalt  }
0x4d: {  	_ =	shalt  }
0x4e: {  	_ =	shalt  }
0x4f: {  	_ =	shalt  }
0x50: {  	_ =	shalt  }
0x51: {  	_ =	shalt  }
0x52: {  	_ =	shalt  }
0x53: {  	_ =	shalt  }
0x54: {  	_ =	shalt  }
0x55: {  	_ =	shalt  }
0x56: {  	_ =	shalt  }
0x57: {  	_ =	shalt  }
0x58: {  	_ =	shalt  }
0x59: {  	_ =	shalt  }
0x5a: {  	_ =	shalt  }
0x5b: {  	_ =	shalt  }
0x5c: {  	_ =	shalt  }
0x5d: {  	_ =	shalt  }
0x5e: {  	_ =	shalt  }
0x5f: {  	_ =	shalt  }
0x60: {  	_ =	shalt  }
0x61: {  	_ =	shalt  }
0x62: {  	_ =	shalt  }
0x63: {  	_ =	shalt  }
0x64: {  	_ =	shalt  }
0x65: {  	_ =	shalt  }
0x66: {  	_ =	shalt  }
0x67: {  	_ =	shalt  }
0x68: {  	_ =	shalt  }
0x69: {  	_ =	shalt  }
0x6a: {  	_ =	shalt  }
0x6b: {  	_ =	shalt  }
0x6c: {  	_ =	shalt  }
0x6d: {  	_ =	shalt  }
0x6e: {  	_ =	shalt  }
0x6f: {  	_ =	shalt  }
0x70: {  	_ =	shalt  }
0x71: {  	_ =	shalt  }
0x72: {  	_ =	shalt  }
0x73: {  	_ =	shalt  }
0x74: {  	_ =	shalt  }
0x75: {  	_ =	shalt  }
0x76: {  	_ =	shalt  }
0x77: {  	_ =	shalt  }
0x78: {  	_ =	shalt  }
0x79: {  	_ =	shalt  }
0x7a: {  	_ =	shalt  }
0x7b: {  	_ =	shalt  }
0x7c: {  	_ =	shalt  }
0x7d: {  	_ =	shalt  }
0x7e: {  	_ =	shalt  }
0x7f: {  	_ =	shalt  }
0x80: {  	_ =	shalt  }
0x81: {  	_ =	shalt  }
0x82: {  	_ =	shalt  }
0x83: {  	_ =	shalt  }
0x84: {  	_ =	shalt  }
0x85: {  	_ =	shalt  }
0x86: {  	_ =	shalt  }
0x87: {  	_ =	shalt  }
.Lfunc_end0:
.L_simem_size_0:
called_computation_lowered:
.L_overlay_start_0:
0x88: {  	s2 =	sld [smem:$0x3FD9]  }
0x89: {  	s3 =	sld [smem:$0x3FFE];
	_ =	sdelay $0x1  }
0x8a: {  	s1 =	srdreg.scid  }
0x8b: {  	s0 =	sand.u32 $0x1, s1  }
0x8c: {  	s17 =	sshll.u32 s0, $0xA;
	s2 =	sadd.s32 s3, s2  }
0x8d: {  	s2 =	sadd.s32 s2, s17  }
0x8e: {  	[smem:$0x3FBB] =	sst s2  }
0x8f: {  	_ = 	snop  }
0x90: {  	(tm) =	ssettm $0x1  }
0x91: {  	s18 =	sld [smem:$0x3FFB];
	_ =	sdelay $0x3  }
0x92: {  	_ =	strace s18  }
0x93: {  	s2 =	sld [smem:$0x3FFC];
	_ =	sdelay $0x3  }
0x94: {  	_ =	strace s2  }
0x95: {  	s2 =	sld [smem:$0x3FFD];
	_ =	sdelay $0x3  }
0x96: {  	_ =	strace s2  }
0x97: {  	_ =	strace $0x8FFFFFFF  }
0x98: {  	s19 =	sld [smem:$0x3FDB];
	_ =	sdelay $0x1  }
0x99: {  	s20 =	simm.s32 $_scs_section_size  }
0x9a: {  	s4 =	simm.s32 $_size__tile_overlayer_lowered;
	s5 =	simm.s32 $_tile_overlayer_lowered  }
0x9b: {  	s6 =	simm.s32 $0x1BFF;
	s21 =	sshll.u32 s5, $0x1;
	s3 =	sadd.s32 s20, s19  }
0x9c: {  	s22 =	simm.s32 $0x0;
	s4 =	sshll.u32 s4, $0x1;
	s5 =	sadd.s32 s21, s3  }
0x9d: {  	[timem:s22], [sflag:s6] =	dma.local [hbm:s5], s4  }
0x9e: {  	_ =	swait.ge [sflag:s6], s4  }
0x9f: {  	s4 =	ssub.s32 $0x0, s4;
	[sflag:s6] =	ssyncset.done $0x0  }
0xa0: {  	[sflag:s6] =	ssyncadd.s32 s4;
	_ =	sdelay $0x1  }
0xa1: {  	s23 =	simm.s32 $0x1B8B  }
0xa2: {  	_ =	swait.ge [sflag:s23], $0x1  }
0xa3: {  	[sflag:s23] =	ssyncset.done $0x0  }
0xa4: {  	[sflag:s23] =	ssyncadd.s32 $0xFFFFFFFF  }
0xa5: {  	s4 =	sld [smem:$0x0]  }
0xa6: {  	s5 =	sand.u32 $0xFFFFFFFE, s1  }
0xa7: {  	p0 =	sne.s32 s1, s5  }
0xa8: {  	s5 =	sshll.u32 @p0 s5, $0xE  }
0xa9: {  	s5 =	sadd.s32 @p0 $0x11B8D, s5;
	s6 =	sshll.u32 @p0 s4, $0x11  }
0xaa: {  	s5 =	sor.u32 @p0 s6, s5  }
0xab: {  	[sflag:s5] =	ssyncadd.remote.s32 @p0 $0x1;
	_ =	sdelay $0x1  }
0xac: {  	s5 =	simm.s32 @p0 $0x1B8D  }
0xad: {  	_ =	swait.eq @p0 [sflag:s5], $0x1  }
0xae: {  	[sflag:s5] =	ssyncadd.s32 @p0 $0xFFFFFFFF  }
0xaf: {  	s6 =	sshll.u32 @!p0 s1, $0xE  }
0xb0: {  	s6 =	sor.u32 @!p0 $0x4000, s6;
	s5 =	simm.s32 @!p0 $0x1B8D  }
0xb1: {  	s4 =	sshll.u32 @!p0 s4, $0x11;
	s6 =	sadd.s32 @!p0 $0x11B8D, s6;
	_ =	swait.eq @!p0 [sflag:s5], $0x1  }
0xb2: {  	s4 =	sor.u32 @!p0 s4, s6;
	[sflag:s5] =	ssyncadd.s32 @!p0 $0xFFFFFFFF  }
0xb3: {  	s25 =	simm.s32 $0x1B8E;
	s24 =	sld [smem:$0x3FFE];
	[sflag:s4] =	ssyncadd.remote.s32 @!p0 $0x1  }
0xb4: {  	s26 =	simm.s32 $execute0_lowered;
	[smem:$0x3FD2] =	sst s25  }
0xb5: {  	s5 =	sshll.u32 s26, $0x1;
	_ =	strace $0x80000049;
	[dreg:$0x1] =	wrdreg $0xFFFFFFFF  }
0xb6: {  	s28 =	simm.s32 $_size_execute0_lowered;
	s3 =	sadd.s32 s3, s5;
	[dreg:$0x0] =	wrdreg $0x0  }
0xb7: {  	s5 =	sshll.u32 s28, $0x1;
	[dreg:$0x2] =	wrdreg s3  }
0xb8: {  	[dreg:$0x3] =	wrdreg s5  }
0xb9: {  	[dreg:$0x4] =	wrdreg $0xC0  }
0xba: {  	_ =	task [dreg:s22], $0x5FFFF  }
0xbb: {  	[dreg:$0x1] =	wrdreg $0xFFFFFFFF  }
0xbc: {  	[dreg:$0x0] =	wrdreg $0x60  }
0xbd: {  	[dreg:$0x2] =	wrdreg s24  }
0xbe: {  	[dreg:$0x3] =	wrdreg $0x60000  }
0xbf: {  	[dreg:$0x4] =	wrdreg $0x9  }
0xc0: {  	_ =	task.clear_ibuf [dreg:s22], $0x5FFFF;
	_ =	strace $0x90000049  }
0xc1: {  	s29 =	simm.s32 $0x9;
	_ =	strace $0x8000004B  }
0xc2: {  	_ =	swait.ge [sflag:s29], $0x1  }
0xc3: {  	[sflag:s29] =	ssyncadd.s32 $0xFFFFFFFF  }
0xc4: {  	_ =	strace $0x9000004B  }
0xc5: {  	_ =	sfence  }
0xc6: {  	s30 =	sld [smem:$0x0];
	_ =	sdelay $0x2  }
0xc7: {  	s31 =	sshll.u32 s1, $0xD;
	s1 =	sshrl.u32 s1, $0x2  }
0xc8: {  	s4 =	sand.u32 $0x4000, s31;
	s1 =	sadd.s32 s1, s30  }
0xc9: {  	s0 =	sor.u32 s4, s0;
	s1 =	sshll.u32 s1, $0x11  }
0xca: {  	s0 =	sor.u32 s1, s0  }
0xcb: {  	s0 =	sadd.s32 $0x8F2B, s0  }
0xcc: {  	[sflag:s0] =	ssyncadd.remote.s32 $0x1  }
0xcd: {  	_ =	sfence.sel $0xFFFF  }
0xce: {  	[dreg:$0x0] =	wrdreg $0xFFFFFFFF;
	(pc) =	sbr.abs _section_cstart, $3  }
0xcf: {  	[dreg:$0x1] =	wrdreg $0xFFFFFFFF  }
0xd0: {  	_ =	task.clear_ibuf [dreg:s22], $0x2FFFF;
	_ =	strace $0x9FFFFFFF  }
0xd1: {  	(tm) =	ssettm $0x7FFFFFFF  }
tec
execute0_lowered:
.L_overlay_start_1:
0x0: {  	(tag) =	ssettag $0x1  }
0x1: {  	s0 =	srdreg.scid;
	s3 =	rddreg [dreg:$0x0]  }
0x2: {  	s7 =	stileid.u32;
	s4 =	rddreg [dreg:$0x1]  }
0x3: {  	s2 =	simm.s32 $0x0;
	s28 =	simm.s32 $0x1;
	s6 =	smul.u32 $0x14000, s7  }
0x4: {  	s29 =	simm.s32 $0x800;
	s30 =	simm.s32 $0x0;
	s25 =	smul.u32 $0xA00, s7  }
0x5: {  	s0 =	sand.u32 $0x1, s0;
	s1 =	sshll.u32 s7, $0x1;
	s7 =	smul.u32 $0xA000, s7  }
0x6: {  	[smem:$0x7FF] =	sst s2;
	s1 =	sor.u32 s0, s1;
	s5 =	smul.u32 $0x140000, s0  }
0x7: {  	_ =	strace $0x8000004A;
	s0 =	ssub.s32 $0x2, s0;
	s1 =	smul.u32 $0x2710, s1  }
0x8: {  	s26 =	sshrl.u32 s0, $0x1;
	s7 =	sshrl.u32 s7, $0x2;
	s5 =	sadd.s32 s6, s5  }
0x9: {  	s6 =	sshrl.u32 s25, $0x2;
	s0 =	ssub.s32 s0, s26;
	s1 =	sshrl.u32 s1, $0x3  }
0xa: {  	s5 =	sshrl.u32 s5, $0x3;
	s19 =	smax.u32 s0, $0x1;
	s1 =	sadd.s32 s1, s3  }
0xb: {  	s5 =	sadd.s32 s5, s3;
	s3 =	sadd.s32 s6, s4;
	s4 =	sadd.s32 s7, s4  }
0xc: {  	s0 =	simm.s32 $0x5800;
	[dreg:$0x3] =	wrdreg s4;
	s31 =	sadd.s32 $0x2800, s3  }
0xd: {  	s6 =	sadd.s32 $0x5000, s3;
	s7 =	sadd.s32 $0x7800, s3;
	s8 =	sadd.s32 $0xA000, s3  }
0xe: {  	s9 =	sadd.s32 $0xC800, s3;
	s10 =	sadd.s32 $0xF000, s3;
	s11 =	sadd.s32 $0x11800, s3  }
0xf: {  	s12 =	sadd.s32 $0x14000, s3;
	s13 =	sadd.s32 $0x16800, s3;
	s14 =	sadd.s32 $0x19000, s3  }
0x10: {  	s15 =	sadd.s32 $0x1B800, s3;
	s16 =	sadd.s32 $0x1E000, s3;
	s17 =	sadd.s32 $0x20800, s3  }
0x11: {  	s18 =	sadd.s32 $0x23000, s3;
	s20 =	sadd.s32 $0x66E00, s1;
	s21 =	sadd.s32 $0x66EFA, s1  }
0x12: {  	s22 =	sadd.s32 $0x66FF4, s1;
	s23 =	sadd.s32 $0x670EE, s1;
	s24 =	sadd.s32 $0x671E8, s1  }
0x13: {  	v0 =	vimm.f32 $0.0e+00;
	v1 =	vimm.f32 $1.000000000e+00;
	s1 =	sadd.s32 $0x70C00, s5;
	s26 =	sadd.s32 $0x25800, s3;
	[dreg:$0x4] =	wrdreg s31  }
.LBB2_1:
0x14: {  	s4 =	simm.s32 $0x40;
	s5 =	simm.s32 $0x0  }
.LBB2_2:
0x15: {  	p0 =	sne.s32 s4, $0x9FC0;
	[tilespmem:s5+$0x800] =	vst v0;
	s5 =	smov.u32 s4;
	s4 =	sadd.s32 $0x40, s4  }
.Ltmp0:
0x16: {  	(pc) =	sbr.rel @p0 .LBB2_2-.Ltmp0, $2  }
0x17: {  	_ =	sdelay $0x2  }
0x18: {  	s5 =	sshra.s32 s5, $0x2  }
0x19: {  	[tilespmem:s5+$0x800] =	vst v0;
	s4 =	simm.s32 $0x0  }
0x1a: {  	[tilespmem:s4], [sflag:$0x1] =	stream.linear.gather [hbm4b:s20+s4], $0x7D0, $0x38;
	[tilespmem:$0x8800] =	vst v63  }
0x1b: {  	_ =	swait.ge [sflag:s28], $0x7D0  }
0x1c: {  	[sflag:s28] =	ssyncset.done $0x0  }
0x1d: {  	s5 =	simm.s32 $0x0;
	s4 =	simm.s32 $0x40;
	[sflag:s28] =	ssyncadd.s32 $0xFFFFF830  }
.LBB2_4:
0x1e: {  	p0 =	sne.s32 s4, $0x1F00;
	v2 =	vld [tilespmem:s5+$0x0];
	_ =	sdelay $0x3  }
.Ltmp1:
0x1f: {  	(pc) =	sbr.rel @p0 .LBB2_4-.Ltmp1, $2  }
0x20: {  	_ =	sdelay $0x2  }
0x21: {  	s5 =	sshra.s32 s4, $0x2;
	s4 =	sadd.s32 $0x40, s4;
	[tilespmem:v2+s29+$0x0] =	vst.idx.add.f32.msk $0xffff, v1  }
0x22: {  	v2 =	vld [tilespmem:s5+$0x0];
	_ =	sdelay $0x7  }
0x23: {  	s4 =	simm.s32 $0x0;
	[tilespmem:v2+s29+$0x0] =	vst.idx.add.f32.msk $0xffff, v1  }
0x24: {  	[tilespmem:s4], [sflag:$0x1] =	stream.linear.gather [hbm4b:s21+s4], $0x7D0, $0x38;
	[tilespmem:$0x8800] =	vst v63  }
0x25: {  	_ =	swait.ge [sflag:s28], $0x7D0  }
0x26: {  	[sflag:s28] =	ssyncset.done $0x0  }
0x27: {  	s5 =	simm.s32 $0x0;
	s4 =	simm.s32 $0x40;
	[sflag:s28] =	ssyncadd.s32 $0xFFFFF830  }
.LBB2_6:
0x28: {  	p0 =	sne.s32 s4, $0x1F00;
	v2 =	vld [tilespmem:s5+$0x0];
	_ =	sdelay $0x3  }
.Ltmp2:
0x29: {  	(pc) =	sbr.rel @p0 .LBB2_6-.Ltmp2, $2  }
0x2a: {  	_ =	sdelay $0x2  }
0x2b: {  	s5 =	sshra.s32 s4, $0x2;
	s4 =	sadd.s32 $0x40, s4;
	[tilespmem:v2+s29+$0x0] =	vst.idx.add.f32.msk $0xffff, v1  }
0x2c: {  	v2 =	vld [tilespmem:s5+$0x0];
	_ =	sdelay $0x7  }
0x2d: {  	s4 =	simm.s32 $0x0;
	[tilespmem:v2+s29+$0x0] =	vst.idx.add.f32.msk $0xffff, v1  }
0x2e: {  	[tilespmem:s4], [sflag:$0x1] =	stream.linear.gather [hbm4b:s22+s4], $0x7D0, $0x38;
	[tilespmem:$0x8800] =	vst v63  }
0x2f: {  	_ =	swait.ge [sflag:s28], $0x7D0  }
0x30: {  	[sflag:s28] =	ssyncset.done $0x0  }
0x31: {  	s5 =	simm.s32 $0x0;
	s4 =	simm.s32 $0x40;
	[sflag:s28] =	ssyncadd.s32 $0xFFFFF830  }
.LBB2_8:
0x32: {  	p0 =	sne.s32 s4, $0x1F00;
	v2 =	vld [tilespmem:s5+$0x0];
	_ =	sdelay $0x3  }
.Ltmp3:
0x33: {  	(pc) =	sbr.rel @p0 .LBB2_8-.Ltmp3, $2  }
0x34: {  	_ =	sdelay $0x2  }
0x35: {  	s5 =	sshra.s32 s4, $0x2;
	s4 =	sadd.s32 $0x40, s4;
	[tilespmem:v2+s29+$0x0] =	vst.idx.add.f32.msk $0xffff, v1  }
0x36: {  	v2 =	vld [tilespmem:s5+$0x0];
	_ =	sdelay $0x7  }
0x37: {  	s4 =	simm.s32 $0x0;
	[tilespmem:v2+s29+$0x0] =	vst.idx.add.f32.msk $0xffff, v1  }
0x38: {  	[tilespmem:s4], [sflag:$0x1] =	stream.linear.gather [hbm4b:s23+s4], $0x7D0, $0x38;
	[tilespmem:$0x8800] =	vst v63  }
0x39: {  	_ =	swait.ge [sflag:s28], $0x7D0  }
0x3a: {  	[sflag:s28] =	ssyncset.done $0x0  }
0x3b: {  	s5 =	simm.s32 $0x0;
	s4 =	simm.s32 $0x40;
	[sflag:s28] =	ssyncadd.s32 $0xFFFFF830  }
.LBB2_10:
0x3c: {  	p0 =	sne.s32 s4, $0x1F00;
	v2 =	vld [tilespmem:s5+$0x0];
	_ =	sdelay $0x3  }
.Ltmp4:
0x3d: {  	(pc) =	sbr.rel @p0 .LBB2_10-.Ltmp4, $2  }
0x3e: {  	_ =	sdelay $0x2  }
0x3f: {  	s5 =	sshra.s32 s4, $0x2;
	s4 =	sadd.s32 $0x40, s4;
	[tilespmem:v2+s29+$0x0] =	vst.idx.add.f32.msk $0xffff, v1  }
0x40: {  	v2 =	vld [tilespmem:s5+$0x0];
	_ =	sdelay $0x7  }
0x41: {  	s4 =	simm.s32 $0x0;
	[tilespmem:v2+s29+$0x0] =	vst.idx.add.f32.msk $0xffff, v1  }
0x42: {  	[tilespmem:s4], [sflag:$0x1] =	stream.linear.gather [hbm4b:s24+s4], $0x7D0, $0x38;
	[tilespmem:$0x8800] =	vst v63  }
0x43: {  	_ =	swait.ge [sflag:s28], $0x7D0  }
0x44: {  	[sflag:s28] =	ssyncset.done $0x0  }
0x45: {  	s5 =	simm.s32 $0x0;
	s4 =	simm.s32 $0x40;
	[sflag:s28] =	ssyncadd.s32 $0xFFFFF830  }
.LBB2_12:
0x46: {  	p0 =	sne.s32 s4, $0x1F00;
	v2 =	vld [tilespmem:s5+$0x0];
	_ =	sdelay $0x3  }
.Ltmp5:
0x47: {  	(pc) =	sbr.rel @p0 .LBB2_12-.Ltmp5, $2  }
0x48: {  	_ =	sdelay $0x2  }
0x49: {  	s5 =	sshra.s32 s4, $0x2;
	s4 =	sadd.s32 $0x40, s4;
	[tilespmem:v2+s29+$0x0] =	vst.idx.add.f32.msk $0xffff, v1  }
0x4a: {  	v2 =	vld [tilespmem:s5+$0x0];
	_ =	sdelay $0x7  }
0x4b: {  	s31 =	simm.s32 $0x800;
	s4 =	rddreg [dreg:$0x3];
	[tilespmem:v2+s29+$0x0] =	vst.idx.add.f32.msk $0xffff, v1  }
0x4c: {  	[spmem:s4] =	stream.linear.scatter [tilespmem:s31], [sflag:$0x1], $0x2800, $0x38;
	[tilespmem:$0x8800] =	vst v63  }
0x4d: {  	_ =	swait.ge [sflag:s28], $0x2800  }
0x4e: {  	[sflag:s28] =	ssyncset.done $0x0  }
0x4f: {  	[sflag:s28] =	ssyncadd.s32 $0xFFFFD800  }
0x50: {  	s4 =	simm.s32 $0x3000;
	[bflag:$0x0] =	sbarrier.arrive $0xFFFF  }
0x51: {  	[tilespmem:s4], [sflag:$0x1] =	stream.linear.gather [spmem:s3], $0x280, $0x38;
	[tilespmem:$0x8800] =	vst v63  }
0x52: {  	_ =	swait.ge [sflag:s28], $0x280  }
0x53: {  	[sflag:s28] =	ssyncset.done $0x0  }
0x54: {  	s25 =	simm.s32 $0x3280;
	s5 =	rddreg [dreg:$0x4];
	[sflag:s28] =	ssyncadd.s32 $0xFFFFFD80  }
0x55: {  	[tilespmem:s25], [sflag:$0x1] =	stream.linear.gather [spmem:s5], $0x280, $0x38;
	[tilespmem:$0x8800] =	vst v63  }
0x56: {  	_ =	swait.ge [sflag:s28], $0x280  }
0x57: {  	[sflag:s28] =	ssyncset.done $0x0  }
0x58: {  	s25 =	simm.s32 $0x3500;
	[sflag:s28] =	ssyncadd.s32 $0xFFFFFD80  }
0x59: {  	[tilespmem:s25], [sflag:$0x1] =	stream.linear.gather [spmem:s6], $0x280, $0x38;
	[tilespmem:$0x8800] =	vst v63  }
0x5a: {  	_ =	swait.ge [sflag:s28], $0x280  }
0x5b: {  	[sflag:s28] =	ssyncset.done $0x0  }
0x5c: {  	s25 =	simm.s32 $0x3780;
	[sflag:s28] =	ssyncadd.s32 $0xFFFFFD80  }
0x5d: {  	[tilespmem:s25], [sflag:$0x1] =	stream.linear.gather [spmem:s7], $0x280, $0x38;
	[tilespmem:$0x8800] =	vst v63  }
0x5e: {  	_ =	swait.ge [sflag:s28], $0x280  }
0x5f: {  	[sflag:s28] =	ssyncset.done $0x0  }
0x60: {  	s25 =	simm.s32 $0x3A00;
	[sflag:s28] =	ssyncadd.s32 $0xFFFFFD80  }
0x61: {  	[tilespmem:s25], [sflag:$0x1] =	stream.linear.gather [spmem:s8], $0x280, $0x38;
	[tilespmem:$0x8800] =	vst v63  }
0x62: {  	_ =	swait.ge [sflag:s28], $0x280  }
0x63: {  	[sflag:s28] =	ssyncset.done $0x0  }
0x64: {  	s25 =	simm.s32 $0x3C80;
	[sflag:s28] =	ssyncadd.s32 $0xFFFFFD80  }
0x65: {  	[tilespmem:s25], [sflag:$0x1] =	stream.linear.gather [spmem:s9], $0x280, $0x38;
	[tilespmem:$0x8800] =	vst v63  }
0x66: {  	_ =	swait.ge [sflag:s28], $0x280  }
0x67: {  	[sflag:s28] =	ssyncset.done $0x0  }
0x68: {  	s25 =	simm.s32 $0x3F00;
	[sflag:s28] =	ssyncadd.s32 $0xFFFFFD80  }
0x69: {  	[tilespmem:s25], [sflag:$0x1] =	stream.linear.gather [spmem:s10], $0x280, $0x38;
	[tilespmem:$0x8800] =	vst v63  }
0x6a: {  	_ =	swait.ge [sflag:s28], $0x280  }
0x6b: {  	[sflag:s28] =	ssyncset.done $0x0  }
0x6c: {  	s25 =	simm.s32 $0x4180;
	[sflag:s28] =	ssyncadd.s32 $0xFFFFFD80  }
0x6d: {  	[tilespmem:s25], [sflag:$0x1] =	stream.linear.gather [spmem:s11], $0x280, $0x38;
	[tilespmem:$0x8800] =	vst v63  }
0x6e: {  	_ =	swait.ge [sflag:s28], $0x280  }
0x6f: {  	[sflag:s28] =	ssyncset.done $0x0  }
0x70: {  	s25 =	simm.s32 $0x4400;
	[sflag:s28] =	ssyncadd.s32 $0xFFFFFD80  }
0x71: {  	[tilespmem:s25], [sflag:$0x1] =	stream.linear.gather [spmem:s12], $0x280, $0x38;
	[tilespmem:$0x8800] =	vst v63  }
0x72: {  	_ =	swait.ge [sflag:s28], $0x280  }
0x73: {  	[sflag:s28] =	ssyncset.done $0x0  }
0x74: {  	s25 =	simm.s32 $0x4680;
	[sflag:s28] =	ssyncadd.s32 $0xFFFFFD80  }
0x75: {  	[tilespmem:s25], [sflag:$0x1] =	stream.linear.gather [spmem:s13], $0x280, $0x38;
	[tilespmem:$0x8800] =	vst v63  }
0x76: {  	_ =	swait.ge [sflag:s28], $0x280  }
0x77: {  	[sflag:s28] =	ssyncset.done $0x0  }
0x78: {  	s25 =	simm.s32 $0x4900;
	[sflag:s28] =	ssyncadd.s32 $0xFFFFFD80  }
0x79: {  	[tilespmem:s25], [sflag:$0x1] =	stream.linear.gather [spmem:s14], $0x280, $0x38;
	[tilespmem:$0x8800] =	vst v63  }
0x7a: {  	_ =	swait.ge [sflag:s28], $0x280  }
0x7b: {  	[sflag:s28] =	ssyncset.done $0x0  }
0x7c: {  	s25 =	simm.s32 $0x4B80;
	[sflag:s28] =	ssyncadd.s32 $0xFFFFFD80  }
0x7d: {  	[tilespmem:s25], [sflag:$0x1] =	stream.linear.gather [spmem:s15], $0x280, $0x38;
	[tilespmem:$0x8800] =	vst v63  }
0x7e: {  	_ =	swait.ge [sflag:s28], $0x280  }
0x7f: {  	[sflag:s28] =	ssyncset.done $0x0  }
0x80: {  	s25 =	simm.s32 $0x4E00;
	[sflag:s28] =	ssyncadd.s32 $0xFFFFFD80  }
0x81: {  	[tilespmem:s25], [sflag:$0x1] =	stream.linear.gather [spmem:s16], $0x280, $0x38;
	[tilespmem:$0x8800] =	vst v63  }
0x82: {  	_ =	swait.ge [sflag:s28], $0x280  }
0x83: {  	[sflag:s28] =	ssyncset.done $0x0  }
0x84: {  	s25 =	simm.s32 $0x5080;
	[sflag:s28] =	ssyncadd.s32 $0xFFFFFD80  }
0x85: {  	[tilespmem:s25], [sflag:$0x1] =	stream.linear.gather [spmem:s17], $0x280, $0x38;
	[tilespmem:$0x8800] =	vst v63  }
0x86: {  	_ =	swait.ge [sflag:s28], $0x280  }
0x87: {  	[sflag:s28] =	ssyncset.done $0x0  }
0x88: {  	s25 =	simm.s32 $0x5300;
	[sflag:s28] =	ssyncadd.s32 $0xFFFFFD80  }
0x89: {  	[tilespmem:s25], [sflag:$0x1] =	stream.linear.gather [spmem:s18], $0x280, $0x38;
	[tilespmem:$0x8800] =	vst v63  }
0x8a: {  	_ =	swait.ge [sflag:s28], $0x280  }
0x8b: {  	[sflag:s28] =	ssyncset.done $0x0  }
0x8c: {  	s25 =	simm.s32 $0x5580;
	[sflag:s28] =	ssyncadd.s32 $0xFFFFFD80  }
0x8d: {  	[tilespmem:s25], [sflag:$0x1] =	stream.linear.gather [spmem:s26], $0x280, $0x38;
	[tilespmem:$0x8800] =	vst v63  }
0x8e: {  	_ =	swait.ge [sflag:s28], $0x280  }
0x8f: {  	s25 =	simm.s32 $0x0;
	[sflag:s28] =	ssyncset.done $0x0  }
0x90: {  	s5 =	sand.u32 $0x3F0, s25;
	[sflag:s28] =	ssyncadd.s32 $0xFFFFFD80  }
0x91: {  	v2 =	vld [tilespmem:s5+$0x3280]  }
0x92: {  	v3 =	vld [tilespmem:s4+$0x0];
	_ =	sdelay $0x1  }
0x93: {  	v4 =	vld [tilespmem:s5+$0x3500];
	_ =	sdelay $0x1  }
0x94: {  	v5 =	vld [tilespmem:s5+$0x3780]  }
0x95: {  	v2 =	vadd.f32 v2, v3  }
0x96: {  	v3 =	vld [tilespmem:s5+$0x3A00]  }
0x97: {  	v2 =	vadd.f32 v4, v2  }
0x98: {  	v56 =	vld [tilespmem:s5+$0x3C80]  }
0x99: {  	v2 =	vadd.f32 v5, v2  }
0x9a: {  	v57 =	vld [tilespmem:s5+$0x3F00]  }
0x9b: {  	v2 =	vadd.f32 v3, v2  }
0x9c: {  	v3 =	vld [tilespmem:s5+$0x4180]  }
0x9d: {  	v2 =	vadd.f32 v56, v2  }
0x9e: {  	v58 =	vld [tilespmem:s5+$0x4400]  }
0x9f: {  	v2 =	vadd.f32 v57, v2  }
0xa0: {  	v59 =	vld [tilespmem:s5+$0x4680]  }
0xa1: {  	v2 =	vadd.f32 v3, v2  }
0xa2: {  	v3 =	vld [tilespmem:s5+$0x4900]  }
0xa3: {  	v2 =	vadd.f32 v58, v2  }
0xa4: {  	v60 =	vld [tilespmem:s5+$0x4B80]  }
0xa5: {  	v2 =	vadd.f32 v59, v2  }
0xa6: {  	v61 =	vld [tilespmem:s5+$0x4E00]  }
0xa7: {  	v2 =	vadd.f32 v3, v2  }
0xa8: {  	v3 =	vld [tilespmem:s5+$0x5080]  }
0xa9: {  	v2 =	vadd.f32 v60, v2  }
0xaa: {  	v62 =	vld [tilespmem:s5+$0x5300]  }
0xab: {  	v2 =	vadd.f32 v61, v2  }
0xac: {  	v63 =	vld [tilespmem:s5+$0x5580]  }
0xad: {  	v2 =	vadd.f32 v3, v2;
	_ =	sdelay $0x1  }
0xae: {  	v2 =	vadd.f32 v62, v2;
	_ =	sdelay $0x1  }
0xaf: {  	v2 =	vadd.f32 v63, v2  }
0xb0: {  	s25 =	simm.s32 $0x10  }
0xb1: {  	s25 =	sand.u32 $0x3F0, s25;
	[tilespmem:s31+$0x0] =	vst v2  }
0xb2: {  	s4 =	simm.s32 $0x3010;
	s5 =	simm.s32 $0x20;
	v2 =	vld [tilespmem:s25+$0x3280]  }
.LBB2_14:
0xb3: {  	p0 =	sne.s32 s5, $0x270;
	v3 =	vld [tilespmem:s4+$0x0];
	_ =	sdelay $0x1  }
0xb4: {  	v4 =	vld [tilespmem:s25+$0x3500];
	_ =	sdelay $0x1  }
0xb5: {  	v5 =	vld [tilespmem:s25+$0x3780]  }
0xb6: {  	v2 =	vadd.f32 v2, v3  }
0xb7: {  	v3 =	vld [tilespmem:s25+$0x3A00]  }
0xb8: {  	v2 =	vadd.f32 v4, v2  }
0xb9: {  	v4 =	vld [tilespmem:s25+$0x3C80]  }
0xba: {  	v2 =	vadd.f32 v5, v2  }
0xbb: {  	v5 =	vld [tilespmem:s25+$0x3F00]  }
0xbc: {  	v2 =	vadd.f32 v3, v2  }
0xbd: {  	v3 =	vld [tilespmem:s25+$0x4180]  }
0xbe: {  	v2 =	vadd.f32 v4, v2  }
0xbf: {  	v4 =	vld [tilespmem:s25+$0x4400]  }
0xc0: {  	v2 =	vadd.f32 v5, v2  }
0xc1: {  	v5 =	vld [tilespmem:s25+$0x4680]  }
0xc2: {  	v2 =	vadd.f32 v3, v2  }
0xc3: {  	v3 =	vld [tilespmem:s25+$0x4900]  }
0xc4: {  	v2 =	vadd.f32 v4, v2  }
0xc5: {  	v4 =	vld [tilespmem:s25+$0x4B80]  }
0xc6: {  	v2 =	vadd.f32 v5, v2  }
0xc7: {  	v5 =	vld [tilespmem:s25+$0x4E00]  }
0xc8: {  	v2 =	vadd.f32 v3, v2  }
0xc9: {  	v3 =	vld [tilespmem:s25+$0x5080]  }
0xca: {  	v2 =	vadd.f32 v4, v2  }
0xcb: {  	v4 =	vld [tilespmem:s25+$0x5300]  }
0xcc: {  	v2 =	vadd.f32 v5, v2  }
0xcd: {  	v5 =	vld [tilespmem:s25+$0x5580]  }
0xce: {  	v2 =	vadd.f32 v3, v2;
	_ =	sdelay $0x1  }
0xcf: {  	v2 =	vadd.f32 v4, v2  }
.Ltmp6:
0xd0: {  	(pc) =	sbr.rel @p0 .LBB2_14-.Ltmp6, $4  }
0xd1: {  	v2 =	vadd.f32 v5, v2  }
0xd2: {  	s31 =	sadd.s32 $0x10, s31  }
0xd3: {  	s25 =	sand.u32 $0x3F0, s5;
	[tilespmem:s31+$0x0] =	vst v2  }
0xd4: {  	s4 =	sadd.s32 $0x10, s4;
	s5 =	sadd.s32 $0x10, s5;
	v2 =	vld [tilespmem:s25+$0x3280]  }
0xd5: {  	v3 =	vld [tilespmem:s4+$0x0];
	_ =	sdelay $0x1  }
0xd6: {  	v4 =	vld [tilespmem:s25+$0x3500];
	_ =	sdelay $0x1  }
0xd7: {  	v5 =	vld [tilespmem:s25+$0x3780]  }
0xd8: {  	v2 =	vadd.f32 v2, v3  }
0xd9: {  	v3 =	vld [tilespmem:s25+$0x3A00]  }
0xda: {  	v2 =	vadd.f32 v4, v2  }
0xdb: {  	v56 =	vld [tilespmem:s25+$0x3C80]  }
0xdc: {  	v2 =	vadd.f32 v5, v2  }
0xdd: {  	v57 =	vld [tilespmem:s25+$0x3F00]  }
0xde: {  	v2 =	vadd.f32 v3, v2  }
0xdf: {  	v3 =	vld [tilespmem:s25+$0x4180]  }
0xe0: {  	v2 =	vadd.f32 v56, v2  }
0xe1: {  	v58 =	vld [tilespmem:s25+$0x4400]  }
0xe2: {  	v2 =	vadd.f32 v57, v2  }
0xe3: {  	v59 =	vld [tilespmem:s25+$0x4680]  }
0xe4: {  	v2 =	vadd.f32 v3, v2  }
0xe5: {  	v3 =	vld [tilespmem:s25+$0x4900]  }
0xe6: {  	v2 =	vadd.f32 v58, v2  }
0xe7: {  	v60 =	vld [tilespmem:s25+$0x4B80]  }
0xe8: {  	v2 =	vadd.f32 v59, v2  }
0xe9: {  	v61 =	vld [tilespmem:s25+$0x4E00]  }
0xea: {  	v2 =	vadd.f32 v3, v2  }
0xeb: {  	v3 =	vld [tilespmem:s25+$0x5080]  }
0xec: {  	v2 =	vadd.f32 v60, v2  }
0xed: {  	v62 =	vld [tilespmem:s25+$0x5300]  }
0xee: {  	v2 =	vadd.f32 v61, v2  }
0xef: {  	v63 =	vld [tilespmem:s25+$0x5580]  }
0xf0: {  	v2 =	vadd.f32 v3, v2;
	_ =	sdelay $0x1  }
0xf1: {  	v2 =	vadd.f32 v62, v2;
	_ =	sdelay $0x1  }
0xf2: {  	v2 =	vadd.f32 v63, v2  }
0xf3: {  	s25 =	sadd.s32 $0x10, s31  }
0xf4: {  	s31 =	simm.s32 $0xF;
	[tilespmem:s25+$0x0] =	vst v2;
	s25 =	smov.u32 s1  }
.LBB2_16:
0xf5: {  	s4 =	sadd.s32 $0xFFFFFFF1, s31  }
0xf6: {  	v2 =	vmov s4  }
0xf7: {  	v2 =	vand.u32 $0xFFFFFFF0, v2  }
0xf8: {  	v2 =	vbroadcast v2, $0x0;
	_ =	sdelay $0x5  }
0xf9: {  	v2 =	vld.idx.msk [tilespmem:v2+s29+$0x0], $0xffff;
	_ =	sdelay $0x3  }
0xfa: {  	s5 =	sadd.s32 $0xFFFFFFF2, s31  }
0xfb: {  	v3 =	vmov s5;
	[tilespmem:$0x5800] =	vst v2  }
0xfc: {  	v3 =	vand.u32 $0xFFFFFFF1, v3;
	[tilespmem:$0x5810] =	vst v2  }
0xfd: {  	v3 =	vbroadcast v3, $0x0;
	[tilespmem:$0x5820] =	vst v2  }
0xfe: {  	[tilespmem:$0x5830] =	vst v2  }
0xff: {  	[tilespmem:$0x5840] =	vst v2  }
0x100: {  	[tilespmem:$0x5850] =	vst v2  }
0x101: {  	[tilespmem:$0x5860] =	vst v2  }
0x102: {  	[tilespmem:$0x5870] =	vst v2  }
0x103: {  	v2 =	vld.idx.msk [tilespmem:v3+s29+$0x0], $0xffff;
	_ =	sdelay $0x3  }
0x104: {  	s5 =	sadd.s32 $0xFFFFFFF3, s31  }
0x105: {  	v3 =	vmov s5;
	[tilespmem:$0x5880] =	vst v2  }
0x106: {  	v3 =	vand.u32 $0xFFFFFFF2, v3;
	[tilespmem:$0x5890] =	vst v2  }
0x107: {  	v3 =	vbroadcast v3, $0x0;
	[tilespmem:$0x58A0] =	vst v2  }
0x108: {  	[tilespmem:$0x58B0] =	vst v2  }
0x109: {  	[tilespmem:$0x58C0] =	vst v2  }
0x10a: {  	[tilespmem:$0x58D0] =	vst v2  }
0x10b: {  	[tilespmem:$0x58E0] =	vst v2  }
0x10c: {  	[tilespmem:$0x58F0] =	vst v2  }
0x10d: {  	v2 =	vld.idx.msk [tilespmem:v3+s29+$0x0], $0xffff;
	_ =	sdelay $0x3  }
0x10e: {  	s5 =	sadd.s32 $0xFFFFFFF4, s31  }
0x10f: {  	v3 =	vmov s5;
	[tilespmem:$0x5900] =	vst v2  }
0x110: {  	v3 =	vand.u32 $0xFFFFFFF3, v3;
	[tilespmem:$0x5910] =	vst v2  }
0x111: {  	v3 =	vbroadcast v3, $0x0;
	[tilespmem:$0x5920] =	vst v2  }
0x112: {  	[tilespmem:$0x5930] =	vst v2  }
0x113: {  	[tilespmem:$0x5940] =	vst v2  }
0x114: {  	[tilespmem:$0x5950] =	vst v2  }
0x115: {  	[tilespmem:$0x5960] =	vst v2  }
0x116: {  	[tilespmem:$0x5970] =	vst v2  }
0x117: {  	v2 =	vld.idx.msk [tilespmem:v3+s29+$0x0], $0xffff;
	_ =	sdelay $0x3  }
0x118: {  	s5 =	sadd.s32 $0xFFFFFFF5, s31  }
0x119: {  	v3 =	vmov s5;
	[tilespmem:$0x5980] =	vst v2  }
0x11a: {  	v3 =	vand.u32 $0xFFFFFFF4, v3;
	[tilespmem:$0x5990] =	vst v2  }
0x11b: {  	v3 =	vbroadcast v3, $0x0;
	[tilespmem:$0x59A0] =	vst v2  }
0x11c: {  	[tilespmem:$0x59B0] =	vst v2  }
0x11d: {  	[tilespmem:$0x59C0] =	vst v2  }
0x11e: {  	[tilespmem:$0x59D0] =	vst v2  }
0x11f: {  	[tilespmem:$0x59E0] =	vst v2  }
0x120: {  	[tilespmem:$0x59F0] =	vst v2  }
0x121: {  	v2 =	vld.idx.msk [tilespmem:v3+s29+$0x0], $0xffff;
	_ =	sdelay $0x3  }
0x122: {  	s5 =	sadd.s32 $0xFFFFFFF6, s31  }
0x123: {  	v3 =	vmov s5;
	[tilespmem:$0x5A00] =	vst v2  }
0x124: {  	v3 =	vand.u32 $0xFFFFFFF5, v3;
	[tilespmem:$0x5A10] =	vst v2  }
0x125: {  	v3 =	vbroadcast v3, $0x0;
	[tilespmem:$0x5A20] =	vst v2  }
0x126: {  	[tilespmem:$0x5A30] =	vst v2  }
0x127: {  	[tilespmem:$0x5A40] =	vst v2  }
0x128: {  	[tilespmem:$0x5A50] =	vst v2  }
0x129: {  	[tilespmem:$0x5A60] =	vst v2  }
0x12a: {  	[tilespmem:$0x5A70] =	vst v2  }
0x12b: {  	v2 =	vld.idx.msk [tilespmem:v3+s29+$0x0], $0xffff;
	_ =	sdelay $0x3  }
0x12c: {  	s5 =	sadd.s32 $0xFFFFFFF7, s31  }
0x12d: {  	v3 =	vmov s5;
	[tilespmem:$0x5A80] =	vst v2  }
0x12e: {  	v3 =	vand.u32 $0xFFFFFFF6, v3;
	[tilespmem:$0x5A90] =	vst v2  }
0x12f: {  	v3 =	vbroadcast v3, $0x0;
	[tilespmem:$0x5AA0] =	vst v2  }
0x130: {  	[tilespmem:$0x5AB0] =	vst v2  }
0x131: {  	[tilespmem:$0x5AC0] =	vst v2  }
0x132: {  	[tilespmem:$0x5AD0] =	vst v2  }
0x133: {  	[tilespmem:$0x5AE0] =	vst v2  }
0x134: {  	[tilespmem:$0x5AF0] =	vst v2  }
0x135: {  	v2 =	vld.idx.msk [tilespmem:v3+s29+$0x0], $0xffff;
	_ =	sdelay $0x3  }
0x136: {  	s5 =	sadd.s32 $0xFFFFFFF8, s31  }
0x137: {  	v3 =	vmov s5;
	[tilespmem:$0x5B00] =	vst v2  }
0x138: {  	v3 =	vand.u32 $0xFFFFFFF7, v3;
	[tilespmem:$0x5B10] =	vst v2  }
0x139: {  	v3 =	vbroadcast v3, $0x0;
	[tilespmem:$0x5B20] =	vst v2  }
0x13a: {  	[tilespmem:$0x5B30] =	vst v2  }
0x13b: {  	[tilespmem:$0x5B40] =	vst v2  }
0x13c: {  	[tilespmem:$0x5B50] =	vst v2  }
0x13d: {  	[tilespmem:$0x5B60] =	vst v2  }
0x13e: {  	[tilespmem:$0x5B70] =	vst v2  }
0x13f: {  	v2 =	vld.idx.msk [tilespmem:v3+s29+$0x0], $0xffff;
	_ =	sdelay $0x3  }
0x140: {  	s5 =	sadd.s32 $0xFFFFFFF9, s31  }
0x141: {  	v3 =	vmov s5;
	[tilespmem:$0x5B80] =	vst v2  }
0x142: {  	v3 =	vand.u32 $0xFFFFFFF8, v3;
	[tilespmem:$0x5B90] =	vst v2  }
0x143: {  	v3 =	vbroadcast v3, $0x0;
	[tilespmem:$0x5BA0] =	vst v2  }
0x144: {  	[tilespmem:$0x5BB0] =	vst v2  }
0x145: {  	[tilespmem:$0x5BC0] =	vst v2  }
0x146: {  	[tilespmem:$0x5BD0] =	vst v2  }
0x147: {  	[tilespmem:$0x5BE0] =	vst v2  }
0x148: {  	[tilespmem:$0x5BF0] =	vst v2  }
0x149: {  	v2 =	vld.idx.msk [tilespmem:v3+s29+$0x0], $0xffff;
	_ =	sdelay $0x3  }
0x14a: {  	s5 =	sadd.s32 $0xFFFFFFFA, s31  }
0x14b: {  	v3 =	vmov s5;
	[tilespmem:$0x5C00] =	vst v2  }
0x14c: {  	v3 =	vand.u32 $0xFFFFFFF9, v3;
	[tilespmem:$0x5C10] =	vst v2  }
0x14d: {  	v3 =	vbroadcast v3, $0x0;
	[tilespmem:$0x5C20] =	vst v2  }
0x14e: {  	[tilespmem:$0x5C30] =	vst v2  }
0x14f: {  	[tilespmem:$0x5C40] =	vst v2  }
0x150: {  	[tilespmem:$0x5C50] =	vst v2  }
0x151: {  	[tilespmem:$0x5C60] =	vst v2  }
0x152: {  	[tilespmem:$0x5C70] =	vst v2  }
0x153: {  	v2 =	vld.idx.msk [tilespmem:v3+s29+$0x0], $0xffff;
	_ =	sdelay $0x3  }
0x154: {  	s5 =	sadd.s32 $0xFFFFFFFB, s31  }
0x155: {  	v3 =	vmov s5;
	[tilespmem:$0x5C80] =	vst v2  }
0x156: {  	v3 =	vand.u32 $0xFFFFFFFA, v3;
	[tilespmem:$0x5C90] =	vst v2  }
0x157: {  	v3 =	vbroadcast v3, $0x0;
	[tilespmem:$0x5CA0] =	vst v2  }
0x158: {  	[tilespmem:$0x5CB0] =	vst v2  }
0x159: {  	[tilespmem:$0x5CC0] =	vst v2  }
0x15a: {  	[tilespmem:$0x5CD0] =	vst v2  }
0x15b: {  	[tilespmem:$0x5CE0] =	vst v2  }
0x15c: {  	[tilespmem:$0x5CF0] =	vst v2  }
0x15d: {  	v2 =	vld.idx.msk [tilespmem:v3+s29+$0x0], $0xffff;
	_ =	sdelay $0x3  }
0x15e: {  	s5 =	sadd.s32 $0xFFFFFFFC, s31  }
0x15f: {  	v3 =	vmov s5;
	[tilespmem:$0x5D00] =	vst v2  }
0x160: {  	v3 =	vand.u32 $0xFFFFFFFB, v3;
	[tilespmem:$0x5D10] =	vst v2  }
0x161: {  	v3 =	vbroadcast v3, $0x0;
	[tilespmem:$0x5D20] =	vst v2  }
0x162: {  	[tilespmem:$0x5D30] =	vst v2  }
0x163: {  	[tilespmem:$0x5D40] =	vst v2  }
0x164: {  	[tilespmem:$0x5D50] =	vst v2  }
0x165: {  	[tilespmem:$0x5D60] =	vst v2  }
0x166: {  	[tilespmem:$0x5D70] =	vst v2  }
0x167: {  	v2 =	vld.idx.msk [tilespmem:v3+s29+$0x0], $0xffff;
	_ =	sdelay $0x3  }
0x168: {  	s5 =	sadd.s32 $0xFFFFFFFD, s31  }
0x169: {  	v3 =	vmov s5;
	[tilespmem:$0x5D80] =	vst v2  }
0x16a: {  	v3 =	vand.u32 $0xFFFFFFFC, v3;
	[tilespmem:$0x5D90] =	vst v2  }
0x16b: {  	v3 =	vbroadcast v3, $0x0;
	[tilespmem:$0x5DA0] =	vst v2  }
0x16c: {  	[tilespmem:$0x5DB0] =	vst v2  }
0x16d: {  	[tilespmem:$0x5DC0] =	vst v2  }
0x16e: {  	[tilespmem:$0x5DD0] =	vst v2  }
0x16f: {  	[tilespmem:$0x5DE0] =	vst v2  }
0x170: {  	[tilespmem:$0x5DF0] =	vst v2  }
0x171: {  	v2 =	vld.idx.msk [tilespmem:v3+s29+$0x0], $0xffff;
	_ =	sdelay $0x3  }
0x172: {  	s5 =	sadd.s32 $0xFFFFFFFE, s31  }
0x173: {  	v3 =	vmov s5;
	[tilespmem:$0x5E00] =	vst v2  }
0x174: {  	v3 =	vand.u32 $0xFFFFFFFD, v3;
	[tilespmem:$0x5E10] =	vst v2  }
0x175: {  	v3 =	vbroadcast v3, $0x0;
	[tilespmem:$0x5E20] =	vst v2  }
0x176: {  	[tilespmem:$0x5E30] =	vst v2  }
0x177: {  	[tilespmem:$0x5E40] =	vst v2  }
0x178: {  	[tilespmem:$0x5E50] =	vst v2  }
0x179: {  	[tilespmem:$0x5E60] =	vst v2  }
0x17a: {  	[tilespmem:$0x5E70] =	vst v2  }
0x17b: {  	v2 =	vld.idx.msk [tilespmem:v3+s29+$0x0], $0xffff;
	_ =	sdelay $0x3  }
0x17c: {  	s5 =	sadd.s32 $0xFFFFFFFF, s31  }
0x17d: {  	v3 =	vmov s5;
	[tilespmem:$0x5E80] =	vst v2  }
0x17e: {  	v3 =	vand.u32 $0xFFFFFFFE, v3;
	[tilespmem:$0x5E90] =	vst v2  }
0x17f: {  	v3 =	vbroadcast v3, $0x0;
	[tilespmem:$0x5EA0] =	vst v2  }
0x180: {  	[tilespmem:$0x5EB0] =	vst v2  }
0x181: {  	[tilespmem:$0x5EC0] =	vst v2  }
0x182: {  	[tilespmem:$0x5ED0] =	vst v2  }
0x183: {  	[tilespmem:$0x5EE0] =	vst v2  }
0x184: {  	[tilespmem:$0x5EF0] =	vst v2  }
0x185: {  	v2 =	vld.idx.msk [tilespmem:v3+s29+$0x0], $0xffff;
	_ =	sdelay $0x4  }
0x186: {  	[tilespmem:$0x5F00] =	vst v2  }
0x187: {  	[tilespmem:$0x5F10] =	vst v2  }
0x188: {  	[tilespmem:$0x5F20] =	vst v2  }
0x189: {  	v3 =	vmov s31;
	[tilespmem:$0x5F30] =	vst v2  }
0x18a: {  	[tilespmem:$0x5F40] =	vst v2  }
0x18b: {  	[tilespmem:$0x5F50] =	vst v2  }
0x18c: {  	[tilespmem:$0x5F60] =	vst v2  }
0x18d: {  	[tilespmem:$0x5F70] =	vst v2  }
0x18e: {  	v2 =	vld.idx.msk [tilespmem:v3+s29+$0x0], $0xffff;
	_ =	sdelay $0x4  }
0x18f: {  	[tilespmem:$0x5F80] =	vst v2  }
0x190: {  	[tilespmem:$0x5F90] =	vst v2  }
0x191: {  	[tilespmem:$0x5FA0] =	vst v2  }
0x192: {  	[tilespmem:$0x5FB0] =	vst v2  }
0x193: {  	[tilespmem:$0x5FC0] =	vst v2  }
0x194: {  	[tilespmem:$0x5FD0] =	vst v2  }
0x195: {  	p0 =	sne.s32 s31, $0x27F;
	[tilespmem:$0x5FE0] =	vst v2  }
.Ltmp7:
0x196: {  	[tilespmem:$0x5FF0] =	vst v2;
	(pc) =	sbr.rel @p0 .LBB2_16-.Ltmp7, $4  }
0x197: {  	[hbm4b:s25+s2] =	stream.linear.scatter [tilespmem:s0], [sflag:$0x1], $0x800, $0x38;
	[tilespmem:$0x8800] =	vst v63  }
0x198: {  	_ =	swait.ge [sflag:s28], $0x800  }
0x199: {  	[sflag:s28] =	ssyncset.done $0x0  }
0x19a: {  	s31 =	sadd.s32 $0x10, s31;
	s25 =	sadd.s32 $0x100, s25;
	[sflag:s28] =	ssyncadd.s32 $0xFFFFF800  }
0x19b: {  	s30 =	sadd.s32 $0x1, s30  }
0x19c: {  	p0 =	sne.s32 s30, s19  }
.Ltmp8:
0x19d: {  	_ = 	snop;
	(pc) =	sbr.rel @p0 .LBB2_1-.Ltmp8, $1  }
0x19e: {  	_ =	sdelay $0x3  }
0x19f: {  	_ =	sfence.sel $0x180000  }
0x1a0: {  	[bflag:$0x0] =	sbarrier.arrive $0xFFFF  }
0x1a1: {  	_ =	strace $0x9000004A  }
0x1a2: {  	s0 =	stileid.u32;
	[bflag:$0x2] =	sbarrier.arrive $0xFFFF  }
0x1a3: {  	p0 =	sne.s32 s0, $0x0;
	s0 =	rddreg [dreg:$0x2]  }
0x1a4: {  	s0 =	sadd.s32 @!p0 $0x100000, s0  }
0x1a5: {  	[sflag:s0] =	ssyncadd.tile.s32 @!p0 $0x1;
	_ =	shalt  }
.Lfunc_end2:
_tile_overlayer_lowered:
.L_overlay_start_2:
0x1a6: {  	(tag) =	ssettag $0x2  }
0x1a7: {  	s0 =	rddreg [dreg:$0x0];
	s2 =	stileid.u32  }
0x1a8: {  	s1 =	rddreg [dreg:$0x1];
	p0 =	sne.s32 s2, $0x0  }
0x1a9: {  	s3 =	rddreg [dreg:$0x2];
	[bflag:$0x3] =	sbarrier.arrive $0xFFFF;
	s2 =	simm.s32 @!p0 $0x1C01  }
0x1aa: {  	[timem:s3], [sflag:s2] =	dma.local @!p0 [hbm:s0], s1  }
0x1ab: {  	s0 =	simm.s32 @!p0 $0x1  }
0x1ac: {  	_ =	swait.ge @!p0 [sflag:s0], s1  }
0x1ad: {  	s1 =	ssub.s32 @!p0 $0x0, s1;
	[sflag:s0] =	ssyncset.done @!p0 $0x0  }
0x1ae: {  	[sflag:s0] =	ssyncadd.s32 @!p0 s1  }
0x1af: {  	[bflag:$0x3] =	sbarrier.arrive $0xFFFF  }
0x1b0: {  	_ =	shalt  }

</sc_bundles>
